<compile_context>
chip_gen: v7x
topology: tpu7x:2x2x1
jax: 0.10.2.dev20260603
libtpu: 0.0.44.dev20260713+nightly
codegen_flags: <defaults>
</compile_context>

<pallas_src>
import functools

import jax
import jax.numpy as jnp
from jax import lax
from jax.experimental import pallas as pl
from jax.experimental.pallas import tpu as pltpu
from jax.experimental.pallas import tpu_sc as plsc

D = 768
LANES = 16
NVREG = D // LANES
EPS = 1e-12

NUM_CORES = 2
NUM_SUBCORES = 16
NW = NUM_CORES * NUM_SUBCORES

R = 16
NBUF = 2


def _shuffle(v, idx):
    dnums = lax.GatherDimensionNumbers(
        offset_dims=(), collapsed_slice_dims=(0,), start_index_map=(0,))
    return lax.gather(v, idx[:, None], dnums, slice_sizes=(1,),
                      mode=lax.GatherScatterMode.PROMISE_IN_BOUNDS)


def _vrsqrt(x):
    i = lax.bitcast_convert_type(x, jnp.int32)
    i = jnp.int32(0x5F3759DF) - (i >> 1)
    y = lax.bitcast_convert_type(i, jnp.float32)
    for _ in range(2):
        y = y * (1.5 - 0.5 * x * y * y)
    return y


def _make_sc_kernel(n_tokens):
    tpw = n_tokens // NW
    n_chunks = tpw // R
    mesh = plsc.VectorSubcoreMesh(core_axis_name="c", subcore_axis_name="s")

    @functools.partial(
        pl.kernel,
        out_type=jax.ShapeDtypeStruct((n_tokens, D), jnp.float32),
        mesh=mesh,
        scratch_types=[
            pltpu.VMEM((tpw,), jnp.int32),
            pltpu.VMEM((tpw,), jnp.int32),
            pltpu.VMEM((D,), jnp.float32),
            [pltpu.VMEM((R, D), jnp.float32)] * NBUF,
            [pltpu.VMEM((R, D), jnp.float32)] * NBUF,
            [pltpu.VMEM((R, D), jnp.float32)] * NBUF,
            [pltpu.VMEM((R, D), jnp.float32)] * NBUF,
            pltpu.VMEM((LANES,), jnp.float32),
            [pltpu.SemaphoreType.DMA] * NBUF,
            [pltpu.SemaphoreType.DMA] * NBUF,
            [pltpu.SemaphoreType.DMA] * NBUF,
        ],
    )
    def sc_embed(ids_hbm, pos_hbm, wt_hbm, pt_hbm, nw_hbm, out_hbm,
                 idw, idp, nwv, wbufs, pbufs, obufs, sbufs, scalebuf,
                 sems_w, sems_p, sems_o):
        wid = lax.axis_index("s") * NUM_CORES + lax.axis_index("c")
        base = wid * tpw
        pltpu.sync_copy(ids_hbm.at[pl.ds(base, tpw)], idw)
        pltpu.sync_copy(pos_hbm.at[pl.ds(base, tpw)], idp)
        pltpu.sync_copy(nw_hbm, nwv)

        def gather_copies(c, b):
            cw = pltpu.make_async_copy(
                wt_hbm.at[idw.at[pl.ds(c * R, R)]], wbufs[b], sems_w[b])
            cp = pltpu.make_async_copy(
                pt_hbm.at[idp.at[pl.ds(c * R, R)]], pbufs[b], sems_p[b])
            return cw, cp

        def scatter_copy(c, b):
            return pltpu.make_async_copy(
                obufs[b], out_hbm.at[pl.ds(base + c * R, R)], sems_o[b])

        for b in range(NBUF):
            cw, cp = gather_copies(b, b)
            cw.start()
            cp.start()

        lane = lax.iota(jnp.int32, LANES)
        zero = jnp.zeros((LANES,), jnp.float32)

        def p1_loop(wb, pb, sb):
            def body(j, accs):
                sl = pl.ds(j * LANES, LANES)
                new = []
                for r in range(R):
                    s = wb[r, sl] + pb[r, sl]
                    sb[r, sl] = s
                    new.append(accs[r] + s * s)
                return tuple(new)

            return lax.fori_loop(0, NVREG, body, (zero,) * R)

        def _splat(sv, r):
            return jnp.full((LANES,), sv[r], jnp.float32)

        def fused_loop(wb, pb, sb_cur, sb_prev, ob_prev):
            def body(j, carry):
                accs, sv = carry[:R], carry[R]
                sl = pl.ds(j * LANES, LANES)
                w = nwv[sl]
                new = []
                for r in range(R):
                    s = wb[r, sl] + pb[r, sl]
                    sb_cur[r, sl] = s
                    new.append(accs[r] + s * s)
                    ob_prev[r, sl] = sb_prev[r, sl] * _splat(sv, r) * w
                return tuple(new) + (sv,)

            out = lax.fori_loop(0, NVREG, body,
                                (zero,) * R + (scalebuf[:],))
            return out[:R]

        def p2_loop(sb, ob):
            def body(j, sv):
                sl = pl.ds(j * LANES, LANES)
                w = nwv[sl]
                for r in range(R):
                    ob[r, sl] = sb[r, sl] * _splat(sv, r) * w
                return sv

            lax.fori_loop(0, NVREG, body, scalebuf[:])

        def store_scales(accs):
            vs = list(accs)
            k = 1
            while len(vs) > 1:
                nxt = []
                pick = (lane & k) == 0
                for i in range(0, len(vs), 2):
                    su = vs[i] + _shuffle(vs[i], lane ^ k)
                    sv = vs[i + 1] + _shuffle(vs[i + 1], lane ^ k)
                    nxt.append(jnp.where(pick, su, sv))
                vs = nxt
                k *= 2
            scalebuf[:] = _vrsqrt(vs[0] * (1.0 / D) + EPS)

        def step(c, b):
            cw, cp = gather_copies(c, b)
            cw.wait()
            cp.wait()

            @pl.when(c >= 3)
            def _():
                scatter_copy(c - 3, 1 - b).wait()

            accs = fused_loop(wbufs[b], pbufs[b], sbufs[b], sbufs[1 - b],
                              obufs[1 - b])
            store_scales(accs)
            scatter_copy(c - 1, 1 - b).start()
            if not (isinstance(c, int) and c + 2 >= n_chunks):
                @pl.when(c + 2 < n_chunks)
                def _():
                    nw_, np_ = gather_copies(c + 2, b)
                    nw_.start()
                    np_.start()

        cw, cp = gather_copies(0, 0)
        cw.wait()
        cp.wait()
        store_scales(p1_loop(wbufs[0], pbufs[0], sbufs[0]))
        nw_, np_ = gather_copies(2, 0)
        nw_.start()
        np_.start()

        def iter_body(i, carry):
            step(2 * i + 1, 1)
            step(2 * i + 2, 0)
            return carry

        lax.fori_loop(0, (n_chunks - 2) // 2, iter_body, 0)
        step(n_chunks - 1, (n_chunks - 1) % 2)

        lastb = (n_chunks - 1) % 2
        scatter_copy(n_chunks - 3, lastb).wait()
        p2_loop(sbufs[lastb], obufs[lastb])
        scatter_copy(n_chunks - 1, lastb).start()
        scatter_copy(n_chunks - 2, 1 - lastb).wait()
        scatter_copy(n_chunks - 1, lastb).wait()

    return sc_embed


def kernel(input_ids, position_idcs, word_table, pos_table, norm_weight):
    batch, seq = input_ids.shape
    n_tokens = batch * seq
    ids = input_ids.reshape(n_tokens).astype(jnp.int32)
    pos = position_idcs.reshape(n_tokens).astype(jnp.int32)
    sc = _make_sc_kernel(n_tokens)
    out = sc(ids, pos, word_table, pos_table, norm_weight)
    return out.reshape(batch, seq, D)

# --- scband reference (transcript-rebuilt; emitter-appended) ---
"""Pipeline reference for scband-tite-embeddings-86964497809547 (READ-ONLY COPY).

The authoritative reference and input builder live on the scoring server;
editing this copy changes nothing except your own understanding.
"""

import jax, jax.numpy as jnp
import numpy as np

VOCAB = 30522
MAX_POS = 8192
HIDDEN = 768
EPS = 1e-12
BATCH = 4
SEQ = 8192

def setup_inputs(seed: int = 0) -> dict:
    key = jax.random.key(seed)
    k1, k2, k3, k4 = jax.random.split(key, 4)
    input_ids = jax.random.randint(k1, (BATCH, SEQ), 0, VOCAB, dtype=jnp.int64 if jax.config.jax_enable_x64 else jnp.int32)
    position_idcs = jax.random.randint(k2, (BATCH, SEQ), 0, MAX_POS, dtype=jnp.int64 if jax.config.jax_enable_x64 else jnp.int32)
    word_table = jax.random.normal(k3, (VOCAB, HIDDEN), dtype=jnp.float32) * 0.02
    word_table = word_table.at[0].set(0.0)  # padding_idx=0
    pos_table = jax.random.normal(k4, (MAX_POS, HIDDEN), dtype=jnp.float32) * 0.02
    norm_weight = jnp.ones((HIDDEN,), dtype=jnp.float32)
    return {
        "input_ids": input_ids,
        "position_idcs": position_idcs,
        "word_table": word_table,
        "pos_table": pos_table,
        "norm_weight": norm_weight,
    }

def _rmsnorm(x, weight, eps=EPS):
    xf = x.astype(jnp.float32)
    out = xf * jax.lax.rsqrt(jnp.mean(xf * xf, axis=-1, keepdims=True) + eps)
    out = out.astype(x.dtype)
    return out * weight

def reference(input_ids, position_idcs, word_table, pos_table, norm_weight):
    # word embedding lookup (gather)
    embeddings = jnp.take(word_table, input_ids, axis=0)
    # absolute position embedding lookup (gather)
    position_embeddings = jnp.take(pos_table, position_idcs, axis=0)
    embeddings = embeddings + position_embeddings
    # RMSNorm
    embeddings = _rmsnorm(embeddings, norm_weight)
    # dropout p=0.0 -> identity (eval)
    return embeddings

if __name__ == "__main__":
    import jax
    _d = setup_inputs()
    print(jax.jit(kernel)(*tuple(_d.values())))

</pallas_src>

<mosaic_0001>
#map = affine_map<(d0, d1) -> (0)>
#map1 = affine_map<(d0, d1) -> (0, 0)>
module attributes {stable_mosaic.version = 14 : i64} {
  func.func @sc_embed(%arg0: i32, %arg1: i32, %arg2: memref<32768xi32, #tpu.memory_space<hbm>>, %arg3: memref<32768xi32, #tpu.memory_space<hbm>>, %arg4: memref<30522x768xf32, #tpu.memory_space<hbm>>, %arg5: memref<8192x768xf32, #tpu.memory_space<hbm>>, %arg6: memref<768xf32, #tpu.memory_space<hbm>>, %arg7: memref<32768x768xf32, #tpu.memory_space<hbm>>, %arg8: memref<1024xi32, #tpu.memory_space<vmem>>, %arg9: memref<1024xi32, #tpu.memory_space<vmem>>, %arg10: memref<768xf32, #tpu.memory_space<vmem>>, %arg11: memref<16x768xf32, #tpu.memory_space<vmem>>, %arg12: memref<16x768xf32, #tpu.memory_space<vmem>>, %arg13: memref<16x768xf32, #tpu.memory_space<vmem>>, %arg14: memref<16x768xf32, #tpu.memory_space<vmem>>, %arg15: memref<16x768xf32, #tpu.memory_space<vmem>>, %arg16: memref<16x768xf32, #tpu.memory_space<vmem>>, %arg17: memref<16x768xf32, #tpu.memory_space<vmem>>, %arg18: memref<16x768xf32, #tpu.memory_space<vmem>>, %arg19: memref<16xf32, #tpu.memory_space<vmem>>, %arg20: memref<!tpu.dma_semaphore, #tpu.memory_space<semaphore_mem>>, %arg21: memref<!tpu.dma_semaphore, #tpu.memory_space<semaphore_mem>>, %arg22: memref<!tpu.dma_semaphore, #tpu.memory_space<semaphore_mem>>, %arg23: memref<!tpu.dma_semaphore, #tpu.memory_space<semaphore_mem>>, %arg24: memref<!tpu.dma_semaphore, #tpu.memory_space<semaphore_mem>>, %arg25: memref<!tpu.dma_semaphore, #tpu.memory_space<semaphore_mem>>) attributes {dimension_semantics = [#tpu.dimension_semantics<core_parallel>, #tpu.dimension_semantics<subcore_parallel>], iteration_bounds = array<i64: 2, 16>, scalar_prefetch = 0 : i64, scratch_operands = 18 : i64, tpu.core_type = #tpu.core_type<sc_vector_subcore>, window_params = [{transform_indices = #map}, {transform_indices = #map}, {transform_indices = #map1}, {transform_indices = #map1}, {transform_indices = #map}, {transform_indices = #map1}]} {
    %mul3A = arith.constant 2 : i32
    %mul3A_0 = arith.muli %arg1, %mul3A : i32
    %add3A = arith.addi %mul3A_0, %arg0 : i32
    %mul3A_1 = arith.constant 1024 : i32
    %mul3A_2 = arith.muli %add3A, %mul3A_1 : i32
    "tpu.region"() ({
      %run_scoped3A = tpu.sem_alloc : memref<!tpu.dma_semaphore, #tpu.memory_space<semaphore_mem>>
      %dma_start3A_676 = tpu.memref_slice %arg2[%mul3A_2] : memref<32768xi32, #tpu.memory_space<hbm>> -> memref<1024xi32, #tpu.memory_space<hbm>>
      %dma_start3A_677 = tpu.memref_slice %arg2[%mul3A_2] : memref<32768xi32, #tpu.memory_space<hbm>> -> memref<1024xi32, #tpu.memory_space<hbm>>
      tpu.enqueue_dma source(%dma_start3A_677 : memref<1024xi32, #tpu.memory_space<hbm>>) target(%arg8 : memref<1024xi32, #tpu.memory_space<vmem>>) target_semaphore(%run_scoped3A : memref<!tpu.dma_semaphore, #tpu.memory_space<semaphore_mem>>)
      %dma_wait3A_678 = tpu.memref_slice %arg2[%mul3A_2] : memref<32768xi32, #tpu.memory_space<hbm>> -> memref<1024xi32, #tpu.memory_space<hbm>>
      %dma_wait3A_679 = tpu.memref_slice %arg2[%mul3A_2] : memref<32768xi32, #tpu.memory_space<hbm>> -> memref<1024xi32, #tpu.memory_space<hbm>>
      tpu.wait_dma2 semaphore(%run_scoped3A : memref<!tpu.dma_semaphore, #tpu.memory_space<semaphore_mem>>) src(%dma_wait3A_679 : memref<1024xi32, #tpu.memory_space<hbm>>) dst(%arg8 : memref<1024xi32, #tpu.memory_space<vmem>>)
      tpu.yield
    }) : () -> ()
    "tpu.region"() ({
      %run_scoped3A = tpu.sem_alloc : memref<!tpu.dma_semaphore, #tpu.memory_space<semaphore_mem>>
      %dma_start3A_676 = tpu.memref_slice %arg3[%mul3A_2] : memref<32768xi32, #tpu.memory_space<hbm>> -> memref<1024xi32, #tpu.memory_space<hbm>>
      %dma_start3A_677 = tpu.memref_slice %arg3[%mul3A_2] : memref<32768xi32, #tpu.memory_space<hbm>> -> memref<1024xi32, #tpu.memory_space<hbm>>
      tpu.enqueue_dma source(%dma_start3A_677 : memref<1024xi32, #tpu.memory_space<hbm>>) target(%arg9 : memref<1024xi32, #tpu.memory_space<vmem>>) target_semaphore(%run_scoped3A : memref<!tpu.dma_semaphore, #tpu.memory_space<semaphore_mem>>)
      %dma_wait3A_678 = tpu.memref_slice %arg3[%mul3A_2] : memref<32768xi32, #tpu.memory_space<hbm>> -> memref<1024xi32, #tpu.memory_space<hbm>>
      %dma_wait3A_679 = tpu.memref_slice %arg3[%mul3A_2] : memref<32768xi32, #tpu.memory_space<hbm>> -> memref<1024xi32, #tpu.memory_space<hbm>>
      tpu.wait_dma2 semaphore(%run_scoped3A : memref<!tpu.dma_semaphore, #tpu.memory_space<semaphore_mem>>) src(%dma_wait3A_679 : memref<1024xi32, #tpu.memory_space<hbm>>) dst(%arg9 : memref<1024xi32, #tpu.memory_space<vmem>>)
      tpu.yield
    }) : () -> ()
    "tpu.region"() ({
      %run_scoped3A = tpu.sem_alloc : memref<!tpu.dma_semaphore, #tpu.memory_space<semaphore_mem>>
      tpu.enqueue_dma source(%arg6 : memref<768xf32, #tpu.memory_space<hbm>>) target(%arg10 : memref<768xf32, #tpu.memory_space<vmem>>) target_semaphore(%run_scoped3A : memref<!tpu.dma_semaphore, #tpu.memory_space<semaphore_mem>>)
      tpu.wait_dma2 semaphore(%run_scoped3A : memref<!tpu.dma_semaphore, #tpu.memory_space<semaphore_mem>>) src(%arg6 : memref<768xf32, #tpu.memory_space<hbm>>) dst(%arg10 : memref<768xf32, #tpu.memory_space<vmem>>)
      tpu.yield
    }) : () -> ()
    %dma_start3A = arith.constant 0 : i32
    %dma_start3A_3 = tpu.memref_slice %arg8[%dma_start3A] : memref<1024xi32, #tpu.memory_space<vmem>> -> memref<16xi32, #tpu.memory_space<vmem>>
    %dma_start3A_4 = arith.constant 0 : i32
    %dma_start3A_5 = arith.constant 0 : i32
    %dma_start3A_6 = tpu.memref_slice %arg4[%dma_start3A_4, %dma_start3A_5] : memref<30522x768xf32, #tpu.memory_space<hbm>> -> memref<30522x768xf32, #tpu.memory_space<hbm>>
    tpu.enqueue_indirect_dma source(%dma_start3A_6 : memref<30522x768xf32, #tpu.memory_space<hbm>>) target(%arg11 : memref<16x768xf32, #tpu.memory_space<vmem>>) offsets(%dma_start3A_3 : memref<16xi32, #tpu.memory_space<vmem>>) semaphore(%arg20 : memref<!tpu.dma_semaphore, #tpu.memory_space<semaphore_mem>>)
    %dma_start3A_7 = arith.constant 0 : i32
    %dma_start3A_8 = tpu.memref_slice %arg9[%dma_start3A_7] : memref<1024xi32, #tpu.memory_space<vmem>> -> memref<16xi32, #tpu.memory_space<vmem>>
    %dma_start3A_9 = arith.constant 0 : i32
    %dma_start3A_10 = arith.constant 0 : i32
    %dma_start3A_11 = tpu.memref_slice %arg5[%dma_start3A_9, %dma_start3A_10] : memref<8192x768xf32, #tpu.memory_space<hbm>> -> memref<8192x768xf32, #tpu.memory_space<hbm>>
    tpu.enqueue_indirect_dma source(%dma_start3A_11 : memref<8192x768xf32, #tpu.memory_space<hbm>>) target(%arg13 : memref<16x768xf32, #tpu.memory_space<vmem>>) offsets(%dma_start3A_8 : memref<16xi32, #tpu.memory_space<vmem>>) semaphore(%arg22 : memref<!tpu.dma_semaphore, #tpu.memory_space<semaphore_mem>>)
    %dma_start3A_12 = arith.constant 16 : i32
    %dma_start3A_13 = tpu.memref_slice %arg8[%dma_start3A_12] : memref<1024xi32, #tpu.memory_space<vmem>> -> memref<16xi32, #tpu.memory_space<vmem>>
    %dma_start3A_14 = arith.constant 0 : i32
    %dma_start3A_15 = arith.constant 0 : i32
    %dma_start3A_16 = tpu.memref_slice %arg4[%dma_start3A_14, %dma_start3A_15] : memref<30522x768xf32, #tpu.memory_space<hbm>> -> memref<30522x768xf32, #tpu.memory_space<hbm>>
    tpu.enqueue_indirect_dma source(%dma_start3A_16 : memref<30522x768xf32, #tpu.memory_space<hbm>>) target(%arg12 : memref<16x768xf32, #tpu.memory_space<vmem>>) offsets(%dma_start3A_13 : memref<16xi32, #tpu.memory_space<vmem>>) semaphore(%arg21 : memref<!tpu.dma_semaphore, #tpu.memory_space<semaphore_mem>>)
    %dma_start3A_17 = arith.constant 16 : i32
    %dma_start3A_18 = tpu.memref_slice %arg9[%dma_start3A_17] : memref<1024xi32, #tpu.memory_space<vmem>> -> memref<16xi32, #tpu.memory_space<vmem>>
    %dma_start3A_19 = arith.constant 0 : i32
    %dma_start3A_20 = arith.constant 0 : i32
    %dma_start3A_21 = tpu.memref_slice %arg5[%dma_start3A_19, %dma_start3A_20] : memref<8192x768xf32, #tpu.memory_space<hbm>> -> memref<8192x768xf32, #tpu.memory_space<hbm>>
    tpu.enqueue_indirect_dma source(%dma_start3A_21 : memref<8192x768xf32, #tpu.memory_space<hbm>>) target(%arg14 : memref<16x768xf32, #tpu.memory_space<vmem>>) offsets(%dma_start3A_18 : memref<16xi32, #tpu.memory_space<vmem>>) semaphore(%arg23 : memref<!tpu.dma_semaphore, #tpu.memory_space<semaphore_mem>>)
    %iota3A = tpu.iota {dimensions = array<i32: 0>} : vector<16xi32>
    %broadcast_in_dim3A = arith.constant 0.000000e+00 : f32
    %broadcast_in_dim3A_22 = vector.broadcast %broadcast_in_dim3A : f32 to vector<16xf32>
    %dma_wait3A = arith.constant 0 : i32
    %dma_wait3A_23 = tpu.memref_slice %arg8[%dma_wait3A] : memref<1024xi32, #tpu.memory_space<vmem>> -> memref<16xi32, #tpu.memory_space<vmem>>
    %dma_wait3A_24 = arith.constant 0 : i32
    %dma_wait3A_25 = arith.constant 0 : i32
    %dma_wait3A_26 = tpu.memref_slice %arg4[%dma_wait3A_24, %dma_wait3A_25] : memref<30522x768xf32, #tpu.memory_space<hbm>> -> memref<30522x768xf32, #tpu.memory_space<hbm>>
    tpu.wait_indirect_dma semaphore(%arg20 : memref<!tpu.dma_semaphore, #tpu.memory_space<semaphore_mem>>) src(%dma_wait3A_26 : memref<30522x768xf32, #tpu.memory_space<hbm>>) dst(%arg11 : memref<16x768xf32, #tpu.memory_space<vmem>>)
    %dma_wait3A_27 = arith.constant 0 : i32
    %dma_wait3A_28 = tpu.memref_slice %arg9[%dma_wait3A_27] : memref<1024xi32, #tpu.memory_space<vmem>> -> memref<16xi32, #tpu.memory_space<vmem>>
    %dma_wait3A_29 = arith.constant 0 : i32
    %dma_wait3A_30 = arith.constant 0 : i32
    %dma_wait3A_31 = tpu.memref_slice %arg5[%dma_wait3A_29, %dma_wait3A_30] : memref<8192x768xf32, #tpu.memory_space<hbm>> -> memref<8192x768xf32, #tpu.memory_space<hbm>>
    tpu.wait_indirect_dma semaphore(%arg22 : memref<!tpu.dma_semaphore, #tpu.memory_space<semaphore_mem>>) src(%dma_wait3A_31 : memref<8192x768xf32, #tpu.memory_space<hbm>>) dst(%arg13 : memref<16x768xf32, #tpu.memory_space<vmem>>)
    %scan3A = arith.constant 0 : i32
    %scan3A_32 = arith.constant 48 : i32
    %scan3A_33 = arith.addi %scan3A, %scan3A_32 : i32
    %scan3A_34 = arith.constant 1 : i32
    %scan3A_35:16 = scf.for %scan3A_676 = %scan3A to %scan3A_33 step %scan3A_34 iter_args(%scan3A_677 = %broadcast_in_dim3A_22, %scan3A_678 = %broadcast_in_dim3A_22, %scan3A_679 = %broadcast_in_dim3A_22, %scan3A_680 = %broadcast_in_dim3A_22, %scan3A_681 = %broadcast_in_dim3A_22, %scan3A_682 = %broadcast_in_dim3A_22, %scan3A_683 = %broadcast_in_dim3A_22, %scan3A_684 = %broadcast_in_dim3A_22, %scan3A_685 = %broadcast_in_dim3A_22, %scan3A_686 = %broadcast_in_dim3A_22, %scan3A_687 = %broadcast_in_dim3A_22, %scan3A_688 = %broadcast_in_dim3A_22, %scan3A_689 = %broadcast_in_dim3A_22, %scan3A_690 = %broadcast_in_dim3A_22, %scan3A_691 = %broadcast_in_dim3A_22, %scan3A_692 = %broadcast_in_dim3A_22) -> (vector<16xf32>, vector<16xf32>, vector<16xf32>, vector<16xf32>, vector<16xf32>, vector<16xf32>, vector<16xf32>, vector<16xf32>, vector<16xf32>, vector<16xf32>, vector<16xf32>, vector<16xf32>, vector<16xf32>, vector<16xf32>, vector<16xf32>, vector<16xf32>)  : i32 {
      %mul3A_693 = arith.constant 16 : i32
      %mul3A_694 = arith.muli %scan3A_676, %mul3A_693 : i32
      %get3A_695 = arith.constant 0 : i32
      %get3A_696 = arith.index_cast %get3A_695 : i32 to index
      %get3A_697 = arith.index_cast %mul3A_694 : i32 to index
      %get3A_698 = tpu.vector_load %arg11[%get3A_696, %get3A_697] {strides = array<i32>} : memref<16x768xf32, #tpu.memory_space<vmem>>, vector<1x16xf32>,
      %get3A_699 = vector.shape_cast %get3A_698 : vector<1x16xf32> to vector<16xf32>
      %get3A_700 = arith.constant 0 : i32
      %get3A_701 = arith.index_cast %get3A_700 : i32 to index
      %get3A_702 = arith.index_cast %mul3A_694 : i32 to index
      %get3A_703 = tpu.vector_load %arg13[%get3A_701, %get3A_702] {strides = array<i32>} : memref<16x768xf32, #tpu.memory_space<vmem>>, vector<1x16xf32>,
      %get3A_704 = vector.shape_cast %get3A_703 : vector<1x16xf32> to vector<16xf32>
      %add3A_705 = arith.addf %get3A_699, %get3A_704 : vector<16xf32>
      %swap3A_706 = arith.constant 0 : i32
      %swap3A_707 = arith.index_cast %swap3A_706 : i32 to index
      %swap3A_708 = arith.index_cast %mul3A_694 : i32 to index
      %swap3A_709 = tpu.vector_load %arg17[%swap3A_707, %swap3A_708] {strides = array<i32>} : memref<16x768xf32, #tpu.memory_space<vmem>>, vector<1x16xf32>,
      %swap3A_710 = vector.shape_cast %swap3A_709 : vector<1x16xf32> to vector<16xf32>
      %swap3A_711 = vector.shape_cast %add3A_705 : vector<16xf32> to vector<1x16xf32>
      tpu.vector_store %arg17[%swap3A_707, %swap3A_708], %swap3A_711 {strides = array<i32>} : memref<16x768xf32, #tpu.memory_space<vmem>>, vector<1x16xf32>,
      %mul3A_712 = arith.mulf %add3A_705, %add3A_705 : vector<16xf32>
      %add3A_713 = arith.addf %scan3A_677, %mul3A_712 : vector<16xf32>
      %get3A_714 = arith.constant 1 : i32
      %get3A_715 = arith.index_cast %get3A_714 : i32 to index
      %get3A_716 = arith.index_cast %mul3A_694 : i32 to index
      %get3A_717 = tpu.vector_load %arg11[%get3A_715, %get3A_716] {strides = array<i32>} : memref<16x768xf32, #tpu.memory_space<vmem>>, vector<1x16xf32>,
      %get3A_718 = vector.shape_cast %get3A_717 : vector<1x16xf32> to vector<16xf32>
      %get3A_719 = arith.constant 1 : i32
      %get3A_720 = arith.index_cast %get3A_719 : i32 to index
      %get3A_721 = arith.index_cast %mul3A_694 : i32 to index
      %get3A_722 = tpu.vector_load %arg13[%get3A_720, %get3A_721] {strides = array<i32>} : memref<16x768xf32, #tpu.memory_space<vmem>>, vector<1x16xf32>,
      %get3A_723 = vector.shape_cast %get3A_722 : vector<1x16xf32> to vector<16xf32>
      %add3A_724 = arith.addf %get3A_718, %get3A_723 : vector<16xf32>
      %swap3A_725 = arith.constant 1 : i32
      %swap3A_726 = arith.index_cast %swap3A_725 : i32 to index
      %swap3A_727 = arith.index_cast %mul3A_694 : i32 to index
      %swap3A_728 = tpu.vector_load %arg17[%swap3A_726, %swap3A_727] {strides = array<i32>} : memref<16x768xf32, #tpu.memory_space<vmem>>, vector<1x16xf32>,
      %swap3A_729 = vector.shape_cast %swap3A_728 : vector<1x16xf32> to vector<16xf32>
      %swap3A_730 = vector.shape_cast %add3A_724 : vector<16xf32> to vector<1x16xf32>
      tpu.vector_store %arg17[%swap3A_726, %swap3A_727], %swap3A_730 {strides = array<i32>} : memref<16x768xf32, #tpu.memory_space<vmem>>, vector<1x16xf32>,
      %mul3A_731 = arith.mulf %add3A_724, %add3A_724 : vector<16xf32>
      %add3A_732 = arith.addf %scan3A_678, %mul3A_731 : vector<16xf32>
      %get3A_733 = arith.constant 2 : i32
      %get3A_734 = arith.index_cast %get3A_733 : i32 to index
      %get3A_735 = arith.index_cast %mul3A_694 : i32 to index
      %get3A_736 = tpu.vector_load %arg11[%get3A_734, %get3A_735] {strides = array<i32>} : memref<16x768xf32, #tpu.memory_space<vmem>>, vector<1x16xf32>,
      %get3A_737 = vector.shape_cast %get3A_736 : vector<1x16xf32> to vector<16xf32>
      %get3A_738 = arith.constant 2 : i32
      %get3A_739 = arith.index_cast %get3A_738 : i32 to index
      %get3A_740 = arith.index_cast %mul3A_694 : i32 to index
      %get3A_741 = tpu.vector_load %arg13[%get3A_739, %get3A_740] {strides = array<i32>} : memref<16x768xf32, #tpu.memory_space<vmem>>, vector<1x16xf32>,
      %get3A_742 = vector.shape_cast %get3A_741 : vector<1x16xf32> to vector<16xf32>
      %add3A_743 = arith.addf %get3A_737, %get3A_742 : vector<16xf32>
      %swap3A_744 = arith.constant 2 : i32
      %swap3A_745 = arith.index_cast %swap3A_744 : i32 to index
      %swap3A_746 = arith.index_cast %mul3A_694 : i32 to index
      %swap3A_747 = tpu.vector_load %arg17[%swap3A_745, %swap3A_746] {strides = array<i32>} : memref<16x768xf32, #tpu.memory_space<vmem>>, vector<1x16xf32>,
      %swap3A_748 = vector.shape_cast %swap3A_747 : vector<1x16xf32> to vector<16xf32>
      %swap3A_749 = vector.shape_cast %add3A_743 : vector<16xf32> to vector<1x16xf32>
      tpu.vector_store %arg17[%swap3A_745, %swap3A_746], %swap3A_749 {strides = array<i32>} : memref<16x768xf32, #tpu.memory_space<vmem>>, vector<1x16xf32>,
      %mul3A_750 = arith.mulf %add3A_743, %add3A_743 : vector<16xf32>
      %add3A_751 = arith.addf %scan3A_679, %mul3A_750 : vector<16xf32>
      %get3A_752 = arith.constant 3 : i32
      %get3A_753 = arith.index_cast %get3A_752 : i32 to index
      %get3A_754 = arith.index_cast %mul3A_694 : i32 to index
      %get3A_755 = tpu.vector_load %arg11[%get3A_753, %get3A_754] {strides = array<i32>} : memref<16x768xf32, #tpu.memory_space<vmem>>, vector<1x16xf32>,
      %get3A_756 = vector.shape_cast %get3A_755 : vector<1x16xf32> to vector<16xf32>
      %get3A_757 = arith.constant 3 : i32
      %get3A_758 = arith.index_cast %get3A_757 : i32 to index
      %get3A_759 = arith.index_cast %mul3A_694 : i32 to index
      %get3A_760 = tpu.vector_load %arg13[%get3A_758, %get3A_759] {strides = array<i32>} : memref<16x768xf32, #tpu.memory_space<vmem>>, vector<1x16xf32>,
      %get3A_761 = vector.shape_cast %get3A_760 : vector<1x16xf32> to vector<16xf32>
      %add3A_762 = arith.addf %get3A_756, %get3A_761 : vector<16xf32>
      %swap3A_763 = arith.constant 3 : i32
      %swap3A_764 = arith.index_cast %swap3A_763 : i32 to index
      %swap3A_765 = arith.index_cast %mul3A_694 : i32 to index
      %swap3A_766 = tpu.vector_load %arg17[%swap3A_764, %swap3A_765] {strides = array<i32>} : memref<16x768xf32, #tpu.memory_space<vmem>>, vector<1x16xf32>,
      %swap3A_767 = vector.shape_cast %swap3A_766 : vector<1x16xf32> to vector<16xf32>
      %swap3A_768 = vector.shape_cast %add3A_762 : vector<16xf32> to vector<1x16xf32>
      tpu.vector_store %arg17[%swap3A_764, %swap3A_765], %swap3A_768 {strides = array<i32>} : memref<16x768xf32, #tpu.memory_space<vmem>>, vector<1x16xf32>,
      %mul3A_769 = arith.mulf %add3A_762, %add3A_762 : vector<16xf32>
      %add3A_770 = arith.addf %scan3A_680, %mul3A_769 : vector<16xf32>
      %get3A_771 = arith.constant 4 : i32
      %get3A_772 = arith.index_cast %get3A_771 : i32 to index
      %get3A_773 = arith.index_cast %mul3A_694 : i32 to index
      %get3A_774 = tpu.vector_load %arg11[%get3A_772, %get3A_773] {strides = array<i32>} : memref<16x768xf32, #tpu.memory_space<vmem>>, vector<1x16xf32>,
      %get3A_775 = vector.shape_cast %get3A_774 : vector<1x16xf32> to vector<16xf32>
      %get3A_776 = arith.constant 4 : i32
      %get3A_777 = arith.index_cast %get3A_776 : i32 to index
      %get3A_778 = arith.index_cast %mul3A_694 : i32 to index
      %get3A_779 = tpu.vector_load %arg13[%get3A_777, %get3A_778] {strides = array<i32>} : memref<16x768xf32, #tpu.memory_space<vmem>>, vector<1x16xf32>,
      %get3A_780 = vector.shape_cast %get3A_779 : vector<1x16xf32> to vector<16xf32>
      %add3A_781 = arith.addf %get3A_775, %get3A_780 : vector<16xf32>
      %swap3A_782 = arith.constant 4 : i32
      %swap3A_783 = arith.index_cast %swap3A_782 : i32 to index
      %swap3A_784 = arith.index_cast %mul3A_694 : i32 to index
      %swap3A_785 = tpu.vector_load %arg17[%swap3A_783, %swap3A_784] {strides = array<i32>} : memref<16x768xf32, #tpu.memory_space<vmem>>, vector<1x16xf32>,
      %swap3A_786 = vector.shape_cast %swap3A_785 : vector<1x16xf32> to vector<16xf32>
      %swap3A_787 = vector.shape_cast %add3A_781 : vector<16xf32> to vector<1x16xf32>
      tpu.vector_store %arg17[%swap3A_783, %swap3A_784], %swap3A_787 {strides = array<i32>} : memref<16x768xf32, #tpu.memory_space<vmem>>, vector<1x16xf32>,
      %mul3A_788 = arith.mulf %add3A_781, %add3A_781 : vector<16xf32>
      %add3A_789 = arith.addf %scan3A_681, %mul3A_788 : vector<16xf32>
      %get3A_790 = arith.constant 5 : i32
      %get3A_791 = arith.index_cast %get3A_790 : i32 to index
      %get3A_792 = arith.index_cast %mul3A_694 : i32 to index
      %get3A_793 = tpu.vector_load %arg11[%get3A_791, %get3A_792] {strides = array<i32>} : memref<16x768xf32, #tpu.memory_space<vmem>>, vector<1x16xf32>,
      %get3A_794 = vector.shape_cast %get3A_793 : vector<1x16xf32> to vector<16xf32>
      %get3A_795 = arith.constant 5 : i32
      %get3A_796 = arith.index_cast %get3A_795 : i32 to index
      %get3A_797 = arith.index_cast %mul3A_694 : i32 to index
      %get3A_798 = tpu.vector_load %arg13[%get3A_796, %get3A_797] {strides = array<i32>} : memref<16x768xf32, #tpu.memory_space<vmem>>, vector<1x16xf32>,
      %get3A_799 = vector.shape_cast %get3A_798 : vector<1x16xf32> to vector<16xf32>
      %add3A_800 = arith.addf %get3A_794, %get3A_799 : vector<16xf32>
      %swap3A_801 = arith.constant 5 : i32
      %swap3A_802 = arith.index_cast %swap3A_801 : i32 to index
      %swap3A_803 = arith.index_cast %mul3A_694 : i32 to index
      %swap3A_804 = tpu.vector_load %arg17[%swap3A_802, %swap3A_803] {strides = array<i32>} : memref<16x768xf32, #tpu.memory_space<vmem>>, vector<1x16xf32>,
      %swap3A_805 = vector.shape_cast %swap3A_804 : vector<1x16xf32> to vector<16xf32>
      %swap3A_806 = vector.shape_cast %add3A_800 : vector<16xf32> to vector<1x16xf32>
      tpu.vector_store %arg17[%swap3A_802, %swap3A_803], %swap3A_806 {strides = array<i32>} : memref<16x768xf32, #tpu.memory_space<vmem>>, vector<1x16xf32>,
      %mul3A_807 = arith.mulf %add3A_800, %add3A_800 : vector<16xf32>
      %add3A_808 = arith.addf %scan3A_682, %mul3A_807 : vector<16xf32>
      %get3A_809 = arith.constant 6 : i32
      %get3A_810 = arith.index_cast %get3A_809 : i32 to index
      %get3A_811 = arith.index_cast %mul3A_694 : i32 to index
      %get3A_812 = tpu.vector_load %arg11[%get3A_810, %get3A_811] {strides = array<i32>} : memref<16x768xf32, #tpu.memory_space<vmem>>, vector<1x16xf32>,
      %get3A_813 = vector.shape_cast %get3A_812 : vector<1x16xf32> to vector<16xf32>
      %get3A_814 = arith.constant 6 : i32
      %get3A_815 = arith.index_cast %get3A_814 : i32 to index
      %get3A_816 = arith.index_cast %mul3A_694 : i32 to index
      %get3A_817 = tpu.vector_load %arg13[%get3A_815, %get3A_816] {strides = array<i32>} : memref<16x768xf32, #tpu.memory_space<vmem>>, vector<1x16xf32>,
      %get3A_818 = vector.shape_cast %get3A_817 : vector<1x16xf32> to vector<16xf32>
      %add3A_819 = arith.addf %get3A_813, %get3A_818 : vector<16xf32>
      %swap3A_820 = arith.constant 6 : i32
      %swap3A_821 = arith.index_cast %swap3A_820 : i32 to index
      %swap3A_822 = arith.index_cast %mul3A_694 : i32 to index
      %swap3A_823 = tpu.vector_load %arg17[%swap3A_821, %swap3A_822] {strides = array<i32>} : memref<16x768xf32, #tpu.memory_space<vmem>>, vector<1x16xf32>,
      %swap3A_824 = vector.shape_cast %swap3A_823 : vector<1x16xf32> to vector<16xf32>
      %swap3A_825 = vector.shape_cast %add3A_819 : vector<16xf32> to vector<1x16xf32>
      tpu.vector_store %arg17[%swap3A_821, %swap3A_822], %swap3A_825 {strides = array<i32>} : memref<16x768xf32, #tpu.memory_space<vmem>>, vector<1x16xf32>,
      %mul3A_826 = arith.mulf %add3A_819, %add3A_819 : vector<16xf32>
      %add3A_827 = arith.addf %scan3A_683, %mul3A_826 : vector<16xf32>
      %get3A_828 = arith.constant 7 : i32
      %get3A_829 = arith.index_cast %get3A_828 : i32 to index
      %get3A_830 = arith.index_cast %mul3A_694 : i32 to index
      %get3A_831 = tpu.vector_load %arg11[%get3A_829, %get3A_830] {strides = array<i32>} : memref<16x768xf32, #tpu.memory_space<vmem>>, vector<1x16xf32>,
      %get3A_832 = vector.shape_cast %get3A_831 : vector<1x16xf32> to vector<16xf32>
      %get3A_833 = arith.constant 7 : i32
      %get3A_834 = arith.index_cast %get3A_833 : i32 to index
      %get3A_835 = arith.index_cast %mul3A_694 : i32 to index
      %get3A_836 = tpu.vector_load %arg13[%get3A_834, %get3A_835] {strides = array<i32>} : memref<16x768xf32, #tpu.memory_space<vmem>>, vector<1x16xf32>,
      %get3A_837 = vector.shape_cast %get3A_836 : vector<1x16xf32> to vector<16xf32>
      %add3A_838 = arith.addf %get3A_832, %get3A_837 : vector<16xf32>
      %swap3A_839 = arith.constant 7 : i32
      %swap3A_840 = arith.index_cast %swap3A_839 : i32 to index
      %swap3A_841 = arith.index_cast %mul3A_694 : i32 to index
      %swap3A_842 = tpu.vector_load %arg17[%swap3A_840, %swap3A_841] {strides = array<i32>} : memref<16x768xf32, #tpu.memory_space<vmem>>, vector<1x16xf32>,
      %swap3A_843 = vector.shape_cast %swap3A_842 : vector<1x16xf32> to vector<16xf32>
      %swap3A_844 = vector.shape_cast %add3A_838 : vector<16xf32> to vector<1x16xf32>
      tpu.vector_store %arg17[%swap3A_840, %swap3A_841], %swap3A_844 {strides = array<i32>} : memref<16x768xf32, #tpu.memory_space<vmem>>, vector<1x16xf32>,
      %mul3A_845 = arith.mulf %add3A_838, %add3A_838 : vector<16xf32>
      %add3A_846 = arith.addf %scan3A_684, %mul3A_845 : vector<16xf32>
      %get3A_847 = arith.constant 8 : i32
      %get3A_848 = arith.index_cast %get3A_847 : i32 to index
      %get3A_849 = arith.index_cast %mul3A_694 : i32 to index
      %get3A_850 = tpu.vector_load %arg11[%get3A_848, %get3A_849] {strides = array<i32>} : memref<16x768xf32, #tpu.memory_space<vmem>>, vector<1x16xf32>,
      %get3A_851 = vector.shape_cast %get3A_850 : vector<1x16xf32> to vector<16xf32>
      %get3A_852 = arith.constant 8 : i32
      %get3A_853 = arith.index_cast %get3A_852 : i32 to index
      %get3A_854 = arith.index_cast %mul3A_694 : i32 to index
      %get3A_855 = tpu.vector_load %arg13[%get3A_853, %get3A_854] {strides = array<i32>} : memref<16x768xf32, #tpu.memory_space<vmem>>, vector<1x16xf32>,
      %get3A_856 = vector.shape_cast %get3A_855 : vector<1x16xf32> to vector<16xf32>
      %add3A_857 = arith.addf %get3A_851, %get3A_856 : vector<16xf32>
      %swap3A_858 = arith.constant 8 : i32
      %swap3A_859 = arith.index_cast %swap3A_858 : i32 to index
      %swap3A_860 = arith.index_cast %mul3A_694 : i32 to index
      %swap3A_861 = tpu.vector_load %arg17[%swap3A_859, %swap3A_860] {strides = array<i32>} : memref<16x768xf32, #tpu.memory_space<vmem>>, vector<1x16xf32>,
      %swap3A_862 = vector.shape_cast %swap3A_861 : vector<1x16xf32> to vector<16xf32>
      %swap3A_863 = vector.shape_cast %add3A_857 : vector<16xf32> to vector<1x16xf32>
      tpu.vector_store %arg17[%swap3A_859, %swap3A_860], %swap3A_863 {strides = array<i32>} : memref<16x768xf32, #tpu.memory_space<vmem>>, vector<1x16xf32>,
      %mul3A_864 = arith.mulf %add3A_857, %add3A_857 : vector<16xf32>
      %add3A_865 = arith.addf %scan3A_685, %mul3A_864 : vector<16xf32>
      %get3A_866 = arith.constant 9 : i32
      %get3A_867 = arith.index_cast %get3A_866 : i32 to index
      %get3A_868 = arith.index_cast %mul3A_694 : i32 to index
      %get3A_869 = tpu.vector_load %arg11[%get3A_867, %get3A_868] {strides = array<i32>} : memref<16x768xf32, #tpu.memory_space<vmem>>, vector<1x16xf32>,
      %get3A_870 = vector.shape_cast %get3A_869 : vector<1x16xf32> to vector<16xf32>
      %get3A_871 = arith.constant 9 : i32
      %get3A_872 = arith.index_cast %get3A_871 : i32 to index
      %get3A_873 = arith.index_cast %mul3A_694 : i32 to index
      %get3A_874 = tpu.vector_load %arg13[%get3A_872, %get3A_873] {strides = array<i32>} : memref<16x768xf32, #tpu.memory_space<vmem>>, vector<1x16xf32>,
      %get3A_875 = vector.shape_cast %get3A_874 : vector<1x16xf32> to vector<16xf32>
      %add3A_876 = arith.addf %get3A_870, %get3A_875 : vector<16xf32>
      %swap3A_877 = arith.constant 9 : i32
      %swap3A_878 = arith.index_cast %swap3A_877 : i32 to index
      %swap3A_879 = arith.index_cast %mul3A_694 : i32 to index
      %swap3A_880 = tpu.vector_load %arg17[%swap3A_878, %swap3A_879] {strides = array<i32>} : memref<16x768xf32, #tpu.memory_space<vmem>>, vector<1x16xf32>,
      %swap3A_881 = vector.shape_cast %swap3A_880 : vector<1x16xf32> to vector<16xf32>
      %swap3A_882 = vector.shape_cast %add3A_876 : vector<16xf32> to vector<1x16xf32>
      tpu.vector_store %arg17[%swap3A_878, %swap3A_879], %swap3A_882 {strides = array<i32>} : memref<16x768xf32, #tpu.memory_space<vmem>>, vector<1x16xf32>,
      %mul3A_883 = arith.mulf %add3A_876, %add3A_876 : vector<16xf32>
      %add3A_884 = arith.addf %scan3A_686, %mul3A_883 : vector<16xf32>
      %get3A_885 = arith.constant 10 : i32
      %get3A_886 = arith.index_cast %get3A_885 : i32 to index
      %get3A_887 = arith.index_cast %mul3A_694 : i32 to index
      %get3A_888 = tpu.vector_load %arg11[%get3A_886, %get3A_887] {strides = array<i32>} : memref<16x768xf32, #tpu.memory_space<vmem>>, vector<1x16xf32>,
      %get3A_889 = vector.shape_cast %get3A_888 : vector<1x16xf32> to vector<16xf32>
      %get3A_890 = arith.constant 10 : i32
      %get3A_891 = arith.index_cast %get3A_890 : i32 to index
      %get3A_892 = arith.index_cast %mul3A_694 : i32 to index
      %get3A_893 = tpu.vector_load %arg13[%get3A_891, %get3A_892] {strides = array<i32>} : memref<16x768xf32, #tpu.memory_space<vmem>>, vector<1x16xf32>,
      %get3A_894 = vector.shape_cast %get3A_893 : vector<1x16xf32> to vector<16xf32>
      %add3A_895 = arith.addf %get3A_889, %get3A_894 : vector<16xf32>
      %swap3A_896 = arith.constant 10 : i32
      %swap3A_897 = arith.index_cast %swap3A_896 : i32 to index
      %swap3A_898 = arith.index_cast %mul3A_694 : i32 to index
      %swap3A_899 = tpu.vector_load %arg17[%swap3A_897, %swap3A_898] {strides = array<i32>} : memref<16x768xf32, #tpu.memory_space<vmem>>, vector<1x16xf32>,
      %swap3A_900 = vector.shape_cast %swap3A_899 : vector<1x16xf32> to vector<16xf32>
      %swap3A_901 = vector.shape_cast %add3A_895 : vector<16xf32> to vector<1x16xf32>
      tpu.vector_store %arg17[%swap3A_897, %swap3A_898], %swap3A_901 {strides = array<i32>} : memref<16x768xf32, #tpu.memory_space<vmem>>, vector<1x16xf32>,
      %mul3A_902 = arith.mulf %add3A_895, %add3A_895 : vector<16xf32>
      %add3A_903 = arith.addf %scan3A_687, %mul3A_902 : vector<16xf32>
      %get3A_904 = arith.constant 11 : i32
      %get3A_905 = arith.index_cast %get3A_904 : i32 to index
      %get3A_906 = arith.index_cast %mul3A_694 : i32 to index
      %get3A_907 = tpu.vector_load %arg11[%get3A_905, %get3A_906] {strides = array<i32>} : memref<16x768xf32, #tpu.memory_space<vmem>>, vector<1x16xf32>,
      %get3A_908 = vector.shape_cast %get3A_907 : vector<1x16xf32> to vector<16xf32>
      %get3A_909 = arith.constant 11 : i32
      %get3A_910 = arith.index_cast %get3A_909 : i32 to index
      %get3A_911 = arith.index_cast %mul3A_694 : i32 to index
      %get3A_912 = tpu.vector_load %arg13[%get3A_910, %get3A_911] {strides = array<i32>} : memref<16x768xf32, #tpu.memory_space<vmem>>, vector<1x16xf32>,
      %get3A_913 = vector.shape_cast %get3A_912 : vector<1x16xf32> to vector<16xf32>
      %add3A_914 = arith.addf %get3A_908, %get3A_913 : vector<16xf32>
      %swap3A_915 = arith.constant 11 : i32
      %swap3A_916 = arith.index_cast %swap3A_915 : i32 to index
      %swap3A_917 = arith.index_cast %mul3A_694 : i32 to index
      %swap3A_918 = tpu.vector_load %arg17[%swap3A_916, %swap3A_917] {strides = array<i32>} : memref<16x768xf32, #tpu.memory_space<vmem>>, vector<1x16xf32>,
      %swap3A_919 = vector.shape_cast %swap3A_918 : vector<1x16xf32> to vector<16xf32>
      %swap3A_920 = vector.shape_cast %add3A_914 : vector<16xf32> to vector<1x16xf32>
      tpu.vector_store %arg17[%swap3A_916, %swap3A_917], %swap3A_920 {strides = array<i32>} : memref<16x768xf32, #tpu.memory_space<vmem>>, vector<1x16xf32>,
      %mul3A_921 = arith.mulf %add3A_914, %add3A_914 : vector<16xf32>
      %add3A_922 = arith.addf %scan3A_688, %mul3A_921 : vector<16xf32>
      %get3A_923 = arith.constant 12 : i32
      %get3A_924 = arith.index_cast %get3A_923 : i32 to index
      %get3A_925 = arith.index_cast %mul3A_694 : i32 to index
      %get3A_926 = tpu.vector_load %arg11[%get3A_924, %get3A_925] {strides = array<i32>} : memref<16x768xf32, #tpu.memory_space<vmem>>, vector<1x16xf32>,
      %get3A_927 = vector.shape_cast %get3A_926 : vector<1x16xf32> to vector<16xf32>
      %get3A_928 = arith.constant 12 : i32
      %get3A_929 = arith.index_cast %get3A_928 : i32 to index
      %get3A_930 = arith.index_cast %mul3A_694 : i32 to index
      %get3A_931 = tpu.vector_load %arg13[%get3A_929, %get3A_930] {strides = array<i32>} : memref<16x768xf32, #tpu.memory_space<vmem>>, vector<1x16xf32>,
      %get3A_932 = vector.shape_cast %get3A_931 : vector<1x16xf32> to vector<16xf32>
      %add3A_933 = arith.addf %get3A_927, %get3A_932 : vector<16xf32>
      %swap3A_934 = arith.constant 12 : i32
      %swap3A_935 = arith.index_cast %swap3A_934 : i32 to index
      %swap3A_936 = arith.index_cast %mul3A_694 : i32 to index
      %swap3A_937 = tpu.vector_load %arg17[%swap3A_935, %swap3A_936] {strides = array<i32>} : memref<16x768xf32, #tpu.memory_space<vmem>>, vector<1x16xf32>,
      %swap3A_938 = vector.shape_cast %swap3A_937 : vector<1x16xf32> to vector<16xf32>
      %swap3A_939 = vector.shape_cast %add3A_933 : vector<16xf32> to vector<1x16xf32>
      tpu.vector_store %arg17[%swap3A_935, %swap3A_936], %swap3A_939 {strides = array<i32>} : memref<16x768xf32, #tpu.memory_space<vmem>>, vector<1x16xf32>,
      %mul3A_940 = arith.mulf %add3A_933, %add3A_933 : vector<16xf32>
      %add3A_941 = arith.addf %scan3A_689, %mul3A_940 : vector<16xf32>
      %get3A_942 = arith.constant 13 : i32
      %get3A_943 = arith.index_cast %get3A_942 : i32 to index
      %get3A_944 = arith.index_cast %mul3A_694 : i32 to index
      %get3A_945 = tpu.vector_load %arg11[%get3A_943, %get3A_944] {strides = array<i32>} : memref<16x768xf32, #tpu.memory_space<vmem>>, vector<1x16xf32>,
      %get3A_946 = vector.shape_cast %get3A_945 : vector<1x16xf32> to vector<16xf32>
      %get3A_947 = arith.constant 13 : i32
      %get3A_948 = arith.index_cast %get3A_947 : i32 to index
      %get3A_949 = arith.index_cast %mul3A_694 : i32 to index
      %get3A_950 = tpu.vector_load %arg13[%get3A_948, %get3A_949] {strides = array<i32>} : memref<16x768xf32, #tpu.memory_space<vmem>>, vector<1x16xf32>,
      %get3A_951 = vector.shape_cast %get3A_950 : vector<1x16xf32> to vector<16xf32>
      %add3A_952 = arith.addf %get3A_946, %get3A_951 : vector<16xf32>
      %swap3A_953 = arith.constant 13 : i32
      %swap3A_954 = arith.index_cast %swap3A_953 : i32 to index
      %swap3A_955 = arith.index_cast %mul3A_694 : i32 to index
      %swap3A_956 = tpu.vector_load %arg17[%swap3A_954, %swap3A_955] {strides = array<i32>} : memref<16x768xf32, #tpu.memory_space<vmem>>, vector<1x16xf32>,
      %swap3A_957 = vector.shape_cast %swap3A_956 : vector<1x16xf32> to vector<16xf32>
      %swap3A_958 = vector.shape_cast %add3A_952 : vector<16xf32> to vector<1x16xf32>
      tpu.vector_store %arg17[%swap3A_954, %swap3A_955], %swap3A_958 {strides = array<i32>} : memref<16x768xf32, #tpu.memory_space<vmem>>, vector<1x16xf32>,
      %mul3A_959 = arith.mulf %add3A_952, %add3A_952 : vector<16xf32>
      %add3A_960 = arith.addf %scan3A_690, %mul3A_959 : vector<16xf32>
      %get3A_961 = arith.constant 14 : i32
      %get3A_962 = arith.index_cast %get3A_961 : i32 to index
      %get3A_963 = arith.index_cast %mul3A_694 : i32 to index
      %get3A_964 = tpu.vector_load %arg11[%get3A_962, %get3A_963] {strides = array<i32>} : memref<16x768xf32, #tpu.memory_space<vmem>>, vector<1x16xf32>,
      %get3A_965 = vector.shape_cast %get3A_964 : vector<1x16xf32> to vector<16xf32>
      %get3A_966 = arith.constant 14 : i32
      %get3A_967 = arith.index_cast %get3A_966 : i32 to index
      %get3A_968 = arith.index_cast %mul3A_694 : i32 to index
      %get3A_969 = tpu.vector_load %arg13[%get3A_967, %get3A_968] {strides = array<i32>} : memref<16x768xf32, #tpu.memory_space<vmem>>, vector<1x16xf32>,
      %get3A_970 = vector.shape_cast %get3A_969 : vector<1x16xf32> to vector<16xf32>
      %add3A_971 = arith.addf %get3A_965, %get3A_970 : vector<16xf32>
      %swap3A_972 = arith.constant 14 : i32
      %swap3A_973 = arith.index_cast %swap3A_972 : i32 to index
      %swap3A_974 = arith.index_cast %mul3A_694 : i32 to index
      %swap3A_975 = tpu.vector_load %arg17[%swap3A_973, %swap3A_974] {strides = array<i32>} : memref<16x768xf32, #tpu.memory_space<vmem>>, vector<1x16xf32>,
      %swap3A_976 = vector.shape_cast %swap3A_975 : vector<1x16xf32> to vector<16xf32>
      %swap3A_977 = vector.shape_cast %add3A_971 : vector<16xf32> to vector<1x16xf32>
      tpu.vector_store %arg17[%swap3A_973, %swap3A_974], %swap3A_977 {strides = array<i32>} : memref<16x768xf32, #tpu.memory_space<vmem>>, vector<1x16xf32>,
      %mul3A_978 = arith.mulf %add3A_971, %add3A_971 : vector<16xf32>
      %add3A_979 = arith.addf %scan3A_691, %mul3A_978 : vector<16xf32>
      %get3A_980 = arith.constant 15 : i32
      %get3A_981 = arith.index_cast %get3A_980 : i32 to index
      %get3A_982 = arith.index_cast %mul3A_694 : i32 to index
      %get3A_983 = tpu.vector_load %arg11[%get3A_981, %get3A_982] {strides = array<i32>} : memref<16x768xf32, #tpu.memory_space<vmem>>, vector<1x16xf32>,
      %get3A_984 = vector.shape_cast %get3A_983 : vector<1x16xf32> to vector<16xf32>
      %get3A_985 = arith.constant 15 : i32
      %get3A_986 = arith.index_cast %get3A_985 : i32 to index
      %get3A_987 = arith.index_cast %mul3A_694 : i32 to index
      %get3A_988 = tpu.vector_load %arg13[%get3A_986, %get3A_987] {strides = array<i32>} : memref<16x768xf32, #tpu.memory_space<vmem>>, vector<1x16xf32>,
      %get3A_989 = vector.shape_cast %get3A_988 : vector<1x16xf32> to vector<16xf32>
      %add3A_990 = arith.addf %get3A_984, %get3A_989 : vector<16xf32>
      %swap3A_991 = arith.constant 15 : i32
      %swap3A_992 = arith.index_cast %swap3A_991 : i32 to index
      %swap3A_993 = arith.index_cast %mul3A_694 : i32 to index
      %swap3A_994 = tpu.vector_load %arg17[%swap3A_992, %swap3A_993] {strides = array<i32>} : memref<16x768xf32, #tpu.memory_space<vmem>>, vector<1x16xf32>,
      %swap3A_995 = vector.shape_cast %swap3A_994 : vector<1x16xf32> to vector<16xf32>
      %swap3A_996 = vector.shape_cast %add3A_990 : vector<16xf32> to vector<1x16xf32>
      tpu.vector_store %arg17[%swap3A_992, %swap3A_993], %swap3A_996 {strides = array<i32>} : memref<16x768xf32, #tpu.memory_space<vmem>>, vector<1x16xf32>,
      %mul3A_997 = arith.mulf %add3A_990, %add3A_990 : vector<16xf32>
      %add3A_998 = arith.addf %scan3A_692, %mul3A_997 : vector<16xf32>
      scf.yield %add3A_713, %add3A_732, %add3A_751, %add3A_770, %add3A_789, %add3A_808, %add3A_827, %add3A_846, %add3A_865, %add3A_884, %add3A_903, %add3A_922, %add3A_941, %add3A_960, %add3A_979, %add3A_998 : vector<16xf32>, vector<16xf32>, vector<16xf32>, vector<16xf32>, vector<16xf32>, vector<16xf32>, vector<16xf32>, vector<16xf32>, vector<16xf32>, vector<16xf32>, vector<16xf32>, vector<16xf32>, vector<16xf32>, vector<16xf32>, vector<16xf32>, vector<16xf32>
    }
    %scan3A_36 = arith.constant 48 : i32
    %and3A = arith.constant 1 : i32
    %and3A_37 = vector.broadcast %and3A : i32 to vector<16xi32>
    %and3A_38 = arith.andi %iota3A, %and3A_37 : vector<16xi32>
    %eq3A = arith.constant 0 : i32
    %eq3A_39 = vector.broadcast %eq3A : i32 to vector<16xi32>
    %eq3A_40 = arith.cmpi eq, %and3A_38, %eq3A_39 : vector<16xi32>
    %xor3A = arith.constant 1 : i32
    %xor3A_41 = vector.broadcast %xor3A : i32 to vector<16xi32>
    %xor3A_42 = arith.xori %iota3A, %xor3A_41 : vector<16xi32>
    %broadcast_in_dim3A_43 = vector.shape_cast %xor3A_42 : vector<16xi32> to vector<16x1xi32>
    %gather3A = vector.shape_cast %broadcast_in_dim3A_43 : vector<16x1xi32> to vector<16xi32>
    %gather3A_44 = tpu.dynamic_gather %scan3A_35#0[%gather3A] in [0] : vector<16xf32>, vector<16xi32> -> vector<16xf32>
    %add3A_45 = arith.addf %scan3A_35#0, %gather3A_44 : vector<16xf32>
    %xor3A_46 = arith.constant 1 : i32
    %xor3A_47 = vector.broadcast %xor3A_46 : i32 to vector<16xi32>
    %xor3A_48 = arith.xori %iota3A, %xor3A_47 : vector<16xi32>
    %broadcast_in_dim3A_49 = vector.shape_cast %xor3A_48 : vector<16xi32> to vector<16x1xi32>
    %gather3A_50 = vector.shape_cast %broadcast_in_dim3A_49 : vector<16x1xi32> to vector<16xi32>
    %gather3A_51 = tpu.dynamic_gather %scan3A_35#1[%gather3A_50] in [0] : vector<16xf32>, vector<16xi32> -> vector<16xf32>
    %add3A_52 = arith.addf %scan3A_35#1, %gather3A_51 : vector<16xf32>
    %select_n3A = arith.select %eq3A_40, %add3A_45, %add3A_52 : vector<16xi1>, vector<16xf32>
    %xor3A_53 = arith.constant 1 : i32
    %xor3A_54 = vector.broadcast %xor3A_53 : i32 to vector<16xi32>
    %xor3A_55 = arith.xori %iota3A, %xor3A_54 : vector<16xi32>
    %broadcast_in_dim3A_56 = vector.shape_cast %xor3A_55 : vector<16xi32> to vector<16x1xi32>
    %gather3A_57 = vector.shape_cast %broadcast_in_dim3A_56 : vector<16x1xi32> to vector<16xi32>
    %gather3A_58 = tpu.dynamic_gather %scan3A_35#2[%gather3A_57] in [0] : vector<16xf32>, vector<16xi32> -> vector<16xf32>
    %add3A_59 = arith.addf %scan3A_35#2, %gather3A_58 : vector<16xf32>
    %xor3A_60 = arith.constant 1 : i32
    %xor3A_61 = vector.broadcast %xor3A_60 : i32 to vector<16xi32>
    %xor3A_62 = arith.xori %iota3A, %xor3A_61 : vector<16xi32>
    %broadcast_in_dim3A_63 = vector.shape_cast %xor3A_62 : vector<16xi32> to vector<16x1xi32>
    %gather3A_64 = vector.shape_cast %broadcast_in_dim3A_63 : vector<16x1xi32> to vector<16xi32>
    %gather3A_65 = tpu.dynamic_gather %scan3A_35#3[%gather3A_64] in [0] : vector<16xf32>, vector<16xi32> -> vector<16xf32>
    %add3A_66 = arith.addf %scan3A_35#3, %gather3A_65 : vector<16xf32>
    %select_n3A_67 = arith.select %eq3A_40, %add3A_59, %add3A_66 : vector<16xi1>, vector<16xf32>
    %xor3A_68 = arith.constant 1 : i32
    %xor3A_69 = vector.broadcast %xor3A_68 : i32 to vector<16xi32>
    %xor3A_70 = arith.xori %iota3A, %xor3A_69 : vector<16xi32>
    %broadcast_in_dim3A_71 = vector.shape_cast %xor3A_70 : vector<16xi32> to vector<16x1xi32>
    %gather3A_72 = vector.shape_cast %broadcast_in_dim3A_71 : vector<16x1xi32> to vector<16xi32>
    %gather3A_73 = tpu.dynamic_gather %scan3A_35#4[%gather3A_72] in [0] : vector<16xf32>, vector<16xi32> -> vector<16xf32>
    %add3A_74 = arith.addf %scan3A_35#4, %gather3A_73 : vector<16xf32>
    %xor3A_75 = arith.constant 1 : i32
    %xor3A_76 = vector.broadcast %xor3A_75 : i32 to vector<16xi32>
    %xor3A_77 = arith.xori %iota3A, %xor3A_76 : vector<16xi32>
    %broadcast_in_dim3A_78 = vector.shape_cast %xor3A_77 : vector<16xi32> to vector<16x1xi32>
    %gather3A_79 = vector.shape_cast %broadcast_in_dim3A_78 : vector<16x1xi32> to vector<16xi32>
    %gather3A_80 = tpu.dynamic_gather %scan3A_35#5[%gather3A_79] in [0] : vector<16xf32>, vector<16xi32> -> vector<16xf32>
    %add3A_81 = arith.addf %scan3A_35#5, %gather3A_80 : vector<16xf32>
    %select_n3A_82 = arith.select %eq3A_40, %add3A_74, %add3A_81 : vector<16xi1>, vector<16xf32>
    %xor3A_83 = arith.constant 1 : i32
    %xor3A_84 = vector.broadcast %xor3A_83 : i32 to vector<16xi32>
    %xor3A_85 = arith.xori %iota3A, %xor3A_84 : vector<16xi32>
    %broadcast_in_dim3A_86 = vector.shape_cast %xor3A_85 : vector<16xi32> to vector<16x1xi32>
    %gather3A_87 = vector.shape_cast %broadcast_in_dim3A_86 : vector<16x1xi32> to vector<16xi32>
    %gather3A_88 = tpu.dynamic_gather %scan3A_35#6[%gather3A_87] in [0] : vector<16xf32>, vector<16xi32> -> vector<16xf32>
    %add3A_89 = arith.addf %scan3A_35#6, %gather3A_88 : vector<16xf32>
    %xor3A_90 = arith.constant 1 : i32
    %xor3A_91 = vector.broadcast %xor3A_90 : i32 to vector<16xi32>
    %xor3A_92 = arith.xori %iota3A, %xor3A_91 : vector<16xi32>
    %broadcast_in_dim3A_93 = vector.shape_cast %xor3A_92 : vector<16xi32> to vector<16x1xi32>
    %gather3A_94 = vector.shape_cast %broadcast_in_dim3A_93 : vector<16x1xi32> to vector<16xi32>
    %gather3A_95 = tpu.dynamic_gather %scan3A_35#7[%gather3A_94] in [0] : vector<16xf32>, vector<16xi32> -> vector<16xf32>
    %add3A_96 = arith.addf %scan3A_35#7, %gather3A_95 : vector<16xf32>
    %select_n3A_97 = arith.select %eq3A_40, %add3A_89, %add3A_96 : vector<16xi1>, vector<16xf32>
    %xor3A_98 = arith.constant 1 : i32
    %xor3A_99 = vector.broadcast %xor3A_98 : i32 to vector<16xi32>
    %xor3A_100 = arith.xori %iota3A, %xor3A_99 : vector<16xi32>
    %broadcast_in_dim3A_101 = vector.shape_cast %xor3A_100 : vector<16xi32> to vector<16x1xi32>
    %gather3A_102 = vector.shape_cast %broadcast_in_dim3A_101 : vector<16x1xi32> to vector<16xi32>
    %gather3A_103 = tpu.dynamic_gather %scan3A_35#8[%gather3A_102] in [0] : vector<16xf32>, vector<16xi32> -> vector<16xf32>
    %add3A_104 = arith.addf %scan3A_35#8, %gather3A_103 : vector<16xf32>
    %xor3A_105 = arith.constant 1 : i32
    %xor3A_106 = vector.broadcast %xor3A_105 : i32 to vector<16xi32>
    %xor3A_107 = arith.xori %iota3A, %xor3A_106 : vector<16xi32>
    %broadcast_in_dim3A_108 = vector.shape_cast %xor3A_107 : vector<16xi32> to vector<16x1xi32>
    %gather3A_109 = vector.shape_cast %broadcast_in_dim3A_108 : vector<16x1xi32> to vector<16xi32>
    %gather3A_110 = tpu.dynamic_gather %scan3A_35#9[%gather3A_109] in [0] : vector<16xf32>, vector<16xi32> -> vector<16xf32>
    %add3A_111 = arith.addf %scan3A_35#9, %gather3A_110 : vector<16xf32>
    %select_n3A_112 = arith.select %eq3A_40, %add3A_104, %add3A_111 : vector<16xi1>, vector<16xf32>
    %xor3A_113 = arith.constant 1 : i32
    %xor3A_114 = vector.broadcast %xor3A_113 : i32 to vector<16xi32>
    %xor3A_115 = arith.xori %iota3A, %xor3A_114 : vector<16xi32>
    %broadcast_in_dim3A_116 = vector.shape_cast %xor3A_115 : vector<16xi32> to vector<16x1xi32>
    %gather3A_117 = vector.shape_cast %broadcast_in_dim3A_116 : vector<16x1xi32> to vector<16xi32>
    %gather3A_118 = tpu.dynamic_gather %scan3A_35#10[%gather3A_117] in [0] : vector<16xf32>, vector<16xi32> -> vector<16xf32>
    %add3A_119 = arith.addf %scan3A_35#10, %gather3A_118 : vector<16xf32>
    %xor3A_120 = arith.constant 1 : i32
    %xor3A_121 = vector.broadcast %xor3A_120 : i32 to vector<16xi32>
    %xor3A_122 = arith.xori %iota3A, %xor3A_121 : vector<16xi32>
    %broadcast_in_dim3A_123 = vector.shape_cast %xor3A_122 : vector<16xi32> to vector<16x1xi32>
    %gather3A_124 = vector.shape_cast %broadcast_in_dim3A_123 : vector<16x1xi32> to vector<16xi32>
    %gather3A_125 = tpu.dynamic_gather %scan3A_35#11[%gather3A_124] in [0] : vector<16xf32>, vector<16xi32> -> vector<16xf32>
    %add3A_126 = arith.addf %scan3A_35#11, %gather3A_125 : vector<16xf32>
    %select_n3A_127 = arith.select %eq3A_40, %add3A_119, %add3A_126 : vector<16xi1>, vector<16xf32>
    %xor3A_128 = arith.constant 1 : i32
    %xor3A_129 = vector.broadcast %xor3A_128 : i32 to vector<16xi32>
    %xor3A_130 = arith.xori %iota3A, %xor3A_129 : vector<16xi32>
    %broadcast_in_dim3A_131 = vector.shape_cast %xor3A_130 : vector<16xi32> to vector<16x1xi32>
    %gather3A_132 = vector.shape_cast %broadcast_in_dim3A_131 : vector<16x1xi32> to vector<16xi32>
    %gather3A_133 = tpu.dynamic_gather %scan3A_35#12[%gather3A_132] in [0] : vector<16xf32>, vector<16xi32> -> vector<16xf32>
    %add3A_134 = arith.addf %scan3A_35#12, %gather3A_133 : vector<16xf32>
    %xor3A_135 = arith.constant 1 : i32
    %xor3A_136 = vector.broadcast %xor3A_135 : i32 to vector<16xi32>
    %xor3A_137 = arith.xori %iota3A, %xor3A_136 : vector<16xi32>
    %broadcast_in_dim3A_138 = vector.shape_cast %xor3A_137 : vector<16xi32> to vector<16x1xi32>
    %gather3A_139 = vector.shape_cast %broadcast_in_dim3A_138 : vector<16x1xi32> to vector<16xi32>
    %gather3A_140 = tpu.dynamic_gather %scan3A_35#13[%gather3A_139] in [0] : vector<16xf32>, vector<16xi32> -> vector<16xf32>
    %add3A_141 = arith.addf %scan3A_35#13, %gather3A_140 : vector<16xf32>
    %select_n3A_142 = arith.select %eq3A_40, %add3A_134, %add3A_141 : vector<16xi1>, vector<16xf32>
    %xor3A_143 = arith.constant 1 : i32
    %xor3A_144 = vector.broadcast %xor3A_143 : i32 to vector<16xi32>
    %xor3A_145 = arith.xori %iota3A, %xor3A_144 : vector<16xi32>
    %broadcast_in_dim3A_146 = vector.shape_cast %xor3A_145 : vector<16xi32> to vector<16x1xi32>
    %gather3A_147 = vector.shape_cast %broadcast_in_dim3A_146 : vector<16x1xi32> to vector<16xi32>
    %gather3A_148 = tpu.dynamic_gather %scan3A_35#14[%gather3A_147] in [0] : vector<16xf32>, vector<16xi32> -> vector<16xf32>
    %add3A_149 = arith.addf %scan3A_35#14, %gather3A_148 : vector<16xf32>
    %xor3A_150 = arith.constant 1 : i32
    %xor3A_151 = vector.broadcast %xor3A_150 : i32 to vector<16xi32>
    %xor3A_152 = arith.xori %iota3A, %xor3A_151 : vector<16xi32>
    %broadcast_in_dim3A_153 = vector.shape_cast %xor3A_152 : vector<16xi32> to vector<16x1xi32>
    %gather3A_154 = vector.shape_cast %broadcast_in_dim3A_153 : vector<16x1xi32> to vector<16xi32>
    %gather3A_155 = tpu.dynamic_gather %scan3A_35#15[%gather3A_154] in [0] : vector<16xf32>, vector<16xi32> -> vector<16xf32>
    %add3A_156 = arith.addf %scan3A_35#15, %gather3A_155 : vector<16xf32>
    %select_n3A_157 = arith.select %eq3A_40, %add3A_149, %add3A_156 : vector<16xi1>, vector<16xf32>
    %and3A_158 = arith.constant 2 : i32
    %and3A_159 = vector.broadcast %and3A_158 : i32 to vector<16xi32>
    %and3A_160 = arith.andi %iota3A, %and3A_159 : vector<16xi32>
    %eq3A_161 = arith.constant 0 : i32
    %eq3A_162 = vector.broadcast %eq3A_161 : i32 to vector<16xi32>
    %eq3A_163 = arith.cmpi eq, %and3A_160, %eq3A_162 : vector<16xi32>
    %xor3A_164 = arith.constant 2 : i32
    %xor3A_165 = vector.broadcast %xor3A_164 : i32 to vector<16xi32>
    %xor3A_166 = arith.xori %iota3A, %xor3A_165 : vector<16xi32>
    %broadcast_in_dim3A_167 = vector.shape_cast %xor3A_166 : vector<16xi32> to vector<16x1xi32>
    %gather3A_168 = vector.shape_cast %broadcast_in_dim3A_167 : vector<16x1xi32> to vector<16xi32>
    %gather3A_169 = tpu.dynamic_gather %select_n3A[%gather3A_168] in [0] : vector<16xf32>, vector<16xi32> -> vector<16xf32>
    %add3A_170 = arith.addf %select_n3A, %gather3A_169 : vector<16xf32>
    %xor3A_171 = arith.constant 2 : i32
    %xor3A_172 = vector.broadcast %xor3A_171 : i32 to vector<16xi32>
    %xor3A_173 = arith.xori %iota3A, %xor3A_172 : vector<16xi32>
    %broadcast_in_dim3A_174 = vector.shape_cast %xor3A_173 : vector<16xi32> to vector<16x1xi32>
    %gather3A_175 = vector.shape_cast %broadcast_in_dim3A_174 : vector<16x1xi32> to vector<16xi32>
    %gather3A_176 = tpu.dynamic_gather %select_n3A_67[%gather3A_175] in [0] : vector<16xf32>, vector<16xi32> -> vector<16xf32>
    %add3A_177 = arith.addf %select_n3A_67, %gather3A_176 : vector<16xf32>
    %select_n3A_178 = arith.select %eq3A_163, %add3A_170, %add3A_177 : vector<16xi1>, vector<16xf32>
    %xor3A_179 = arith.constant 2 : i32
    %xor3A_180 = vector.broadcast %xor3A_179 : i32 to vector<16xi32>
    %xor3A_181 = arith.xori %iota3A, %xor3A_180 : vector<16xi32>
    %broadcast_in_dim3A_182 = vector.shape_cast %xor3A_181 : vector<16xi32> to vector<16x1xi32>
    %gather3A_183 = vector.shape_cast %broadcast_in_dim3A_182 : vector<16x1xi32> to vector<16xi32>
    %gather3A_184 = tpu.dynamic_gather %select_n3A_82[%gather3A_183] in [0] : vector<16xf32>, vector<16xi32> -> vector<16xf32>
    %add3A_185 = arith.addf %select_n3A_82, %gather3A_184 : vector<16xf32>
    %xor3A_186 = arith.constant 2 : i32
    %xor3A_187 = vector.broadcast %xor3A_186 : i32 to vector<16xi32>
    %xor3A_188 = arith.xori %iota3A, %xor3A_187 : vector<16xi32>
    %broadcast_in_dim3A_189 = vector.shape_cast %xor3A_188 : vector<16xi32> to vector<16x1xi32>
    %gather3A_190 = vector.shape_cast %broadcast_in_dim3A_189 : vector<16x1xi32> to vector<16xi32>
    %gather3A_191 = tpu.dynamic_gather %select_n3A_97[%gather3A_190] in [0] : vector<16xf32>, vector<16xi32> -> vector<16xf32>
    %add3A_192 = arith.addf %select_n3A_97, %gather3A_191 : vector<16xf32>
    %select_n3A_193 = arith.select %eq3A_163, %add3A_185, %add3A_192 : vector<16xi1>, vector<16xf32>
    %xor3A_194 = arith.constant 2 : i32
    %xor3A_195 = vector.broadcast %xor3A_194 : i32 to vector<16xi32>
    %xor3A_196 = arith.xori %iota3A, %xor3A_195 : vector<16xi32>
    %broadcast_in_dim3A_197 = vector.shape_cast %xor3A_196 : vector<16xi32> to vector<16x1xi32>
    %gather3A_198 = vector.shape_cast %broadcast_in_dim3A_197 : vector<16x1xi32> to vector<16xi32>
    %gather3A_199 = tpu.dynamic_gather %select_n3A_112[%gather3A_198] in [0] : vector<16xf32>, vector<16xi32> -> vector<16xf32>
    %add3A_200 = arith.addf %select_n3A_112, %gather3A_199 : vector<16xf32>
    %xor3A_201 = arith.constant 2 : i32
    %xor3A_202 = vector.broadcast %xor3A_201 : i32 to vector<16xi32>
    %xor3A_203 = arith.xori %iota3A, %xor3A_202 : vector<16xi32>
    %broadcast_in_dim3A_204 = vector.shape_cast %xor3A_203 : vector<16xi32> to vector<16x1xi32>
    %gather3A_205 = vector.shape_cast %broadcast_in_dim3A_204 : vector<16x1xi32> to vector<16xi32>
    %gather3A_206 = tpu.dynamic_gather %select_n3A_127[%gather3A_205] in [0] : vector<16xf32>, vector<16xi32> -> vector<16xf32>
    %add3A_207 = arith.addf %select_n3A_127, %gather3A_206 : vector<16xf32>
    %select_n3A_208 = arith.select %eq3A_163, %add3A_200, %add3A_207 : vector<16xi1>, vector<16xf32>
    %xor3A_209 = arith.constant 2 : i32
    %xor3A_210 = vector.broadcast %xor3A_209 : i32 to vector<16xi32>
    %xor3A_211 = arith.xori %iota3A, %xor3A_210 : vector<16xi32>
    %broadcast_in_dim3A_212 = vector.shape_cast %xor3A_211 : vector<16xi32> to vector<16x1xi32>
    %gather3A_213 = vector.shape_cast %broadcast_in_dim3A_212 : vector<16x1xi32> to vector<16xi32>
    %gather3A_214 = tpu.dynamic_gather %select_n3A_142[%gather3A_213] in [0] : vector<16xf32>, vector<16xi32> -> vector<16xf32>
    %add3A_215 = arith.addf %select_n3A_142, %gather3A_214 : vector<16xf32>
    %xor3A_216 = arith.constant 2 : i32
    %xor3A_217 = vector.broadcast %xor3A_216 : i32 to vector<16xi32>
    %xor3A_218 = arith.xori %iota3A, %xor3A_217 : vector<16xi32>
    %broadcast_in_dim3A_219 = vector.shape_cast %xor3A_218 : vector<16xi32> to vector<16x1xi32>
    %gather3A_220 = vector.shape_cast %broadcast_in_dim3A_219 : vector<16x1xi32> to vector<16xi32>
    %gather3A_221 = tpu.dynamic_gather %select_n3A_157[%gather3A_220] in [0] : vector<16xf32>, vector<16xi32> -> vector<16xf32>
    %add3A_222 = arith.addf %select_n3A_157, %gather3A_221 : vector<16xf32>
    %select_n3A_223 = arith.select %eq3A_163, %add3A_215, %add3A_222 : vector<16xi1>, vector<16xf32>
    %and3A_224 = arith.constant 4 : i32
    %and3A_225 = vector.broadcast %and3A_224 : i32 to vector<16xi32>
    %and3A_226 = arith.andi %iota3A, %and3A_225 : vector<16xi32>
    %eq3A_227 = arith.constant 0 : i32
    %eq3A_228 = vector.broadcast %eq3A_227 : i32 to vector<16xi32>
    %eq3A_229 = arith.cmpi eq, %and3A_226, %eq3A_228 : vector<16xi32>
    %xor3A_230 = arith.constant 4 : i32
    %xor3A_231 = vector.broadcast %xor3A_230 : i32 to vector<16xi32>
    %xor3A_232 = arith.xori %iota3A, %xor3A_231 : vector<16xi32>
    %broadcast_in_dim3A_233 = vector.shape_cast %xor3A_232 : vector<16xi32> to vector<16x1xi32>
    %gather3A_234 = vector.shape_cast %broadcast_in_dim3A_233 : vector<16x1xi32> to vector<16xi32>
    %gather3A_235 = tpu.dynamic_gather %select_n3A_178[%gather3A_234] in [0] : vector<16xf32>, vector<16xi32> -> vector<16xf32>
    %add3A_236 = arith.addf %select_n3A_178, %gather3A_235 : vector<16xf32>
    %xor3A_237 = arith.constant 4 : i32
    %xor3A_238 = vector.broadcast %xor3A_237 : i32 to vector<16xi32>
    %xor3A_239 = arith.xori %iota3A, %xor3A_238 : vector<16xi32>
    %broadcast_in_dim3A_240 = vector.shape_cast %xor3A_239 : vector<16xi32> to vector<16x1xi32>
    %gather3A_241 = vector.shape_cast %broadcast_in_dim3A_240 : vector<16x1xi32> to vector<16xi32>
    %gather3A_242 = tpu.dynamic_gather %select_n3A_193[%gather3A_241] in [0] : vector<16xf32>, vector<16xi32> -> vector<16xf32>
    %add3A_243 = arith.addf %select_n3A_193, %gather3A_242 : vector<16xf32>
    %select_n3A_244 = arith.select %eq3A_229, %add3A_236, %add3A_243 : vector<16xi1>, vector<16xf32>
    %xor3A_245 = arith.constant 4 : i32
    %xor3A_246 = vector.broadcast %xor3A_245 : i32 to vector<16xi32>
    %xor3A_247 = arith.xori %iota3A, %xor3A_246 : vector<16xi32>
    %broadcast_in_dim3A_248 = vector.shape_cast %xor3A_247 : vector<16xi32> to vector<16x1xi32>
    %gather3A_249 = vector.shape_cast %broadcast_in_dim3A_248 : vector<16x1xi32> to vector<16xi32>
    %gather3A_250 = tpu.dynamic_gather %select_n3A_208[%gather3A_249] in [0] : vector<16xf32>, vector<16xi32> -> vector<16xf32>
    %add3A_251 = arith.addf %select_n3A_208, %gather3A_250 : vector<16xf32>
    %xor3A_252 = arith.constant 4 : i32
    %xor3A_253 = vector.broadcast %xor3A_252 : i32 to vector<16xi32>
    %xor3A_254 = arith.xori %iota3A, %xor3A_253 : vector<16xi32>
    %broadcast_in_dim3A_255 = vector.shape_cast %xor3A_254 : vector<16xi32> to vector<16x1xi32>
    %gather3A_256 = vector.shape_cast %broadcast_in_dim3A_255 : vector<16x1xi32> to vector<16xi32>
    %gather3A_257 = tpu.dynamic_gather %select_n3A_223[%gather3A_256] in [0] : vector<16xf32>, vector<16xi32> -> vector<16xf32>
    %add3A_258 = arith.addf %select_n3A_223, %gather3A_257 : vector<16xf32>
    %select_n3A_259 = arith.select %eq3A_229, %add3A_251, %add3A_258 : vector<16xi1>, vector<16xf32>
    %and3A_260 = arith.constant 8 : i32
    %and3A_261 = vector.broadcast %and3A_260 : i32 to vector<16xi32>
    %and3A_262 = arith.andi %iota3A, %and3A_261 : vector<16xi32>
    %eq3A_263 = arith.constant 0 : i32
    %eq3A_264 = vector.broadcast %eq3A_263 : i32 to vector<16xi32>
    %eq3A_265 = arith.cmpi eq, %and3A_262, %eq3A_264 : vector<16xi32>
    %xor3A_266 = arith.constant 8 : i32
    %xor3A_267 = vector.broadcast %xor3A_266 : i32 to vector<16xi32>
    %xor3A_268 = arith.xori %iota3A, %xor3A_267 : vector<16xi32>
    %broadcast_in_dim3A_269 = vector.shape_cast %xor3A_268 : vector<16xi32> to vector<16x1xi32>
    %gather3A_270 = vector.shape_cast %broadcast_in_dim3A_269 : vector<16x1xi32> to vector<16xi32>
    %gather3A_271 = tpu.dynamic_gather %select_n3A_244[%gather3A_270] in [0] : vector<16xf32>, vector<16xi32> -> vector<16xf32>
    %add3A_272 = arith.addf %select_n3A_244, %gather3A_271 : vector<16xf32>
    %xor3A_273 = arith.constant 8 : i32
    %xor3A_274 = vector.broadcast %xor3A_273 : i32 to vector<16xi32>
    %xor3A_275 = arith.xori %iota3A, %xor3A_274 : vector<16xi32>
    %broadcast_in_dim3A_276 = vector.shape_cast %xor3A_275 : vector<16xi32> to vector<16x1xi32>
    %gather3A_277 = vector.shape_cast %broadcast_in_dim3A_276 : vector<16x1xi32> to vector<16xi32>
    %gather3A_278 = tpu.dynamic_gather %select_n3A_259[%gather3A_277] in [0] : vector<16xf32>, vector<16xi32> -> vector<16xf32>
    %add3A_279 = arith.addf %select_n3A_259, %gather3A_278 : vector<16xf32>
    %select_n3A_280 = arith.select %eq3A_265, %add3A_272, %add3A_279 : vector<16xi1>, vector<16xf32>
    %mul3A_281 = arith.constant 0.00130208337 : f32
    %mul3A_282 = vector.broadcast %mul3A_281 : f32 to vector<16xf32>
    %mul3A_283 = arith.mulf %select_n3A_280, %mul3A_282 : vector<16xf32>
    %add3A_284 = arith.constant 9.99999996E-13 : f32
    %add3A_285 = vector.broadcast %add3A_284 : f32 to vector<16xf32>
    %add3A_286 = arith.addf %mul3A_283, %add3A_285 : vector<16xf32>
    %bitcast_convert_type3A = tpu.bitcast %add3A_286 : vector<16xf32> -> vector<16xi32>
    %shift_right_arithmetic3A = arith.constant 1 : i32
    %shift_right_arithmetic3A_287 = vector.broadcast %shift_right_arithmetic3A : i32 to vector<16xi32>
    %shift_right_arithmetic3A_288 = arith.shrsi %bitcast_convert_type3A, %shift_right_arithmetic3A_287 : vector<16xi32>
    %sub3A = arith.constant 1597463007 : i32
    %sub3A_289 = vector.broadcast %sub3A : i32 to vector<16xi32>
    %sub3A_290 = arith.subi %sub3A_289, %shift_right_arithmetic3A_288 : vector<16xi32>
    %bitcast_convert_type3A_291 = tpu.bitcast %sub3A_290 : vector<16xi32> -> vector<16xf32>
    %mul3A_292 = arith.constant 5.000000e-01 : f32
    %mul3A_293 = vector.broadcast %mul3A_292 : f32 to vector<16xf32>
    %mul3A_294 = arith.mulf %mul3A_293, %add3A_286 : vector<16xf32>
    %mul3A_295 = arith.mulf %mul3A_294, %bitcast_convert_type3A_291 : vector<16xf32>
    %mul3A_296 = arith.mulf %mul3A_295, %bitcast_convert_type3A_291 : vector<16xf32>
    %sub3A_297 = arith.constant 1.500000e+00 : f32
    %sub3A_298 = vector.broadcast %sub3A_297 : f32 to vector<16xf32>
    %sub3A_299 = arith.subf %sub3A_298, %mul3A_296 : vector<16xf32>
    %mul3A_300 = arith.mulf %bitcast_convert_type3A_291, %sub3A_299 : vector<16xf32>
    %mul3A_301 = arith.constant 5.000000e-01 : f32
    %mul3A_302 = vector.broadcast %mul3A_301 : f32 to vector<16xf32>
    %mul3A_303 = arith.mulf %mul3A_302, %add3A_286 : vector<16xf32>
    %mul3A_304 = arith.mulf %mul3A_303, %mul3A_300 : vector<16xf32>
    %mul3A_305 = arith.mulf %mul3A_304, %mul3A_300 : vector<16xf32>
    %sub3A_306 = arith.constant 1.500000e+00 : f32
    %sub3A_307 = vector.broadcast %sub3A_306 : f32 to vector<16xf32>
    %sub3A_308 = arith.subf %sub3A_307, %mul3A_305 : vector<16xf32>
    %mul3A_309 = arith.mulf %mul3A_300, %sub3A_308 : vector<16xf32>
    %swap3A = arith.constant 0 : index
    %swap3A_310 = tpu.vector_load %arg19[%swap3A] {strides = array<i32>} : memref<16xf32, #tpu.memory_space<vmem>>, vector<16xf32>,
    %swap3A_311 = vector.shape_cast %swap3A_310 : vector<16xf32> to vector<16xf32>
    %swap3A_312 = vector.shape_cast %mul3A_309 : vector<16xf32> to vector<16xf32>
    tpu.vector_store %arg19[%swap3A], %swap3A_312 {strides = array<i32>} : memref<16xf32, #tpu.memory_space<vmem>>, vector<16xf32>,
    %dma_start3A_313 = arith.constant 32 : i32
    %dma_start3A_314 = tpu.memref_slice %arg8[%dma_start3A_313] : memref<1024xi32, #tpu.memory_space<vmem>> -> memref<16xi32, #tpu.memory_space<vmem>>
    %dma_start3A_315 = arith.constant 0 : i32
    %dma_start3A_316 = arith.constant 0 : i32
    %dma_start3A_317 = tpu.memref_slice %arg4[%dma_start3A_315, %dma_start3A_316] : memref<30522x768xf32, #tpu.memory_space<hbm>> -> memref<30522x768xf32, #tpu.memory_space<hbm>>
    tpu.enqueue_indirect_dma source(%dma_start3A_317 : memref<30522x768xf32, #tpu.memory_space<hbm>>) target(%arg11 : memref<16x768xf32, #tpu.memory_space<vmem>>) offsets(%dma_start3A_314 : memref<16xi32, #tpu.memory_space<vmem>>) semaphore(%arg20 : memref<!tpu.dma_semaphore, #tpu.memory_space<semaphore_mem>>)
    %dma_start3A_318 = arith.constant 32 : i32
    %dma_start3A_319 = tpu.memref_slice %arg9[%dma_start3A_318] : memref<1024xi32, #tpu.memory_space<vmem>> -> memref<16xi32, #tpu.memory_space<vmem>>
    %dma_start3A_320 = arith.constant 0 : i32
    %dma_start3A_321 = arith.constant 0 : i32
    %dma_start3A_322 = tpu.memref_slice %arg5[%dma_start3A_320, %dma_start3A_321] : memref<8192x768xf32, #tpu.memory_space<hbm>> -> memref<8192x768xf32, #tpu.memory_space<hbm>>
    tpu.enqueue_indirect_dma source(%dma_start3A_322 : memref<8192x768xf32, #tpu.memory_space<hbm>>) target(%arg13 : memref<16x768xf32, #tpu.memory_space<vmem>>) offsets(%dma_start3A_319 : memref<16xi32, #tpu.memory_space<vmem>>) semaphore(%arg22 : memref<!tpu.dma_semaphore, #tpu.memory_space<semaphore_mem>>)
    %scan3A_323 = arith.constant 0 : i32
    %scan3A_324 = arith.constant 0 : i32
    %scan3A_325 = arith.constant 31 : i32
    %scan3A_326 = arith.addi %scan3A_324, %scan3A_325 : i32
    %scan3A_327 = arith.constant 1 : i32
    scf.for %scan3A_676 = %scan3A_324 to %scan3A_326 step %scan3A_327  : i32 {
      %mul3A_677 = arith.constant 2 : i32
      %mul3A_678 = arith.muli %mul3A_677, %scan3A_676 : i32
      %add3A_679 = arith.constant 1 : i32
      %add3A_680 = arith.addi %mul3A_678, %add3A_679 : i32
      %mul3A_681 = arith.constant 16 : i32
      %mul3A_682 = arith.muli %add3A_680, %mul3A_681 : i32
      %mul3A_683 = arith.constant 16 : i32
      %mul3A_684 = arith.muli %add3A_680, %mul3A_683 : i32
      %dma_wait3A_685 = tpu.memref_slice %arg8[%mul3A_682] : memref<1024xi32, #tpu.memory_space<vmem>> -> memref<16xi32, #tpu.memory_space<vmem>>
      %dma_wait3A_686 = arith.constant 0 : i32
      %dma_wait3A_687 = arith.constant 0 : i32
      %dma_wait3A_688 = tpu.memref_slice %arg4[%dma_wait3A_686, %dma_wait3A_687] : memref<30522x768xf32, #tpu.memory_space<hbm>> -> memref<30522x768xf32, #tpu.memory_space<hbm>>
      tpu.wait_indirect_dma semaphore(%arg21 : memref<!tpu.dma_semaphore, #tpu.memory_space<semaphore_mem>>) src(%dma_wait3A_688 : memref<30522x768xf32, #tpu.memory_space<hbm>>) dst(%arg12 : memref<16x768xf32, #tpu.memory_space<vmem>>)
      %dma_wait3A_689 = tpu.memref_slice %arg9[%mul3A_684] : memref<1024xi32, #tpu.memory_space<vmem>> -> memref<16xi32, #tpu.memory_space<vmem>>
      %dma_wait3A_690 = arith.constant 0 : i32
      %dma_wait3A_691 = arith.constant 0 : i32
      %dma_wait3A_692 = tpu.memref_slice %arg5[%dma_wait3A_690, %dma_wait3A_691] : memref<8192x768xf32, #tpu.memory_space<hbm>> -> memref<8192x768xf32, #tpu.memory_space<hbm>>
      tpu.wait_indirect_dma semaphore(%arg23 : memref<!tpu.dma_semaphore, #tpu.memory_space<semaphore_mem>>) src(%dma_wait3A_692 : memref<8192x768xf32, #tpu.memory_space<hbm>>) dst(%arg14 : memref<16x768xf32, #tpu.memory_space<vmem>>)
      %ge3A = arith.constant 3 : i32
      %ge3A_693 = arith.cmpi sge, %add3A_680, %ge3A : i32
      %convert_element_type3A = arith.extui %ge3A_693 : i1 to i32
      %cond3A = arith.constant 0 : i32
      %cond3A_694 = arith.cmpi ne, %convert_element_type3A, %cond3A : i32
      scf.if %cond3A_694 {
        %sub3A_1335 = arith.constant 3 : i32
        %sub3A_1336 = arith.subi %add3A_680, %sub3A_1335 : i32
        %mul3A_1337 = arith.constant 16 : i32
        %mul3A_1338 = arith.muli %sub3A_1336, %mul3A_1337 : i32
        %add3A_1339 = arith.addi %mul3A_2, %mul3A_1338 : i32
        %dma_wait3A_1340 = arith.constant 0 : i32
        %dma_wait3A_1341 = tpu.memref_slice %arg7[%add3A_1339, %dma_wait3A_1340] : memref<32768x768xf32, #tpu.memory_space<hbm>> -> memref<16x768xf32, #tpu.memory_space<hbm>>
        %dma_wait3A_1342 = arith.constant 0 : i32
        %dma_wait3A_1343 = tpu.memref_slice %arg7[%add3A_1339, %dma_wait3A_1342] : memref<32768x768xf32, #tpu.memory_space<hbm>> -> memref<16x768xf32, #tpu.memory_space<hbm>>
        tpu.wait_dma2 semaphore(%arg24 : memref<!tpu.dma_semaphore, #tpu.memory_space<semaphore_mem>>) src(%arg15 : memref<16x768xf32, #tpu.memory_space<vmem>>) dst(%dma_wait3A_1343 : memref<16x768xf32, #tpu.memory_space<hbm>>)
      } else {
      }
      %get3A_695 = arith.constant 0 : index
      %get3A_696 = tpu.vector_load %arg19[%get3A_695] {strides = array<i32>} : memref<16xf32, #tpu.memory_space<vmem>>, vector<16xf32>,
      %get3A_697 = vector.shape_cast %get3A_696 : vector<16xf32> to vector<16xf32>
      %scan3A_698 = arith.constant 0 : i32
      %scan3A_699 = arith.constant 48 : i32
      %scan3A_700 = arith.addi %scan3A_698, %scan3A_699 : i32
      %scan3A_701 = arith.constant 1 : i32
      %scan3A_702:16 = scf.for %scan3A_1335 = %scan3A_698 to %scan3A_700 step %scan3A_701 iter_args(%scan3A_1336 = %broadcast_in_dim3A_22, %scan3A_1337 = %broadcast_in_dim3A_22, %scan3A_1338 = %broadcast_in_dim3A_22, %scan3A_1339 = %broadcast_in_dim3A_22, %scan3A_1340 = %broadcast_in_dim3A_22, %scan3A_1341 = %broadcast_in_dim3A_22, %scan3A_1342 = %broadcast_in_dim3A_22, %scan3A_1343 = %broadcast_in_dim3A_22, %scan3A_1344 = %broadcast_in_dim3A_22, %scan3A_1345 = %broadcast_in_dim3A_22, %scan3A_1346 = %broadcast_in_dim3A_22, %scan3A_1347 = %broadcast_in_dim3A_22, %scan3A_1348 = %broadcast_in_dim3A_22, %scan3A_1349 = %broadcast_in_dim3A_22, %scan3A_1350 = %broadcast_in_dim3A_22, %scan3A_1351 = %broadcast_in_dim3A_22) -> (vector<16xf32>, vector<16xf32>, vector<16xf32>, vector<16xf32>, vector<16xf32>, vector<16xf32>, vector<16xf32>, vector<16xf32>, vector<16xf32>, vector<16xf32>, vector<16xf32>, vector<16xf32>, vector<16xf32>, vector<16xf32>, vector<16xf32>, vector<16xf32>)  : i32 {
        %mul3A_1352 = arith.constant 16 : i32
        %mul3A_1353 = arith.muli %scan3A_1335, %mul3A_1352 : i32
        %get3A_1354 = arith.index_cast %mul3A_1353 : i32 to index
        %get3A_1355 = tpu.vector_load %arg10[%get3A_1354] {strides = array<i32>} : memref<768xf32, #tpu.memory_space<vmem>>, vector<16xf32>,
        %get3A_1356 = vector.shape_cast %get3A_1355 : vector<16xf32> to vector<16xf32>
        %get3A_1357 = arith.constant 0 : i32
        %get3A_1358 = arith.index_cast %get3A_1357 : i32 to index
        %get3A_1359 = arith.index_cast %mul3A_1353 : i32 to index
        %get3A_1360 = tpu.vector_load %arg12[%get3A_1358, %get3A_1359] {strides = array<i32>} : memref<16x768xf32, #tpu.memory_space<vmem>>, vector<1x16xf32>,
        %get3A_1361 = vector.shape_cast %get3A_1360 : vector<1x16xf32> to vector<16xf32>
        %get3A_1362 = arith.constant 0 : i32
        %get3A_1363 = arith.index_cast %get3A_1362 : i32 to index
        %get3A_1364 = arith.index_cast %mul3A_1353 : i32 to index
        %get3A_1365 = tpu.vector_load %arg14[%get3A_1363, %get3A_1364] {strides = array<i32>} : memref<16x768xf32, #tpu.memory_space<vmem>>, vector<1x16xf32>,
        %get3A_1366 = vector.shape_cast %get3A_1365 : vector<1x16xf32> to vector<16xf32>
        %add3A_1367 = arith.addf %get3A_1361, %get3A_1366 : vector<16xf32>
        %swap3A_1368 = arith.constant 0 : i32
        %swap3A_1369 = arith.index_cast %swap3A_1368 : i32 to index
        %swap3A_1370 = arith.index_cast %mul3A_1353 : i32 to index
        %swap3A_1371 = tpu.vector_load %arg18[%swap3A_1369, %swap3A_1370] {strides = array<i32>} : memref<16x768xf32, #tpu.memory_space<vmem>>, vector<1x16xf32>,
        %swap3A_1372 = vector.shape_cast %swap3A_1371 : vector<1x16xf32> to vector<16xf32>
        %swap3A_1373 = vector.shape_cast %add3A_1367 : vector<16xf32> to vector<1x16xf32>
        tpu.vector_store %arg18[%swap3A_1369, %swap3A_1370], %swap3A_1373 {strides = array<i32>} : memref<16x768xf32, #tpu.memory_space<vmem>>, vector<1x16xf32>,
        %mul3A_1374 = arith.mulf %add3A_1367, %add3A_1367 : vector<16xf32>
        %add3A_1375 = arith.addf %scan3A_1336, %mul3A_1374 : vector<16xf32>
        %get3A_1376 = arith.constant 0 : i32
        %get3A_1377 = arith.index_cast %get3A_1376 : i32 to index
        %get3A_1378 = arith.index_cast %mul3A_1353 : i32 to index
        %get3A_1379 = tpu.vector_load %arg17[%get3A_1377, %get3A_1378] {strides = array<i32>} : memref<16x768xf32, #tpu.memory_space<vmem>>, vector<1x16xf32>,
        %get3A_1380 = vector.shape_cast %get3A_1379 : vector<1x16xf32> to vector<16xf32>
        %slice3A = vector.extract_strided_slice %get3A_697 {offsets = [0], sizes = [1], strides = [1]} : vector<16xf32> to vector<1xf32>
        %squeeze3A = vector.extract %slice3A[0] : f32 from vector<1xf32>
        %broadcast_in_dim3A_1381 = vector.broadcast %squeeze3A : f32 to vector<16xf32>
        %mul3A_1382 = arith.mulf %get3A_1380, %broadcast_in_dim3A_1381 : vector<16xf32>
        %mul3A_1383 = arith.mulf %mul3A_1382, %get3A_1356 : vector<16xf32>
        %swap3A_1384 = arith.constant 0 : i32
        %swap3A_1385 = arith.index_cast %swap3A_1384 : i32 to index
        %swap3A_1386 = arith.index_cast %mul3A_1353 : i32 to index
        %swap3A_1387 = tpu.vector_load %arg15[%swap3A_1385, %swap3A_1386] {strides = array<i32>} : memref<16x768xf32, #tpu.memory_space<vmem>>, vector<1x16xf32>,
        %swap3A_1388 = vector.shape_cast %swap3A_1387 : vector<1x16xf32> to vector<16xf32>
        %swap3A_1389 = vector.shape_cast %mul3A_1383 : vector<16xf32> to vector<1x16xf32>
        tpu.vector_store %arg15[%swap3A_1385, %swap3A_1386], %swap3A_1389 {strides = array<i32>} : memref<16x768xf32, #tpu.memory_space<vmem>>, vector<1x16xf32>,
        %get3A_1390 = arith.constant 1 : i32
        %get3A_1391 = arith.index_cast %get3A_1390 : i32 to index
        %get3A_1392 = arith.index_cast %mul3A_1353 : i32 to index
        %get3A_1393 = tpu.vector_load %arg12[%get3A_1391, %get3A_1392] {strides = array<i32>} : memref<16x768xf32, #tpu.memory_space<vmem>>, vector<1x16xf32>,
        %get3A_1394 = vector.shape_cast %get3A_1393 : vector<1x16xf32> to vector<16xf32>
        %get3A_1395 = arith.constant 1 : i32
        %get3A_1396 = arith.index_cast %get3A_1395 : i32 to index
        %get3A_1397 = arith.index_cast %mul3A_1353 : i32 to index
        %get3A_1398 = tpu.vector_load %arg14[%get3A_1396, %get3A_1397] {strides = array<i32>} : memref<16x768xf32, #tpu.memory_space<vmem>>, vector<1x16xf32>,
        %get3A_1399 = vector.shape_cast %get3A_1398 : vector<1x16xf32> to vector<16xf32>
        %add3A_1400 = arith.addf %get3A_1394, %get3A_1399 : vector<16xf32>
        %swap3A_1401 = arith.constant 1 : i32
        %swap3A_1402 = arith.index_cast %swap3A_1401 : i32 to index
        %swap3A_1403 = arith.index_cast %mul3A_1353 : i32 to index
        %swap3A_1404 = tpu.vector_load %arg18[%swap3A_1402, %swap3A_1403] {strides = array<i32>} : memref<16x768xf32, #tpu.memory_space<vmem>>, vector<1x16xf32>,
        %swap3A_1405 = vector.shape_cast %swap3A_1404 : vector<1x16xf32> to vector<16xf32>
        %swap3A_1406 = vector.shape_cast %add3A_1400 : vector<16xf32> to vector<1x16xf32>
        tpu.vector_store %arg18[%swap3A_1402, %swap3A_1403], %swap3A_1406 {strides = array<i32>} : memref<16x768xf32, #tpu.memory_space<vmem>>, vector<1x16xf32>,
        %mul3A_1407 = arith.mulf %add3A_1400, %add3A_1400 : vector<16xf32>
        %add3A_1408 = arith.addf %scan3A_1337, %mul3A_1407 : vector<16xf32>
        %get3A_1409 = arith.constant 1 : i32
        %get3A_1410 = arith.index_cast %get3A_1409 : i32 to index
        %get3A_1411 = arith.index_cast %mul3A_1353 : i32 to index
        %get3A_1412 = tpu.vector_load %arg17[%get3A_1410, %get3A_1411] {strides = array<i32>} : memref<16x768xf32, #tpu.memory_space<vmem>>, vector<1x16xf32>,
        %get3A_1413 = vector.shape_cast %get3A_1412 : vector<1x16xf32> to vector<16xf32>
        %slice3A_1414 = vector.extract_strided_slice %get3A_697 {offsets = [1], sizes = [1], strides = [1]} : vector<16xf32> to vector<1xf32>
        %squeeze3A_1415 = vector.extract %slice3A_1414[0] : f32 from vector<1xf32>
        %broadcast_in_dim3A_1416 = vector.broadcast %squeeze3A_1415 : f32 to vector<16xf32>
        %mul3A_1417 = arith.mulf %get3A_1413, %broadcast_in_dim3A_1416 : vector<16xf32>
        %mul3A_1418 = arith.mulf %mul3A_1417, %get3A_1356 : vector<16xf32>
        %swap3A_1419 = arith.constant 1 : i32
        %swap3A_1420 = arith.index_cast %swap3A_1419 : i32 to index
        %swap3A_1421 = arith.index_cast %mul3A_1353 : i32 to index
        %swap3A_1422 = tpu.vector_load %arg15[%swap3A_1420, %swap3A_1421] {strides = array<i32>} : memref<16x768xf32, #tpu.memory_space<vmem>>, vector<1x16xf32>,
        %swap3A_1423 = vector.shape_cast %swap3A_1422 : vector<1x16xf32> to vector<16xf32>
        %swap3A_1424 = vector.shape_cast %mul3A_1418 : vector<16xf32> to vector<1x16xf32>
        tpu.vector_store %arg15[%swap3A_1420, %swap3A_1421], %swap3A_1424 {strides = array<i32>} : memref<16x768xf32, #tpu.memory_space<vmem>>, vector<1x16xf32>,
        %get3A_1425 = arith.constant 2 : i32
        %get3A_1426 = arith.index_cast %get3A_1425 : i32 to index
        %get3A_1427 = arith.index_cast %mul3A_1353 : i32 to index
        %get3A_1428 = tpu.vector_load %arg12[%get3A_1426, %get3A_1427] {strides = array<i32>} : memref<16x768xf32, #tpu.memory_space<vmem>>, vector<1x16xf32>,
        %get3A_1429 = vector.shape_cast %get3A_1428 : vector<1x16xf32> to vector<16xf32>
        %get3A_1430 = arith.constant 2 : i32
        %get3A_1431 = arith.index_cast %get3A_1430 : i32 to index
        %get3A_1432 = arith.index_cast %mul3A_1353 : i32 to index
        %get3A_1433 = tpu.vector_load %arg14[%get3A_1431, %get3A_1432] {strides = array<i32>} : memref<16x768xf32, #tpu.memory_space<vmem>>, vector<1x16xf32>,
        %get3A_1434 = vector.shape_cast %get3A_1433 : vector<1x16xf32> to vector<16xf32>
        %add3A_1435 = arith.addf %get3A_1429, %get3A_1434 : vector<16xf32>
        %swap3A_1436 = arith.constant 2 : i32
        %swap3A_1437 = arith.index_cast %swap3A_1436 : i32 to index
        %swap3A_1438 = arith.index_cast %mul3A_1353 : i32 to index
        %swap3A_1439 = tpu.vector_load %arg18[%swap3A_1437, %swap3A_1438] {strides = array<i32>} : memref<16x768xf32, #tpu.memory_space<vmem>>, vector<1x16xf32>,
        %swap3A_1440 = vector.shape_cast %swap3A_1439 : vector<1x16xf32> to vector<16xf32>
        %swap3A_1441 = vector.shape_cast %add3A_1435 : vector<16xf32> to vector<1x16xf32>
        tpu.vector_store %arg18[%swap3A_1437, %swap3A_1438], %swap3A_1441 {strides = array<i32>} : memref<16x768xf32, #tpu.memory_space<vmem>>, vector<1x16xf32>,
        %mul3A_1442 = arith.mulf %add3A_1435, %add3A_1435 : vector<16xf32>
        %add3A_1443 = arith.addf %scan3A_1338, %mul3A_1442 : vector<16xf32>
        %get3A_1444 = arith.constant 2 : i32
        %get3A_1445 = arith.index_cast %get3A_1444 : i32 to index
        %get3A_1446 = arith.index_cast %mul3A_1353 : i32 to index
        %get3A_1447 = tpu.vector_load %arg17[%get3A_1445, %get3A_1446] {strides = array<i32>} : memref<16x768xf32, #tpu.memory_space<vmem>>, vector<1x16xf32>,
        %get3A_1448 = vector.shape_cast %get3A_1447 : vector<1x16xf32> to vector<16xf32>
        %slice3A_1449 = vector.extract_strided_slice %get3A_697 {offsets = [2], sizes = [1], strides = [1]} : vector<16xf32> to vector<1xf32>
        %squeeze3A_1450 = vector.extract %slice3A_1449[0] : f32 from vector<1xf32>
        %broadcast_in_dim3A_1451 = vector.broadcast %squeeze3A_1450 : f32 to vector<16xf32>
        %mul3A_1452 = arith.mulf %get3A_1448, %broadcast_in_dim3A_1451 : vector<16xf32>
        %mul3A_1453 = arith.mulf %mul3A_1452, %get3A_1356 : vector<16xf32>
        %swap3A_1454 = arith.constant 2 : i32
        %swap3A_1455 = arith.index_cast %swap3A_1454 : i32 to index
        %swap3A_1456 = arith.index_cast %mul3A_1353 : i32 to index
        %swap3A_1457 = tpu.vector_load %arg15[%swap3A_1455, %swap3A_1456] {strides = array<i32>} : memref<16x768xf32, #tpu.memory_space<vmem>>, vector<1x16xf32>,
        %swap3A_1458 = vector.shape_cast %swap3A_1457 : vector<1x16xf32> to vector<16xf32>
        %swap3A_1459 = vector.shape_cast %mul3A_1453 : vector<16xf32> to vector<1x16xf32>
        tpu.vector_store %arg15[%swap3A_1455, %swap3A_1456], %swap3A_1459 {strides = array<i32>} : memref<16x768xf32, #tpu.memory_space<vmem>>, vector<1x16xf32>,
        %get3A_1460 = arith.constant 3 : i32
        %get3A_1461 = arith.index_cast %get3A_1460 : i32 to index
        %get3A_1462 = arith.index_cast %mul3A_1353 : i32 to index
        %get3A_1463 = tpu.vector_load %arg12[%get3A_1461, %get3A_1462] {strides = array<i32>} : memref<16x768xf32, #tpu.memory_space<vmem>>, vector<1x16xf32>,
        %get3A_1464 = vector.shape_cast %get3A_1463 : vector<1x16xf32> to vector<16xf32>
        %get3A_1465 = arith.constant 3 : i32
        %get3A_1466 = arith.index_cast %get3A_1465 : i32 to index
        %get3A_1467 = arith.index_cast %mul3A_1353 : i32 to index
        %get3A_1468 = tpu.vector_load %arg14[%get3A_1466, %get3A_1467] {strides = array<i32>} : memref<16x768xf32, #tpu.memory_space<vmem>>, vector<1x16xf32>,
        %get3A_1469 = vector.shape_cast %get3A_1468 : vector<1x16xf32> to vector<16xf32>
        %add3A_1470 = arith.addf %get3A_1464, %get3A_1469 : vector<16xf32>
        %swap3A_1471 = arith.constant 3 : i32
        %swap3A_1472 = arith.index_cast %swap3A_1471 : i32 to index
        %swap3A_1473 = arith.index_cast %mul3A_1353 : i32 to index
        %swap3A_1474 = tpu.vector_load %arg18[%swap3A_1472, %swap3A_1473] {strides = array<i32>} : memref<16x768xf32, #tpu.memory_space<vmem>>, vector<1x16xf32>,
        %swap3A_1475 = vector.shape_cast %swap3A_1474 : vector<1x16xf32> to vector<16xf32>
        %swap3A_1476 = vector.shape_cast %add3A_1470 : vector<16xf32> to vector<1x16xf32>
        tpu.vector_store %arg18[%swap3A_1472, %swap3A_1473], %swap3A_1476 {strides = array<i32>} : memref<16x768xf32, #tpu.memory_space<vmem>>, vector<1x16xf32>,
        %mul3A_1477 = arith.mulf %add3A_1470, %add3A_1470 : vector<16xf32>
        %add3A_1478 = arith.addf %scan3A_1339, %mul3A_1477 : vector<16xf32>
        %get3A_1479 = arith.constant 3 : i32
        %get3A_1480 = arith.index_cast %get3A_1479 : i32 to index
        %get3A_1481 = arith.index_cast %mul3A_1353 : i32 to index
        %get3A_1482 = tpu.vector_load %arg17[%get3A_1480, %get3A_1481] {strides = array<i32>} : memref<16x768xf32, #tpu.memory_space<vmem>>, vector<1x16xf32>,
        %get3A_1483 = vector.shape_cast %get3A_1482 : vector<1x16xf32> to vector<16xf32>
        %slice3A_1484 = vector.extract_strided_slice %get3A_697 {offsets = [3], sizes = [1], strides = [1]} : vector<16xf32> to vector<1xf32>
        %squeeze3A_1485 = vector.extract %slice3A_1484[0] : f32 from vector<1xf32>
        %broadcast_in_dim3A_1486 = vector.broadcast %squeeze3A_1485 : f32 to vector<16xf32>
        %mul3A_1487 = arith.mulf %get3A_1483, %broadcast_in_dim3A_1486 : vector<16xf32>
        %mul3A_1488 = arith.mulf %mul3A_1487, %get3A_1356 : vector<16xf32>
        %swap3A_1489 = arith.constant 3 : i32
        %swap3A_1490 = arith.index_cast %swap3A_1489 : i32 to index
        %swap3A_1491 = arith.index_cast %mul3A_1353 : i32 to index
        %swap3A_1492 = tpu.vector_load %arg15[%swap3A_1490, %swap3A_1491] {strides = array<i32>} : memref<16x768xf32, #tpu.memory_space<vmem>>, vector<1x16xf32>,
        %swap3A_1493 = vector.shape_cast %swap3A_1492 : vector<1x16xf32> to vector<16xf32>
        %swap3A_1494 = vector.shape_cast %mul3A_1488 : vector<16xf32> to vector<1x16xf32>
        tpu.vector_store %arg15[%swap3A_1490, %swap3A_1491], %swap3A_1494 {strides = array<i32>} : memref<16x768xf32, #tpu.memory_space<vmem>>, vector<1x16xf32>,
        %get3A_1495 = arith.constant 4 : i32
        %get3A_1496 = arith.index_cast %get3A_1495 : i32 to index
        %get3A_1497 = arith.index_cast %mul3A_1353 : i32 to index
        %get3A_1498 = tpu.vector_load %arg12[%get3A_1496, %get3A_1497] {strides = array<i32>} : memref<16x768xf32, #tpu.memory_space<vmem>>, vector<1x16xf32>,
        %get3A_1499 = vector.shape_cast %get3A_1498 : vector<1x16xf32> to vector<16xf32>
        %get3A_1500 = arith.constant 4 : i32
        %get3A_1501 = arith.index_cast %get3A_1500 : i32 to index
        %get3A_1502 = arith.index_cast %mul3A_1353 : i32 to index
        %get3A_1503 = tpu.vector_load %arg14[%get3A_1501, %get3A_1502] {strides = array<i32>} : memref<16x768xf32, #tpu.memory_space<vmem>>, vector<1x16xf32>,
        %get3A_1504 = vector.shape_cast %get3A_1503 : vector<1x16xf32> to vector<16xf32>
        %add3A_1505 = arith.addf %get3A_1499, %get3A_1504 : vector<16xf32>
        %swap3A_1506 = arith.constant 4 : i32
        %swap3A_1507 = arith.index_cast %swap3A_1506 : i32 to index
        %swap3A_1508 = arith.index_cast %mul3A_1353 : i32 to index
        %swap3A_1509 = tpu.vector_load %arg18[%swap3A_1507, %swap3A_1508] {strides = array<i32>} : memref<16x768xf32, #tpu.memory_space<vmem>>, vector<1x16xf32>,
        %swap3A_1510 = vector.shape_cast %swap3A_1509 : vector<1x16xf32> to vector<16xf32>
        %swap3A_1511 = vector.shape_cast %add3A_1505 : vector<16xf32> to vector<1x16xf32>
        tpu.vector_store %arg18[%swap3A_1507, %swap3A_1508], %swap3A_1511 {strides = array<i32>} : memref<16x768xf32, #tpu.memory_space<vmem>>, vector<1x16xf32>,
        %mul3A_1512 = arith.mulf %add3A_1505, %add3A_1505 : vector<16xf32>
        %add3A_1513 = arith.addf %scan3A_1340, %mul3A_1512 : vector<16xf32>
        %get3A_1514 = arith.constant 4 : i32
        %get3A_1515 = arith.index_cast %get3A_1514 : i32 to index
        %get3A_1516 = arith.index_cast %mul3A_1353 : i32 to index
        %get3A_1517 = tpu.vector_load %arg17[%get3A_1515, %get3A_1516] {strides = array<i32>} : memref<16x768xf32, #tpu.memory_space<vmem>>, vector<1x16xf32>,
        %get3A_1518 = vector.shape_cast %get3A_1517 : vector<1x16xf32> to vector<16xf32>
        %slice3A_1519 = vector.extract_strided_slice %get3A_697 {offsets = [4], sizes = [1], strides = [1]} : vector<16xf32> to vector<1xf32>
        %squeeze3A_1520 = vector.extract %slice3A_1519[0] : f32 from vector<1xf32>
        %broadcast_in_dim3A_1521 = vector.broadcast %squeeze3A_1520 : f32 to vector<16xf32>
        %mul3A_1522 = arith.mulf %get3A_1518, %broadcast_in_dim3A_1521 : vector<16xf32>
        %mul3A_1523 = arith.mulf %mul3A_1522, %get3A_1356 : vector<16xf32>
        %swap3A_1524 = arith.constant 4 : i32
        %swap3A_1525 = arith.index_cast %swap3A_1524 : i32 to index
        %swap3A_1526 = arith.index_cast %mul3A_1353 : i32 to index
        %swap3A_1527 = tpu.vector_load %arg15[%swap3A_1525, %swap3A_1526] {strides = array<i32>} : memref<16x768xf32, #tpu.memory_space<vmem>>, vector<1x16xf32>,
        %swap3A_1528 = vector.shape_cast %swap3A_1527 : vector<1x16xf32> to vector<16xf32>
        %swap3A_1529 = vector.shape_cast %mul3A_1523 : vector<16xf32> to vector<1x16xf32>
        tpu.vector_store %arg15[%swap3A_1525, %swap3A_1526], %swap3A_1529 {strides = array<i32>} : memref<16x768xf32, #tpu.memory_space<vmem>>, vector<1x16xf32>,
        %get3A_1530 = arith.constant 5 : i32
        %get3A_1531 = arith.index_cast %get3A_1530 : i32 to index
        %get3A_1532 = arith.index_cast %mul3A_1353 : i32 to index
        %get3A_1533 = tpu.vector_load %arg12[%get3A_1531, %get3A_1532] {strides = array<i32>} : memref<16x768xf32, #tpu.memory_space<vmem>>, vector<1x16xf32>,
        %get3A_1534 = vector.shape_cast %get3A_1533 : vector<1x16xf32> to vector<16xf32>
        %get3A_1535 = arith.constant 5 : i32
        %get3A_1536 = arith.index_cast %get3A_1535 : i32 to index
        %get3A_1537 = arith.index_cast %mul3A_1353 : i32 to index
        %get3A_1538 = tpu.vector_load %arg14[%get3A_1536, %get3A_1537] {strides = array<i32>} : memref<16x768xf32, #tpu.memory_space<vmem>>, vector<1x16xf32>,
        %get3A_1539 = vector.shape_cast %get3A_1538 : vector<1x16xf32> to vector<16xf32>
        %add3A_1540 = arith.addf %get3A_1534, %get3A_1539 : vector<16xf32>
        %swap3A_1541 = arith.constant 5 : i32
        %swap3A_1542 = arith.index_cast %swap3A_1541 : i32 to index
        %swap3A_1543 = arith.index_cast %mul3A_1353 : i32 to index
        %swap3A_1544 = tpu.vector_load %arg18[%swap3A_1542, %swap3A_1543] {strides = array<i32>} : memref<16x768xf32, #tpu.memory_space<vmem>>, vector<1x16xf32>,
        %swap3A_1545 = vector.shape_cast %swap3A_1544 : vector<1x16xf32> to vector<16xf32>
        %swap3A_1546 = vector.shape_cast %add3A_1540 : vector<16xf32> to vector<1x16xf32>
        tpu.vector_store %arg18[%swap3A_1542, %swap3A_1543], %swap3A_1546 {strides = array<i32>} : memref<16x768xf32, #tpu.memory_space<vmem>>, vector<1x16xf32>,
        %mul3A_1547 = arith.mulf %add3A_1540, %add3A_1540 : vector<16xf32>
        %add3A_1548 = arith.addf %scan3A_1341, %mul3A_1547 : vector<16xf32>
        %get3A_1549 = arith.constant 5 : i32
        %get3A_1550 = arith.index_cast %get3A_1549 : i32 to index
        %get3A_1551 = arith.index_cast %mul3A_1353 : i32 to index
        %get3A_1552 = tpu.vector_load %arg17[%get3A_1550, %get3A_1551] {strides = array<i32>} : memref<16x768xf32, #tpu.memory_space<vmem>>, vector<1x16xf32>,
        %get3A_1553 = vector.shape_cast %get3A_1552 : vector<1x16xf32> to vector<16xf32>
        %slice3A_1554 = vector.extract_strided_slice %get3A_697 {offsets = [5], sizes = [1], strides = [1]} : vector<16xf32> to vector<1xf32>
        %squeeze3A_1555 = vector.extract %slice3A_1554[0] : f32 from vector<1xf32>
        %broadcast_in_dim3A_1556 = vector.broadcast %squeeze3A_1555 : f32 to vector<16xf32>
        %mul3A_1557 = arith.mulf %get3A_1553, %broadcast_in_dim3A_1556 : vector<16xf32>
        %mul3A_1558 = arith.mulf %mul3A_1557, %get3A_1356 : vector<16xf32>
        %swap3A_1559 = arith.constant 5 : i32
        %swap3A_1560 = arith.index_cast %swap3A_1559 : i32 to index
        %swap3A_1561 = arith.index_cast %mul3A_1353 : i32 to index
        %swap3A_1562 = tpu.vector_load %arg15[%swap3A_1560, %swap3A_1561] {strides = array<i32>} : memref<16x768xf32, #tpu.memory_space<vmem>>, vector<1x16xf32>,
        %swap3A_1563 = vector.shape_cast %swap3A_1562 : vector<1x16xf32> to vector<16xf32>
        %swap3A_1564 = vector.shape_cast %mul3A_1558 : vector<16xf32> to vector<1x16xf32>
        tpu.vector_store %arg15[%swap3A_1560, %swap3A_1561], %swap3A_1564 {strides = array<i32>} : memref<16x768xf32, #tpu.memory_space<vmem>>, vector<1x16xf32>,
        %get3A_1565 = arith.constant 6 : i32
        %get3A_1566 = arith.index_cast %get3A_1565 : i32 to index
        %get3A_1567 = arith.index_cast %mul3A_1353 : i32 to index
        %get3A_1568 = tpu.vector_load %arg12[%get3A_1566, %get3A_1567] {strides = array<i32>} : memref<16x768xf32, #tpu.memory_space<vmem>>, vector<1x16xf32>,
        %get3A_1569 = vector.shape_cast %get3A_1568 : vector<1x16xf32> to vector<16xf32>
        %get3A_1570 = arith.constant 6 : i32
        %get3A_1571 = arith.index_cast %get3A_1570 : i32 to index
        %get3A_1572 = arith.index_cast %mul3A_1353 : i32 to index
        %get3A_1573 = tpu.vector_load %arg14[%get3A_1571, %get3A_1572] {strides = array<i32>} : memref<16x768xf32, #tpu.memory_space<vmem>>, vector<1x16xf32>,
        %get3A_1574 = vector.shape_cast %get3A_1573 : vector<1x16xf32> to vector<16xf32>
        %add3A_1575 = arith.addf %get3A_1569, %get3A_1574 : vector<16xf32>
        %swap3A_1576 = arith.constant 6 : i32
        %swap3A_1577 = arith.index_cast %swap3A_1576 : i32 to index
        %swap3A_1578 = arith.index_cast %mul3A_1353 : i32 to index
        %swap3A_1579 = tpu.vector_load %arg18[%swap3A_1577, %swap3A_1578] {strides = array<i32>} : memref<16x768xf32, #tpu.memory_space<vmem>>, vector<1x16xf32>,
        %swap3A_1580 = vector.shape_cast %swap3A_1579 : vector<1x16xf32> to vector<16xf32>
        %swap3A_1581 = vector.shape_cast %add3A_1575 : vector<16xf32> to vector<1x16xf32>
        tpu.vector_store %arg18[%swap3A_1577, %swap3A_1578], %swap3A_1581 {strides = array<i32>} : memref<16x768xf32, #tpu.memory_space<vmem>>, vector<1x16xf32>,
        %mul3A_1582 = arith.mulf %add3A_1575, %add3A_1575 : vector<16xf32>
        %add3A_1583 = arith.addf %scan3A_1342, %mul3A_1582 : vector<16xf32>
        %get3A_1584 = arith.constant 6 : i32
        %get3A_1585 = arith.index_cast %get3A_1584 : i32 to index
        %get3A_1586 = arith.index_cast %mul3A_1353 : i32 to index
        %get3A_1587 = tpu.vector_load %arg17[%get3A_1585, %get3A_1586] {strides = array<i32>} : memref<16x768xf32, #tpu.memory_space<vmem>>, vector<1x16xf32>,
        %get3A_1588 = vector.shape_cast %get3A_1587 : vector<1x16xf32> to vector<16xf32>
        %slice3A_1589 = vector.extract_strided_slice %get3A_697 {offsets = [6], sizes = [1], strides = [1]} : vector<16xf32> to vector<1xf32>
        %squeeze3A_1590 = vector.extract %slice3A_1589[0] : f32 from vector<1xf32>
        %broadcast_in_dim3A_1591 = vector.broadcast %squeeze3A_1590 : f32 to vector<16xf32>
        %mul3A_1592 = arith.mulf %get3A_1588, %broadcast_in_dim3A_1591 : vector<16xf32>
        %mul3A_1593 = arith.mulf %mul3A_1592, %get3A_1356 : vector<16xf32>
        %swap3A_1594 = arith.constant 6 : i32
        %swap3A_1595 = arith.index_cast %swap3A_1594 : i32 to index
        %swap3A_1596 = arith.index_cast %mul3A_1353 : i32 to index
        %swap3A_1597 = tpu.vector_load %arg15[%swap3A_1595, %swap3A_1596] {strides = array<i32>} : memref<16x768xf32, #tpu.memory_space<vmem>>, vector<1x16xf32>,
        %swap3A_1598 = vector.shape_cast %swap3A_1597 : vector<1x16xf32> to vector<16xf32>
        %swap3A_1599 = vector.shape_cast %mul3A_1593 : vector<16xf32> to vector<1x16xf32>
        tpu.vector_store %arg15[%swap3A_1595, %swap3A_1596], %swap3A_1599 {strides = array<i32>} : memref<16x768xf32, #tpu.memory_space<vmem>>, vector<1x16xf32>,
        %get3A_1600 = arith.constant 7 : i32
        %get3A_1601 = arith.index_cast %get3A_1600 : i32 to index
        %get3A_1602 = arith.index_cast %mul3A_1353 : i32 to index
        %get3A_1603 = tpu.vector_load %arg12[%get3A_1601, %get3A_1602] {strides = array<i32>} : memref<16x768xf32, #tpu.memory_space<vmem>>, vector<1x16xf32>,
        %get3A_1604 = vector.shape_cast %get3A_1603 : vector<1x16xf32> to vector<16xf32>
        %get3A_1605 = arith.constant 7 : i32
        %get3A_1606 = arith.index_cast %get3A_1605 : i32 to index
        %get3A_1607 = arith.index_cast %mul3A_1353 : i32 to index
        %get3A_1608 = tpu.vector_load %arg14[%get3A_1606, %get3A_1607] {strides = array<i32>} : memref<16x768xf32, #tpu.memory_space<vmem>>, vector<1x16xf32>,
        %get3A_1609 = vector.shape_cast %get3A_1608 : vector<1x16xf32> to vector<16xf32>
        %add3A_1610 = arith.addf %get3A_1604, %get3A_1609 : vector<16xf32>
        %swap3A_1611 = arith.constant 7 : i32
        %swap3A_1612 = arith.index_cast %swap3A_1611 : i32 to index
        %swap3A_1613 = arith.index_cast %mul3A_1353 : i32 to index
        %swap3A_1614 = tpu.vector_load %arg18[%swap3A_1612, %swap3A_1613] {strides = array<i32>} : memref<16x768xf32, #tpu.memory_space<vmem>>, vector<1x16xf32>,
        %swap3A_1615 = vector.shape_cast %swap3A_1614 : vector<1x16xf32> to vector<16xf32>
        %swap3A_1616 = vector.shape_cast %add3A_1610 : vector<16xf32> to vector<1x16xf32>
        tpu.vector_store %arg18[%swap3A_1612, %swap3A_1613], %swap3A_1616 {strides = array<i32>} : memref<16x768xf32, #tpu.memory_space<vmem>>, vector<1x16xf32>,
        %mul3A_1617 = arith.mulf %add3A_1610, %add3A_1610 : vector<16xf32>
        %add3A_1618 = arith.addf %scan3A_1343, %mul3A_1617 : vector<16xf32>
        %get3A_1619 = arith.constant 7 : i32
        %get3A_1620 = arith.index_cast %get3A_1619 : i32 to index
        %get3A_1621 = arith.index_cast %mul3A_1353 : i32 to index
        %get3A_1622 = tpu.vector_load %arg17[%get3A_1620, %get3A_1621] {strides = array<i32>} : memref<16x768xf32, #tpu.memory_space<vmem>>, vector<1x16xf32>,
        %get3A_1623 = vector.shape_cast %get3A_1622 : vector<1x16xf32> to vector<16xf32>
        %slice3A_1624 = vector.extract_strided_slice %get3A_697 {offsets = [7], sizes = [1], strides = [1]} : vector<16xf32> to vector<1xf32>
        %squeeze3A_1625 = vector.extract %slice3A_1624[0] : f32 from vector<1xf32>
        %broadcast_in_dim3A_1626 = vector.broadcast %squeeze3A_1625 : f32 to vector<16xf32>
        %mul3A_1627 = arith.mulf %get3A_1623, %broadcast_in_dim3A_1626 : vector<16xf32>
        %mul3A_1628 = arith.mulf %mul3A_1627, %get3A_1356 : vector<16xf32>
        %swap3A_1629 = arith.constant 7 : i32
        %swap3A_1630 = arith.index_cast %swap3A_1629 : i32 to index
        %swap3A_1631 = arith.index_cast %mul3A_1353 : i32 to index
        %swap3A_1632 = tpu.vector_load %arg15[%swap3A_1630, %swap3A_1631] {strides = array<i32>} : memref<16x768xf32, #tpu.memory_space<vmem>>, vector<1x16xf32>,
        %swap3A_1633 = vector.shape_cast %swap3A_1632 : vector<1x16xf32> to vector<16xf32>
        %swap3A_1634 = vector.shape_cast %mul3A_1628 : vector<16xf32> to vector<1x16xf32>
        tpu.vector_store %arg15[%swap3A_1630, %swap3A_1631], %swap3A_1634 {strides = array<i32>} : memref<16x768xf32, #tpu.memory_space<vmem>>, vector<1x16xf32>,
        %get3A_1635 = arith.constant 8 : i32
        %get3A_1636 = arith.index_cast %get3A_1635 : i32 to index
        %get3A_1637 = arith.index_cast %mul3A_1353 : i32 to index
        %get3A_1638 = tpu.vector_load %arg12[%get3A_1636, %get3A_1637] {strides = array<i32>} : memref<16x768xf32, #tpu.memory_space<vmem>>, vector<1x16xf32>,
        %get3A_1639 = vector.shape_cast %get3A_1638 : vector<1x16xf32> to vector<16xf32>
        %get3A_1640 = arith.constant 8 : i32
        %get3A_1641 = arith.index_cast %get3A_1640 : i32 to index
        %get3A_1642 = arith.index_cast %mul3A_1353 : i32 to index
        %get3A_1643 = tpu.vector_load %arg14[%get3A_1641, %get3A_1642] {strides = array<i32>} : memref<16x768xf32, #tpu.memory_space<vmem>>, vector<1x16xf32>,
        %get3A_1644 = vector.shape_cast %get3A_1643 : vector<1x16xf32> to vector<16xf32>
        %add3A_1645 = arith.addf %get3A_1639, %get3A_1644 : vector<16xf32>
        %swap3A_1646 = arith.constant 8 : i32
        %swap3A_1647 = arith.index_cast %swap3A_1646 : i32 to index
        %swap3A_1648 = arith.index_cast %mul3A_1353 : i32 to index
        %swap3A_1649 = tpu.vector_load %arg18[%swap3A_1647, %swap3A_1648] {strides = array<i32>} : memref<16x768xf32, #tpu.memory_space<vmem>>, vector<1x16xf32>,
        %swap3A_1650 = vector.shape_cast %swap3A_1649 : vector<1x16xf32> to vector<16xf32>
        %swap3A_1651 = vector.shape_cast %add3A_1645 : vector<16xf32> to vector<1x16xf32>
        tpu.vector_store %arg18[%swap3A_1647, %swap3A_1648], %swap3A_1651 {strides = array<i32>} : memref<16x768xf32, #tpu.memory_space<vmem>>, vector<1x16xf32>,
        %mul3A_1652 = arith.mulf %add3A_1645, %add3A_1645 : vector<16xf32>
        %add3A_1653 = arith.addf %scan3A_1344, %mul3A_1652 : vector<16xf32>
        %get3A_1654 = arith.constant 8 : i32
        %get3A_1655 = arith.index_cast %get3A_1654 : i32 to index
        %get3A_1656 = arith.index_cast %mul3A_1353 : i32 to index
        %get3A_1657 = tpu.vector_load %arg17[%get3A_1655, %get3A_1656] {strides = array<i32>} : memref<16x768xf32, #tpu.memory_space<vmem>>, vector<1x16xf32>,
        %get3A_1658 = vector.shape_cast %get3A_1657 : vector<1x16xf32> to vector<16xf32>
        %slice3A_1659 = vector.extract_strided_slice %get3A_697 {offsets = [8], sizes = [1], strides = [1]} : vector<16xf32> to vector<1xf32>
        %squeeze3A_1660 = vector.extract %slice3A_1659[0] : f32 from vector<1xf32>
        %broadcast_in_dim3A_1661 = vector.broadcast %squeeze3A_1660 : f32 to vector<16xf32>
        %mul3A_1662 = arith.mulf %get3A_1658, %broadcast_in_dim3A_1661 : vector<16xf32>
        %mul3A_1663 = arith.mulf %mul3A_1662, %get3A_1356 : vector<16xf32>
        %swap3A_1664 = arith.constant 8 : i32
        %swap3A_1665 = arith.index_cast %swap3A_1664 : i32 to index
        %swap3A_1666 = arith.index_cast %mul3A_1353 : i32 to index
        %swap3A_1667 = tpu.vector_load %arg15[%swap3A_1665, %swap3A_1666] {strides = array<i32>} : memref<16x768xf32, #tpu.memory_space<vmem>>, vector<1x16xf32>,
        %swap3A_1668 = vector.shape_cast %swap3A_1667 : vector<1x16xf32> to vector<16xf32>
        %swap3A_1669 = vector.shape_cast %mul3A_1663 : vector<16xf32> to vector<1x16xf32>
        tpu.vector_store %arg15[%swap3A_1665, %swap3A_1666], %swap3A_1669 {strides = array<i32>} : memref<16x768xf32, #tpu.memory_space<vmem>>, vector<1x16xf32>,
        %get3A_1670 = arith.constant 9 : i32
        %get3A_1671 = arith.index_cast %get3A_1670 : i32 to index
        %get3A_1672 = arith.index_cast %mul3A_1353 : i32 to index
        %get3A_1673 = tpu.vector_load %arg12[%get3A_1671, %get3A_1672] {strides = array<i32>} : memref<16x768xf32, #tpu.memory_space<vmem>>, vector<1x16xf32>,
        %get3A_1674 = vector.shape_cast %get3A_1673 : vector<1x16xf32> to vector<16xf32>
        %get3A_1675 = arith.constant 9 : i32
        %get3A_1676 = arith.index_cast %get3A_1675 : i32 to index
        %get3A_1677 = arith.index_cast %mul3A_1353 : i32 to index
        %get3A_1678 = tpu.vector_load %arg14[%get3A_1676, %get3A_1677] {strides = array<i32>} : memref<16x768xf32, #tpu.memory_space<vmem>>, vector<1x16xf32>,
        %get3A_1679 = vector.shape_cast %get3A_1678 : vector<1x16xf32> to vector<16xf32>
        %add3A_1680 = arith.addf %get3A_1674, %get3A_1679 : vector<16xf32>
        %swap3A_1681 = arith.constant 9 : i32
        %swap3A_1682 = arith.index_cast %swap3A_1681 : i32 to index
        %swap3A_1683 = arith.index_cast %mul3A_1353 : i32 to index
        %swap3A_1684 = tpu.vector_load %arg18[%swap3A_1682, %swap3A_1683] {strides = array<i32>} : memref<16x768xf32, #tpu.memory_space<vmem>>, vector<1x16xf32>,
        %swap3A_1685 = vector.shape_cast %swap3A_1684 : vector<1x16xf32> to vector<16xf32>
        %swap3A_1686 = vector.shape_cast %add3A_1680 : vector<16xf32> to vector<1x16xf32>
        tpu.vector_store %arg18[%swap3A_1682, %swap3A_1683], %swap3A_1686 {strides = array<i32>} : memref<16x768xf32, #tpu.memory_space<vmem>>, vector<1x16xf32>,
        %mul3A_1687 = arith.mulf %add3A_1680, %add3A_1680 : vector<16xf32>
        %add3A_1688 = arith.addf %scan3A_1345, %mul3A_1687 : vector<16xf32>
        %get3A_1689 = arith.constant 9 : i32
        %get3A_1690 = arith.index_cast %get3A_1689 : i32 to index
        %get3A_1691 = arith.index_cast %mul3A_1353 : i32 to index
        %get3A_1692 = tpu.vector_load %arg17[%get3A_1690, %get3A_1691] {strides = array<i32>} : memref<16x768xf32, #tpu.memory_space<vmem>>, vector<1x16xf32>,
        %get3A_1693 = vector.shape_cast %get3A_1692 : vector<1x16xf32> to vector<16xf32>
        %slice3A_1694 = vector.extract_strided_slice %get3A_697 {offsets = [9], sizes = [1], strides = [1]} : vector<16xf32> to vector<1xf32>
        %squeeze3A_1695 = vector.extract %slice3A_1694[0] : f32 from vector<1xf32>
        %broadcast_in_dim3A_1696 = vector.broadcast %squeeze3A_1695 : f32 to vector<16xf32>
        %mul3A_1697 = arith.mulf %get3A_1693, %broadcast_in_dim3A_1696 : vector<16xf32>
        %mul3A_1698 = arith.mulf %mul3A_1697, %get3A_1356 : vector<16xf32>
        %swap3A_1699 = arith.constant 9 : i32
        %swap3A_1700 = arith.index_cast %swap3A_1699 : i32 to index
        %swap3A_1701 = arith.index_cast %mul3A_1353 : i32 to index
        %swap3A_1702 = tpu.vector_load %arg15[%swap3A_1700, %swap3A_1701] {strides = array<i32>} : memref<16x768xf32, #tpu.memory_space<vmem>>, vector<1x16xf32>,
        %swap3A_1703 = vector.shape_cast %swap3A_1702 : vector<1x16xf32> to vector<16xf32>
        %swap3A_1704 = vector.shape_cast %mul3A_1698 : vector<16xf32> to vector<1x16xf32>
        tpu.vector_store %arg15[%swap3A_1700, %swap3A_1701], %swap3A_1704 {strides = array<i32>} : memref<16x768xf32, #tpu.memory_space<vmem>>, vector<1x16xf32>,
        %get3A_1705 = arith.constant 10 : i32
        %get3A_1706 = arith.index_cast %get3A_1705 : i32 to index
        %get3A_1707 = arith.index_cast %mul3A_1353 : i32 to index
        %get3A_1708 = tpu.vector_load %arg12[%get3A_1706, %get3A_1707] {strides = array<i32>} : memref<16x768xf32, #tpu.memory_space<vmem>>, vector<1x16xf32>,
        %get3A_1709 = vector.shape_cast %get3A_1708 : vector<1x16xf32> to vector<16xf32>
        %get3A_1710 = arith.constant 10 : i32
        %get3A_1711 = arith.index_cast %get3A_1710 : i32 to index
        %get3A_1712 = arith.index_cast %mul3A_1353 : i32 to index
        %get3A_1713 = tpu.vector_load %arg14[%get3A_1711, %get3A_1712] {strides = array<i32>} : memref<16x768xf32, #tpu.memory_space<vmem>>, vector<1x16xf32>,
        %get3A_1714 = vector.shape_cast %get3A_1713 : vector<1x16xf32> to vector<16xf32>
        %add3A_1715 = arith.addf %get3A_1709, %get3A_1714 : vector<16xf32>
        %swap3A_1716 = arith.constant 10 : i32
        %swap3A_1717 = arith.index_cast %swap3A_1716 : i32 to index
        %swap3A_1718 = arith.index_cast %mul3A_1353 : i32 to index
        %swap3A_1719 = tpu.vector_load %arg18[%swap3A_1717, %swap3A_1718] {strides = array<i32>} : memref<16x768xf32, #tpu.memory_space<vmem>>, vector<1x16xf32>,
        %swap3A_1720 = vector.shape_cast %swap3A_1719 : vector<1x16xf32> to vector<16xf32>
        %swap3A_1721 = vector.shape_cast %add3A_1715 : vector<16xf32> to vector<1x16xf32>
        tpu.vector_store %arg18[%swap3A_1717, %swap3A_1718], %swap3A_1721 {strides = array<i32>} : memref<16x768xf32, #tpu.memory_space<vmem>>, vector<1x16xf32>,
        %mul3A_1722 = arith.mulf %add3A_1715, %add3A_1715 : vector<16xf32>
        %add3A_1723 = arith.addf %scan3A_1346, %mul3A_1722 : vector<16xf32>
        %get3A_1724 = arith.constant 10 : i32
        %get3A_1725 = arith.index_cast %get3A_1724 : i32 to index
        %get3A_1726 = arith.index_cast %mul3A_1353 : i32 to index
        %get3A_1727 = tpu.vector_load %arg17[%get3A_1725, %get3A_1726] {strides = array<i32>} : memref<16x768xf32, #tpu.memory_space<vmem>>, vector<1x16xf32>,
        %get3A_1728 = vector.shape_cast %get3A_1727 : vector<1x16xf32> to vector<16xf32>
        %slice3A_1729 = vector.extract_strided_slice %get3A_697 {offsets = [10], sizes = [1], strides = [1]} : vector<16xf32> to vector<1xf32>
        %squeeze3A_1730 = vector.extract %slice3A_1729[0] : f32 from vector<1xf32>
        %broadcast_in_dim3A_1731 = vector.broadcast %squeeze3A_1730 : f32 to vector<16xf32>
        %mul3A_1732 = arith.mulf %get3A_1728, %broadcast_in_dim3A_1731 : vector<16xf32>
        %mul3A_1733 = arith.mulf %mul3A_1732, %get3A_1356 : vector<16xf32>
        %swap3A_1734 = arith.constant 10 : i32
        %swap3A_1735 = arith.index_cast %swap3A_1734 : i32 to index
        %swap3A_1736 = arith.index_cast %mul3A_1353 : i32 to index
        %swap3A_1737 = tpu.vector_load %arg15[%swap3A_1735, %swap3A_1736] {strides = array<i32>} : memref<16x768xf32, #tpu.memory_space<vmem>>, vector<1x16xf32>,
        %swap3A_1738 = vector.shape_cast %swap3A_1737 : vector<1x16xf32> to vector<16xf32>
        %swap3A_1739 = vector.shape_cast %mul3A_1733 : vector<16xf32> to vector<1x16xf32>
        tpu.vector_store %arg15[%swap3A_1735, %swap3A_1736], %swap3A_1739 {strides = array<i32>} : memref<16x768xf32, #tpu.memory_space<vmem>>, vector<1x16xf32>,
        %get3A_1740 = arith.constant 11 : i32
        %get3A_1741 = arith.index_cast %get3A_1740 : i32 to index
        %get3A_1742 = arith.index_cast %mul3A_1353 : i32 to index
        %get3A_1743 = tpu.vector_load %arg12[%get3A_1741, %get3A_1742] {strides = array<i32>} : memref<16x768xf32, #tpu.memory_space<vmem>>, vector<1x16xf32>,
        %get3A_1744 = vector.shape_cast %get3A_1743 : vector<1x16xf32> to vector<16xf32>
        %get3A_1745 = arith.constant 11 : i32
        %get3A_1746 = arith.index_cast %get3A_1745 : i32 to index
        %get3A_1747 = arith.index_cast %mul3A_1353 : i32 to index
        %get3A_1748 = tpu.vector_load %arg14[%get3A_1746, %get3A_1747] {strides = array<i32>} : memref<16x768xf32, #tpu.memory_space<vmem>>, vector<1x16xf32>,
        %get3A_1749 = vector.shape_cast %get3A_1748 : vector<1x16xf32> to vector<16xf32>
        %add3A_1750 = arith.addf %get3A_1744, %get3A_1749 : vector<16xf32>
        %swap3A_1751 = arith.constant 11 : i32
        %swap3A_1752 = arith.index_cast %swap3A_1751 : i32 to index
        %swap3A_1753 = arith.index_cast %mul3A_1353 : i32 to index
        %swap3A_1754 = tpu.vector_load %arg18[%swap3A_1752, %swap3A_1753] {strides = array<i32>} : memref<16x768xf32, #tpu.memory_space<vmem>>, vector<1x16xf32>,
        %swap3A_1755 = vector.shape_cast %swap3A_1754 : vector<1x16xf32> to vector<16xf32>
        %swap3A_1756 = vector.shape_cast %add3A_1750 : vector<16xf32> to vector<1x16xf32>
        tpu.vector_store %arg18[%swap3A_1752, %swap3A_1753], %swap3A_1756 {strides = array<i32>} : memref<16x768xf32, #tpu.memory_space<vmem>>, vector<1x16xf32>,
        %mul3A_1757 = arith.mulf %add3A_1750, %add3A_1750 : vector<16xf32>
        %add3A_1758 = arith.addf %scan3A_1347, %mul3A_1757 : vector<16xf32>
        %get3A_1759 = arith.constant 11 : i32
        %get3A_1760 = arith.index_cast %get3A_1759 : i32 to index
        %get3A_1761 = arith.index_cast %mul3A_1353 : i32 to index
        %get3A_1762 = tpu.vector_load %arg17[%get3A_1760, %get3A_1761] {strides = array<i32>} : memref<16x768xf32, #tpu.memory_space<vmem>>, vector<1x16xf32>,
        %get3A_1763 = vector.shape_cast %get3A_1762 : vector<1x16xf32> to vector<16xf32>
        %slice3A_1764 = vector.extract_strided_slice %get3A_697 {offsets = [11], sizes = [1], strides = [1]} : vector<16xf32> to vector<1xf32>
        %squeeze3A_1765 = vector.extract %slice3A_1764[0] : f32 from vector<1xf32>
        %broadcast_in_dim3A_1766 = vector.broadcast %squeeze3A_1765 : f32 to vector<16xf32>
        %mul3A_1767 = arith.mulf %get3A_1763, %broadcast_in_dim3A_1766 : vector<16xf32>
        %mul3A_1768 = arith.mulf %mul3A_1767, %get3A_1356 : vector<16xf32>
        %swap3A_1769 = arith.constant 11 : i32
        %swap3A_1770 = arith.index_cast %swap3A_1769 : i32 to index
        %swap3A_1771 = arith.index_cast %mul3A_1353 : i32 to index
        %swap3A_1772 = tpu.vector_load %arg15[%swap3A_1770, %swap3A_1771] {strides = array<i32>} : memref<16x768xf32, #tpu.memory_space<vmem>>, vector<1x16xf32>,
        %swap3A_1773 = vector.shape_cast %swap3A_1772 : vector<1x16xf32> to vector<16xf32>
        %swap3A_1774 = vector.shape_cast %mul3A_1768 : vector<16xf32> to vector<1x16xf32>
        tpu.vector_store %arg15[%swap3A_1770, %swap3A_1771], %swap3A_1774 {strides = array<i32>} : memref<16x768xf32, #tpu.memory_space<vmem>>, vector<1x16xf32>,
        %get3A_1775 = arith.constant 12 : i32
        %get3A_1776 = arith.index_cast %get3A_1775 : i32 to index
        %get3A_1777 = arith.index_cast %mul3A_1353 : i32 to index
        %get3A_1778 = tpu.vector_load %arg12[%get3A_1776, %get3A_1777] {strides = array<i32>} : memref<16x768xf32, #tpu.memory_space<vmem>>, vector<1x16xf32>,
        %get3A_1779 = vector.shape_cast %get3A_1778 : vector<1x16xf32> to vector<16xf32>
        %get3A_1780 = arith.constant 12 : i32
        %get3A_1781 = arith.index_cast %get3A_1780 : i32 to index
        %get3A_1782 = arith.index_cast %mul3A_1353 : i32 to index
        %get3A_1783 = tpu.vector_load %arg14[%get3A_1781, %get3A_1782] {strides = array<i32>} : memref<16x768xf32, #tpu.memory_space<vmem>>, vector<1x16xf32>,
        %get3A_1784 = vector.shape_cast %get3A_1783 : vector<1x16xf32> to vector<16xf32>
        %add3A_1785 = arith.addf %get3A_1779, %get3A_1784 : vector<16xf32>
        %swap3A_1786 = arith.constant 12 : i32
        %swap3A_1787 = arith.index_cast %swap3A_1786 : i32 to index
        %swap3A_1788 = arith.index_cast %mul3A_1353 : i32 to index
        %swap3A_1789 = tpu.vector_load %arg18[%swap3A_1787, %swap3A_1788] {strides = array<i32>} : memref<16x768xf32, #tpu.memory_space<vmem>>, vector<1x16xf32>,
        %swap3A_1790 = vector.shape_cast %swap3A_1789 : vector<1x16xf32> to vector<16xf32>
        %swap3A_1791 = vector.shape_cast %add3A_1785 : vector<16xf32> to vector<1x16xf32>
        tpu.vector_store %arg18[%swap3A_1787, %swap3A_1788], %swap3A_1791 {strides = array<i32>} : memref<16x768xf32, #tpu.memory_space<vmem>>, vector<1x16xf32>,
        %mul3A_1792 = arith.mulf %add3A_1785, %add3A_1785 : vector<16xf32>
        %add3A_1793 = arith.addf %scan3A_1348, %mul3A_1792 : vector<16xf32>
        %get3A_1794 = arith.constant 12 : i32
        %get3A_1795 = arith.index_cast %get3A_1794 : i32 to index
        %get3A_1796 = arith.index_cast %mul3A_1353 : i32 to index
        %get3A_1797 = tpu.vector_load %arg17[%get3A_1795, %get3A_1796] {strides = array<i32>} : memref<16x768xf32, #tpu.memory_space<vmem>>, vector<1x16xf32>,
        %get3A_1798 = vector.shape_cast %get3A_1797 : vector<1x16xf32> to vector<16xf32>
        %slice3A_1799 = vector.extract_strided_slice %get3A_697 {offsets = [12], sizes = [1], strides = [1]} : vector<16xf32> to vector<1xf32>
        %squeeze3A_1800 = vector.extract %slice3A_1799[0] : f32 from vector<1xf32>
        %broadcast_in_dim3A_1801 = vector.broadcast %squeeze3A_1800 : f32 to vector<16xf32>
        %mul3A_1802 = arith.mulf %get3A_1798, %broadcast_in_dim3A_1801 : vector<16xf32>
        %mul3A_1803 = arith.mulf %mul3A_1802, %get3A_1356 : vector<16xf32>
        %swap3A_1804 = arith.constant 12 : i32
        %swap3A_1805 = arith.index_cast %swap3A_1804 : i32 to index
        %swap3A_1806 = arith.index_cast %mul3A_1353 : i32 to index
        %swap3A_1807 = tpu.vector_load %arg15[%swap3A_1805, %swap3A_1806] {strides = array<i32>} : memref<16x768xf32, #tpu.memory_space<vmem>>, vector<1x16xf32>,
        %swap3A_1808 = vector.shape_cast %swap3A_1807 : vector<1x16xf32> to vector<16xf32>
        %swap3A_1809 = vector.shape_cast %mul3A_1803 : vector<16xf32> to vector<1x16xf32>
        tpu.vector_store %arg15[%swap3A_1805, %swap3A_1806], %swap3A_1809 {strides = array<i32>} : memref<16x768xf32, #tpu.memory_space<vmem>>, vector<1x16xf32>,
        %get3A_1810 = arith.constant 13 : i32
        %get3A_1811 = arith.index_cast %get3A_1810 : i32 to index
        %get3A_1812 = arith.index_cast %mul3A_1353 : i32 to index
        %get3A_1813 = tpu.vector_load %arg12[%get3A_1811, %get3A_1812] {strides = array<i32>} : memref<16x768xf32, #tpu.memory_space<vmem>>, vector<1x16xf32>,
        %get3A_1814 = vector.shape_cast %get3A_1813 : vector<1x16xf32> to vector<16xf32>
        %get3A_1815 = arith.constant 13 : i32
        %get3A_1816 = arith.index_cast %get3A_1815 : i32 to index
        %get3A_1817 = arith.index_cast %mul3A_1353 : i32 to index
        %get3A_1818 = tpu.vector_load %arg14[%get3A_1816, %get3A_1817] {strides = array<i32>} : memref<16x768xf32, #tpu.memory_space<vmem>>, vector<1x16xf32>,
        %get3A_1819 = vector.shape_cast %get3A_1818 : vector<1x16xf32> to vector<16xf32>
        %add3A_1820 = arith.addf %get3A_1814, %get3A_1819 : vector<16xf32>
        %swap3A_1821 = arith.constant 13 : i32
        %swap3A_1822 = arith.index_cast %swap3A_1821 : i32 to index
        %swap3A_1823 = arith.index_cast %mul3A_1353 : i32 to index
        %swap3A_1824 = tpu.vector_load %arg18[%swap3A_1822, %swap3A_1823] {strides = array<i32>} : memref<16x768xf32, #tpu.memory_space<vmem>>, vector<1x16xf32>,
        %swap3A_1825 = vector.shape_cast %swap3A_1824 : vector<1x16xf32> to vector<16xf32>
        %swap3A_1826 = vector.shape_cast %add3A_1820 : vector<16xf32> to vector<1x16xf32>
        tpu.vector_store %arg18[%swap3A_1822, %swap3A_1823], %swap3A_1826 {strides = array<i32>} : memref<16x768xf32, #tpu.memory_space<vmem>>, vector<1x16xf32>,
        %mul3A_1827 = arith.mulf %add3A_1820, %add3A_1820 : vector<16xf32>
        %add3A_1828 = arith.addf %scan3A_1349, %mul3A_1827 : vector<16xf32>
        %get3A_1829 = arith.constant 13 : i32
        %get3A_1830 = arith.index_cast %get3A_1829 : i32 to index
        %get3A_1831 = arith.index_cast %mul3A_1353 : i32 to index
        %get3A_1832 = tpu.vector_load %arg17[%get3A_1830, %get3A_1831] {strides = array<i32>} : memref<16x768xf32, #tpu.memory_space<vmem>>, vector<1x16xf32>,
        %get3A_1833 = vector.shape_cast %get3A_1832 : vector<1x16xf32> to vector<16xf32>
        %slice3A_1834 = vector.extract_strided_slice %get3A_697 {offsets = [13], sizes = [1], strides = [1]} : vector<16xf32> to vector<1xf32>
        %squeeze3A_1835 = vector.extract %slice3A_1834[0] : f32 from vector<1xf32>
        %broadcast_in_dim3A_1836 = vector.broadcast %squeeze3A_1835 : f32 to vector<16xf32>
        %mul3A_1837 = arith.mulf %get3A_1833, %broadcast_in_dim3A_1836 : vector<16xf32>
        %mul3A_1838 = arith.mulf %mul3A_1837, %get3A_1356 : vector<16xf32>
        %swap3A_1839 = arith.constant 13 : i32
        %swap3A_1840 = arith.index_cast %swap3A_1839 : i32 to index
        %swap3A_1841 = arith.index_cast %mul3A_1353 : i32 to index
        %swap3A_1842 = tpu.vector_load %arg15[%swap3A_1840, %swap3A_1841] {strides = array<i32>} : memref<16x768xf32, #tpu.memory_space<vmem>>, vector<1x16xf32>,
        %swap3A_1843 = vector.shape_cast %swap3A_1842 : vector<1x16xf32> to vector<16xf32>
        %swap3A_1844 = vector.shape_cast %mul3A_1838 : vector<16xf32> to vector<1x16xf32>
        tpu.vector_store %arg15[%swap3A_1840, %swap3A_1841], %swap3A_1844 {strides = array<i32>} : memref<16x768xf32, #tpu.memory_space<vmem>>, vector<1x16xf32>,
        %get3A_1845 = arith.constant 14 : i32
        %get3A_1846 = arith.index_cast %get3A_1845 : i32 to index
        %get3A_1847 = arith.index_cast %mul3A_1353 : i32 to index
        %get3A_1848 = tpu.vector_load %arg12[%get3A_1846, %get3A_1847] {strides = array<i32>} : memref<16x768xf32, #tpu.memory_space<vmem>>, vector<1x16xf32>,
        %get3A_1849 = vector.shape_cast %get3A_1848 : vector<1x16xf32> to vector<16xf32>
        %get3A_1850 = arith.constant 14 : i32
        %get3A_1851 = arith.index_cast %get3A_1850 : i32 to index
        %get3A_1852 = arith.index_cast %mul3A_1353 : i32 to index
        %get3A_1853 = tpu.vector_load %arg14[%get3A_1851, %get3A_1852] {strides = array<i32>} : memref<16x768xf32, #tpu.memory_space<vmem>>, vector<1x16xf32>,
        %get3A_1854 = vector.shape_cast %get3A_1853 : vector<1x16xf32> to vector<16xf32>
        %add3A_1855 = arith.addf %get3A_1849, %get3A_1854 : vector<16xf32>
        %swap3A_1856 = arith.constant 14 : i32
        %swap3A_1857 = arith.index_cast %swap3A_1856 : i32 to index
        %swap3A_1858 = arith.index_cast %mul3A_1353 : i32 to index
        %swap3A_1859 = tpu.vector_load %arg18[%swap3A_1857, %swap3A_1858] {strides = array<i32>} : memref<16x768xf32, #tpu.memory_space<vmem>>, vector<1x16xf32>,
        %swap3A_1860 = vector.shape_cast %swap3A_1859 : vector<1x16xf32> to vector<16xf32>
        %swap3A_1861 = vector.shape_cast %add3A_1855 : vector<16xf32> to vector<1x16xf32>
        tpu.vector_store %arg18[%swap3A_1857, %swap3A_1858], %swap3A_1861 {strides = array<i32>} : memref<16x768xf32, #tpu.memory_space<vmem>>, vector<1x16xf32>,
        %mul3A_1862 = arith.mulf %add3A_1855, %add3A_1855 : vector<16xf32>
        %add3A_1863 = arith.addf %scan3A_1350, %mul3A_1862 : vector<16xf32>
        %get3A_1864 = arith.constant 14 : i32
        %get3A_1865 = arith.index_cast %get3A_1864 : i32 to index
        %get3A_1866 = arith.index_cast %mul3A_1353 : i32 to index
        %get3A_1867 = tpu.vector_load %arg17[%get3A_1865, %get3A_1866] {strides = array<i32>} : memref<16x768xf32, #tpu.memory_space<vmem>>, vector<1x16xf32>,
        %get3A_1868 = vector.shape_cast %get3A_1867 : vector<1x16xf32> to vector<16xf32>
        %slice3A_1869 = vector.extract_strided_slice %get3A_697 {offsets = [14], sizes = [1], strides = [1]} : vector<16xf32> to vector<1xf32>
        %squeeze3A_1870 = vector.extract %slice3A_1869[0] : f32 from vector<1xf32>
        %broadcast_in_dim3A_1871 = vector.broadcast %squeeze3A_1870 : f32 to vector<16xf32>
        %mul3A_1872 = arith.mulf %get3A_1868, %broadcast_in_dim3A_1871 : vector<16xf32>
        %mul3A_1873 = arith.mulf %mul3A_1872, %get3A_1356 : vector<16xf32>
        %swap3A_1874 = arith.constant 14 : i32
        %swap3A_1875 = arith.index_cast %swap3A_1874 : i32 to index
        %swap3A_1876 = arith.index_cast %mul3A_1353 : i32 to index
        %swap3A_1877 = tpu.vector_load %arg15[%swap3A_1875, %swap3A_1876] {strides = array<i32>} : memref<16x768xf32, #tpu.memory_space<vmem>>, vector<1x16xf32>,
        %swap3A_1878 = vector.shape_cast %swap3A_1877 : vector<1x16xf32> to vector<16xf32>
        %swap3A_1879 = vector.shape_cast %mul3A_1873 : vector<16xf32> to vector<1x16xf32>
        tpu.vector_store %arg15[%swap3A_1875, %swap3A_1876], %swap3A_1879 {strides = array<i32>} : memref<16x768xf32, #tpu.memory_space<vmem>>, vector<1x16xf32>,
        %get3A_1880 = arith.constant 15 : i32
        %get3A_1881 = arith.index_cast %get3A_1880 : i32 to index
        %get3A_1882 = arith.index_cast %mul3A_1353 : i32 to index
        %get3A_1883 = tpu.vector_load %arg12[%get3A_1881, %get3A_1882] {strides = array<i32>} : memref<16x768xf32, #tpu.memory_space<vmem>>, vector<1x16xf32>,
        %get3A_1884 = vector.shape_cast %get3A_1883 : vector<1x16xf32> to vector<16xf32>
        %get3A_1885 = arith.constant 15 : i32
        %get3A_1886 = arith.index_cast %get3A_1885 : i32 to index
        %get3A_1887 = arith.index_cast %mul3A_1353 : i32 to index
        %get3A_1888 = tpu.vector_load %arg14[%get3A_1886, %get3A_1887] {strides = array<i32>} : memref<16x768xf32, #tpu.memory_space<vmem>>, vector<1x16xf32>,
        %get3A_1889 = vector.shape_cast %get3A_1888 : vector<1x16xf32> to vector<16xf32>
        %add3A_1890 = arith.addf %get3A_1884, %get3A_1889 : vector<16xf32>
        %swap3A_1891 = arith.constant 15 : i32
        %swap3A_1892 = arith.index_cast %swap3A_1891 : i32 to index
        %swap3A_1893 = arith.index_cast %mul3A_1353 : i32 to index
        %swap3A_1894 = tpu.vector_load %arg18[%swap3A_1892, %swap3A_1893] {strides = array<i32>} : memref<16x768xf32, #tpu.memory_space<vmem>>, vector<1x16xf32>,
        %swap3A_1895 = vector.shape_cast %swap3A_1894 : vector<1x16xf32> to vector<16xf32>
        %swap3A_1896 = vector.shape_cast %add3A_1890 : vector<16xf32> to vector<1x16xf32>
        tpu.vector_store %arg18[%swap3A_1892, %swap3A_1893], %swap3A_1896 {strides = array<i32>} : memref<16x768xf32, #tpu.memory_space<vmem>>, vector<1x16xf32>,
        %mul3A_1897 = arith.mulf %add3A_1890, %add3A_1890 : vector<16xf32>
        %add3A_1898 = arith.addf %scan3A_1351, %mul3A_1897 : vector<16xf32>
        %get3A_1899 = arith.constant 15 : i32
        %get3A_1900 = arith.index_cast %get3A_1899 : i32 to index
        %get3A_1901 = arith.index_cast %mul3A_1353 : i32 to index
        %get3A_1902 = tpu.vector_load %arg17[%get3A_1900, %get3A_1901] {strides = array<i32>} : memref<16x768xf32, #tpu.memory_space<vmem>>, vector<1x16xf32>,
        %get3A_1903 = vector.shape_cast %get3A_1902 : vector<1x16xf32> to vector<16xf32>
        %slice3A_1904 = vector.extract_strided_slice %get3A_697 {offsets = [15], sizes = [1], strides = [1]} : vector<16xf32> to vector<1xf32>
        %squeeze3A_1905 = vector.extract %slice3A_1904[0] : f32 from vector<1xf32>
        %broadcast_in_dim3A_1906 = vector.broadcast %squeeze3A_1905 : f32 to vector<16xf32>
        %mul3A_1907 = arith.mulf %get3A_1903, %broadcast_in_dim3A_1906 : vector<16xf32>
        %mul3A_1908 = arith.mulf %mul3A_1907, %get3A_1356 : vector<16xf32>
        %swap3A_1909 = arith.constant 15 : i32
        %swap3A_1910 = arith.index_cast %swap3A_1909 : i32 to index
        %swap3A_1911 = arith.index_cast %mul3A_1353 : i32 to index
        %swap3A_1912 = tpu.vector_load %arg15[%swap3A_1910, %swap3A_1911] {strides = array<i32>} : memref<16x768xf32, #tpu.memory_space<vmem>>, vector<1x16xf32>,
        %swap3A_1913 = vector.shape_cast %swap3A_1912 : vector<1x16xf32> to vector<16xf32>
        %swap3A_1914 = vector.shape_cast %mul3A_1908 : vector<16xf32> to vector<1x16xf32>
        tpu.vector_store %arg15[%swap3A_1910, %swap3A_1911], %swap3A_1914 {strides = array<i32>} : memref<16x768xf32, #tpu.memory_space<vmem>>, vector<1x16xf32>,
        scf.yield %add3A_1375, %add3A_1408, %add3A_1443, %add3A_1478, %add3A_1513, %add3A_1548, %add3A_1583, %add3A_1618, %add3A_1653, %add3A_1688, %add3A_1723, %add3A_1758, %add3A_1793, %add3A_1828, %add3A_1863, %add3A_1898 : vector<16xf32>, vector<16xf32>, vector<16xf32>, vector<16xf32>, vector<16xf32>, vector<16xf32>, vector<16xf32>, vector<16xf32>, vector<16xf32>, vector<16xf32>, vector<16xf32>, vector<16xf32>, vector<16xf32>, vector<16xf32>, vector<16xf32>, vector<16xf32>
      }
      %scan3A_703 = arith.constant 48 : i32
      %and3A_704 = arith.constant 1 : i32
      %and3A_705 = vector.broadcast %and3A_704 : i32 to vector<16xi32>
      %and3A_706 = arith.andi %iota3A, %and3A_705 : vector<16xi32>
      %eq3A_707 = arith.constant 0 : i32
      %eq3A_708 = vector.broadcast %eq3A_707 : i32 to vector<16xi32>
      %eq3A_709 = arith.cmpi eq, %and3A_706, %eq3A_708 : vector<16xi32>
      %xor3A_710 = arith.constant 1 : i32
      %xor3A_711 = vector.broadcast %xor3A_710 : i32 to vector<16xi32>
      %xor3A_712 = arith.xori %iota3A, %xor3A_711 : vector<16xi32>
      %broadcast_in_dim3A_713 = vector.shape_cast %xor3A_712 : vector<16xi32> to vector<16x1xi32>
      %gather3A_714 = vector.shape_cast %broadcast_in_dim3A_713 : vector<16x1xi32> to vector<16xi32>
      %gather3A_715 = tpu.dynamic_gather %scan3A_702#0[%gather3A_714] in [0] : vector<16xf32>, vector<16xi32> -> vector<16xf32>
      %add3A_716 = arith.addf %scan3A_702#0, %gather3A_715 : vector<16xf32>
      %xor3A_717 = arith.constant 1 : i32
      %xor3A_718 = vector.broadcast %xor3A_717 : i32 to vector<16xi32>
      %xor3A_719 = arith.xori %iota3A, %xor3A_718 : vector<16xi32>
      %broadcast_in_dim3A_720 = vector.shape_cast %xor3A_719 : vector<16xi32> to vector<16x1xi32>
      %gather3A_721 = vector.shape_cast %broadcast_in_dim3A_720 : vector<16x1xi32> to vector<16xi32>
      %gather3A_722 = tpu.dynamic_gather %scan3A_702#1[%gather3A_721] in [0] : vector<16xf32>, vector<16xi32> -> vector<16xf32>
      %add3A_723 = arith.addf %scan3A_702#1, %gather3A_722 : vector<16xf32>
      %select_n3A_724 = arith.select %eq3A_709, %add3A_716, %add3A_723 : vector<16xi1>, vector<16xf32>
      %xor3A_725 = arith.constant 1 : i32
      %xor3A_726 = vector.broadcast %xor3A_725 : i32 to vector<16xi32>
      %xor3A_727 = arith.xori %iota3A, %xor3A_726 : vector<16xi32>
      %broadcast_in_dim3A_728 = vector.shape_cast %xor3A_727 : vector<16xi32> to vector<16x1xi32>
      %gather3A_729 = vector.shape_cast %broadcast_in_dim3A_728 : vector<16x1xi32> to vector<16xi32>
      %gather3A_730 = tpu.dynamic_gather %scan3A_702#2[%gather3A_729] in [0] : vector<16xf32>, vector<16xi32> -> vector<16xf32>
      %add3A_731 = arith.addf %scan3A_702#2, %gather3A_730 : vector<16xf32>
      %xor3A_732 = arith.constant 1 : i32
      %xor3A_733 = vector.broadcast %xor3A_732 : i32 to vector<16xi32>
      %xor3A_734 = arith.xori %iota3A, %xor3A_733 : vector<16xi32>
      %broadcast_in_dim3A_735 = vector.shape_cast %xor3A_734 : vector<16xi32> to vector<16x1xi32>
      %gather3A_736 = vector.shape_cast %broadcast_in_dim3A_735 : vector<16x1xi32> to vector<16xi32>
      %gather3A_737 = tpu.dynamic_gather %scan3A_702#3[%gather3A_736] in [0] : vector<16xf32>, vector<16xi32> -> vector<16xf32>
      %add3A_738 = arith.addf %scan3A_702#3, %gather3A_737 : vector<16xf32>
      %select_n3A_739 = arith.select %eq3A_709, %add3A_731, %add3A_738 : vector<16xi1>, vector<16xf32>
      %xor3A_740 = arith.constant 1 : i32
      %xor3A_741 = vector.broadcast %xor3A_740 : i32 to vector<16xi32>
      %xor3A_742 = arith.xori %iota3A, %xor3A_741 : vector<16xi32>
      %broadcast_in_dim3A_743 = vector.shape_cast %xor3A_742 : vector<16xi32> to vector<16x1xi32>
      %gather3A_744 = vector.shape_cast %broadcast_in_dim3A_743 : vector<16x1xi32> to vector<16xi32>
      %gather3A_745 = tpu.dynamic_gather %scan3A_702#4[%gather3A_744] in [0] : vector<16xf32>, vector<16xi32> -> vector<16xf32>
      %add3A_746 = arith.addf %scan3A_702#4, %gather3A_745 : vector<16xf32>
      %xor3A_747 = arith.constant 1 : i32
      %xor3A_748 = vector.broadcast %xor3A_747 : i32 to vector<16xi32>
      %xor3A_749 = arith.xori %iota3A, %xor3A_748 : vector<16xi32>
      %broadcast_in_dim3A_750 = vector.shape_cast %xor3A_749 : vector<16xi32> to vector<16x1xi32>
      %gather3A_751 = vector.shape_cast %broadcast_in_dim3A_750 : vector<16x1xi32> to vector<16xi32>
      %gather3A_752 = tpu.dynamic_gather %scan3A_702#5[%gather3A_751] in [0] : vector<16xf32>, vector<16xi32> -> vector<16xf32>
      %add3A_753 = arith.addf %scan3A_702#5, %gather3A_752 : vector<16xf32>
      %select_n3A_754 = arith.select %eq3A_709, %add3A_746, %add3A_753 : vector<16xi1>, vector<16xf32>
      %xor3A_755 = arith.constant 1 : i32
      %xor3A_756 = vector.broadcast %xor3A_755 : i32 to vector<16xi32>
      %xor3A_757 = arith.xori %iota3A, %xor3A_756 : vector<16xi32>
      %broadcast_in_dim3A_758 = vector.shape_cast %xor3A_757 : vector<16xi32> to vector<16x1xi32>
      %gather3A_759 = vector.shape_cast %broadcast_in_dim3A_758 : vector<16x1xi32> to vector<16xi32>
      %gather3A_760 = tpu.dynamic_gather %scan3A_702#6[%gather3A_759] in [0] : vector<16xf32>, vector<16xi32> -> vector<16xf32>
      %add3A_761 = arith.addf %scan3A_702#6, %gather3A_760 : vector<16xf32>
      %xor3A_762 = arith.constant 1 : i32
      %xor3A_763 = vector.broadcast %xor3A_762 : i32 to vector<16xi32>
      %xor3A_764 = arith.xori %iota3A, %xor3A_763 : vector<16xi32>
      %broadcast_in_dim3A_765 = vector.shape_cast %xor3A_764 : vector<16xi32> to vector<16x1xi32>
      %gather3A_766 = vector.shape_cast %broadcast_in_dim3A_765 : vector<16x1xi32> to vector<16xi32>
      %gather3A_767 = tpu.dynamic_gather %scan3A_702#7[%gather3A_766] in [0] : vector<16xf32>, vector<16xi32> -> vector<16xf32>
      %add3A_768 = arith.addf %scan3A_702#7, %gather3A_767 : vector<16xf32>
      %select_n3A_769 = arith.select %eq3A_709, %add3A_761, %add3A_768 : vector<16xi1>, vector<16xf32>
      %xor3A_770 = arith.constant 1 : i32
      %xor3A_771 = vector.broadcast %xor3A_770 : i32 to vector<16xi32>
      %xor3A_772 = arith.xori %iota3A, %xor3A_771 : vector<16xi32>
      %broadcast_in_dim3A_773 = vector.shape_cast %xor3A_772 : vector<16xi32> to vector<16x1xi32>
      %gather3A_774 = vector.shape_cast %broadcast_in_dim3A_773 : vector<16x1xi32> to vector<16xi32>
      %gather3A_775 = tpu.dynamic_gather %scan3A_702#8[%gather3A_774] in [0] : vector<16xf32>, vector<16xi32> -> vector<16xf32>
      %add3A_776 = arith.addf %scan3A_702#8, %gather3A_775 : vector<16xf32>
      %xor3A_777 = arith.constant 1 : i32
      %xor3A_778 = vector.broadcast %xor3A_777 : i32 to vector<16xi32>
      %xor3A_779 = arith.xori %iota3A, %xor3A_778 : vector<16xi32>
      %broadcast_in_dim3A_780 = vector.shape_cast %xor3A_779 : vector<16xi32> to vector<16x1xi32>
      %gather3A_781 = vector.shape_cast %broadcast_in_dim3A_780 : vector<16x1xi32> to vector<16xi32>
      %gather3A_782 = tpu.dynamic_gather %scan3A_702#9[%gather3A_781] in [0] : vector<16xf32>, vector<16xi32> -> vector<16xf32>
      %add3A_783 = arith.addf %scan3A_702#9, %gather3A_782 : vector<16xf32>
      %select_n3A_784 = arith.select %eq3A_709, %add3A_776, %add3A_783 : vector<16xi1>, vector<16xf32>
      %xor3A_785 = arith.constant 1 : i32
      %xor3A_786 = vector.broadcast %xor3A_785 : i32 to vector<16xi32>
      %xor3A_787 = arith.xori %iota3A, %xor3A_786 : vector<16xi32>
      %broadcast_in_dim3A_788 = vector.shape_cast %xor3A_787 : vector<16xi32> to vector<16x1xi32>
      %gather3A_789 = vector.shape_cast %broadcast_in_dim3A_788 : vector<16x1xi32> to vector<16xi32>
      %gather3A_790 = tpu.dynamic_gather %scan3A_702#10[%gather3A_789] in [0] : vector<16xf32>, vector<16xi32> -> vector<16xf32>
      %add3A_791 = arith.addf %scan3A_702#10, %gather3A_790 : vector<16xf32>
      %xor3A_792 = arith.constant 1 : i32
      %xor3A_793 = vector.broadcast %xor3A_792 : i32 to vector<16xi32>
      %xor3A_794 = arith.xori %iota3A, %xor3A_793 : vector<16xi32>
      %broadcast_in_dim3A_795 = vector.shape_cast %xor3A_794 : vector<16xi32> to vector<16x1xi32>
      %gather3A_796 = vector.shape_cast %broadcast_in_dim3A_795 : vector<16x1xi32> to vector<16xi32>
      %gather3A_797 = tpu.dynamic_gather %scan3A_702#11[%gather3A_796] in [0] : vector<16xf32>, vector<16xi32> -> vector<16xf32>
      %add3A_798 = arith.addf %scan3A_702#11, %gather3A_797 : vector<16xf32>
      %select_n3A_799 = arith.select %eq3A_709, %add3A_791, %add3A_798 : vector<16xi1>, vector<16xf32>
      %xor3A_800 = arith.constant 1 : i32
      %xor3A_801 = vector.broadcast %xor3A_800 : i32 to vector<16xi32>
      %xor3A_802 = arith.xori %iota3A, %xor3A_801 : vector<16xi32>
      %broadcast_in_dim3A_803 = vector.shape_cast %xor3A_802 : vector<16xi32> to vector<16x1xi32>
      %gather3A_804 = vector.shape_cast %broadcast_in_dim3A_803 : vector<16x1xi32> to vector<16xi32>
      %gather3A_805 = tpu.dynamic_gather %scan3A_702#12[%gather3A_804] in [0] : vector<16xf32>, vector<16xi32> -> vector<16xf32>
      %add3A_806 = arith.addf %scan3A_702#12, %gather3A_805 : vector<16xf32>
      %xor3A_807 = arith.constant 1 : i32
      %xor3A_808 = vector.broadcast %xor3A_807 : i32 to vector<16xi32>
      %xor3A_809 = arith.xori %iota3A, %xor3A_808 : vector<16xi32>
      %broadcast_in_dim3A_810 = vector.shape_cast %xor3A_809 : vector<16xi32> to vector<16x1xi32>
      %gather3A_811 = vector.shape_cast %broadcast_in_dim3A_810 : vector<16x1xi32> to vector<16xi32>
      %gather3A_812 = tpu.dynamic_gather %scan3A_702#13[%gather3A_811] in [0] : vector<16xf32>, vector<16xi32> -> vector<16xf32>
      %add3A_813 = arith.addf %scan3A_702#13, %gather3A_812 : vector<16xf32>
      %select_n3A_814 = arith.select %eq3A_709, %add3A_806, %add3A_813 : vector<16xi1>, vector<16xf32>
      %xor3A_815 = arith.constant 1 : i32
      %xor3A_816 = vector.broadcast %xor3A_815 : i32 to vector<16xi32>
      %xor3A_817 = arith.xori %iota3A, %xor3A_816 : vector<16xi32>
      %broadcast_in_dim3A_818 = vector.shape_cast %xor3A_817 : vector<16xi32> to vector<16x1xi32>
      %gather3A_819 = vector.shape_cast %broadcast_in_dim3A_818 : vector<16x1xi32> to vector<16xi32>
      %gather3A_820 = tpu.dynamic_gather %scan3A_702#14[%gather3A_819] in [0] : vector<16xf32>, vector<16xi32> -> vector<16xf32>
      %add3A_821 = arith.addf %scan3A_702#14, %gather3A_820 : vector<16xf32>
      %xor3A_822 = arith.constant 1 : i32
      %xor3A_823 = vector.broadcast %xor3A_822 : i32 to vector<16xi32>
      %xor3A_824 = arith.xori %iota3A, %xor3A_823 : vector<16xi32>
      %broadcast_in_dim3A_825 = vector.shape_cast %xor3A_824 : vector<16xi32> to vector<16x1xi32>
      %gather3A_826 = vector.shape_cast %broadcast_in_dim3A_825 : vector<16x1xi32> to vector<16xi32>
      %gather3A_827 = tpu.dynamic_gather %scan3A_702#15[%gather3A_826] in [0] : vector<16xf32>, vector<16xi32> -> vector<16xf32>
      %add3A_828 = arith.addf %scan3A_702#15, %gather3A_827 : vector<16xf32>
      %select_n3A_829 = arith.select %eq3A_709, %add3A_821, %add3A_828 : vector<16xi1>, vector<16xf32>
      %and3A_830 = arith.constant 2 : i32
      %and3A_831 = vector.broadcast %and3A_830 : i32 to vector<16xi32>
      %and3A_832 = arith.andi %iota3A, %and3A_831 : vector<16xi32>
      %eq3A_833 = arith.constant 0 : i32
      %eq3A_834 = vector.broadcast %eq3A_833 : i32 to vector<16xi32>
      %eq3A_835 = arith.cmpi eq, %and3A_832, %eq3A_834 : vector<16xi32>
      %xor3A_836 = arith.constant 2 : i32
      %xor3A_837 = vector.broadcast %xor3A_836 : i32 to vector<16xi32>
      %xor3A_838 = arith.xori %iota3A, %xor3A_837 : vector<16xi32>
      %broadcast_in_dim3A_839 = vector.shape_cast %xor3A_838 : vector<16xi32> to vector<16x1xi32>
      %gather3A_840 = vector.shape_cast %broadcast_in_dim3A_839 : vector<16x1xi32> to vector<16xi32>
      %gather3A_841 = tpu.dynamic_gather %select_n3A_724[%gather3A_840] in [0] : vector<16xf32>, vector<16xi32> -> vector<16xf32>
      %add3A_842 = arith.addf %select_n3A_724, %gather3A_841 : vector<16xf32>
      %xor3A_843 = arith.constant 2 : i32
      %xor3A_844 = vector.broadcast %xor3A_843 : i32 to vector<16xi32>
      %xor3A_845 = arith.xori %iota3A, %xor3A_844 : vector<16xi32>
      %broadcast_in_dim3A_846 = vector.shape_cast %xor3A_845 : vector<16xi32> to vector<16x1xi32>
      %gather3A_847 = vector.shape_cast %broadcast_in_dim3A_846 : vector<16x1xi32> to vector<16xi32>
      %gather3A_848 = tpu.dynamic_gather %select_n3A_739[%gather3A_847] in [0] : vector<16xf32>, vector<16xi32> -> vector<16xf32>
      %add3A_849 = arith.addf %select_n3A_739, %gather3A_848 : vector<16xf32>
      %select_n3A_850 = arith.select %eq3A_835, %add3A_842, %add3A_849 : vector<16xi1>, vector<16xf32>
      %xor3A_851 = arith.constant 2 : i32
      %xor3A_852 = vector.broadcast %xor3A_851 : i32 to vector<16xi32>
      %xor3A_853 = arith.xori %iota3A, %xor3A_852 : vector<16xi32>
      %broadcast_in_dim3A_854 = vector.shape_cast %xor3A_853 : vector<16xi32> to vector<16x1xi32>
      %gather3A_855 = vector.shape_cast %broadcast_in_dim3A_854 : vector<16x1xi32> to vector<16xi32>
      %gather3A_856 = tpu.dynamic_gather %select_n3A_754[%gather3A_855] in [0] : vector<16xf32>, vector<16xi32> -> vector<16xf32>
      %add3A_857 = arith.addf %select_n3A_754, %gather3A_856 : vector<16xf32>
      %xor3A_858 = arith.constant 2 : i32
      %xor3A_859 = vector.broadcast %xor3A_858 : i32 to vector<16xi32>
      %xor3A_860 = arith.xori %iota3A, %xor3A_859 : vector<16xi32>
      %broadcast_in_dim3A_861 = vector.shape_cast %xor3A_860 : vector<16xi32> to vector<16x1xi32>
      %gather3A_862 = vector.shape_cast %broadcast_in_dim3A_861 : vector<16x1xi32> to vector<16xi32>
      %gather3A_863 = tpu.dynamic_gather %select_n3A_769[%gather3A_862] in [0] : vector<16xf32>, vector<16xi32> -> vector<16xf32>
      %add3A_864 = arith.addf %select_n3A_769, %gather3A_863 : vector<16xf32>
      %select_n3A_865 = arith.select %eq3A_835, %add3A_857, %add3A_864 : vector<16xi1>, vector<16xf32>
      %xor3A_866 = arith.constant 2 : i32
      %xor3A_867 = vector.broadcast %xor3A_866 : i32 to vector<16xi32>
      %xor3A_868 = arith.xori %iota3A, %xor3A_867 : vector<16xi32>
      %broadcast_in_dim3A_869 = vector.shape_cast %xor3A_868 : vector<16xi32> to vector<16x1xi32>
      %gather3A_870 = vector.shape_cast %broadcast_in_dim3A_869 : vector<16x1xi32> to vector<16xi32>
      %gather3A_871 = tpu.dynamic_gather %select_n3A_784[%gather3A_870] in [0] : vector<16xf32>, vector<16xi32> -> vector<16xf32>
      %add3A_872 = arith.addf %select_n3A_784, %gather3A_871 : vector<16xf32>
      %xor3A_873 = arith.constant 2 : i32
      %xor3A_874 = vector.broadcast %xor3A_873 : i32 to vector<16xi32>
      %xor3A_875 = arith.xori %iota3A, %xor3A_874 : vector<16xi32>
      %broadcast_in_dim3A_876 = vector.shape_cast %xor3A_875 : vector<16xi32> to vector<16x1xi32>
      %gather3A_877 = vector.shape_cast %broadcast_in_dim3A_876 : vector<16x1xi32> to vector<16xi32>
      %gather3A_878 = tpu.dynamic_gather %select_n3A_799[%gather3A_877] in [0] : vector<16xf32>, vector<16xi32> -> vector<16xf32>
      %add3A_879 = arith.addf %select_n3A_799, %gather3A_878 : vector<16xf32>
      %select_n3A_880 = arith.select %eq3A_835, %add3A_872, %add3A_879 : vector<16xi1>, vector<16xf32>
      %xor3A_881 = arith.constant 2 : i32
      %xor3A_882 = vector.broadcast %xor3A_881 : i32 to vector<16xi32>
      %xor3A_883 = arith.xori %iota3A, %xor3A_882 : vector<16xi32>
      %broadcast_in_dim3A_884 = vector.shape_cast %xor3A_883 : vector<16xi32> to vector<16x1xi32>
      %gather3A_885 = vector.shape_cast %broadcast_in_dim3A_884 : vector<16x1xi32> to vector<16xi32>
      %gather3A_886 = tpu.dynamic_gather %select_n3A_814[%gather3A_885] in [0] : vector<16xf32>, vector<16xi32> -> vector<16xf32>
      %add3A_887 = arith.addf %select_n3A_814, %gather3A_886 : vector<16xf32>
      %xor3A_888 = arith.constant 2 : i32
      %xor3A_889 = vector.broadcast %xor3A_888 : i32 to vector<16xi32>
      %xor3A_890 = arith.xori %iota3A, %xor3A_889 : vector<16xi32>
      %broadcast_in_dim3A_891 = vector.shape_cast %xor3A_890 : vector<16xi32> to vector<16x1xi32>
      %gather3A_892 = vector.shape_cast %broadcast_in_dim3A_891 : vector<16x1xi32> to vector<16xi32>
      %gather3A_893 = tpu.dynamic_gather %select_n3A_829[%gather3A_892] in [0] : vector<16xf32>, vector<16xi32> -> vector<16xf32>
      %add3A_894 = arith.addf %select_n3A_829, %gather3A_893 : vector<16xf32>
      %select_n3A_895 = arith.select %eq3A_835, %add3A_887, %add3A_894 : vector<16xi1>, vector<16xf32>
      %and3A_896 = arith.constant 4 : i32
      %and3A_897 = vector.broadcast %and3A_896 : i32 to vector<16xi32>
      %and3A_898 = arith.andi %iota3A, %and3A_897 : vector<16xi32>
      %eq3A_899 = arith.constant 0 : i32
      %eq3A_900 = vector.broadcast %eq3A_899 : i32 to vector<16xi32>
      %eq3A_901 = arith.cmpi eq, %and3A_898, %eq3A_900 : vector<16xi32>
      %xor3A_902 = arith.constant 4 : i32
      %xor3A_903 = vector.broadcast %xor3A_902 : i32 to vector<16xi32>
      %xor3A_904 = arith.xori %iota3A, %xor3A_903 : vector<16xi32>
      %broadcast_in_dim3A_905 = vector.shape_cast %xor3A_904 : vector<16xi32> to vector<16x1xi32>
      %gather3A_906 = vector.shape_cast %broadcast_in_dim3A_905 : vector<16x1xi32> to vector<16xi32>
      %gather3A_907 = tpu.dynamic_gather %select_n3A_850[%gather3A_906] in [0] : vector<16xf32>, vector<16xi32> -> vector<16xf32>
      %add3A_908 = arith.addf %select_n3A_850, %gather3A_907 : vector<16xf32>
      %xor3A_909 = arith.constant 4 : i32
      %xor3A_910 = vector.broadcast %xor3A_909 : i32 to vector<16xi32>
      %xor3A_911 = arith.xori %iota3A, %xor3A_910 : vector<16xi32>
      %broadcast_in_dim3A_912 = vector.shape_cast %xor3A_911 : vector<16xi32> to vector<16x1xi32>
      %gather3A_913 = vector.shape_cast %broadcast_in_dim3A_912 : vector<16x1xi32> to vector<16xi32>
      %gather3A_914 = tpu.dynamic_gather %select_n3A_865[%gather3A_913] in [0] : vector<16xf32>, vector<16xi32> -> vector<16xf32>
      %add3A_915 = arith.addf %select_n3A_865, %gather3A_914 : vector<16xf32>
      %select_n3A_916 = arith.select %eq3A_901, %add3A_908, %add3A_915 : vector<16xi1>, vector<16xf32>
      %xor3A_917 = arith.constant 4 : i32
      %xor3A_918 = vector.broadcast %xor3A_917 : i32 to vector<16xi32>
      %xor3A_919 = arith.xori %iota3A, %xor3A_918 : vector<16xi32>
      %broadcast_in_dim3A_920 = vector.shape_cast %xor3A_919 : vector<16xi32> to vector<16x1xi32>
      %gather3A_921 = vector.shape_cast %broadcast_in_dim3A_920 : vector<16x1xi32> to vector<16xi32>
      %gather3A_922 = tpu.dynamic_gather %select_n3A_880[%gather3A_921] in [0] : vector<16xf32>, vector<16xi32> -> vector<16xf32>
      %add3A_923 = arith.addf %select_n3A_880, %gather3A_922 : vector<16xf32>
      %xor3A_924 = arith.constant 4 : i32
      %xor3A_925 = vector.broadcast %xor3A_924 : i32 to vector<16xi32>
      %xor3A_926 = arith.xori %iota3A, %xor3A_925 : vector<16xi32>
      %broadcast_in_dim3A_927 = vector.shape_cast %xor3A_926 : vector<16xi32> to vector<16x1xi32>
      %gather3A_928 = vector.shape_cast %broadcast_in_dim3A_927 : vector<16x1xi32> to vector<16xi32>
      %gather3A_929 = tpu.dynamic_gather %select_n3A_895[%gather3A_928] in [0] : vector<16xf32>, vector<16xi32> -> vector<16xf32>
      %add3A_930 = arith.addf %select_n3A_895, %gather3A_929 : vector<16xf32>
      %select_n3A_931 = arith.select %eq3A_901, %add3A_923, %add3A_930 : vector<16xi1>, vector<16xf32>
      %and3A_932 = arith.constant 8 : i32
      %and3A_933 = vector.broadcast %and3A_932 : i32 to vector<16xi32>
      %and3A_934 = arith.andi %iota3A, %and3A_933 : vector<16xi32>
      %eq3A_935 = arith.constant 0 : i32
      %eq3A_936 = vector.broadcast %eq3A_935 : i32 to vector<16xi32>
      %eq3A_937 = arith.cmpi eq, %and3A_934, %eq3A_936 : vector<16xi32>
      %xor3A_938 = arith.constant 8 : i32
      %xor3A_939 = vector.broadcast %xor3A_938 : i32 to vector<16xi32>
      %xor3A_940 = arith.xori %iota3A, %xor3A_939 : vector<16xi32>
      %broadcast_in_dim3A_941 = vector.shape_cast %xor3A_940 : vector<16xi32> to vector<16x1xi32>
      %gather3A_942 = vector.shape_cast %broadcast_in_dim3A_941 : vector<16x1xi32> to vector<16xi32>
      %gather3A_943 = tpu.dynamic_gather %select_n3A_916[%gather3A_942] in [0] : vector<16xf32>, vector<16xi32> -> vector<16xf32>
      %add3A_944 = arith.addf %select_n3A_916, %gather3A_943 : vector<16xf32>
      %xor3A_945 = arith.constant 8 : i32
      %xor3A_946 = vector.broadcast %xor3A_945 : i32 to vector<16xi32>
      %xor3A_947 = arith.xori %iota3A, %xor3A_946 : vector<16xi32>
      %broadcast_in_dim3A_948 = vector.shape_cast %xor3A_947 : vector<16xi32> to vector<16x1xi32>
      %gather3A_949 = vector.shape_cast %broadcast_in_dim3A_948 : vector<16x1xi32> to vector<16xi32>
      %gather3A_950 = tpu.dynamic_gather %select_n3A_931[%gather3A_949] in [0] : vector<16xf32>, vector<16xi32> -> vector<16xf32>
      %add3A_951 = arith.addf %select_n3A_931, %gather3A_950 : vector<16xf32>
      %select_n3A_952 = arith.select %eq3A_937, %add3A_944, %add3A_951 : vector<16xi1>, vector<16xf32>
      %mul3A_953 = arith.constant 0.00130208337 : f32
      %mul3A_954 = vector.broadcast %mul3A_953 : f32 to vector<16xf32>
      %mul3A_955 = arith.mulf %select_n3A_952, %mul3A_954 : vector<16xf32>
      %add3A_956 = arith.constant 9.99999996E-13 : f32
      %add3A_957 = vector.broadcast %add3A_956 : f32 to vector<16xf32>
      %add3A_958 = arith.addf %mul3A_955, %add3A_957 : vector<16xf32>
      %bitcast_convert_type3A_959 = tpu.bitcast %add3A_958 : vector<16xf32> -> vector<16xi32>
      %shift_right_arithmetic3A_960 = arith.constant 1 : i32
      %shift_right_arithmetic3A_961 = vector.broadcast %shift_right_arithmetic3A_960 : i32 to vector<16xi32>
      %shift_right_arithmetic3A_962 = arith.shrsi %bitcast_convert_type3A_959, %shift_right_arithmetic3A_961 : vector<16xi32>
      %sub3A_963 = arith.constant 1597463007 : i32
      %sub3A_964 = vector.broadcast %sub3A_963 : i32 to vector<16xi32>
      %sub3A_965 = arith.subi %sub3A_964, %shift_right_arithmetic3A_962 : vector<16xi32>
      %bitcast_convert_type3A_966 = tpu.bitcast %sub3A_965 : vector<16xi32> -> vector<16xf32>
      %mul3A_967 = arith.constant 5.000000e-01 : f32
      %mul3A_968 = vector.broadcast %mul3A_967 : f32 to vector<16xf32>
      %mul3A_969 = arith.mulf %mul3A_968, %add3A_958 : vector<16xf32>
      %mul3A_970 = arith.mulf %mul3A_969, %bitcast_convert_type3A_966 : vector<16xf32>
      %mul3A_971 = arith.mulf %mul3A_970, %bitcast_convert_type3A_966 : vector<16xf32>
      %sub3A_972 = arith.constant 1.500000e+00 : f32
      %sub3A_973 = vector.broadcast %sub3A_972 : f32 to vector<16xf32>
      %sub3A_974 = arith.subf %sub3A_973, %mul3A_971 : vector<16xf32>
      %mul3A_975 = arith.mulf %bitcast_convert_type3A_966, %sub3A_974 : vector<16xf32>
      %mul3A_976 = arith.constant 5.000000e-01 : f32
      %mul3A_977 = vector.broadcast %mul3A_976 : f32 to vector<16xf32>
      %mul3A_978 = arith.mulf %mul3A_977, %add3A_958 : vector<16xf32>
      %mul3A_979 = arith.mulf %mul3A_978, %mul3A_975 : vector<16xf32>
      %mul3A_980 = arith.mulf %mul3A_979, %mul3A_975 : vector<16xf32>
      %sub3A_981 = arith.constant 1.500000e+00 : f32
      %sub3A_982 = vector.broadcast %sub3A_981 : f32 to vector<16xf32>
      %sub3A_983 = arith.subf %sub3A_982, %mul3A_980 : vector<16xf32>
      %mul3A_984 = arith.mulf %mul3A_975, %sub3A_983 : vector<16xf32>
      %swap3A_985 = arith.constant 0 : index
      %swap3A_986 = tpu.vector_load %arg19[%swap3A_985] {strides = array<i32>} : memref<16xf32, #tpu.memory_space<vmem>>, vector<16xf32>,
      %swap3A_987 = vector.shape_cast %swap3A_986 : vector<16xf32> to vector<16xf32>
      %swap3A_988 = vector.shape_cast %mul3A_984 : vector<16xf32> to vector<16xf32>
      tpu.vector_store %arg19[%swap3A_985], %swap3A_988 {strides = array<i32>} : memref<16xf32, #tpu.memory_space<vmem>>, vector<16xf32>,
      %sub3A_989 = arith.constant 1 : i32
      %sub3A_990 = arith.subi %add3A_680, %sub3A_989 : i32
      %mul3A_991 = arith.constant 16 : i32
      %mul3A_992 = arith.muli %sub3A_990, %mul3A_991 : i32
      %add3A_993 = arith.addi %mul3A_2, %mul3A_992 : i32
      %dma_start3A_994 = arith.constant 0 : i32
      %dma_start3A_995 = tpu.memref_slice %arg7[%add3A_993, %dma_start3A_994] : memref<32768x768xf32, #tpu.memory_space<hbm>> -> memref<16x768xf32, #tpu.memory_space<hbm>>
      %dma_start3A_996 = arith.constant 0 : i32
      %dma_start3A_997 = tpu.memref_slice %arg7[%add3A_993, %dma_start3A_996] : memref<32768x768xf32, #tpu.memory_space<hbm>> -> memref<16x768xf32, #tpu.memory_space<hbm>>
      tpu.enqueue_dma source(%arg15 : memref<16x768xf32, #tpu.memory_space<vmem>>) target(%dma_start3A_997 : memref<16x768xf32, #tpu.memory_space<hbm>>) target_semaphore(%arg24 : memref<!tpu.dma_semaphore, #tpu.memory_space<semaphore_mem>>)
      %add3A_998 = arith.constant 2 : i32
      %add3A_999 = arith.addi %add3A_680, %add3A_998 : i32
      %lt3A = arith.constant 64 : i32
      %lt3A_1000 = arith.cmpi slt, %add3A_999, %lt3A : i32
      %convert_element_type3A_1001 = arith.extui %lt3A_1000 : i1 to i32
      %cond3A_1002 = arith.constant 0 : i32
      %cond3A_1003 = arith.cmpi ne, %convert_element_type3A_1001, %cond3A_1002 : i32
      scf.if %cond3A_1003 {
        %add3A_1335 = arith.constant 2 : i32
        %add3A_1336 = arith.addi %add3A_680, %add3A_1335 : i32
        %mul3A_1337 = arith.constant 16 : i32
        %mul3A_1338 = arith.muli %add3A_1336, %mul3A_1337 : i32
        %mul3A_1339 = arith.constant 16 : i32
        %mul3A_1340 = arith.muli %add3A_1336, %mul3A_1339 : i32
        %dma_start3A_1341 = tpu.memref_slice %arg8[%mul3A_1338] : memref<1024xi32, #tpu.memory_space<vmem>> -> memref<16xi32, #tpu.memory_space<vmem>>
        %dma_start3A_1342 = arith.constant 0 : i32
        %dma_start3A_1343 = arith.constant 0 : i32
        %dma_start3A_1344 = tpu.memref_slice %arg4[%dma_start3A_1342, %dma_start3A_1343] : memref<30522x768xf32, #tpu.memory_space<hbm>> -> memref<30522x768xf32, #tpu.memory_space<hbm>>
        tpu.enqueue_indirect_dma source(%dma_start3A_1344 : memref<30522x768xf32, #tpu.memory_space<hbm>>) target(%arg12 : memref<16x768xf32, #tpu.memory_space<vmem>>) offsets(%dma_start3A_1341 : memref<16xi32, #tpu.memory_space<vmem>>) semaphore(%arg21 : memref<!tpu.dma_semaphore, #tpu.memory_space<semaphore_mem>>)
        %dma_start3A_1345 = tpu.memref_slice %arg9[%mul3A_1340] : memref<1024xi32, #tpu.memory_space<vmem>> -> memref<16xi32, #tpu.memory_space<vmem>>
        %dma_start3A_1346 = arith.constant 0 : i32
        %dma_start3A_1347 = arith.constant 0 : i32
        %dma_start3A_1348 = tpu.memref_slice %arg5[%dma_start3A_1346, %dma_start3A_1347] : memref<8192x768xf32, #tpu.memory_space<hbm>> -> memref<8192x768xf32, #tpu.memory_space<hbm>>
        tpu.enqueue_indirect_dma source(%dma_start3A_1348 : memref<8192x768xf32, #tpu.memory_space<hbm>>) target(%arg14 : memref<16x768xf32, #tpu.memory_space<vmem>>) offsets(%dma_start3A_1345 : memref<16xi32, #tpu.memory_space<vmem>>) semaphore(%arg23 : memref<!tpu.dma_semaphore, #tpu.memory_space<semaphore_mem>>)
      } else {
      }
      %mul3A_1004 = arith.constant 2 : i32
      %mul3A_1005 = arith.muli %mul3A_1004, %scan3A_676 : i32
      %add3A_1006 = arith.constant 2 : i32
      %add3A_1007 = arith.addi %mul3A_1005, %add3A_1006 : i32
      %mul3A_1008 = arith.constant 16 : i32
      %mul3A_1009 = arith.muli %add3A_1007, %mul3A_1008 : i32
      %mul3A_1010 = arith.constant 16 : i32
      %mul3A_1011 = arith.muli %add3A_1007, %mul3A_1010 : i32
      %dma_wait3A_1012 = tpu.memref_slice %arg8[%mul3A_1009] : memref<1024xi32, #tpu.memory_space<vmem>> -> memref<16xi32, #tpu.memory_space<vmem>>
      %dma_wait3A_1013 = arith.constant 0 : i32
      %dma_wait3A_1014 = arith.constant 0 : i32
      %dma_wait3A_1015 = tpu.memref_slice %arg4[%dma_wait3A_1013, %dma_wait3A_1014] : memref<30522x768xf32, #tpu.memory_space<hbm>> -> memref<30522x768xf32, #tpu.memory_space<hbm>>
      tpu.wait_indirect_dma semaphore(%arg20 : memref<!tpu.dma_semaphore, #tpu.memory_space<semaphore_mem>>) src(%dma_wait3A_1015 : memref<30522x768xf32, #tpu.memory_space<hbm>>) dst(%arg11 : memref<16x768xf32, #tpu.memory_space<vmem>>)
      %dma_wait3A_1016 = tpu.memref_slice %arg9[%mul3A_1011] : memref<1024xi32, #tpu.memory_space<vmem>> -> memref<16xi32, #tpu.memory_space<vmem>>
      %dma_wait3A_1017 = arith.constant 0 : i32
      %dma_wait3A_1018 = arith.constant 0 : i32
      %dma_wait3A_1019 = tpu.memref_slice %arg5[%dma_wait3A_1017, %dma_wait3A_1018] : memref<8192x768xf32, #tpu.memory_space<hbm>> -> memref<8192x768xf32, #tpu.memory_space<hbm>>
      tpu.wait_indirect_dma semaphore(%arg22 : memref<!tpu.dma_semaphore, #tpu.memory_space<semaphore_mem>>) src(%dma_wait3A_1019 : memref<8192x768xf32, #tpu.memory_space<hbm>>) dst(%arg13 : memref<16x768xf32, #tpu.memory_space<vmem>>)
      %ge3A_1020 = arith.constant 3 : i32
      %ge3A_1021 = arith.cmpi sge, %add3A_1007, %ge3A_1020 : i32
      %convert_element_type3A_1022 = arith.extui %ge3A_1021 : i1 to i32
      %cond3A_1023 = arith.constant 0 : i32
      %cond3A_1024 = arith.cmpi ne, %convert_element_type3A_1022, %cond3A_1023 : i32
      scf.if %cond3A_1024 {
        %sub3A_1335 = arith.constant 3 : i32
        %sub3A_1336 = arith.subi %add3A_1007, %sub3A_1335 : i32
        %mul3A_1337 = arith.constant 16 : i32
        %mul3A_1338 = arith.muli %sub3A_1336, %mul3A_1337 : i32
        %add3A_1339 = arith.addi %mul3A_2, %mul3A_1338 : i32
        %dma_wait3A_1340 = arith.constant 0 : i32
        %dma_wait3A_1341 = tpu.memref_slice %arg7[%add3A_1339, %dma_wait3A_1340] : memref<32768x768xf32, #tpu.memory_space<hbm>> -> memref<16x768xf32, #tpu.memory_space<hbm>>
        %dma_wait3A_1342 = arith.constant 0 : i32
        %dma_wait3A_1343 = tpu.memref_slice %arg7[%add3A_1339, %dma_wait3A_1342] : memref<32768x768xf32, #tpu.memory_space<hbm>> -> memref<16x768xf32, #tpu.memory_space<hbm>>
        tpu.wait_dma2 semaphore(%arg25 : memref<!tpu.dma_semaphore, #tpu.memory_space<semaphore_mem>>) src(%arg16 : memref<16x768xf32, #tpu.memory_space<vmem>>) dst(%dma_wait3A_1343 : memref<16x768xf32, #tpu.memory_space<hbm>>)
      } else {
      }
      %get3A_1025 = arith.constant 0 : index
      %get3A_1026 = tpu.vector_load %arg19[%get3A_1025] {strides = array<i32>} : memref<16xf32, #tpu.memory_space<vmem>>, vector<16xf32>,
      %get3A_1027 = vector.shape_cast %get3A_1026 : vector<16xf32> to vector<16xf32>
      %scan3A_1028 = arith.constant 0 : i32
      %scan3A_1029 = arith.constant 48 : i32
      %scan3A_1030 = arith.addi %scan3A_1028, %scan3A_1029 : i32
      %scan3A_1031 = arith.constant 1 : i32
      %scan3A_1032:16 = scf.for %scan3A_1335 = %scan3A_1028 to %scan3A_1030 step %scan3A_1031 iter_args(%scan3A_1336 = %broadcast_in_dim3A_22, %scan3A_1337 = %broadcast_in_dim3A_22, %scan3A_1338 = %broadcast_in_dim3A_22, %scan3A_1339 = %broadcast_in_dim3A_22, %scan3A_1340 = %broadcast_in_dim3A_22, %scan3A_1341 = %broadcast_in_dim3A_22, %scan3A_1342 = %broadcast_in_dim3A_22, %scan3A_1343 = %broadcast_in_dim3A_22, %scan3A_1344 = %broadcast_in_dim3A_22, %scan3A_1345 = %broadcast_in_dim3A_22, %scan3A_1346 = %broadcast_in_dim3A_22, %scan3A_1347 = %broadcast_in_dim3A_22, %scan3A_1348 = %broadcast_in_dim3A_22, %scan3A_1349 = %broadcast_in_dim3A_22, %scan3A_1350 = %broadcast_in_dim3A_22, %scan3A_1351 = %broadcast_in_dim3A_22) -> (vector<16xf32>, vector<16xf32>, vector<16xf32>, vector<16xf32>, vector<16xf32>, vector<16xf32>, vector<16xf32>, vector<16xf32>, vector<16xf32>, vector<16xf32>, vector<16xf32>, vector<16xf32>, vector<16xf32>, vector<16xf32>, vector<16xf32>, vector<16xf32>)  : i32 {
        %mul3A_1352 = arith.constant 16 : i32
        %mul3A_1353 = arith.muli %scan3A_1335, %mul3A_1352 : i32
        %get3A_1354 = arith.index_cast %mul3A_1353 : i32 to index
        %get3A_1355 = tpu.vector_load %arg10[%get3A_1354] {strides = array<i32>} : memref<768xf32, #tpu.memory_space<vmem>>, vector<16xf32>,
        %get3A_1356 = vector.shape_cast %get3A_1355 : vector<16xf32> to vector<16xf32>
        %get3A_1357 = arith.constant 0 : i32
        %get3A_1358 = arith.index_cast %get3A_1357 : i32 to index
        %get3A_1359 = arith.index_cast %mul3A_1353 : i32 to index
        %get3A_1360 = tpu.vector_load %arg11[%get3A_1358, %get3A_1359] {strides = array<i32>} : memref<16x768xf32, #tpu.memory_space<vmem>>, vector<1x16xf32>,
        %get3A_1361 = vector.shape_cast %get3A_1360 : vector<1x16xf32> to vector<16xf32>
        %get3A_1362 = arith.constant 0 : i32
        %get3A_1363 = arith.index_cast %get3A_1362 : i32 to index
        %get3A_1364 = arith.index_cast %mul3A_1353 : i32 to index
        %get3A_1365 = tpu.vector_load %arg13[%get3A_1363, %get3A_1364] {strides = array<i32>} : memref<16x768xf32, #tpu.memory_space<vmem>>, vector<1x16xf32>,
        %get3A_1366 = vector.shape_cast %get3A_1365 : vector<1x16xf32> to vector<16xf32>
        %add3A_1367 = arith.addf %get3A_1361, %get3A_1366 : vector<16xf32>
        %swap3A_1368 = arith.constant 0 : i32
        %swap3A_1369 = arith.index_cast %swap3A_1368 : i32 to index
        %swap3A_1370 = arith.index_cast %mul3A_1353 : i32 to index
        %swap3A_1371 = tpu.vector_load %arg17[%swap3A_1369, %swap3A_1370] {strides = array<i32>} : memref<16x768xf32, #tpu.memory_space<vmem>>, vector<1x16xf32>,
        %swap3A_1372 = vector.shape_cast %swap3A_1371 : vector<1x16xf32> to vector<16xf32>
        %swap3A_1373 = vector.shape_cast %add3A_1367 : vector<16xf32> to vector<1x16xf32>
        tpu.vector_store %arg17[%swap3A_1369, %swap3A_1370], %swap3A_1373 {strides = array<i32>} : memref<16x768xf32, #tpu.memory_space<vmem>>, vector<1x16xf32>,
        %mul3A_1374 = arith.mulf %add3A_1367, %add3A_1367 : vector<16xf32>
        %add3A_1375 = arith.addf %scan3A_1336, %mul3A_1374 : vector<16xf32>
        %get3A_1376 = arith.constant 0 : i32
        %get3A_1377 = arith.index_cast %get3A_1376 : i32 to index
        %get3A_1378 = arith.index_cast %mul3A_1353 : i32 to index
        %get3A_1379 = tpu.vector_load %arg18[%get3A_1377, %get3A_1378] {strides = array<i32>} : memref<16x768xf32, #tpu.memory_space<vmem>>, vector<1x16xf32>,
        %get3A_1380 = vector.shape_cast %get3A_1379 : vector<1x16xf32> to vector<16xf32>
        %slice3A = vector.extract_strided_slice %get3A_1027 {offsets = [0], sizes = [1], strides = [1]} : vector<16xf32> to vector<1xf32>
        %squeeze3A = vector.extract %slice3A[0] : f32 from vector<1xf32>
        %broadcast_in_dim3A_1381 = vector.broadcast %squeeze3A : f32 to vector<16xf32>
        %mul3A_1382 = arith.mulf %get3A_1380, %broadcast_in_dim3A_1381 : vector<16xf32>
        %mul3A_1383 = arith.mulf %mul3A_1382, %get3A_1356 : vector<16xf32>
        %swap3A_1384 = arith.constant 0 : i32
        %swap3A_1385 = arith.index_cast %swap3A_1384 : i32 to index
        %swap3A_1386 = arith.index_cast %mul3A_1353 : i32 to index
        %swap3A_1387 = tpu.vector_load %arg16[%swap3A_1385, %swap3A_1386] {strides = array<i32>} : memref<16x768xf32, #tpu.memory_space<vmem>>, vector<1x16xf32>,
        %swap3A_1388 = vector.shape_cast %swap3A_1387 : vector<1x16xf32> to vector<16xf32>
        %swap3A_1389 = vector.shape_cast %mul3A_1383 : vector<16xf32> to vector<1x16xf32>
        tpu.vector_store %arg16[%swap3A_1385, %swap3A_1386], %swap3A_1389 {strides = array<i32>} : memref<16x768xf32, #tpu.memory_space<vmem>>, vector<1x16xf32>,
        %get3A_1390 = arith.constant 1 : i32
        %get3A_1391 = arith.index_cast %get3A_1390 : i32 to index
        %get3A_1392 = arith.index_cast %mul3A_1353 : i32 to index
        %get3A_1393 = tpu.vector_load %arg11[%get3A_1391, %get3A_1392] {strides = array<i32>} : memref<16x768xf32, #tpu.memory_space<vmem>>, vector<1x16xf32>,
        %get3A_1394 = vector.shape_cast %get3A_1393 : vector<1x16xf32> to vector<16xf32>
        %get3A_1395 = arith.constant 1 : i32
        %get3A_1396 = arith.index_cast %get3A_1395 : i32 to index
        %get3A_1397 = arith.index_cast %mul3A_1353 : i32 to index
        %get3A_1398 = tpu.vector_load %arg13[%get3A_1396, %get3A_1397] {strides = array<i32>} : memref<16x768xf32, #tpu.memory_space<vmem>>, vector<1x16xf32>,
        %get3A_1399 = vector.shape_cast %get3A_1398 : vector<1x16xf32> to vector<16xf32>
        %add3A_1400 = arith.addf %get3A_1394, %get3A_1399 : vector<16xf32>
        %swap3A_1401 = arith.constant 1 : i32
        %swap3A_1402 = arith.index_cast %swap3A_1401 : i32 to index
        %swap3A_1403 = arith.index_cast %mul3A_1353 : i32 to index
        %swap3A_1404 = tpu.vector_load %arg17[%swap3A_1402, %swap3A_1403] {strides = array<i32>} : memref<16x768xf32, #tpu.memory_space<vmem>>, vector<1x16xf32>,
        %swap3A_1405 = vector.shape_cast %swap3A_1404 : vector<1x16xf32> to vector<16xf32>
        %swap3A_1406 = vector.shape_cast %add3A_1400 : vector<16xf32> to vector<1x16xf32>
        tpu.vector_store %arg17[%swap3A_1402, %swap3A_1403], %swap3A_1406 {strides = array<i32>} : memref<16x768xf32, #tpu.memory_space<vmem>>, vector<1x16xf32>,
        %mul3A_1407 = arith.mulf %add3A_1400, %add3A_1400 : vector<16xf32>
        %add3A_1408 = arith.addf %scan3A_1337, %mul3A_1407 : vector<16xf32>
        %get3A_1409 = arith.constant 1 : i32
        %get3A_1410 = arith.index_cast %get3A_1409 : i32 to index
        %get3A_1411 = arith.index_cast %mul3A_1353 : i32 to index
        %get3A_1412 = tpu.vector_load %arg18[%get3A_1410, %get3A_1411] {strides = array<i32>} : memref<16x768xf32, #tpu.memory_space<vmem>>, vector<1x16xf32>,
        %get3A_1413 = vector.shape_cast %get3A_1412 : vector<1x16xf32> to vector<16xf32>
        %slice3A_1414 = vector.extract_strided_slice %get3A_1027 {offsets = [1], sizes = [1], strides = [1]} : vector<16xf32> to vector<1xf32>
        %squeeze3A_1415 = vector.extract %slice3A_1414[0] : f32 from vector<1xf32>
        %broadcast_in_dim3A_1416 = vector.broadcast %squeeze3A_1415 : f32 to vector<16xf32>
        %mul3A_1417 = arith.mulf %get3A_1413, %broadcast_in_dim3A_1416 : vector<16xf32>
        %mul3A_1418 = arith.mulf %mul3A_1417, %get3A_1356 : vector<16xf32>
        %swap3A_1419 = arith.constant 1 : i32
        %swap3A_1420 = arith.index_cast %swap3A_1419 : i32 to index
        %swap3A_1421 = arith.index_cast %mul3A_1353 : i32 to index
        %swap3A_1422 = tpu.vector_load %arg16[%swap3A_1420, %swap3A_1421] {strides = array<i32>} : memref<16x768xf32, #tpu.memory_space<vmem>>, vector<1x16xf32>,
        %swap3A_1423 = vector.shape_cast %swap3A_1422 : vector<1x16xf32> to vector<16xf32>
        %swap3A_1424 = vector.shape_cast %mul3A_1418 : vector<16xf32> to vector<1x16xf32>
        tpu.vector_store %arg16[%swap3A_1420, %swap3A_1421], %swap3A_1424 {strides = array<i32>} : memref<16x768xf32, #tpu.memory_space<vmem>>, vector<1x16xf32>,
        %get3A_1425 = arith.constant 2 : i32
        %get3A_1426 = arith.index_cast %get3A_1425 : i32 to index
        %get3A_1427 = arith.index_cast %mul3A_1353 : i32 to index
        %get3A_1428 = tpu.vector_load %arg11[%get3A_1426, %get3A_1427] {strides = array<i32>} : memref<16x768xf32, #tpu.memory_space<vmem>>, vector<1x16xf32>,
        %get3A_1429 = vector.shape_cast %get3A_1428 : vector<1x16xf32> to vector<16xf32>
        %get3A_1430 = arith.constant 2 : i32
        %get3A_1431 = arith.index_cast %get3A_1430 : i32 to index
        %get3A_1432 = arith.index_cast %mul3A_1353 : i32 to index
        %get3A_1433 = tpu.vector_load %arg13[%get3A_1431, %get3A_1432] {strides = array<i32>} : memref<16x768xf32, #tpu.memory_space<vmem>>, vector<1x16xf32>,
        %get3A_1434 = vector.shape_cast %get3A_1433 : vector<1x16xf32> to vector<16xf32>
        %add3A_1435 = arith.addf %get3A_1429, %get3A_1434 : vector<16xf32>
        %swap3A_1436 = arith.constant 2 : i32
        %swap3A_1437 = arith.index_cast %swap3A_1436 : i32 to index
        %swap3A_1438 = arith.index_cast %mul3A_1353 : i32 to index
        %swap3A_1439 = tpu.vector_load %arg17[%swap3A_1437, %swap3A_1438] {strides = array<i32>} : memref<16x768xf32, #tpu.memory_space<vmem>>, vector<1x16xf32>,
        %swap3A_1440 = vector.shape_cast %swap3A_1439 : vector<1x16xf32> to vector<16xf32>
        %swap3A_1441 = vector.shape_cast %add3A_1435 : vector<16xf32> to vector<1x16xf32>
        tpu.vector_store %arg17[%swap3A_1437, %swap3A_1438], %swap3A_1441 {strides = array<i32>} : memref<16x768xf32, #tpu.memory_space<vmem>>, vector<1x16xf32>,
        %mul3A_1442 = arith.mulf %add3A_1435, %add3A_1435 : vector<16xf32>
        %add3A_1443 = arith.addf %scan3A_1338, %mul3A_1442 : vector<16xf32>
        %get3A_1444 = arith.constant 2 : i32
        %get3A_1445 = arith.index_cast %get3A_1444 : i32 to index
        %get3A_1446 = arith.index_cast %mul3A_1353 : i32 to index
        %get3A_1447 = tpu.vector_load %arg18[%get3A_1445, %get3A_1446] {strides = array<i32>} : memref<16x768xf32, #tpu.memory_space<vmem>>, vector<1x16xf32>,
        %get3A_1448 = vector.shape_cast %get3A_1447 : vector<1x16xf32> to vector<16xf32>
        %slice3A_1449 = vector.extract_strided_slice %get3A_1027 {offsets = [2], sizes = [1], strides = [1]} : vector<16xf32> to vector<1xf32>
        %squeeze3A_1450 = vector.extract %slice3A_1449[0] : f32 from vector<1xf32>
        %broadcast_in_dim3A_1451 = vector.broadcast %squeeze3A_1450 : f32 to vector<16xf32>
        %mul3A_1452 = arith.mulf %get3A_1448, %broadcast_in_dim3A_1451 : vector<16xf32>
        %mul3A_1453 = arith.mulf %mul3A_1452, %get3A_1356 : vector<16xf32>
        %swap3A_1454 = arith.constant 2 : i32
        %swap3A_1455 = arith.index_cast %swap3A_1454 : i32 to index
        %swap3A_1456 = arith.index_cast %mul3A_1353 : i32 to index
        %swap3A_1457 = tpu.vector_load %arg16[%swap3A_1455, %swap3A_1456] {strides = array<i32>} : memref<16x768xf32, #tpu.memory_space<vmem>>, vector<1x16xf32>,
        %swap3A_1458 = vector.shape_cast %swap3A_1457 : vector<1x16xf32> to vector<16xf32>
        %swap3A_1459 = vector.shape_cast %mul3A_1453 : vector<16xf32> to vector<1x16xf32>
        tpu.vector_store %arg16[%swap3A_1455, %swap3A_1456], %swap3A_1459 {strides = array<i32>} : memref<16x768xf32, #tpu.memory_space<vmem>>, vector<1x16xf32>,
        %get3A_1460 = arith.constant 3 : i32
        %get3A_1461 = arith.index_cast %get3A_1460 : i32 to index
        %get3A_1462 = arith.index_cast %mul3A_1353 : i32 to index
        %get3A_1463 = tpu.vector_load %arg11[%get3A_1461, %get3A_1462] {strides = array<i32>} : memref<16x768xf32, #tpu.memory_space<vmem>>, vector<1x16xf32>,
        %get3A_1464 = vector.shape_cast %get3A_1463 : vector<1x16xf32> to vector<16xf32>
        %get3A_1465 = arith.constant 3 : i32
        %get3A_1466 = arith.index_cast %get3A_1465 : i32 to index
        %get3A_1467 = arith.index_cast %mul3A_1353 : i32 to index
        %get3A_1468 = tpu.vector_load %arg13[%get3A_1466, %get3A_1467] {strides = array<i32>} : memref<16x768xf32, #tpu.memory_space<vmem>>, vector<1x16xf32>,
        %get3A_1469 = vector.shape_cast %get3A_1468 : vector<1x16xf32> to vector<16xf32>
        %add3A_1470 = arith.addf %get3A_1464, %get3A_1469 : vector<16xf32>
        %swap3A_1471 = arith.constant 3 : i32
        %swap3A_1472 = arith.index_cast %swap3A_1471 : i32 to index
        %swap3A_1473 = arith.index_cast %mul3A_1353 : i32 to index
        %swap3A_1474 = tpu.vector_load %arg17[%swap3A_1472, %swap3A_1473] {strides = array<i32>} : memref<16x768xf32, #tpu.memory_space<vmem>>, vector<1x16xf32>,
        %swap3A_1475 = vector.shape_cast %swap3A_1474 : vector<1x16xf32> to vector<16xf32>
        %swap3A_1476 = vector.shape_cast %add3A_1470 : vector<16xf32> to vector<1x16xf32>
        tpu.vector_store %arg17[%swap3A_1472, %swap3A_1473], %swap3A_1476 {strides = array<i32>} : memref<16x768xf32, #tpu.memory_space<vmem>>, vector<1x16xf32>,
        %mul3A_1477 = arith.mulf %add3A_1470, %add3A_1470 : vector<16xf32>
        %add3A_1478 = arith.addf %scan3A_1339, %mul3A_1477 : vector<16xf32>
        %get3A_1479 = arith.constant 3 : i32
        %get3A_1480 = arith.index_cast %get3A_1479 : i32 to index
        %get3A_1481 = arith.index_cast %mul3A_1353 : i32 to index
        %get3A_1482 = tpu.vector_load %arg18[%get3A_1480, %get3A_1481] {strides = array<i32>} : memref<16x768xf32, #tpu.memory_space<vmem>>, vector<1x16xf32>,
        %get3A_1483 = vector.shape_cast %get3A_1482 : vector<1x16xf32> to vector<16xf32>
        %slice3A_1484 = vector.extract_strided_slice %get3A_1027 {offsets = [3], sizes = [1], strides = [1]} : vector<16xf32> to vector<1xf32>
        %squeeze3A_1485 = vector.extract %slice3A_1484[0] : f32 from vector<1xf32>
        %broadcast_in_dim3A_1486 = vector.broadcast %squeeze3A_1485 : f32 to vector<16xf32>
        %mul3A_1487 = arith.mulf %get3A_1483, %broadcast_in_dim3A_1486 : vector<16xf32>
        %mul3A_1488 = arith.mulf %mul3A_1487, %get3A_1356 : vector<16xf32>
        %swap3A_1489 = arith.constant 3 : i32
        %swap3A_1490 = arith.index_cast %swap3A_1489 : i32 to index
        %swap3A_1491 = arith.index_cast %mul3A_1353 : i32 to index
        %swap3A_1492 = tpu.vector_load %arg16[%swap3A_1490, %swap3A_1491] {strides = array<i32>} : memref<16x768xf32, #tpu.memory_space<vmem>>, vector<1x16xf32>,
        %swap3A_1493 = vector.shape_cast %swap3A_1492 : vector<1x16xf32> to vector<16xf32>
        %swap3A_1494 = vector.shape_cast %mul3A_1488 : vector<16xf32> to vector<1x16xf32>
        tpu.vector_store %arg16[%swap3A_1490, %swap3A_1491], %swap3A_1494 {strides = array<i32>} : memref<16x768xf32, #tpu.memory_space<vmem>>, vector<1x16xf32>,
        %get3A_1495 = arith.constant 4 : i32
        %get3A_1496 = arith.index_cast %get3A_1495 : i32 to index
        %get3A_1497 = arith.index_cast %mul3A_1353 : i32 to index
        %get3A_1498 = tpu.vector_load %arg11[%get3A_1496, %get3A_1497] {strides = array<i32>} : memref<16x768xf32, #tpu.memory_space<vmem>>, vector<1x16xf32>,
        %get3A_1499 = vector.shape_cast %get3A_1498 : vector<1x16xf32> to vector<16xf32>
        %get3A_1500 = arith.constant 4 : i32
        %get3A_1501 = arith.index_cast %get3A_1500 : i32 to index
        %get3A_1502 = arith.index_cast %mul3A_1353 : i32 to index
        %get3A_1503 = tpu.vector_load %arg13[%get3A_1501, %get3A_1502] {strides = array<i32>} : memref<16x768xf32, #tpu.memory_space<vmem>>, vector<1x16xf32>,
        %get3A_1504 = vector.shape_cast %get3A_1503 : vector<1x16xf32> to vector<16xf32>
        %add3A_1505 = arith.addf %get3A_1499, %get3A_1504 : vector<16xf32>
        %swap3A_1506 = arith.constant 4 : i32
        %swap3A_1507 = arith.index_cast %swap3A_1506 : i32 to index
        %swap3A_1508 = arith.index_cast %mul3A_1353 : i32 to index
        %swap3A_1509 = tpu.vector_load %arg17[%swap3A_1507, %swap3A_1508] {strides = array<i32>} : memref<16x768xf32, #tpu.memory_space<vmem>>, vector<1x16xf32>,
        %swap3A_1510 = vector.shape_cast %swap3A_1509 : vector<1x16xf32> to vector<16xf32>
        %swap3A_1511 = vector.shape_cast %add3A_1505 : vector<16xf32> to vector<1x16xf32>
        tpu.vector_store %arg17[%swap3A_1507, %swap3A_1508], %swap3A_1511 {strides = array<i32>} : memref<16x768xf32, #tpu.memory_space<vmem>>, vector<1x16xf32>,
        %mul3A_1512 = arith.mulf %add3A_1505, %add3A_1505 : vector<16xf32>
        %add3A_1513 = arith.addf %scan3A_1340, %mul3A_1512 : vector<16xf32>
        %get3A_1514 = arith.constant 4 : i32
        %get3A_1515 = arith.index_cast %get3A_1514 : i32 to index
        %get3A_1516 = arith.index_cast %mul3A_1353 : i32 to index
        %get3A_1517 = tpu.vector_load %arg18[%get3A_1515, %get3A_1516] {strides = array<i32>} : memref<16x768xf32, #tpu.memory_space<vmem>>, vector<1x16xf32>,
        %get3A_1518 = vector.shape_cast %get3A_1517 : vector<1x16xf32> to vector<16xf32>
        %slice3A_1519 = vector.extract_strided_slice %get3A_1027 {offsets = [4], sizes = [1], strides = [1]} : vector<16xf32> to vector<1xf32>
        %squeeze3A_1520 = vector.extract %slice3A_1519[0] : f32 from vector<1xf32>
        %broadcast_in_dim3A_1521 = vector.broadcast %squeeze3A_1520 : f32 to vector<16xf32>
        %mul3A_1522 = arith.mulf %get3A_1518, %broadcast_in_dim3A_1521 : vector<16xf32>
        %mul3A_1523 = arith.mulf %mul3A_1522, %get3A_1356 : vector<16xf32>
        %swap3A_1524 = arith.constant 4 : i32
        %swap3A_1525 = arith.index_cast %swap3A_1524 : i32 to index
        %swap3A_1526 = arith.index_cast %mul3A_1353 : i32 to index
        %swap3A_1527 = tpu.vector_load %arg16[%swap3A_1525, %swap3A_1526] {strides = array<i32>} : memref<16x768xf32, #tpu.memory_space<vmem>>, vector<1x16xf32>,
        %swap3A_1528 = vector.shape_cast %swap3A_1527 : vector<1x16xf32> to vector<16xf32>
        %swap3A_1529 = vector.shape_cast %mul3A_1523 : vector<16xf32> to vector<1x16xf32>
        tpu.vector_store %arg16[%swap3A_1525, %swap3A_1526], %swap3A_1529 {strides = array<i32>} : memref<16x768xf32, #tpu.memory_space<vmem>>, vector<1x16xf32>,
        %get3A_1530 = arith.constant 5 : i32
        %get3A_1531 = arith.index_cast %get3A_1530 : i32 to index
        %get3A_1532 = arith.index_cast %mul3A_1353 : i32 to index
        %get3A_1533 = tpu.vector_load %arg11[%get3A_1531, %get3A_1532] {strides = array<i32>} : memref<16x768xf32, #tpu.memory_space<vmem>>, vector<1x16xf32>,
        %get3A_1534 = vector.shape_cast %get3A_1533 : vector<1x16xf32> to vector<16xf32>
        %get3A_1535 = arith.constant 5 : i32
        %get3A_1536 = arith.index_cast %get3A_1535 : i32 to index
        %get3A_1537 = arith.index_cast %mul3A_1353 : i32 to index
        %get3A_1538 = tpu.vector_load %arg13[%get3A_1536, %get3A_1537] {strides = array<i32>} : memref<16x768xf32, #tpu.memory_space<vmem>>, vector<1x16xf32>,
        %get3A_1539 = vector.shape_cast %get3A_1538 : vector<1x16xf32> to vector<16xf32>
        %add3A_1540 = arith.addf %get3A_1534, %get3A_1539 : vector<16xf32>
        %swap3A_1541 = arith.constant 5 : i32
        %swap3A_1542 = arith.index_cast %swap3A_1541 : i32 to index
        %swap3A_1543 = arith.index_cast %mul3A_1353 : i32 to index
        %swap3A_1544 = tpu.vector_load %arg17[%swap3A_1542, %swap3A_1543] {strides = array<i32>} : memref<16x768xf32, #tpu.memory_space<vmem>>, vector<1x16xf32>,
        %swap3A_1545 = vector.shape_cast %swap3A_1544 : vector<1x16xf32> to vector<16xf32>
        %swap3A_1546 = vector.shape_cast %add3A_1540 : vector<16xf32> to vector<1x16xf32>
        tpu.vector_store %arg17[%swap3A_1542, %swap3A_1543], %swap3A_1546 {strides = array<i32>} : memref<16x768xf32, #tpu.memory_space<vmem>>, vector<1x16xf32>,
        %mul3A_1547 = arith.mulf %add3A_1540, %add3A_1540 : vector<16xf32>
        %add3A_1548 = arith.addf %scan3A_1341, %mul3A_1547 : vector<16xf32>
        %get3A_1549 = arith.constant 5 : i32
        %get3A_1550 = arith.index_cast %get3A_1549 : i32 to index
        %get3A_1551 = arith.index_cast %mul3A_1353 : i32 to index
        %get3A_1552 = tpu.vector_load %arg18[%get3A_1550, %get3A_1551] {strides = array<i32>} : memref<16x768xf32, #tpu.memory_space<vmem>>, vector<1x16xf32>,
        %get3A_1553 = vector.shape_cast %get3A_1552 : vector<1x16xf32> to vector<16xf32>
        %slice3A_1554 = vector.extract_strided_slice %get3A_1027 {offsets = [5], sizes = [1], strides = [1]} : vector<16xf32> to vector<1xf32>
        %squeeze3A_1555 = vector.extract %slice3A_1554[0] : f32 from vector<1xf32>
        %broadcast_in_dim3A_1556 = vector.broadcast %squeeze3A_1555 : f32 to vector<16xf32>
        %mul3A_1557 = arith.mulf %get3A_1553, %broadcast_in_dim3A_1556 : vector<16xf32>
        %mul3A_1558 = arith.mulf %mul3A_1557, %get3A_1356 : vector<16xf32>
        %swap3A_1559 = arith.constant 5 : i32
        %swap3A_1560 = arith.index_cast %swap3A_1559 : i32 to index
        %swap3A_1561 = arith.index_cast %mul3A_1353 : i32 to index
        %swap3A_1562 = tpu.vector_load %arg16[%swap3A_1560, %swap3A_1561] {strides = array<i32>} : memref<16x768xf32, #tpu.memory_space<vmem>>, vector<1x16xf32>,
        %swap3A_1563 = vector.shape_cast %swap3A_1562 : vector<1x16xf32> to vector<16xf32>
        %swap3A_1564 = vector.shape_cast %mul3A_1558 : vector<16xf32> to vector<1x16xf32>
        tpu.vector_store %arg16[%swap3A_1560, %swap3A_1561], %swap3A_1564 {strides = array<i32>} : memref<16x768xf32, #tpu.memory_space<vmem>>, vector<1x16xf32>,
        %get3A_1565 = arith.constant 6 : i32
        %get3A_1566 = arith.index_cast %get3A_1565 : i32 to index
        %get3A_1567 = arith.index_cast %mul3A_1353 : i32 to index
        %get3A_1568 = tpu.vector_load %arg11[%get3A_1566, %get3A_1567] {strides = array<i32>} : memref<16x768xf32, #tpu.memory_space<vmem>>, vector<1x16xf32>,
        %get3A_1569 = vector.shape_cast %get3A_1568 : vector<1x16xf32> to vector<16xf32>
        %get3A_1570 = arith.constant 6 : i32
        %get3A_1571 = arith.index_cast %get3A_1570 : i32 to index
        %get3A_1572 = arith.index_cast %mul3A_1353 : i32 to index
        %get3A_1573 = tpu.vector_load %arg13[%get3A_1571, %get3A_1572] {strides = array<i32>} : memref<16x768xf32, #tpu.memory_space<vmem>>, vector<1x16xf32>,
        %get3A_1574 = vector.shape_cast %get3A_1573 : vector<1x16xf32> to vector<16xf32>
        %add3A_1575 = arith.addf %get3A_1569, %get3A_1574 : vector<16xf32>
        %swap3A_1576 = arith.constant 6 : i32
        %swap3A_1577 = arith.index_cast %swap3A_1576 : i32 to index
        %swap3A_1578 = arith.index_cast %mul3A_1353 : i32 to index
        %swap3A_1579 = tpu.vector_load %arg17[%swap3A_1577, %swap3A_1578] {strides = array<i32>} : memref<16x768xf32, #tpu.memory_space<vmem>>, vector<1x16xf32>,
        %swap3A_1580 = vector.shape_cast %swap3A_1579 : vector<1x16xf32> to vector<16xf32>
        %swap3A_1581 = vector.shape_cast %add3A_1575 : vector<16xf32> to vector<1x16xf32>
        tpu.vector_store %arg17[%swap3A_1577, %swap3A_1578], %swap3A_1581 {strides = array<i32>} : memref<16x768xf32, #tpu.memory_space<vmem>>, vector<1x16xf32>,
        %mul3A_1582 = arith.mulf %add3A_1575, %add3A_1575 : vector<16xf32>
        %add3A_1583 = arith.addf %scan3A_1342, %mul3A_1582 : vector<16xf32>
        %get3A_1584 = arith.constant 6 : i32
        %get3A_1585 = arith.index_cast %get3A_1584 : i32 to index
        %get3A_1586 = arith.index_cast %mul3A_1353 : i32 to index
        %get3A_1587 = tpu.vector_load %arg18[%get3A_1585, %get3A_1586] {strides = array<i32>} : memref<16x768xf32, #tpu.memory_space<vmem>>, vector<1x16xf32>,
        %get3A_1588 = vector.shape_cast %get3A_1587 : vector<1x16xf32> to vector<16xf32>
        %slice3A_1589 = vector.extract_strided_slice %get3A_1027 {offsets = [6], sizes = [1], strides = [1]} : vector<16xf32> to vector<1xf32>
        %squeeze3A_1590 = vector.extract %slice3A_1589[0] : f32 from vector<1xf32>
        %broadcast_in_dim3A_1591 = vector.broadcast %squeeze3A_1590 : f32 to vector<16xf32>
        %mul3A_1592 = arith.mulf %get3A_1588, %broadcast_in_dim3A_1591 : vector<16xf32>
        %mul3A_1593 = arith.mulf %mul3A_1592, %get3A_1356 : vector<16xf32>
        %swap3A_1594 = arith.constant 6 : i32
        %swap3A_1595 = arith.index_cast %swap3A_1594 : i32 to index
        %swap3A_1596 = arith.index_cast %mul3A_1353 : i32 to index
        %swap3A_1597 = tpu.vector_load %arg16[%swap3A_1595, %swap3A_1596] {strides = array<i32>} : memref<16x768xf32, #tpu.memory_space<vmem>>, vector<1x16xf32>,
        %swap3A_1598 = vector.shape_cast %swap3A_1597 : vector<1x16xf32> to vector<16xf32>
        %swap3A_1599 = vector.shape_cast %mul3A_1593 : vector<16xf32> to vector<1x16xf32>
        tpu.vector_store %arg16[%swap3A_1595, %swap3A_1596], %swap3A_1599 {strides = array<i32>} : memref<16x768xf32, #tpu.memory_space<vmem>>, vector<1x16xf32>,
        %get3A_1600 = arith.constant 7 : i32
        %get3A_1601 = arith.index_cast %get3A_1600 : i32 to index
        %get3A_1602 = arith.index_cast %mul3A_1353 : i32 to index
        %get3A_1603 = tpu.vector_load %arg11[%get3A_1601, %get3A_1602] {strides = array<i32>} : memref<16x768xf32, #tpu.memory_space<vmem>>, vector<1x16xf32>,
        %get3A_1604 = vector.shape_cast %get3A_1603 : vector<1x16xf32> to vector<16xf32>
        %get3A_1605 = arith.constant 7 : i32
        %get3A_1606 = arith.index_cast %get3A_1605 : i32 to index
        %get3A_1607 = arith.index_cast %mul3A_1353 : i32 to index
        %get3A_1608 = tpu.vector_load %arg13[%get3A_1606, %get3A_1607] {strides = array<i32>} : memref<16x768xf32, #tpu.memory_space<vmem>>, vector<1x16xf32>,
        %get3A_1609 = vector.shape_cast %get3A_1608 : vector<1x16xf32> to vector<16xf32>
        %add3A_1610 = arith.addf %get3A_1604, %get3A_1609 : vector<16xf32>
        %swap3A_1611 = arith.constant 7 : i32
        %swap3A_1612 = arith.index_cast %swap3A_1611 : i32 to index
        %swap3A_1613 = arith.index_cast %mul3A_1353 : i32 to index
        %swap3A_1614 = tpu.vector_load %arg17[%swap3A_1612, %swap3A_1613] {strides = array<i32>} : memref<16x768xf32, #tpu.memory_space<vmem>>, vector<1x16xf32>,
        %swap3A_1615 = vector.shape_cast %swap3A_1614 : vector<1x16xf32> to vector<16xf32>
        %swap3A_1616 = vector.shape_cast %add3A_1610 : vector<16xf32> to vector<1x16xf32>
        tpu.vector_store %arg17[%swap3A_1612, %swap3A_1613], %swap3A_1616 {strides = array<i32>} : memref<16x768xf32, #tpu.memory_space<vmem>>, vector<1x16xf32>,
        %mul3A_1617 = arith.mulf %add3A_1610, %add3A_1610 : vector<16xf32>
        %add3A_1618 = arith.addf %scan3A_1343, %mul3A_1617 : vector<16xf32>
        %get3A_1619 = arith.constant 7 : i32
        %get3A_1620 = arith.index_cast %get3A_1619 : i32 to index
        %get3A_1621 = arith.index_cast %mul3A_1353 : i32 to index
        %get3A_1622 = tpu.vector_load %arg18[%get3A_1620, %get3A_1621] {strides = array<i32>} : memref<16x768xf32, #tpu.memory_space<vmem>>, vector<1x16xf32>,
        %get3A_1623 = vector.shape_cast %get3A_1622 : vector<1x16xf32> to vector<16xf32>
        %slice3A_1624 = vector.extract_strided_slice %get3A_1027 {offsets = [7], sizes = [1], strides = [1]} : vector<16xf32> to vector<1xf32>
        %squeeze3A_1625 = vector.extract %slice3A_1624[0] : f32 from vector<1xf32>
        %broadcast_in_dim3A_1626 = vector.broadcast %squeeze3A_1625 : f32 to vector<16xf32>
        %mul3A_1627 = arith.mulf %get3A_1623, %broadcast_in_dim3A_1626 : vector<16xf32>
        %mul3A_1628 = arith.mulf %mul3A_1627, %get3A_1356 : vector<16xf32>
        %swap3A_1629 = arith.constant 7 : i32
        %swap3A_1630 = arith.index_cast %swap3A_1629 : i32 to index
        %swap3A_1631 = arith.index_cast %mul3A_1353 : i32 to index
        %swap3A_1632 = tpu.vector_load %arg16[%swap3A_1630, %swap3A_1631] {strides = array<i32>} : memref<16x768xf32, #tpu.memory_space<vmem>>, vector<1x16xf32>,
        %swap3A_1633 = vector.shape_cast %swap3A_1632 : vector<1x16xf32> to vector<16xf32>
        %swap3A_1634 = vector.shape_cast %mul3A_1628 : vector<16xf32> to vector<1x16xf32>
        tpu.vector_store %arg16[%swap3A_1630, %swap3A_1631], %swap3A_1634 {strides = array<i32>} : memref<16x768xf32, #tpu.memory_space<vmem>>, vector<1x16xf32>,
        %get3A_1635 = arith.constant 8 : i32
        %get3A_1636 = arith.index_cast %get3A_1635 : i32 to index
        %get3A_1637 = arith.index_cast %mul3A_1353 : i32 to index
        %get3A_1638 = tpu.vector_load %arg11[%get3A_1636, %get3A_1637] {strides = array<i32>} : memref<16x768xf32, #tpu.memory_space<vmem>>, vector<1x16xf32>,
        %get3A_1639 = vector.shape_cast %get3A_1638 : vector<1x16xf32> to vector<16xf32>
        %get3A_1640 = arith.constant 8 : i32
        %get3A_1641 = arith.index_cast %get3A_1640 : i32 to index
        %get3A_1642 = arith.index_cast %mul3A_1353 : i32 to index
        %get3A_1643 = tpu.vector_load %arg13[%get3A_1641, %get3A_1642] {strides = array<i32>} : memref<16x768xf32, #tpu.memory_space<vmem>>, vector<1x16xf32>,
        %get3A_1644 = vector.shape_cast %get3A_1643 : vector<1x16xf32> to vector<16xf32>
        %add3A_1645 = arith.addf %get3A_1639, %get3A_1644 : vector<16xf32>
        %swap3A_1646 = arith.constant 8 : i32
        %swap3A_1647 = arith.index_cast %swap3A_1646 : i32 to index
        %swap3A_1648 = arith.index_cast %mul3A_1353 : i32 to index
        %swap3A_1649 = tpu.vector_load %arg17[%swap3A_1647, %swap3A_1648] {strides = array<i32>} : memref<16x768xf32, #tpu.memory_space<vmem>>, vector<1x16xf32>,
        %swap3A_1650 = vector.shape_cast %swap3A_1649 : vector<1x16xf32> to vector<16xf32>
        %swap3A_1651 = vector.shape_cast %add3A_1645 : vector<16xf32> to vector<1x16xf32>
        tpu.vector_store %arg17[%swap3A_1647, %swap3A_1648], %swap3A_1651 {strides = array<i32>} : memref<16x768xf32, #tpu.memory_space<vmem>>, vector<1x16xf32>,
        %mul3A_1652 = arith.mulf %add3A_1645, %add3A_1645 : vector<16xf32>
        %add3A_1653 = arith.addf %scan3A_1344, %mul3A_1652 : vector<16xf32>
        %get3A_1654 = arith.constant 8 : i32
        %get3A_1655 = arith.index_cast %get3A_1654 : i32 to index
        %get3A_1656 = arith.index_cast %mul3A_1353 : i32 to index
        %get3A_1657 = tpu.vector_load %arg18[%get3A_1655, %get3A_1656] {strides = array<i32>} : memref<16x768xf32, #tpu.memory_space<vmem>>, vector<1x16xf32>,
        %get3A_1658 = vector.shape_cast %get3A_1657 : vector<1x16xf32> to vector<16xf32>
        %slice3A_1659 = vector.extract_strided_slice %get3A_1027 {offsets = [8], sizes = [1], strides = [1]} : vector<16xf32> to vector<1xf32>
        %squeeze3A_1660 = vector.extract %slice3A_1659[0] : f32 from vector<1xf32>
        %broadcast_in_dim3A_1661 = vector.broadcast %squeeze3A_1660 : f32 to vector<16xf32>
        %mul3A_1662 = arith.mulf %get3A_1658, %broadcast_in_dim3A_1661 : vector<16xf32>
        %mul3A_1663 = arith.mulf %mul3A_1662, %get3A_1356 : vector<16xf32>
        %swap3A_1664 = arith.constant 8 : i32
        %swap3A_1665 = arith.index_cast %swap3A_1664 : i32 to index
        %swap3A_1666 = arith.index_cast %mul3A_1353 : i32 to index
        %swap3A_1667 = tpu.vector_load %arg16[%swap3A_1665, %swap3A_1666] {strides = array<i32>} : memref<16x768xf32, #tpu.memory_space<vmem>>, vector<1x16xf32>,
        %swap3A_1668 = vector.shape_cast %swap3A_1667 : vector<1x16xf32> to vector<16xf32>
        %swap3A_1669 = vector.shape_cast %mul3A_1663 : vector<16xf32> to vector<1x16xf32>
        tpu.vector_store %arg16[%swap3A_1665, %swap3A_1666], %swap3A_1669 {strides = array<i32>} : memref<16x768xf32, #tpu.memory_space<vmem>>, vector<1x16xf32>,
        %get3A_1670 = arith.constant 9 : i32
        %get3A_1671 = arith.index_cast %get3A_1670 : i32 to index
        %get3A_1672 = arith.index_cast %mul3A_1353 : i32 to index
        %get3A_1673 = tpu.vector_load %arg11[%get3A_1671, %get3A_1672] {strides = array<i32>} : memref<16x768xf32, #tpu.memory_space<vmem>>, vector<1x16xf32>,
        %get3A_1674 = vector.shape_cast %get3A_1673 : vector<1x16xf32> to vector<16xf32>
        %get3A_1675 = arith.constant 9 : i32
        %get3A_1676 = arith.index_cast %get3A_1675 : i32 to index
        %get3A_1677 = arith.index_cast %mul3A_1353 : i32 to index
        %get3A_1678 = tpu.vector_load %arg13[%get3A_1676, %get3A_1677] {strides = array<i32>} : memref<16x768xf32, #tpu.memory_space<vmem>>, vector<1x16xf32>,
        %get3A_1679 = vector.shape_cast %get3A_1678 : vector<1x16xf32> to vector<16xf32>
        %add3A_1680 = arith.addf %get3A_1674, %get3A_1679 : vector<16xf32>
        %swap3A_1681 = arith.constant 9 : i32
        %swap3A_1682 = arith.index_cast %swap3A_1681 : i32 to index
        %swap3A_1683 = arith.index_cast %mul3A_1353 : i32 to index
        %swap3A_1684 = tpu.vector_load %arg17[%swap3A_1682, %swap3A_1683] {strides = array<i32>} : memref<16x768xf32, #tpu.memory_space<vmem>>, vector<1x16xf32>,
        %swap3A_1685 = vector.shape_cast %swap3A_1684 : vector<1x16xf32> to vector<16xf32>
        %swap3A_1686 = vector.shape_cast %add3A_1680 : vector<16xf32> to vector<1x16xf32>
        tpu.vector_store %arg17[%swap3A_1682, %swap3A_1683], %swap3A_1686 {strides = array<i32>} : memref<16x768xf32, #tpu.memory_space<vmem>>, vector<1x16xf32>,
        %mul3A_1687 = arith.mulf %add3A_1680, %add3A_1680 : vector<16xf32>
        %add3A_1688 = arith.addf %scan3A_1345, %mul3A_1687 : vector<16xf32>
        %get3A_1689 = arith.constant 9 : i32
        %get3A_1690 = arith.index_cast %get3A_1689 : i32 to index
        %get3A_1691 = arith.index_cast %mul3A_1353 : i32 to index
        %get3A_1692 = tpu.vector_load %arg18[%get3A_1690, %get3A_1691] {strides = array<i32>} : memref<16x768xf32, #tpu.memory_space<vmem>>, vector<1x16xf32>,
        %get3A_1693 = vector.shape_cast %get3A_1692 : vector<1x16xf32> to vector<16xf32>
        %slice3A_1694 = vector.extract_strided_slice %get3A_1027 {offsets = [9], sizes = [1], strides = [1]} : vector<16xf32> to vector<1xf32>
        %squeeze3A_1695 = vector.extract %slice3A_1694[0] : f32 from vector<1xf32>
        %broadcast_in_dim3A_1696 = vector.broadcast %squeeze3A_1695 : f32 to vector<16xf32>
        %mul3A_1697 = arith.mulf %get3A_1693, %broadcast_in_dim3A_1696 : vector<16xf32>
        %mul3A_1698 = arith.mulf %mul3A_1697, %get3A_1356 : vector<16xf32>
        %swap3A_1699 = arith.constant 9 : i32
        %swap3A_1700 = arith.index_cast %swap3A_1699 : i32 to index
        %swap3A_1701 = arith.index_cast %mul3A_1353 : i32 to index
        %swap3A_1702 = tpu.vector_load %arg16[%swap3A_1700, %swap3A_1701] {strides = array<i32>} : memref<16x768xf32, #tpu.memory_space<vmem>>, vector<1x16xf32>,
        %swap3A_1703 = vector.shape_cast %swap3A_1702 : vector<1x16xf32> to vector<16xf32>
        %swap3A_1704 = vector.shape_cast %mul3A_1698 : vector<16xf32> to vector<1x16xf32>
        tpu.vector_store %arg16[%swap3A_1700, %swap3A_1701], %swap3A_1704 {strides = array<i32>} : memref<16x768xf32, #tpu.memory_space<vmem>>, vector<1x16xf32>,
        %get3A_1705 = arith.constant 10 : i32
        %get3A_1706 = arith.index_cast %get3A_1705 : i32 to index
        %get3A_1707 = arith.index_cast %mul3A_1353 : i32 to index
        %get3A_1708 = tpu.vector_load %arg11[%get3A_1706, %get3A_1707] {strides = array<i32>} : memref<16x768xf32, #tpu.memory_space<vmem>>, vector<1x16xf32>,
        %get3A_1709 = vector.shape_cast %get3A_1708 : vector<1x16xf32> to vector<16xf32>
        %get3A_1710 = arith.constant 10 : i32
        %get3A_1711 = arith.index_cast %get3A_1710 : i32 to index
        %get3A_1712 = arith.index_cast %mul3A_1353 : i32 to index
        %get3A_1713 = tpu.vector_load %arg13[%get3A_1711, %get3A_1712] {strides = array<i32>} : memref<16x768xf32, #tpu.memory_space<vmem>>, vector<1x16xf32>,
        %get3A_1714 = vector.shape_cast %get3A_1713 : vector<1x16xf32> to vector<16xf32>
        %add3A_1715 = arith.addf %get3A_1709, %get3A_1714 : vector<16xf32>
        %swap3A_1716 = arith.constant 10 : i32
        %swap3A_1717 = arith.index_cast %swap3A_1716 : i32 to index
        %swap3A_1718 = arith.index_cast %mul3A_1353 : i32 to index
        %swap3A_1719 = tpu.vector_load %arg17[%swap3A_1717, %swap3A_1718] {strides = array<i32>} : memref<16x768xf32, #tpu.memory_space<vmem>>, vector<1x16xf32>,
        %swap3A_1720 = vector.shape_cast %swap3A_1719 : vector<1x16xf32> to vector<16xf32>
        %swap3A_1721 = vector.shape_cast %add3A_1715 : vector<16xf32> to vector<1x16xf32>
        tpu.vector_store %arg17[%swap3A_1717, %swap3A_1718], %swap3A_1721 {strides = array<i32>} : memref<16x768xf32, #tpu.memory_space<vmem>>, vector<1x16xf32>,
        %mul3A_1722 = arith.mulf %add3A_1715, %add3A_1715 : vector<16xf32>
        %add3A_1723 = arith.addf %scan3A_1346, %mul3A_1722 : vector<16xf32>
        %get3A_1724 = arith.constant 10 : i32
        %get3A_1725 = arith.index_cast %get3A_1724 : i32 to index
        %get3A_1726 = arith.index_cast %mul3A_1353 : i32 to index
        %get3A_1727 = tpu.vector_load %arg18[%get3A_1725, %get3A_1726] {strides = array<i32>} : memref<16x768xf32, #tpu.memory_space<vmem>>, vector<1x16xf32>,
        %get3A_1728 = vector.shape_cast %get3A_1727 : vector<1x16xf32> to vector<16xf32>
        %slice3A_1729 = vector.extract_strided_slice %get3A_1027 {offsets = [10], sizes = [1], strides = [1]} : vector<16xf32> to vector<1xf32>
        %squeeze3A_1730 = vector.extract %slice3A_1729[0] : f32 from vector<1xf32>
        %broadcast_in_dim3A_1731 = vector.broadcast %squeeze3A_1730 : f32 to vector<16xf32>
        %mul3A_1732 = arith.mulf %get3A_1728, %broadcast_in_dim3A_1731 : vector<16xf32>
        %mul3A_1733 = arith.mulf %mul3A_1732, %get3A_1356 : vector<16xf32>
        %swap3A_1734 = arith.constant 10 : i32
        %swap3A_1735 = arith.index_cast %swap3A_1734 : i32 to index
        %swap3A_1736 = arith.index_cast %mul3A_1353 : i32 to index
        %swap3A_1737 = tpu.vector_load %arg16[%swap3A_1735, %swap3A_1736] {strides = array<i32>} : memref<16x768xf32, #tpu.memory_space<vmem>>, vector<1x16xf32>,
        %swap3A_1738 = vector.shape_cast %swap3A_1737 : vector<1x16xf32> to vector<16xf32>
        %swap3A_1739 = vector.shape_cast %mul3A_1733 : vector<16xf32> to vector<1x16xf32>
        tpu.vector_store %arg16[%swap3A_1735, %swap3A_1736], %swap3A_1739 {strides = array<i32>} : memref<16x768xf32, #tpu.memory_space<vmem>>, vector<1x16xf32>,
        %get3A_1740 = arith.constant 11 : i32
        %get3A_1741 = arith.index_cast %get3A_1740 : i32 to index
        %get3A_1742 = arith.index_cast %mul3A_1353 : i32 to index
        %get3A_1743 = tpu.vector_load %arg11[%get3A_1741, %get3A_1742] {strides = array<i32>} : memref<16x768xf32, #tpu.memory_space<vmem>>, vector<1x16xf32>,
        %get3A_1744 = vector.shape_cast %get3A_1743 : vector<1x16xf32> to vector<16xf32>
        %get3A_1745 = arith.constant 11 : i32
        %get3A_1746 = arith.index_cast %get3A_1745 : i32 to index
        %get3A_1747 = arith.index_cast %mul3A_1353 : i32 to index
        %get3A_1748 = tpu.vector_load %arg13[%get3A_1746, %get3A_1747] {strides = array<i32>} : memref<16x768xf32, #tpu.memory_space<vmem>>, vector<1x16xf32>,
        %get3A_1749 = vector.shape_cast %get3A_1748 : vector<1x16xf32> to vector<16xf32>
        %add3A_1750 = arith.addf %get3A_1744, %get3A_1749 : vector<16xf32>
        %swap3A_1751 = arith.constant 11 : i32
        %swap3A_1752 = arith.index_cast %swap3A_1751 : i32 to index
        %swap3A_1753 = arith.index_cast %mul3A_1353 : i32 to index
        %swap3A_1754 = tpu.vector_load %arg17[%swap3A_1752, %swap3A_1753] {strides = array<i32>} : memref<16x768xf32, #tpu.memory_space<vmem>>, vector<1x16xf32>,
        %swap3A_1755 = vector.shape_cast %swap3A_1754 : vector<1x16xf32> to vector<16xf32>
        %swap3A_1756 = vector.shape_cast %add3A_1750 : vector<16xf32> to vector<1x16xf32>
        tpu.vector_store %arg17[%swap3A_1752, %swap3A_1753], %swap3A_1756 {strides = array<i32>} : memref<16x768xf32, #tpu.memory_space<vmem>>, vector<1x16xf32>,
        %mul3A_1757 = arith.mulf %add3A_1750, %add3A_1750 : vector<16xf32>
        %add3A_1758 = arith.addf %scan3A_1347, %mul3A_1757 : vector<16xf32>
        %get3A_1759 = arith.constant 11 : i32
        %get3A_1760 = arith.index_cast %get3A_1759 : i32 to index
        %get3A_1761 = arith.index_cast %mul3A_1353 : i32 to index
        %get3A_1762 = tpu.vector_load %arg18[%get3A_1760, %get3A_1761] {strides = array<i32>} : memref<16x768xf32, #tpu.memory_space<vmem>>, vector<1x16xf32>,
        %get3A_1763 = vector.shape_cast %get3A_1762 : vector<1x16xf32> to vector<16xf32>
        %slice3A_1764 = vector.extract_strided_slice %get3A_1027 {offsets = [11], sizes = [1], strides = [1]} : vector<16xf32> to vector<1xf32>
        %squeeze3A_1765 = vector.extract %slice3A_1764[0] : f32 from vector<1xf32>
        %broadcast_in_dim3A_1766 = vector.broadcast %squeeze3A_1765 : f32 to vector<16xf32>
        %mul3A_1767 = arith.mulf %get3A_1763, %broadcast_in_dim3A_1766 : vector<16xf32>
        %mul3A_1768 = arith.mulf %mul3A_1767, %get3A_1356 : vector<16xf32>
        %swap3A_1769 = arith.constant 11 : i32
        %swap3A_1770 = arith.index_cast %swap3A_1769 : i32 to index
        %swap3A_1771 = arith.index_cast %mul3A_1353 : i32 to index
        %swap3A_1772 = tpu.vector_load %arg16[%swap3A_1770, %swap3A_1771] {strides = array<i32>} : memref<16x768xf32, #tpu.memory_space<vmem>>, vector<1x16xf32>,
        %swap3A_1773 = vector.shape_cast %swap3A_1772 : vector<1x16xf32> to vector<16xf32>
        %swap3A_1774 = vector.shape_cast %mul3A_1768 : vector<16xf32> to vector<1x16xf32>
        tpu.vector_store %arg16[%swap3A_1770, %swap3A_1771], %swap3A_1774 {strides = array<i32>} : memref<16x768xf32, #tpu.memory_space<vmem>>, vector<1x16xf32>,
        %get3A_1775 = arith.constant 12 : i32
        %get3A_1776 = arith.index_cast %get3A_1775 : i32 to index
        %get3A_1777 = arith.index_cast %mul3A_1353 : i32 to index
        %get3A_1778 = tpu.vector_load %arg11[%get3A_1776, %get3A_1777] {strides = array<i32>} : memref<16x768xf32, #tpu.memory_space<vmem>>, vector<1x16xf32>,
        %get3A_1779 = vector.shape_cast %get3A_1778 : vector<1x16xf32> to vector<16xf32>
        %get3A_1780 = arith.constant 12 : i32
        %get3A_1781 = arith.index_cast %get3A_1780 : i32 to index
        %get3A_1782 = arith.index_cast %mul3A_1353 : i32 to index
        %get3A_1783 = tpu.vector_load %arg13[%get3A_1781, %get3A_1782] {strides = array<i32>} : memref<16x768xf32, #tpu.memory_space<vmem>>, vector<1x16xf32>,
        %get3A_1784 = vector.shape_cast %get3A_1783 : vector<1x16xf32> to vector<16xf32>
        %add3A_1785 = arith.addf %get3A_1779, %get3A_1784 : vector<16xf32>
        %swap3A_1786 = arith.constant 12 : i32
        %swap3A_1787 = arith.index_cast %swap3A_1786 : i32 to index
        %swap3A_1788 = arith.index_cast %mul3A_1353 : i32 to index
        %swap3A_1789 = tpu.vector_load %arg17[%swap3A_1787, %swap3A_1788] {strides = array<i32>} : memref<16x768xf32, #tpu.memory_space<vmem>>, vector<1x16xf32>,
        %swap3A_1790 = vector.shape_cast %swap3A_1789 : vector<1x16xf32> to vector<16xf32>
        %swap3A_1791 = vector.shape_cast %add3A_1785 : vector<16xf32> to vector<1x16xf32>
        tpu.vector_store %arg17[%swap3A_1787, %swap3A_1788], %swap3A_1791 {strides = array<i32>} : memref<16x768xf32, #tpu.memory_space<vmem>>, vector<1x16xf32>,
        %mul3A_1792 = arith.mulf %add3A_1785, %add3A_1785 : vector<16xf32>
        %add3A_1793 = arith.addf %scan3A_1348, %mul3A_1792 : vector<16xf32>
        %get3A_1794 = arith.constant 12 : i32
        %get3A_1795 = arith.index_cast %get3A_1794 : i32 to index
        %get3A_1796 = arith.index_cast %mul3A_1353 : i32 to index
        %get3A_1797 = tpu.vector_load %arg18[%get3A_1795, %get3A_1796] {strides = array<i32>} : memref<16x768xf32, #tpu.memory_space<vmem>>, vector<1x16xf32>,
        %get3A_1798 = vector.shape_cast %get3A_1797 : vector<1x16xf32> to vector<16xf32>
        %slice3A_1799 = vector.extract_strided_slice %get3A_1027 {offsets = [12], sizes = [1], strides = [1]} : vector<16xf32> to vector<1xf32>
        %squeeze3A_1800 = vector.extract %slice3A_1799[0] : f32 from vector<1xf32>
        %broadcast_in_dim3A_1801 = vector.broadcast %squeeze3A_1800 : f32 to vector<16xf32>
        %mul3A_1802 = arith.mulf %get3A_1798, %broadcast_in_dim3A_1801 : vector<16xf32>
        %mul3A_1803 = arith.mulf %mul3A_1802, %get3A_1356 : vector<16xf32>
        %swap3A_1804 = arith.constant 12 : i32
        %swap3A_1805 = arith.index_cast %swap3A_1804 : i32 to index
        %swap3A_1806 = arith.index_cast %mul3A_1353 : i32 to index
        %swap3A_1807 = tpu.vector_load %arg16[%swap3A_1805, %swap3A_1806] {strides = array<i32>} : memref<16x768xf32, #tpu.memory_space<vmem>>, vector<1x16xf32>,
        %swap3A_1808 = vector.shape_cast %swap3A_1807 : vector<1x16xf32> to vector<16xf32>
        %swap3A_1809 = vector.shape_cast %mul3A_1803 : vector<16xf32> to vector<1x16xf32>
        tpu.vector_store %arg16[%swap3A_1805, %swap3A_1806], %swap3A_1809 {strides = array<i32>} : memref<16x768xf32, #tpu.memory_space<vmem>>, vector<1x16xf32>,
        %get3A_1810 = arith.constant 13 : i32
        %get3A_1811 = arith.index_cast %get3A_1810 : i32 to index
        %get3A_1812 = arith.index_cast %mul3A_1353 : i32 to index
        %get3A_1813 = tpu.vector_load %arg11[%get3A_1811, %get3A_1812] {strides = array<i32>} : memref<16x768xf32, #tpu.memory_space<vmem>>, vector<1x16xf32>,
        %get3A_1814 = vector.shape_cast %get3A_1813 : vector<1x16xf32> to vector<16xf32>
        %get3A_1815 = arith.constant 13 : i32
        %get3A_1816 = arith.index_cast %get3A_1815 : i32 to index
        %get3A_1817 = arith.index_cast %mul3A_1353 : i32 to index
        %get3A_1818 = tpu.vector_load %arg13[%get3A_1816, %get3A_1817] {strides = array<i32>} : memref<16x768xf32, #tpu.memory_space<vmem>>, vector<1x16xf32>,
        %get3A_1819 = vector.shape_cast %get3A_1818 : vector<1x16xf32> to vector<16xf32>
        %add3A_1820 = arith.addf %get3A_1814, %get3A_1819 : vector<16xf32>
        %swap3A_1821 = arith.constant 13 : i32
        %swap3A_1822 = arith.index_cast %swap3A_1821 : i32 to index
        %swap3A_1823 = arith.index_cast %mul3A_1353 : i32 to index
        %swap3A_1824 = tpu.vector_load %arg17[%swap3A_1822, %swap3A_1823] {strides = array<i32>} : memref<16x768xf32, #tpu.memory_space<vmem>>, vector<1x16xf32>,
        %swap3A_1825 = vector.shape_cast %swap3A_1824 : vector<1x16xf32> to vector<16xf32>
        %swap3A_1826 = vector.shape_cast %add3A_1820 : vector<16xf32> to vector<1x16xf32>
        tpu.vector_store %arg17[%swap3A_1822, %swap3A_1823], %swap3A_1826 {strides = array<i32>} : memref<16x768xf32, #tpu.memory_space<vmem>>, vector<1x16xf32>,
        %mul3A_1827 = arith.mulf %add3A_1820, %add3A_1820 : vector<16xf32>
        %add3A_1828 = arith.addf %scan3A_1349, %mul3A_1827 : vector<16xf32>
        %get3A_1829 = arith.constant 13 : i32
        %get3A_1830 = arith.index_cast %get3A_1829 : i32 to index
        %get3A_1831 = arith.index_cast %mul3A_1353 : i32 to index
        %get3A_1832 = tpu.vector_load %arg18[%get3A_1830, %get3A_1831] {strides = array<i32>} : memref<16x768xf32, #tpu.memory_space<vmem>>, vector<1x16xf32>,
        %get3A_1833 = vector.shape_cast %get3A_1832 : vector<1x16xf32> to vector<16xf32>
        %slice3A_1834 = vector.extract_strided_slice %get3A_1027 {offsets = [13], sizes = [1], strides = [1]} : vector<16xf32> to vector<1xf32>
        %squeeze3A_1835 = vector.extract %slice3A_1834[0] : f32 from vector<1xf32>
        %broadcast_in_dim3A_1836 = vector.broadcast %squeeze3A_1835 : f32 to vector<16xf32>
        %mul3A_1837 = arith.mulf %get3A_1833, %broadcast_in_dim3A_1836 : vector<16xf32>
        %mul3A_1838 = arith.mulf %mul3A_1837, %get3A_1356 : vector<16xf32>
        %swap3A_1839 = arith.constant 13 : i32
        %swap3A_1840 = arith.index_cast %swap3A_1839 : i32 to index
        %swap3A_1841 = arith.index_cast %mul3A_1353 : i32 to index
        %swap3A_1842 = tpu.vector_load %arg16[%swap3A_1840, %swap3A_1841] {strides = array<i32>} : memref<16x768xf32, #tpu.memory_space<vmem>>, vector<1x16xf32>,
        %swap3A_1843 = vector.shape_cast %swap3A_1842 : vector<1x16xf32> to vector<16xf32>
        %swap3A_1844 = vector.shape_cast %mul3A_1838 : vector<16xf32> to vector<1x16xf32>
        tpu.vector_store %arg16[%swap3A_1840, %swap3A_1841], %swap3A_1844 {strides = array<i32>} : memref<16x768xf32, #tpu.memory_space<vmem>>, vector<1x16xf32>,
        %get3A_1845 = arith.constant 14 : i32
        %get3A_1846 = arith.index_cast %get3A_1845 : i32 to index
        %get3A_1847 = arith.index_cast %mul3A_1353 : i32 to index
        %get3A_1848 = tpu.vector_load %arg11[%get3A_1846, %get3A_1847] {strides = array<i32>} : memref<16x768xf32, #tpu.memory_space<vmem>>, vector<1x16xf32>,
        %get3A_1849 = vector.shape_cast %get3A_1848 : vector<1x16xf32> to vector<16xf32>
        %get3A_1850 = arith.constant 14 : i32
        %get3A_1851 = arith.index_cast %get3A_1850 : i32 to index
        %get3A_1852 = arith.index_cast %mul3A_1353 : i32 to index
        %get3A_1853 = tpu.vector_load %arg13[%get3A_1851, %get3A_1852] {strides = array<i32>} : memref<16x768xf32, #tpu.memory_space<vmem>>, vector<1x16xf32>,
        %get3A_1854 = vector.shape_cast %get3A_1853 : vector<1x16xf32> to vector<16xf32>
        %add3A_1855 = arith.addf %get3A_1849, %get3A_1854 : vector<16xf32>
        %swap3A_1856 = arith.constant 14 : i32
        %swap3A_1857 = arith.index_cast %swap3A_1856 : i32 to index
        %swap3A_1858 = arith.index_cast %mul3A_1353 : i32 to index
        %swap3A_1859 = tpu.vector_load %arg17[%swap3A_1857, %swap3A_1858] {strides = array<i32>} : memref<16x768xf32, #tpu.memory_space<vmem>>, vector<1x16xf32>,
        %swap3A_1860 = vector.shape_cast %swap3A_1859 : vector<1x16xf32> to vector<16xf32>
        %swap3A_1861 = vector.shape_cast %add3A_1855 : vector<16xf32> to vector<1x16xf32>
        tpu.vector_store %arg17[%swap3A_1857, %swap3A_1858], %swap3A_1861 {strides = array<i32>} : memref<16x768xf32, #tpu.memory_space<vmem>>, vector<1x16xf32>,
        %mul3A_1862 = arith.mulf %add3A_1855, %add3A_1855 : vector<16xf32>
        %add3A_1863 = arith.addf %scan3A_1350, %mul3A_1862 : vector<16xf32>
        %get3A_1864 = arith.constant 14 : i32
        %get3A_1865 = arith.index_cast %get3A_1864 : i32 to index
        %get3A_1866 = arith.index_cast %mul3A_1353 : i32 to index
        %get3A_1867 = tpu.vector_load %arg18[%get3A_1865, %get3A_1866] {strides = array<i32>} : memref<16x768xf32, #tpu.memory_space<vmem>>, vector<1x16xf32>,
        %get3A_1868 = vector.shape_cast %get3A_1867 : vector<1x16xf32> to vector<16xf32>
        %slice3A_1869 = vector.extract_strided_slice %get3A_1027 {offsets = [14], sizes = [1], strides = [1]} : vector<16xf32> to vector<1xf32>
        %squeeze3A_1870 = vector.extract %slice3A_1869[0] : f32 from vector<1xf32>
        %broadcast_in_dim3A_1871 = vector.broadcast %squeeze3A_1870 : f32 to vector<16xf32>
        %mul3A_1872 = arith.mulf %get3A_1868, %broadcast_in_dim3A_1871 : vector<16xf32>
        %mul3A_1873 = arith.mulf %mul3A_1872, %get3A_1356 : vector<16xf32>
        %swap3A_1874 = arith.constant 14 : i32
        %swap3A_1875 = arith.index_cast %swap3A_1874 : i32 to index
        %swap3A_1876 = arith.index_cast %mul3A_1353 : i32 to index
        %swap3A_1877 = tpu.vector_load %arg16[%swap3A_1875, %swap3A_1876] {strides = array<i32>} : memref<16x768xf32, #tpu.memory_space<vmem>>, vector<1x16xf32>,
        %swap3A_1878 = vector.shape_cast %swap3A_1877 : vector<1x16xf32> to vector<16xf32>
        %swap3A_1879 = vector.shape_cast %mul3A_1873 : vector<16xf32> to vector<1x16xf32>
        tpu.vector_store %arg16[%swap3A_1875, %swap3A_1876], %swap3A_1879 {strides = array<i32>} : memref<16x768xf32, #tpu.memory_space<vmem>>, vector<1x16xf32>,
        %get3A_1880 = arith.constant 15 : i32
        %get3A_1881 = arith.index_cast %get3A_1880 : i32 to index
        %get3A_1882 = arith.index_cast %mul3A_1353 : i32 to index
        %get3A_1883 = tpu.vector_load %arg11[%get3A_1881, %get3A_1882] {strides = array<i32>} : memref<16x768xf32, #tpu.memory_space<vmem>>, vector<1x16xf32>,
        %get3A_1884 = vector.shape_cast %get3A_1883 : vector<1x16xf32> to vector<16xf32>
        %get3A_1885 = arith.constant 15 : i32
        %get3A_1886 = arith.index_cast %get3A_1885 : i32 to index
        %get3A_1887 = arith.index_cast %mul3A_1353 : i32 to index
        %get3A_1888 = tpu.vector_load %arg13[%get3A_1886, %get3A_1887] {strides = array<i32>} : memref<16x768xf32, #tpu.memory_space<vmem>>, vector<1x16xf32>,
        %get3A_1889 = vector.shape_cast %get3A_1888 : vector<1x16xf32> to vector<16xf32>
        %add3A_1890 = arith.addf %get3A_1884, %get3A_1889 : vector<16xf32>
        %swap3A_1891 = arith.constant 15 : i32
        %swap3A_1892 = arith.index_cast %swap3A_1891 : i32 to index
        %swap3A_1893 = arith.index_cast %mul3A_1353 : i32 to index
        %swap3A_1894 = tpu.vector_load %arg17[%swap3A_1892, %swap3A_1893] {strides = array<i32>} : memref<16x768xf32, #tpu.memory_space<vmem>>, vector<1x16xf32>,
        %swap3A_1895 = vector.shape_cast %swap3A_1894 : vector<1x16xf32> to vector<16xf32>
        %swap3A_1896 = vector.shape_cast %add3A_1890 : vector<16xf32> to vector<1x16xf32>
        tpu.vector_store %arg17[%swap3A_1892, %swap3A_1893], %swap3A_1896 {strides = array<i32>} : memref<16x768xf32, #tpu.memory_space<vmem>>, vector<1x16xf32>,
        %mul3A_1897 = arith.mulf %add3A_1890, %add3A_1890 : vector<16xf32>
        %add3A_1898 = arith.addf %scan3A_1351, %mul3A_1897 : vector<16xf32>
        %get3A_1899 = arith.constant 15 : i32
        %get3A_1900 = arith.index_cast %get3A_1899 : i32 to index
        %get3A_1901 = arith.index_cast %mul3A_1353 : i32 to index
        %get3A_1902 = tpu.vector_load %arg18[%get3A_1900, %get3A_1901] {strides = array<i32>} : memref<16x768xf32, #tpu.memory_space<vmem>>, vector<1x16xf32>,
        %get3A_1903 = vector.shape_cast %get3A_1902 : vector<1x16xf32> to vector<16xf32>
        %slice3A_1904 = vector.extract_strided_slice %get3A_1027 {offsets = [15], sizes = [1], strides = [1]} : vector<16xf32> to vector<1xf32>
        %squeeze3A_1905 = vector.extract %slice3A_1904[0] : f32 from vector<1xf32>
        %broadcast_in_dim3A_1906 = vector.broadcast %squeeze3A_1905 : f32 to vector<16xf32>
        %mul3A_1907 = arith.mulf %get3A_1903, %broadcast_in_dim3A_1906 : vector<16xf32>
        %mul3A_1908 = arith.mulf %mul3A_1907, %get3A_1356 : vector<16xf32>
        %swap3A_1909 = arith.constant 15 : i32
        %swap3A_1910 = arith.index_cast %swap3A_1909 : i32 to index
        %swap3A_1911 = arith.index_cast %mul3A_1353 : i32 to index
        %swap3A_1912 = tpu.vector_load %arg16[%swap3A_1910, %swap3A_1911] {strides = array<i32>} : memref<16x768xf32, #tpu.memory_space<vmem>>, vector<1x16xf32>,
        %swap3A_1913 = vector.shape_cast %swap3A_1912 : vector<1x16xf32> to vector<16xf32>
        %swap3A_1914 = vector.shape_cast %mul3A_1908 : vector<16xf32> to vector<1x16xf32>
        tpu.vector_store %arg16[%swap3A_1910, %swap3A_1911], %swap3A_1914 {strides = array<i32>} : memref<16x768xf32, #tpu.memory_space<vmem>>, vector<1x16xf32>,
        scf.yield %add3A_1375, %add3A_1408, %add3A_1443, %add3A_1478, %add3A_1513, %add3A_1548, %add3A_1583, %add3A_1618, %add3A_1653, %add3A_1688, %add3A_1723, %add3A_1758, %add3A_1793, %add3A_1828, %add3A_1863, %add3A_1898 : vector<16xf32>, vector<16xf32>, vector<16xf32>, vector<16xf32>, vector<16xf32>, vector<16xf32>, vector<16xf32>, vector<16xf32>, vector<16xf32>, vector<16xf32>, vector<16xf32>, vector<16xf32>, vector<16xf32>, vector<16xf32>, vector<16xf32>, vector<16xf32>
      }
      %scan3A_1033 = arith.constant 48 : i32
      %and3A_1034 = arith.constant 1 : i32
      %and3A_1035 = vector.broadcast %and3A_1034 : i32 to vector<16xi32>
      %and3A_1036 = arith.andi %iota3A, %and3A_1035 : vector<16xi32>
      %eq3A_1037 = arith.constant 0 : i32
      %eq3A_1038 = vector.broadcast %eq3A_1037 : i32 to vector<16xi32>
      %eq3A_1039 = arith.cmpi eq, %and3A_1036, %eq3A_1038 : vector<16xi32>
      %xor3A_1040 = arith.constant 1 : i32
      %xor3A_1041 = vector.broadcast %xor3A_1040 : i32 to vector<16xi32>
      %xor3A_1042 = arith.xori %iota3A, %xor3A_1041 : vector<16xi32>
      %broadcast_in_dim3A_1043 = vector.shape_cast %xor3A_1042 : vector<16xi32> to vector<16x1xi32>
      %gather3A_1044 = vector.shape_cast %broadcast_in_dim3A_1043 : vector<16x1xi32> to vector<16xi32>
      %gather3A_1045 = tpu.dynamic_gather %scan3A_1032#0[%gather3A_1044] in [0] : vector<16xf32>, vector<16xi32> -> vector<16xf32>
      %add3A_1046 = arith.addf %scan3A_1032#0, %gather3A_1045 : vector<16xf32>
      %xor3A_1047 = arith.constant 1 : i32
      %xor3A_1048 = vector.broadcast %xor3A_1047 : i32 to vector<16xi32>
      %xor3A_1049 = arith.xori %iota3A, %xor3A_1048 : vector<16xi32>
      %broadcast_in_dim3A_1050 = vector.shape_cast %xor3A_1049 : vector<16xi32> to vector<16x1xi32>
      %gather3A_1051 = vector.shape_cast %broadcast_in_dim3A_1050 : vector<16x1xi32> to vector<16xi32>
      %gather3A_1052 = tpu.dynamic_gather %scan3A_1032#1[%gather3A_1051] in [0] : vector<16xf32>, vector<16xi32> -> vector<16xf32>
      %add3A_1053 = arith.addf %scan3A_1032#1, %gather3A_1052 : vector<16xf32>
      %select_n3A_1054 = arith.select %eq3A_1039, %add3A_1046, %add3A_1053 : vector<16xi1>, vector<16xf32>
      %xor3A_1055 = arith.constant 1 : i32
      %xor3A_1056 = vector.broadcast %xor3A_1055 : i32 to vector<16xi32>
      %xor3A_1057 = arith.xori %iota3A, %xor3A_1056 : vector<16xi32>
      %broadcast_in_dim3A_1058 = vector.shape_cast %xor3A_1057 : vector<16xi32> to vector<16x1xi32>
      %gather3A_1059 = vector.shape_cast %broadcast_in_dim3A_1058 : vector<16x1xi32> to vector<16xi32>
      %gather3A_1060 = tpu.dynamic_gather %scan3A_1032#2[%gather3A_1059] in [0] : vector<16xf32>, vector<16xi32> -> vector<16xf32>
      %add3A_1061 = arith.addf %scan3A_1032#2, %gather3A_1060 : vector<16xf32>
      %xor3A_1062 = arith.constant 1 : i32
      %xor3A_1063 = vector.broadcast %xor3A_1062 : i32 to vector<16xi32>
      %xor3A_1064 = arith.xori %iota3A, %xor3A_1063 : vector<16xi32>
      %broadcast_in_dim3A_1065 = vector.shape_cast %xor3A_1064 : vector<16xi32> to vector<16x1xi32>
      %gather3A_1066 = vector.shape_cast %broadcast_in_dim3A_1065 : vector<16x1xi32> to vector<16xi32>
      %gather3A_1067 = tpu.dynamic_gather %scan3A_1032#3[%gather3A_1066] in [0] : vector<16xf32>, vector<16xi32> -> vector<16xf32>
      %add3A_1068 = arith.addf %scan3A_1032#3, %gather3A_1067 : vector<16xf32>
      %select_n3A_1069 = arith.select %eq3A_1039, %add3A_1061, %add3A_1068 : vector<16xi1>, vector<16xf32>
      %xor3A_1070 = arith.constant 1 : i32
      %xor3A_1071 = vector.broadcast %xor3A_1070 : i32 to vector<16xi32>
      %xor3A_1072 = arith.xori %iota3A, %xor3A_1071 : vector<16xi32>
      %broadcast_in_dim3A_1073 = vector.shape_cast %xor3A_1072 : vector<16xi32> to vector<16x1xi32>
      %gather3A_1074 = vector.shape_cast %broadcast_in_dim3A_1073 : vector<16x1xi32> to vector<16xi32>
      %gather3A_1075 = tpu.dynamic_gather %scan3A_1032#4[%gather3A_1074] in [0] : vector<16xf32>, vector<16xi32> -> vector<16xf32>
      %add3A_1076 = arith.addf %scan3A_1032#4, %gather3A_1075 : vector<16xf32>
      %xor3A_1077 = arith.constant 1 : i32
      %xor3A_1078 = vector.broadcast %xor3A_1077 : i32 to vector<16xi32>
      %xor3A_1079 = arith.xori %iota3A, %xor3A_1078 : vector<16xi32>
      %broadcast_in_dim3A_1080 = vector.shape_cast %xor3A_1079 : vector<16xi32> to vector<16x1xi32>
      %gather3A_1081 = vector.shape_cast %broadcast_in_dim3A_1080 : vector<16x1xi32> to vector<16xi32>
      %gather3A_1082 = tpu.dynamic_gather %scan3A_1032#5[%gather3A_1081] in [0] : vector<16xf32>, vector<16xi32> -> vector<16xf32>
      %add3A_1083 = arith.addf %scan3A_1032#5, %gather3A_1082 : vector<16xf32>
      %select_n3A_1084 = arith.select %eq3A_1039, %add3A_1076, %add3A_1083 : vector<16xi1>, vector<16xf32>
      %xor3A_1085 = arith.constant 1 : i32
      %xor3A_1086 = vector.broadcast %xor3A_1085 : i32 to vector<16xi32>
      %xor3A_1087 = arith.xori %iota3A, %xor3A_1086 : vector<16xi32>
      %broadcast_in_dim3A_1088 = vector.shape_cast %xor3A_1087 : vector<16xi32> to vector<16x1xi32>
      %gather3A_1089 = vector.shape_cast %broadcast_in_dim3A_1088 : vector<16x1xi32> to vector<16xi32>
      %gather3A_1090 = tpu.dynamic_gather %scan3A_1032#6[%gather3A_1089] in [0] : vector<16xf32>, vector<16xi32> -> vector<16xf32>
      %add3A_1091 = arith.addf %scan3A_1032#6, %gather3A_1090 : vector<16xf32>
      %xor3A_1092 = arith.constant 1 : i32
      %xor3A_1093 = vector.broadcast %xor3A_1092 : i32 to vector<16xi32>
      %xor3A_1094 = arith.xori %iota3A, %xor3A_1093 : vector<16xi32>
      %broadcast_in_dim3A_1095 = vector.shape_cast %xor3A_1094 : vector<16xi32> to vector<16x1xi32>
      %gather3A_1096 = vector.shape_cast %broadcast_in_dim3A_1095 : vector<16x1xi32> to vector<16xi32>
      %gather3A_1097 = tpu.dynamic_gather %scan3A_1032#7[%gather3A_1096] in [0] : vector<16xf32>, vector<16xi32> -> vector<16xf32>
      %add3A_1098 = arith.addf %scan3A_1032#7, %gather3A_1097 : vector<16xf32>
      %select_n3A_1099 = arith.select %eq3A_1039, %add3A_1091, %add3A_1098 : vector<16xi1>, vector<16xf32>
      %xor3A_1100 = arith.constant 1 : i32
      %xor3A_1101 = vector.broadcast %xor3A_1100 : i32 to vector<16xi32>
      %xor3A_1102 = arith.xori %iota3A, %xor3A_1101 : vector<16xi32>
      %broadcast_in_dim3A_1103 = vector.shape_cast %xor3A_1102 : vector<16xi32> to vector<16x1xi32>
      %gather3A_1104 = vector.shape_cast %broadcast_in_dim3A_1103 : vector<16x1xi32> to vector<16xi32>
      %gather3A_1105 = tpu.dynamic_gather %scan3A_1032#8[%gather3A_1104] in [0] : vector<16xf32>, vector<16xi32> -> vector<16xf32>
      %add3A_1106 = arith.addf %scan3A_1032#8, %gather3A_1105 : vector<16xf32>
      %xor3A_1107 = arith.constant 1 : i32
      %xor3A_1108 = vector.broadcast %xor3A_1107 : i32 to vector<16xi32>
      %xor3A_1109 = arith.xori %iota3A, %xor3A_1108 : vector<16xi32>
      %broadcast_in_dim3A_1110 = vector.shape_cast %xor3A_1109 : vector<16xi32> to vector<16x1xi32>
      %gather3A_1111 = vector.shape_cast %broadcast_in_dim3A_1110 : vector<16x1xi32> to vector<16xi32>
      %gather3A_1112 = tpu.dynamic_gather %scan3A_1032#9[%gather3A_1111] in [0] : vector<16xf32>, vector<16xi32> -> vector<16xf32>
      %add3A_1113 = arith.addf %scan3A_1032#9, %gather3A_1112 : vector<16xf32>
      %select_n3A_1114 = arith.select %eq3A_1039, %add3A_1106, %add3A_1113 : vector<16xi1>, vector<16xf32>
      %xor3A_1115 = arith.constant 1 : i32
      %xor3A_1116 = vector.broadcast %xor3A_1115 : i32 to vector<16xi32>
      %xor3A_1117 = arith.xori %iota3A, %xor3A_1116 : vector<16xi32>
      %broadcast_in_dim3A_1118 = vector.shape_cast %xor3A_1117 : vector<16xi32> to vector<16x1xi32>
      %gather3A_1119 = vector.shape_cast %broadcast_in_dim3A_1118 : vector<16x1xi32> to vector<16xi32>
      %gather3A_1120 = tpu.dynamic_gather %scan3A_1032#10[%gather3A_1119] in [0] : vector<16xf32>, vector<16xi32> -> vector<16xf32>
      %add3A_1121 = arith.addf %scan3A_1032#10, %gather3A_1120 : vector<16xf32>
      %xor3A_1122 = arith.constant 1 : i32
      %xor3A_1123 = vector.broadcast %xor3A_1122 : i32 to vector<16xi32>
      %xor3A_1124 = arith.xori %iota3A, %xor3A_1123 : vector<16xi32>
      %broadcast_in_dim3A_1125 = vector.shape_cast %xor3A_1124 : vector<16xi32> to vector<16x1xi32>
      %gather3A_1126 = vector.shape_cast %broadcast_in_dim3A_1125 : vector<16x1xi32> to vector<16xi32>
      %gather3A_1127 = tpu.dynamic_gather %scan3A_1032#11[%gather3A_1126] in [0] : vector<16xf32>, vector<16xi32> -> vector<16xf32>
      %add3A_1128 = arith.addf %scan3A_1032#11, %gather3A_1127 : vector<16xf32>
      %select_n3A_1129 = arith.select %eq3A_1039, %add3A_1121, %add3A_1128 : vector<16xi1>, vector<16xf32>
      %xor3A_1130 = arith.constant 1 : i32
      %xor3A_1131 = vector.broadcast %xor3A_1130 : i32 to vector<16xi32>
      %xor3A_1132 = arith.xori %iota3A, %xor3A_1131 : vector<16xi32>
      %broadcast_in_dim3A_1133 = vector.shape_cast %xor3A_1132 : vector<16xi32> to vector<16x1xi32>
      %gather3A_1134 = vector.shape_cast %broadcast_in_dim3A_1133 : vector<16x1xi32> to vector<16xi32>
      %gather3A_1135 = tpu.dynamic_gather %scan3A_1032#12[%gather3A_1134] in [0] : vector<16xf32>, vector<16xi32> -> vector<16xf32>
      %add3A_1136 = arith.addf %scan3A_1032#12, %gather3A_1135 : vector<16xf32>
      %xor3A_1137 = arith.constant 1 : i32
      %xor3A_1138 = vector.broadcast %xor3A_1137 : i32 to vector<16xi32>
      %xor3A_1139 = arith.xori %iota3A, %xor3A_1138 : vector<16xi32>
      %broadcast_in_dim3A_1140 = vector.shape_cast %xor3A_1139 : vector<16xi32> to vector<16x1xi32>
      %gather3A_1141 = vector.shape_cast %broadcast_in_dim3A_1140 : vector<16x1xi32> to vector<16xi32>
      %gather3A_1142 = tpu.dynamic_gather %scan3A_1032#13[%gather3A_1141] in [0] : vector<16xf32>, vector<16xi32> -> vector<16xf32>
      %add3A_1143 = arith.addf %scan3A_1032#13, %gather3A_1142 : vector<16xf32>
      %select_n3A_1144 = arith.select %eq3A_1039, %add3A_1136, %add3A_1143 : vector<16xi1>, vector<16xf32>
      %xor3A_1145 = arith.constant 1 : i32
      %xor3A_1146 = vector.broadcast %xor3A_1145 : i32 to vector<16xi32>
      %xor3A_1147 = arith.xori %iota3A, %xor3A_1146 : vector<16xi32>
      %broadcast_in_dim3A_1148 = vector.shape_cast %xor3A_1147 : vector<16xi32> to vector<16x1xi32>
      %gather3A_1149 = vector.shape_cast %broadcast_in_dim3A_1148 : vector<16x1xi32> to vector<16xi32>
      %gather3A_1150 = tpu.dynamic_gather %scan3A_1032#14[%gather3A_1149] in [0] : vector<16xf32>, vector<16xi32> -> vector<16xf32>
      %add3A_1151 = arith.addf %scan3A_1032#14, %gather3A_1150 : vector<16xf32>
      %xor3A_1152 = arith.constant 1 : i32
      %xor3A_1153 = vector.broadcast %xor3A_1152 : i32 to vector<16xi32>
      %xor3A_1154 = arith.xori %iota3A, %xor3A_1153 : vector<16xi32>
      %broadcast_in_dim3A_1155 = vector.shape_cast %xor3A_1154 : vector<16xi32> to vector<16x1xi32>
      %gather3A_1156 = vector.shape_cast %broadcast_in_dim3A_1155 : vector<16x1xi32> to vector<16xi32>
      %gather3A_1157 = tpu.dynamic_gather %scan3A_1032#15[%gather3A_1156] in [0] : vector<16xf32>, vector<16xi32> -> vector<16xf32>
      %add3A_1158 = arith.addf %scan3A_1032#15, %gather3A_1157 : vector<16xf32>
      %select_n3A_1159 = arith.select %eq3A_1039, %add3A_1151, %add3A_1158 : vector<16xi1>, vector<16xf32>
      %and3A_1160 = arith.constant 2 : i32
      %and3A_1161 = vector.broadcast %and3A_1160 : i32 to vector<16xi32>
      %and3A_1162 = arith.andi %iota3A, %and3A_1161 : vector<16xi32>
      %eq3A_1163 = arith.constant 0 : i32
      %eq3A_1164 = vector.broadcast %eq3A_1163 : i32 to vector<16xi32>
      %eq3A_1165 = arith.cmpi eq, %and3A_1162, %eq3A_1164 : vector<16xi32>
      %xor3A_1166 = arith.constant 2 : i32
      %xor3A_1167 = vector.broadcast %xor3A_1166 : i32 to vector<16xi32>
      %xor3A_1168 = arith.xori %iota3A, %xor3A_1167 : vector<16xi32>
      %broadcast_in_dim3A_1169 = vector.shape_cast %xor3A_1168 : vector<16xi32> to vector<16x1xi32>
      %gather3A_1170 = vector.shape_cast %broadcast_in_dim3A_1169 : vector<16x1xi32> to vector<16xi32>
      %gather3A_1171 = tpu.dynamic_gather %select_n3A_1054[%gather3A_1170] in [0] : vector<16xf32>, vector<16xi32> -> vector<16xf32>
      %add3A_1172 = arith.addf %select_n3A_1054, %gather3A_1171 : vector<16xf32>
      %xor3A_1173 = arith.constant 2 : i32
      %xor3A_1174 = vector.broadcast %xor3A_1173 : i32 to vector<16xi32>
      %xor3A_1175 = arith.xori %iota3A, %xor3A_1174 : vector<16xi32>
      %broadcast_in_dim3A_1176 = vector.shape_cast %xor3A_1175 : vector<16xi32> to vector<16x1xi32>
      %gather3A_1177 = vector.shape_cast %broadcast_in_dim3A_1176 : vector<16x1xi32> to vector<16xi32>
      %gather3A_1178 = tpu.dynamic_gather %select_n3A_1069[%gather3A_1177] in [0] : vector<16xf32>, vector<16xi32> -> vector<16xf32>
      %add3A_1179 = arith.addf %select_n3A_1069, %gather3A_1178 : vector<16xf32>
      %select_n3A_1180 = arith.select %eq3A_1165, %add3A_1172, %add3A_1179 : vector<16xi1>, vector<16xf32>
      %xor3A_1181 = arith.constant 2 : i32
      %xor3A_1182 = vector.broadcast %xor3A_1181 : i32 to vector<16xi32>
      %xor3A_1183 = arith.xori %iota3A, %xor3A_1182 : vector<16xi32>
      %broadcast_in_dim3A_1184 = vector.shape_cast %xor3A_1183 : vector<16xi32> to vector<16x1xi32>
      %gather3A_1185 = vector.shape_cast %broadcast_in_dim3A_1184 : vector<16x1xi32> to vector<16xi32>
      %gather3A_1186 = tpu.dynamic_gather %select_n3A_1084[%gather3A_1185] in [0] : vector<16xf32>, vector<16xi32> -> vector<16xf32>
      %add3A_1187 = arith.addf %select_n3A_1084, %gather3A_1186 : vector<16xf32>
      %xor3A_1188 = arith.constant 2 : i32
      %xor3A_1189 = vector.broadcast %xor3A_1188 : i32 to vector<16xi32>
      %xor3A_1190 = arith.xori %iota3A, %xor3A_1189 : vector<16xi32>
      %broadcast_in_dim3A_1191 = vector.shape_cast %xor3A_1190 : vector<16xi32> to vector<16x1xi32>
      %gather3A_1192 = vector.shape_cast %broadcast_in_dim3A_1191 : vector<16x1xi32> to vector<16xi32>
      %gather3A_1193 = tpu.dynamic_gather %select_n3A_1099[%gather3A_1192] in [0] : vector<16xf32>, vector<16xi32> -> vector<16xf32>
      %add3A_1194 = arith.addf %select_n3A_1099, %gather3A_1193 : vector<16xf32>
      %select_n3A_1195 = arith.select %eq3A_1165, %add3A_1187, %add3A_1194 : vector<16xi1>, vector<16xf32>
      %xor3A_1196 = arith.constant 2 : i32
      %xor3A_1197 = vector.broadcast %xor3A_1196 : i32 to vector<16xi32>
      %xor3A_1198 = arith.xori %iota3A, %xor3A_1197 : vector<16xi32>
      %broadcast_in_dim3A_1199 = vector.shape_cast %xor3A_1198 : vector<16xi32> to vector<16x1xi32>
      %gather3A_1200 = vector.shape_cast %broadcast_in_dim3A_1199 : vector<16x1xi32> to vector<16xi32>
      %gather3A_1201 = tpu.dynamic_gather %select_n3A_1114[%gather3A_1200] in [0] : vector<16xf32>, vector<16xi32> -> vector<16xf32>
      %add3A_1202 = arith.addf %select_n3A_1114, %gather3A_1201 : vector<16xf32>
      %xor3A_1203 = arith.constant 2 : i32
      %xor3A_1204 = vector.broadcast %xor3A_1203 : i32 to vector<16xi32>
      %xor3A_1205 = arith.xori %iota3A, %xor3A_1204 : vector<16xi32>
      %broadcast_in_dim3A_1206 = vector.shape_cast %xor3A_1205 : vector<16xi32> to vector<16x1xi32>
      %gather3A_1207 = vector.shape_cast %broadcast_in_dim3A_1206 : vector<16x1xi32> to vector<16xi32>
      %gather3A_1208 = tpu.dynamic_gather %select_n3A_1129[%gather3A_1207] in [0] : vector<16xf32>, vector<16xi32> -> vector<16xf32>
      %add3A_1209 = arith.addf %select_n3A_1129, %gather3A_1208 : vector<16xf32>
      %select_n3A_1210 = arith.select %eq3A_1165, %add3A_1202, %add3A_1209 : vector<16xi1>, vector<16xf32>
      %xor3A_1211 = arith.constant 2 : i32
      %xor3A_1212 = vector.broadcast %xor3A_1211 : i32 to vector<16xi32>
      %xor3A_1213 = arith.xori %iota3A, %xor3A_1212 : vector<16xi32>
      %broadcast_in_dim3A_1214 = vector.shape_cast %xor3A_1213 : vector<16xi32> to vector<16x1xi32>
      %gather3A_1215 = vector.shape_cast %broadcast_in_dim3A_1214 : vector<16x1xi32> to vector<16xi32>
      %gather3A_1216 = tpu.dynamic_gather %select_n3A_1144[%gather3A_1215] in [0] : vector<16xf32>, vector<16xi32> -> vector<16xf32>
      %add3A_1217 = arith.addf %select_n3A_1144, %gather3A_1216 : vector<16xf32>
      %xor3A_1218 = arith.constant 2 : i32
      %xor3A_1219 = vector.broadcast %xor3A_1218 : i32 to vector<16xi32>
      %xor3A_1220 = arith.xori %iota3A, %xor3A_1219 : vector<16xi32>
      %broadcast_in_dim3A_1221 = vector.shape_cast %xor3A_1220 : vector<16xi32> to vector<16x1xi32>
      %gather3A_1222 = vector.shape_cast %broadcast_in_dim3A_1221 : vector<16x1xi32> to vector<16xi32>
      %gather3A_1223 = tpu.dynamic_gather %select_n3A_1159[%gather3A_1222] in [0] : vector<16xf32>, vector<16xi32> -> vector<16xf32>
      %add3A_1224 = arith.addf %select_n3A_1159, %gather3A_1223 : vector<16xf32>
      %select_n3A_1225 = arith.select %eq3A_1165, %add3A_1217, %add3A_1224 : vector<16xi1>, vector<16xf32>
      %and3A_1226 = arith.constant 4 : i32
      %and3A_1227 = vector.broadcast %and3A_1226 : i32 to vector<16xi32>
      %and3A_1228 = arith.andi %iota3A, %and3A_1227 : vector<16xi32>
      %eq3A_1229 = arith.constant 0 : i32
      %eq3A_1230 = vector.broadcast %eq3A_1229 : i32 to vector<16xi32>
      %eq3A_1231 = arith.cmpi eq, %and3A_1228, %eq3A_1230 : vector<16xi32>
      %xor3A_1232 = arith.constant 4 : i32
      %xor3A_1233 = vector.broadcast %xor3A_1232 : i32 to vector<16xi32>
      %xor3A_1234 = arith.xori %iota3A, %xor3A_1233 : vector<16xi32>
      %broadcast_in_dim3A_1235 = vector.shape_cast %xor3A_1234 : vector<16xi32> to vector<16x1xi32>
      %gather3A_1236 = vector.shape_cast %broadcast_in_dim3A_1235 : vector<16x1xi32> to vector<16xi32>
      %gather3A_1237 = tpu.dynamic_gather %select_n3A_1180[%gather3A_1236] in [0] : vector<16xf32>, vector<16xi32> -> vector<16xf32>
      %add3A_1238 = arith.addf %select_n3A_1180, %gather3A_1237 : vector<16xf32>
      %xor3A_1239 = arith.constant 4 : i32
      %xor3A_1240 = vector.broadcast %xor3A_1239 : i32 to vector<16xi32>
      %xor3A_1241 = arith.xori %iota3A, %xor3A_1240 : vector<16xi32>
      %broadcast_in_dim3A_1242 = vector.shape_cast %xor3A_1241 : vector<16xi32> to vector<16x1xi32>
      %gather3A_1243 = vector.shape_cast %broadcast_in_dim3A_1242 : vector<16x1xi32> to vector<16xi32>
      %gather3A_1244 = tpu.dynamic_gather %select_n3A_1195[%gather3A_1243] in [0] : vector<16xf32>, vector<16xi32> -> vector<16xf32>
      %add3A_1245 = arith.addf %select_n3A_1195, %gather3A_1244 : vector<16xf32>
      %select_n3A_1246 = arith.select %eq3A_1231, %add3A_1238, %add3A_1245 : vector<16xi1>, vector<16xf32>
      %xor3A_1247 = arith.constant 4 : i32
      %xor3A_1248 = vector.broadcast %xor3A_1247 : i32 to vector<16xi32>
      %xor3A_1249 = arith.xori %iota3A, %xor3A_1248 : vector<16xi32>
      %broadcast_in_dim3A_1250 = vector.shape_cast %xor3A_1249 : vector<16xi32> to vector<16x1xi32>
      %gather3A_1251 = vector.shape_cast %broadcast_in_dim3A_1250 : vector<16x1xi32> to vector<16xi32>
      %gather3A_1252 = tpu.dynamic_gather %select_n3A_1210[%gather3A_1251] in [0] : vector<16xf32>, vector<16xi32> -> vector<16xf32>
      %add3A_1253 = arith.addf %select_n3A_1210, %gather3A_1252 : vector<16xf32>
      %xor3A_1254 = arith.constant 4 : i32
      %xor3A_1255 = vector.broadcast %xor3A_1254 : i32 to vector<16xi32>
      %xor3A_1256 = arith.xori %iota3A, %xor3A_1255 : vector<16xi32>
      %broadcast_in_dim3A_1257 = vector.shape_cast %xor3A_1256 : vector<16xi32> to vector<16x1xi32>
      %gather3A_1258 = vector.shape_cast %broadcast_in_dim3A_1257 : vector<16x1xi32> to vector<16xi32>
      %gather3A_1259 = tpu.dynamic_gather %select_n3A_1225[%gather3A_1258] in [0] : vector<16xf32>, vector<16xi32> -> vector<16xf32>
      %add3A_1260 = arith.addf %select_n3A_1225, %gather3A_1259 : vector<16xf32>
      %select_n3A_1261 = arith.select %eq3A_1231, %add3A_1253, %add3A_1260 : vector<16xi1>, vector<16xf32>
      %and3A_1262 = arith.constant 8 : i32
      %and3A_1263 = vector.broadcast %and3A_1262 : i32 to vector<16xi32>
      %and3A_1264 = arith.andi %iota3A, %and3A_1263 : vector<16xi32>
      %eq3A_1265 = arith.constant 0 : i32
      %eq3A_1266 = vector.broadcast %eq3A_1265 : i32 to vector<16xi32>
      %eq3A_1267 = arith.cmpi eq, %and3A_1264, %eq3A_1266 : vector<16xi32>
      %xor3A_1268 = arith.constant 8 : i32
      %xor3A_1269 = vector.broadcast %xor3A_1268 : i32 to vector<16xi32>
      %xor3A_1270 = arith.xori %iota3A, %xor3A_1269 : vector<16xi32>
      %broadcast_in_dim3A_1271 = vector.shape_cast %xor3A_1270 : vector<16xi32> to vector<16x1xi32>
      %gather3A_1272 = vector.shape_cast %broadcast_in_dim3A_1271 : vector<16x1xi32> to vector<16xi32>
      %gather3A_1273 = tpu.dynamic_gather %select_n3A_1246[%gather3A_1272] in [0] : vector<16xf32>, vector<16xi32> -> vector<16xf32>
      %add3A_1274 = arith.addf %select_n3A_1246, %gather3A_1273 : vector<16xf32>
      %xor3A_1275 = arith.constant 8 : i32
      %xor3A_1276 = vector.broadcast %xor3A_1275 : i32 to vector<16xi32>
      %xor3A_1277 = arith.xori %iota3A, %xor3A_1276 : vector<16xi32>
      %broadcast_in_dim3A_1278 = vector.shape_cast %xor3A_1277 : vector<16xi32> to vector<16x1xi32>
      %gather3A_1279 = vector.shape_cast %broadcast_in_dim3A_1278 : vector<16x1xi32> to vector<16xi32>
      %gather3A_1280 = tpu.dynamic_gather %select_n3A_1261[%gather3A_1279] in [0] : vector<16xf32>, vector<16xi32> -> vector<16xf32>
      %add3A_1281 = arith.addf %select_n3A_1261, %gather3A_1280 : vector<16xf32>
      %select_n3A_1282 = arith.select %eq3A_1267, %add3A_1274, %add3A_1281 : vector<16xi1>, vector<16xf32>
      %mul3A_1283 = arith.constant 0.00130208337 : f32
      %mul3A_1284 = vector.broadcast %mul3A_1283 : f32 to vector<16xf32>
      %mul3A_1285 = arith.mulf %select_n3A_1282, %mul3A_1284 : vector<16xf32>
      %add3A_1286 = arith.constant 9.99999996E-13 : f32
      %add3A_1287 = vector.broadcast %add3A_1286 : f32 to vector<16xf32>
      %add3A_1288 = arith.addf %mul3A_1285, %add3A_1287 : vector<16xf32>
      %bitcast_convert_type3A_1289 = tpu.bitcast %add3A_1288 : vector<16xf32> -> vector<16xi32>
      %shift_right_arithmetic3A_1290 = arith.constant 1 : i32
      %shift_right_arithmetic3A_1291 = vector.broadcast %shift_right_arithmetic3A_1290 : i32 to vector<16xi32>
      %shift_right_arithmetic3A_1292 = arith.shrsi %bitcast_convert_type3A_1289, %shift_right_arithmetic3A_1291 : vector<16xi32>
      %sub3A_1293 = arith.constant 1597463007 : i32
      %sub3A_1294 = vector.broadcast %sub3A_1293 : i32 to vector<16xi32>
      %sub3A_1295 = arith.subi %sub3A_1294, %shift_right_arithmetic3A_1292 : vector<16xi32>
      %bitcast_convert_type3A_1296 = tpu.bitcast %sub3A_1295 : vector<16xi32> -> vector<16xf32>
      %mul3A_1297 = arith.constant 5.000000e-01 : f32
      %mul3A_1298 = vector.broadcast %mul3A_1297 : f32 to vector<16xf32>
      %mul3A_1299 = arith.mulf %mul3A_1298, %add3A_1288 : vector<16xf32>
      %mul3A_1300 = arith.mulf %mul3A_1299, %bitcast_convert_type3A_1296 : vector<16xf32>
      %mul3A_1301 = arith.mulf %mul3A_1300, %bitcast_convert_type3A_1296 : vector<16xf32>
      %sub3A_1302 = arith.constant 1.500000e+00 : f32
      %sub3A_1303 = vector.broadcast %sub3A_1302 : f32 to vector<16xf32>
      %sub3A_1304 = arith.subf %sub3A_1303, %mul3A_1301 : vector<16xf32>
      %mul3A_1305 = arith.mulf %bitcast_convert_type3A_1296, %sub3A_1304 : vector<16xf32>
      %mul3A_1306 = arith.constant 5.000000e-01 : f32
      %mul3A_1307 = vector.broadcast %mul3A_1306 : f32 to vector<16xf32>
      %mul3A_1308 = arith.mulf %mul3A_1307, %add3A_1288 : vector<16xf32>
      %mul3A_1309 = arith.mulf %mul3A_1308, %mul3A_1305 : vector<16xf32>
      %mul3A_1310 = arith.mulf %mul3A_1309, %mul3A_1305 : vector<16xf32>
      %sub3A_1311 = arith.constant 1.500000e+00 : f32
      %sub3A_1312 = vector.broadcast %sub3A_1311 : f32 to vector<16xf32>
      %sub3A_1313 = arith.subf %sub3A_1312, %mul3A_1310 : vector<16xf32>
      %mul3A_1314 = arith.mulf %mul3A_1305, %sub3A_1313 : vector<16xf32>
      %swap3A_1315 = arith.constant 0 : index
      %swap3A_1316 = tpu.vector_load %arg19[%swap3A_1315] {strides = array<i32>} : memref<16xf32, #tpu.memory_space<vmem>>, vector<16xf32>,
      %swap3A_1317 = vector.shape_cast %swap3A_1316 : vector<16xf32> to vector<16xf32>
      %swap3A_1318 = vector.shape_cast %mul3A_1314 : vector<16xf32> to vector<16xf32>
      tpu.vector_store %arg19[%swap3A_1315], %swap3A_1318 {strides = array<i32>} : memref<16xf32, #tpu.memory_space<vmem>>, vector<16xf32>,
      %sub3A_1319 = arith.constant 1 : i32
      %sub3A_1320 = arith.subi %add3A_1007, %sub3A_1319 : i32
      %mul3A_1321 = arith.constant 16 : i32
      %mul3A_1322 = arith.muli %sub3A_1320, %mul3A_1321 : i32
      %add3A_1323 = arith.addi %mul3A_2, %mul3A_1322 : i32
      %dma_start3A_1324 = arith.constant 0 : i32
      %dma_start3A_1325 = tpu.memref_slice %arg7[%add3A_1323, %dma_start3A_1324] : memref<32768x768xf32, #tpu.memory_space<hbm>> -> memref<16x768xf32, #tpu.memory_space<hbm>>
      %dma_start3A_1326 = arith.constant 0 : i32
      %dma_start3A_1327 = tpu.memref_slice %arg7[%add3A_1323, %dma_start3A_1326] : memref<32768x768xf32, #tpu.memory_space<hbm>> -> memref<16x768xf32, #tpu.memory_space<hbm>>
      tpu.enqueue_dma source(%arg16 : memref<16x768xf32, #tpu.memory_space<vmem>>) target(%dma_start3A_1327 : memref<16x768xf32, #tpu.memory_space<hbm>>) target_semaphore(%arg25 : memref<!tpu.dma_semaphore, #tpu.memory_space<semaphore_mem>>)
      %add3A_1328 = arith.constant 2 : i32
      %add3A_1329 = arith.addi %add3A_1007, %add3A_1328 : i32
      %lt3A_1330 = arith.constant 64 : i32
      %lt3A_1331 = arith.cmpi slt, %add3A_1329, %lt3A_1330 : i32
      %convert_element_type3A_1332 = arith.extui %lt3A_1331 : i1 to i32
      %cond3A_1333 = arith.constant 0 : i32
      %cond3A_1334 = arith.cmpi ne, %convert_element_type3A_1332, %cond3A_1333 : i32
      scf.if %cond3A_1334 {
        %add3A_1335 = arith.constant 2 : i32
        %add3A_1336 = arith.addi %add3A_1007, %add3A_1335 : i32
        %mul3A_1337 = arith.constant 16 : i32
        %mul3A_1338 = arith.muli %add3A_1336, %mul3A_1337 : i32
        %mul3A_1339 = arith.constant 16 : i32
        %mul3A_1340 = arith.muli %add3A_1336, %mul3A_1339 : i32
        %dma_start3A_1341 = tpu.memref_slice %arg8[%mul3A_1338] : memref<1024xi32, #tpu.memory_space<vmem>> -> memref<16xi32, #tpu.memory_space<vmem>>
        %dma_start3A_1342 = arith.constant 0 : i32
        %dma_start3A_1343 = arith.constant 0 : i32
        %dma_start3A_1344 = tpu.memref_slice %arg4[%dma_start3A_1342, %dma_start3A_1343] : memref<30522x768xf32, #tpu.memory_space<hbm>> -> memref<30522x768xf32, #tpu.memory_space<hbm>>
        tpu.enqueue_indirect_dma source(%dma_start3A_1344 : memref<30522x768xf32, #tpu.memory_space<hbm>>) target(%arg11 : memref<16x768xf32, #tpu.memory_space<vmem>>) offsets(%dma_start3A_1341 : memref<16xi32, #tpu.memory_space<vmem>>) semaphore(%arg20 : memref<!tpu.dma_semaphore, #tpu.memory_space<semaphore_mem>>)
        %dma_start3A_1345 = tpu.memref_slice %arg9[%mul3A_1340] : memref<1024xi32, #tpu.memory_space<vmem>> -> memref<16xi32, #tpu.memory_space<vmem>>
        %dma_start3A_1346 = arith.constant 0 : i32
        %dma_start3A_1347 = arith.constant 0 : i32
        %dma_start3A_1348 = tpu.memref_slice %arg5[%dma_start3A_1346, %dma_start3A_1347] : memref<8192x768xf32, #tpu.memory_space<hbm>> -> memref<8192x768xf32, #tpu.memory_space<hbm>>
        tpu.enqueue_indirect_dma source(%dma_start3A_1348 : memref<8192x768xf32, #tpu.memory_space<hbm>>) target(%arg13 : memref<16x768xf32, #tpu.memory_space<vmem>>) offsets(%dma_start3A_1345 : memref<16xi32, #tpu.memory_space<vmem>>) semaphore(%arg22 : memref<!tpu.dma_semaphore, #tpu.memory_space<semaphore_mem>>)
      } else {
      }
    }
    %scan3A_328 = arith.constant 31 : i32
    %dma_wait3A_329 = arith.constant 1008 : i32
    %dma_wait3A_330 = tpu.memref_slice %arg8[%dma_wait3A_329] : memref<1024xi32, #tpu.memory_space<vmem>> -> memref<16xi32, #tpu.memory_space<vmem>>
    %dma_wait3A_331 = arith.constant 0 : i32
    %dma_wait3A_332 = arith.constant 0 : i32
    %dma_wait3A_333 = tpu.memref_slice %arg4[%dma_wait3A_331, %dma_wait3A_332] : memref<30522x768xf32, #tpu.memory_space<hbm>> -> memref<30522x768xf32, #tpu.memory_space<hbm>>
    tpu.wait_indirect_dma semaphore(%arg21 : memref<!tpu.dma_semaphore, #tpu.memory_space<semaphore_mem>>) src(%dma_wait3A_333 : memref<30522x768xf32, #tpu.memory_space<hbm>>) dst(%arg12 : memref<16x768xf32, #tpu.memory_space<vmem>>)
    %dma_wait3A_334 = arith.constant 1008 : i32
    %dma_wait3A_335 = tpu.memref_slice %arg9[%dma_wait3A_334] : memref<1024xi32, #tpu.memory_space<vmem>> -> memref<16xi32, #tpu.memory_space<vmem>>
    %dma_wait3A_336 = arith.constant 0 : i32
    %dma_wait3A_337 = arith.constant 0 : i32
    %dma_wait3A_338 = tpu.memref_slice %arg5[%dma_wait3A_336, %dma_wait3A_337] : memref<8192x768xf32, #tpu.memory_space<hbm>> -> memref<8192x768xf32, #tpu.memory_space<hbm>>
    tpu.wait_indirect_dma semaphore(%arg23 : memref<!tpu.dma_semaphore, #tpu.memory_space<semaphore_mem>>) src(%dma_wait3A_338 : memref<8192x768xf32, #tpu.memory_space<hbm>>) dst(%arg14 : memref<16x768xf32, #tpu.memory_space<vmem>>)
    %add3A_339 = arith.constant 960 : i32
    %add3A_340 = arith.addi %mul3A_2, %add3A_339 : i32
    %dma_wait3A_341 = arith.constant 0 : i32
    %dma_wait3A_342 = tpu.memref_slice %arg7[%add3A_340, %dma_wait3A_341] : memref<32768x768xf32, #tpu.memory_space<hbm>> -> memref<16x768xf32, #tpu.memory_space<hbm>>
    %dma_wait3A_343 = arith.constant 0 : i32
    %dma_wait3A_344 = tpu.memref_slice %arg7[%add3A_340, %dma_wait3A_343] : memref<32768x768xf32, #tpu.memory_space<hbm>> -> memref<16x768xf32, #tpu.memory_space<hbm>>
    tpu.wait_dma2 semaphore(%arg24 : memref<!tpu.dma_semaphore, #tpu.memory_space<semaphore_mem>>) src(%arg15 : memref<16x768xf32, #tpu.memory_space<vmem>>) dst(%dma_wait3A_344 : memref<16x768xf32, #tpu.memory_space<hbm>>)
    %get3A = arith.constant 0 : index
    %get3A_345 = tpu.vector_load %arg19[%get3A] {strides = array<i32>} : memref<16xf32, #tpu.memory_space<vmem>>, vector<16xf32>,
    %get3A_346 = vector.shape_cast %get3A_345 : vector<16xf32> to vector<16xf32>
    %scan3A_347 = arith.constant 0 : i32
    %scan3A_348 = arith.constant 48 : i32
    %scan3A_349 = arith.addi %scan3A_347, %scan3A_348 : i32
    %scan3A_350 = arith.constant 1 : i32
    %scan3A_351:16 = scf.for %scan3A_676 = %scan3A_347 to %scan3A_349 step %scan3A_350 iter_args(%scan3A_677 = %broadcast_in_dim3A_22, %scan3A_678 = %broadcast_in_dim3A_22, %scan3A_679 = %broadcast_in_dim3A_22, %scan3A_680 = %broadcast_in_dim3A_22, %scan3A_681 = %broadcast_in_dim3A_22, %scan3A_682 = %broadcast_in_dim3A_22, %scan3A_683 = %broadcast_in_dim3A_22, %scan3A_684 = %broadcast_in_dim3A_22, %scan3A_685 = %broadcast_in_dim3A_22, %scan3A_686 = %broadcast_in_dim3A_22, %scan3A_687 = %broadcast_in_dim3A_22, %scan3A_688 = %broadcast_in_dim3A_22, %scan3A_689 = %broadcast_in_dim3A_22, %scan3A_690 = %broadcast_in_dim3A_22, %scan3A_691 = %broadcast_in_dim3A_22, %scan3A_692 = %broadcast_in_dim3A_22) -> (vector<16xf32>, vector<16xf32>, vector<16xf32>, vector<16xf32>, vector<16xf32>, vector<16xf32>, vector<16xf32>, vector<16xf32>, vector<16xf32>, vector<16xf32>, vector<16xf32>, vector<16xf32>, vector<16xf32>, vector<16xf32>, vector<16xf32>, vector<16xf32>)  : i32 {
      %mul3A_693 = arith.constant 16 : i32
      %mul3A_694 = arith.muli %scan3A_676, %mul3A_693 : i32
      %get3A_695 = arith.index_cast %mul3A_694 : i32 to index
      %get3A_696 = tpu.vector_load %arg10[%get3A_695] {strides = array<i32>} : memref<768xf32, #tpu.memory_space<vmem>>, vector<16xf32>,
      %get3A_697 = vector.shape_cast %get3A_696 : vector<16xf32> to vector<16xf32>
      %get3A_698 = arith.constant 0 : i32
      %get3A_699 = arith.index_cast %get3A_698 : i32 to index
      %get3A_700 = arith.index_cast %mul3A_694 : i32 to index
      %get3A_701 = tpu.vector_load %arg12[%get3A_699, %get3A_700] {strides = array<i32>} : memref<16x768xf32, #tpu.memory_space<vmem>>, vector<1x16xf32>,
      %get3A_702 = vector.shape_cast %get3A_701 : vector<1x16xf32> to vector<16xf32>
      %get3A_703 = arith.constant 0 : i32
      %get3A_704 = arith.index_cast %get3A_703 : i32 to index
      %get3A_705 = arith.index_cast %mul3A_694 : i32 to index
      %get3A_706 = tpu.vector_load %arg14[%get3A_704, %get3A_705] {strides = array<i32>} : memref<16x768xf32, #tpu.memory_space<vmem>>, vector<1x16xf32>,
      %get3A_707 = vector.shape_cast %get3A_706 : vector<1x16xf32> to vector<16xf32>
      %add3A_708 = arith.addf %get3A_702, %get3A_707 : vector<16xf32>
      %swap3A_709 = arith.constant 0 : i32
      %swap3A_710 = arith.index_cast %swap3A_709 : i32 to index
      %swap3A_711 = arith.index_cast %mul3A_694 : i32 to index
      %swap3A_712 = tpu.vector_load %arg18[%swap3A_710, %swap3A_711] {strides = array<i32>} : memref<16x768xf32, #tpu.memory_space<vmem>>, vector<1x16xf32>,
      %swap3A_713 = vector.shape_cast %swap3A_712 : vector<1x16xf32> to vector<16xf32>
      %swap3A_714 = vector.shape_cast %add3A_708 : vector<16xf32> to vector<1x16xf32>
      tpu.vector_store %arg18[%swap3A_710, %swap3A_711], %swap3A_714 {strides = array<i32>} : memref<16x768xf32, #tpu.memory_space<vmem>>, vector<1x16xf32>,
      %mul3A_715 = arith.mulf %add3A_708, %add3A_708 : vector<16xf32>
      %add3A_716 = arith.addf %scan3A_677, %mul3A_715 : vector<16xf32>
      %get3A_717 = arith.constant 0 : i32
      %get3A_718 = arith.index_cast %get3A_717 : i32 to index
      %get3A_719 = arith.index_cast %mul3A_694 : i32 to index
      %get3A_720 = tpu.vector_load %arg17[%get3A_718, %get3A_719] {strides = array<i32>} : memref<16x768xf32, #tpu.memory_space<vmem>>, vector<1x16xf32>,
      %get3A_721 = vector.shape_cast %get3A_720 : vector<1x16xf32> to vector<16xf32>
      %slice3A = vector.extract_strided_slice %get3A_346 {offsets = [0], sizes = [1], strides = [1]} : vector<16xf32> to vector<1xf32>
      %squeeze3A = vector.extract %slice3A[0] : f32 from vector<1xf32>
      %broadcast_in_dim3A_722 = vector.broadcast %squeeze3A : f32 to vector<16xf32>
      %mul3A_723 = arith.mulf %get3A_721, %broadcast_in_dim3A_722 : vector<16xf32>
      %mul3A_724 = arith.mulf %mul3A_723, %get3A_697 : vector<16xf32>
      %swap3A_725 = arith.constant 0 : i32
      %swap3A_726 = arith.index_cast %swap3A_725 : i32 to index
      %swap3A_727 = arith.index_cast %mul3A_694 : i32 to index
      %swap3A_728 = tpu.vector_load %arg15[%swap3A_726, %swap3A_727] {strides = array<i32>} : memref<16x768xf32, #tpu.memory_space<vmem>>, vector<1x16xf32>,
      %swap3A_729 = vector.shape_cast %swap3A_728 : vector<1x16xf32> to vector<16xf32>
      %swap3A_730 = vector.shape_cast %mul3A_724 : vector<16xf32> to vector<1x16xf32>
      tpu.vector_store %arg15[%swap3A_726, %swap3A_727], %swap3A_730 {strides = array<i32>} : memref<16x768xf32, #tpu.memory_space<vmem>>, vector<1x16xf32>,
      %get3A_731 = arith.constant 1 : i32
      %get3A_732 = arith.index_cast %get3A_731 : i32 to index
      %get3A_733 = arith.index_cast %mul3A_694 : i32 to index
      %get3A_734 = tpu.vector_load %arg12[%get3A_732, %get3A_733] {strides = array<i32>} : memref<16x768xf32, #tpu.memory_space<vmem>>, vector<1x16xf32>,
      %get3A_735 = vector.shape_cast %get3A_734 : vector<1x16xf32> to vector<16xf32>
      %get3A_736 = arith.constant 1 : i32
      %get3A_737 = arith.index_cast %get3A_736 : i32 to index
      %get3A_738 = arith.index_cast %mul3A_694 : i32 to index
      %get3A_739 = tpu.vector_load %arg14[%get3A_737, %get3A_738] {strides = array<i32>} : memref<16x768xf32, #tpu.memory_space<vmem>>, vector<1x16xf32>,
      %get3A_740 = vector.shape_cast %get3A_739 : vector<1x16xf32> to vector<16xf32>
      %add3A_741 = arith.addf %get3A_735, %get3A_740 : vector<16xf32>
      %swap3A_742 = arith.constant 1 : i32
      %swap3A_743 = arith.index_cast %swap3A_742 : i32 to index
      %swap3A_744 = arith.index_cast %mul3A_694 : i32 to index
      %swap3A_745 = tpu.vector_load %arg18[%swap3A_743, %swap3A_744] {strides = array<i32>} : memref<16x768xf32, #tpu.memory_space<vmem>>, vector<1x16xf32>,
      %swap3A_746 = vector.shape_cast %swap3A_745 : vector<1x16xf32> to vector<16xf32>
      %swap3A_747 = vector.shape_cast %add3A_741 : vector<16xf32> to vector<1x16xf32>
      tpu.vector_store %arg18[%swap3A_743, %swap3A_744], %swap3A_747 {strides = array<i32>} : memref<16x768xf32, #tpu.memory_space<vmem>>, vector<1x16xf32>,
      %mul3A_748 = arith.mulf %add3A_741, %add3A_741 : vector<16xf32>
      %add3A_749 = arith.addf %scan3A_678, %mul3A_748 : vector<16xf32>
      %get3A_750 = arith.constant 1 : i32
      %get3A_751 = arith.index_cast %get3A_750 : i32 to index
      %get3A_752 = arith.index_cast %mul3A_694 : i32 to index
      %get3A_753 = tpu.vector_load %arg17[%get3A_751, %get3A_752] {strides = array<i32>} : memref<16x768xf32, #tpu.memory_space<vmem>>, vector<1x16xf32>,
      %get3A_754 = vector.shape_cast %get3A_753 : vector<1x16xf32> to vector<16xf32>
      %slice3A_755 = vector.extract_strided_slice %get3A_346 {offsets = [1], sizes = [1], strides = [1]} : vector<16xf32> to vector<1xf32>
      %squeeze3A_756 = vector.extract %slice3A_755[0] : f32 from vector<1xf32>
      %broadcast_in_dim3A_757 = vector.broadcast %squeeze3A_756 : f32 to vector<16xf32>
      %mul3A_758 = arith.mulf %get3A_754, %broadcast_in_dim3A_757 : vector<16xf32>
      %mul3A_759 = arith.mulf %mul3A_758, %get3A_697 : vector<16xf32>
      %swap3A_760 = arith.constant 1 : i32
      %swap3A_761 = arith.index_cast %swap3A_760 : i32 to index
      %swap3A_762 = arith.index_cast %mul3A_694 : i32 to index
      %swap3A_763 = tpu.vector_load %arg15[%swap3A_761, %swap3A_762] {strides = array<i32>} : memref<16x768xf32, #tpu.memory_space<vmem>>, vector<1x16xf32>,
      %swap3A_764 = vector.shape_cast %swap3A_763 : vector<1x16xf32> to vector<16xf32>
      %swap3A_765 = vector.shape_cast %mul3A_759 : vector<16xf32> to vector<1x16xf32>
      tpu.vector_store %arg15[%swap3A_761, %swap3A_762], %swap3A_765 {strides = array<i32>} : memref<16x768xf32, #tpu.memory_space<vmem>>, vector<1x16xf32>,
      %get3A_766 = arith.constant 2 : i32
      %get3A_767 = arith.index_cast %get3A_766 : i32 to index
      %get3A_768 = arith.index_cast %mul3A_694 : i32 to index
      %get3A_769 = tpu.vector_load %arg12[%get3A_767, %get3A_768] {strides = array<i32>} : memref<16x768xf32, #tpu.memory_space<vmem>>, vector<1x16xf32>,
      %get3A_770 = vector.shape_cast %get3A_769 : vector<1x16xf32> to vector<16xf32>
      %get3A_771 = arith.constant 2 : i32
      %get3A_772 = arith.index_cast %get3A_771 : i32 to index
      %get3A_773 = arith.index_cast %mul3A_694 : i32 to index
      %get3A_774 = tpu.vector_load %arg14[%get3A_772, %get3A_773] {strides = array<i32>} : memref<16x768xf32, #tpu.memory_space<vmem>>, vector<1x16xf32>,
      %get3A_775 = vector.shape_cast %get3A_774 : vector<1x16xf32> to vector<16xf32>
      %add3A_776 = arith.addf %get3A_770, %get3A_775 : vector<16xf32>
      %swap3A_777 = arith.constant 2 : i32
      %swap3A_778 = arith.index_cast %swap3A_777 : i32 to index
      %swap3A_779 = arith.index_cast %mul3A_694 : i32 to index
      %swap3A_780 = tpu.vector_load %arg18[%swap3A_778, %swap3A_779] {strides = array<i32>} : memref<16x768xf32, #tpu.memory_space<vmem>>, vector<1x16xf32>,
      %swap3A_781 = vector.shape_cast %swap3A_780 : vector<1x16xf32> to vector<16xf32>
      %swap3A_782 = vector.shape_cast %add3A_776 : vector<16xf32> to vector<1x16xf32>
      tpu.vector_store %arg18[%swap3A_778, %swap3A_779], %swap3A_782 {strides = array<i32>} : memref<16x768xf32, #tpu.memory_space<vmem>>, vector<1x16xf32>,
      %mul3A_783 = arith.mulf %add3A_776, %add3A_776 : vector<16xf32>
      %add3A_784 = arith.addf %scan3A_679, %mul3A_783 : vector<16xf32>
      %get3A_785 = arith.constant 2 : i32
      %get3A_786 = arith.index_cast %get3A_785 : i32 to index
      %get3A_787 = arith.index_cast %mul3A_694 : i32 to index
      %get3A_788 = tpu.vector_load %arg17[%get3A_786, %get3A_787] {strides = array<i32>} : memref<16x768xf32, #tpu.memory_space<vmem>>, vector<1x16xf32>,
      %get3A_789 = vector.shape_cast %get3A_788 : vector<1x16xf32> to vector<16xf32>
      %slice3A_790 = vector.extract_strided_slice %get3A_346 {offsets = [2], sizes = [1], strides = [1]} : vector<16xf32> to vector<1xf32>
      %squeeze3A_791 = vector.extract %slice3A_790[0] : f32 from vector<1xf32>
      %broadcast_in_dim3A_792 = vector.broadcast %squeeze3A_791 : f32 to vector<16xf32>
      %mul3A_793 = arith.mulf %get3A_789, %broadcast_in_dim3A_792 : vector<16xf32>
      %mul3A_794 = arith.mulf %mul3A_793, %get3A_697 : vector<16xf32>
      %swap3A_795 = arith.constant 2 : i32
      %swap3A_796 = arith.index_cast %swap3A_795 : i32 to index
      %swap3A_797 = arith.index_cast %mul3A_694 : i32 to index
      %swap3A_798 = tpu.vector_load %arg15[%swap3A_796, %swap3A_797] {strides = array<i32>} : memref<16x768xf32, #tpu.memory_space<vmem>>, vector<1x16xf32>,
      %swap3A_799 = vector.shape_cast %swap3A_798 : vector<1x16xf32> to vector<16xf32>
      %swap3A_800 = vector.shape_cast %mul3A_794 : vector<16xf32> to vector<1x16xf32>
      tpu.vector_store %arg15[%swap3A_796, %swap3A_797], %swap3A_800 {strides = array<i32>} : memref<16x768xf32, #tpu.memory_space<vmem>>, vector<1x16xf32>,
      %get3A_801 = arith.constant 3 : i32
      %get3A_802 = arith.index_cast %get3A_801 : i32 to index
      %get3A_803 = arith.index_cast %mul3A_694 : i32 to index
      %get3A_804 = tpu.vector_load %arg12[%get3A_802, %get3A_803] {strides = array<i32>} : memref<16x768xf32, #tpu.memory_space<vmem>>, vector<1x16xf32>,
      %get3A_805 = vector.shape_cast %get3A_804 : vector<1x16xf32> to vector<16xf32>
      %get3A_806 = arith.constant 3 : i32
      %get3A_807 = arith.index_cast %get3A_806 : i32 to index
      %get3A_808 = arith.index_cast %mul3A_694 : i32 to index
      %get3A_809 = tpu.vector_load %arg14[%get3A_807, %get3A_808] {strides = array<i32>} : memref<16x768xf32, #tpu.memory_space<vmem>>, vector<1x16xf32>,
      %get3A_810 = vector.shape_cast %get3A_809 : vector<1x16xf32> to vector<16xf32>
      %add3A_811 = arith.addf %get3A_805, %get3A_810 : vector<16xf32>
      %swap3A_812 = arith.constant 3 : i32
      %swap3A_813 = arith.index_cast %swap3A_812 : i32 to index
      %swap3A_814 = arith.index_cast %mul3A_694 : i32 to index
      %swap3A_815 = tpu.vector_load %arg18[%swap3A_813, %swap3A_814] {strides = array<i32>} : memref<16x768xf32, #tpu.memory_space<vmem>>, vector<1x16xf32>,
      %swap3A_816 = vector.shape_cast %swap3A_815 : vector<1x16xf32> to vector<16xf32>
      %swap3A_817 = vector.shape_cast %add3A_811 : vector<16xf32> to vector<1x16xf32>
      tpu.vector_store %arg18[%swap3A_813, %swap3A_814], %swap3A_817 {strides = array<i32>} : memref<16x768xf32, #tpu.memory_space<vmem>>, vector<1x16xf32>,
      %mul3A_818 = arith.mulf %add3A_811, %add3A_811 : vector<16xf32>
      %add3A_819 = arith.addf %scan3A_680, %mul3A_818 : vector<16xf32>
      %get3A_820 = arith.constant 3 : i32
      %get3A_821 = arith.index_cast %get3A_820 : i32 to index
      %get3A_822 = arith.index_cast %mul3A_694 : i32 to index
      %get3A_823 = tpu.vector_load %arg17[%get3A_821, %get3A_822] {strides = array<i32>} : memref<16x768xf32, #tpu.memory_space<vmem>>, vector<1x16xf32>,
      %get3A_824 = vector.shape_cast %get3A_823 : vector<1x16xf32> to vector<16xf32>
      %slice3A_825 = vector.extract_strided_slice %get3A_346 {offsets = [3], sizes = [1], strides = [1]} : vector<16xf32> to vector<1xf32>
      %squeeze3A_826 = vector.extract %slice3A_825[0] : f32 from vector<1xf32>
      %broadcast_in_dim3A_827 = vector.broadcast %squeeze3A_826 : f32 to vector<16xf32>
      %mul3A_828 = arith.mulf %get3A_824, %broadcast_in_dim3A_827 : vector<16xf32>
      %mul3A_829 = arith.mulf %mul3A_828, %get3A_697 : vector<16xf32>
      %swap3A_830 = arith.constant 3 : i32
      %swap3A_831 = arith.index_cast %swap3A_830 : i32 to index
      %swap3A_832 = arith.index_cast %mul3A_694 : i32 to index
      %swap3A_833 = tpu.vector_load %arg15[%swap3A_831, %swap3A_832] {strides = array<i32>} : memref<16x768xf32, #tpu.memory_space<vmem>>, vector<1x16xf32>,
      %swap3A_834 = vector.shape_cast %swap3A_833 : vector<1x16xf32> to vector<16xf32>
      %swap3A_835 = vector.shape_cast %mul3A_829 : vector<16xf32> to vector<1x16xf32>
      tpu.vector_store %arg15[%swap3A_831, %swap3A_832], %swap3A_835 {strides = array<i32>} : memref<16x768xf32, #tpu.memory_space<vmem>>, vector<1x16xf32>,
      %get3A_836 = arith.constant 4 : i32
      %get3A_837 = arith.index_cast %get3A_836 : i32 to index
      %get3A_838 = arith.index_cast %mul3A_694 : i32 to index
      %get3A_839 = tpu.vector_load %arg12[%get3A_837, %get3A_838] {strides = array<i32>} : memref<16x768xf32, #tpu.memory_space<vmem>>, vector<1x16xf32>,
      %get3A_840 = vector.shape_cast %get3A_839 : vector<1x16xf32> to vector<16xf32>
      %get3A_841 = arith.constant 4 : i32
      %get3A_842 = arith.index_cast %get3A_841 : i32 to index
      %get3A_843 = arith.index_cast %mul3A_694 : i32 to index
      %get3A_844 = tpu.vector_load %arg14[%get3A_842, %get3A_843] {strides = array<i32>} : memref<16x768xf32, #tpu.memory_space<vmem>>, vector<1x16xf32>,
      %get3A_845 = vector.shape_cast %get3A_844 : vector<1x16xf32> to vector<16xf32>
      %add3A_846 = arith.addf %get3A_840, %get3A_845 : vector<16xf32>
      %swap3A_847 = arith.constant 4 : i32
      %swap3A_848 = arith.index_cast %swap3A_847 : i32 to index
      %swap3A_849 = arith.index_cast %mul3A_694 : i32 to index
      %swap3A_850 = tpu.vector_load %arg18[%swap3A_848, %swap3A_849] {strides = array<i32>} : memref<16x768xf32, #tpu.memory_space<vmem>>, vector<1x16xf32>,
      %swap3A_851 = vector.shape_cast %swap3A_850 : vector<1x16xf32> to vector<16xf32>
      %swap3A_852 = vector.shape_cast %add3A_846 : vector<16xf32> to vector<1x16xf32>
      tpu.vector_store %arg18[%swap3A_848, %swap3A_849], %swap3A_852 {strides = array<i32>} : memref<16x768xf32, #tpu.memory_space<vmem>>, vector<1x16xf32>,
      %mul3A_853 = arith.mulf %add3A_846, %add3A_846 : vector<16xf32>
      %add3A_854 = arith.addf %scan3A_681, %mul3A_853 : vector<16xf32>
      %get3A_855 = arith.constant 4 : i32
      %get3A_856 = arith.index_cast %get3A_855 : i32 to index
      %get3A_857 = arith.index_cast %mul3A_694 : i32 to index
      %get3A_858 = tpu.vector_load %arg17[%get3A_856, %get3A_857] {strides = array<i32>} : memref<16x768xf32, #tpu.memory_space<vmem>>, vector<1x16xf32>,
      %get3A_859 = vector.shape_cast %get3A_858 : vector<1x16xf32> to vector<16xf32>
      %slice3A_860 = vector.extract_strided_slice %get3A_346 {offsets = [4], sizes = [1], strides = [1]} : vector<16xf32> to vector<1xf32>
      %squeeze3A_861 = vector.extract %slice3A_860[0] : f32 from vector<1xf32>
      %broadcast_in_dim3A_862 = vector.broadcast %squeeze3A_861 : f32 to vector<16xf32>
      %mul3A_863 = arith.mulf %get3A_859, %broadcast_in_dim3A_862 : vector<16xf32>
      %mul3A_864 = arith.mulf %mul3A_863, %get3A_697 : vector<16xf32>
      %swap3A_865 = arith.constant 4 : i32
      %swap3A_866 = arith.index_cast %swap3A_865 : i32 to index
      %swap3A_867 = arith.index_cast %mul3A_694 : i32 to index
      %swap3A_868 = tpu.vector_load %arg15[%swap3A_866, %swap3A_867] {strides = array<i32>} : memref<16x768xf32, #tpu.memory_space<vmem>>, vector<1x16xf32>,
      %swap3A_869 = vector.shape_cast %swap3A_868 : vector<1x16xf32> to vector<16xf32>
      %swap3A_870 = vector.shape_cast %mul3A_864 : vector<16xf32> to vector<1x16xf32>
      tpu.vector_store %arg15[%swap3A_866, %swap3A_867], %swap3A_870 {strides = array<i32>} : memref<16x768xf32, #tpu.memory_space<vmem>>, vector<1x16xf32>,
      %get3A_871 = arith.constant 5 : i32
      %get3A_872 = arith.index_cast %get3A_871 : i32 to index
      %get3A_873 = arith.index_cast %mul3A_694 : i32 to index
      %get3A_874 = tpu.vector_load %arg12[%get3A_872, %get3A_873] {strides = array<i32>} : memref<16x768xf32, #tpu.memory_space<vmem>>, vector<1x16xf32>,
      %get3A_875 = vector.shape_cast %get3A_874 : vector<1x16xf32> to vector<16xf32>
      %get3A_876 = arith.constant 5 : i32
      %get3A_877 = arith.index_cast %get3A_876 : i32 to index
      %get3A_878 = arith.index_cast %mul3A_694 : i32 to index
      %get3A_879 = tpu.vector_load %arg14[%get3A_877, %get3A_878] {strides = array<i32>} : memref<16x768xf32, #tpu.memory_space<vmem>>, vector<1x16xf32>,
      %get3A_880 = vector.shape_cast %get3A_879 : vector<1x16xf32> to vector<16xf32>
      %add3A_881 = arith.addf %get3A_875, %get3A_880 : vector<16xf32>
      %swap3A_882 = arith.constant 5 : i32
      %swap3A_883 = arith.index_cast %swap3A_882 : i32 to index
      %swap3A_884 = arith.index_cast %mul3A_694 : i32 to index
      %swap3A_885 = tpu.vector_load %arg18[%swap3A_883, %swap3A_884] {strides = array<i32>} : memref<16x768xf32, #tpu.memory_space<vmem>>, vector<1x16xf32>,
      %swap3A_886 = vector.shape_cast %swap3A_885 : vector<1x16xf32> to vector<16xf32>
      %swap3A_887 = vector.shape_cast %add3A_881 : vector<16xf32> to vector<1x16xf32>
      tpu.vector_store %arg18[%swap3A_883, %swap3A_884], %swap3A_887 {strides = array<i32>} : memref<16x768xf32, #tpu.memory_space<vmem>>, vector<1x16xf32>,
      %mul3A_888 = arith.mulf %add3A_881, %add3A_881 : vector<16xf32>
      %add3A_889 = arith.addf %scan3A_682, %mul3A_888 : vector<16xf32>
      %get3A_890 = arith.constant 5 : i32
      %get3A_891 = arith.index_cast %get3A_890 : i32 to index
      %get3A_892 = arith.index_cast %mul3A_694 : i32 to index
      %get3A_893 = tpu.vector_load %arg17[%get3A_891, %get3A_892] {strides = array<i32>} : memref<16x768xf32, #tpu.memory_space<vmem>>, vector<1x16xf32>,
      %get3A_894 = vector.shape_cast %get3A_893 : vector<1x16xf32> to vector<16xf32>
      %slice3A_895 = vector.extract_strided_slice %get3A_346 {offsets = [5], sizes = [1], strides = [1]} : vector<16xf32> to vector<1xf32>
      %squeeze3A_896 = vector.extract %slice3A_895[0] : f32 from vector<1xf32>
      %broadcast_in_dim3A_897 = vector.broadcast %squeeze3A_896 : f32 to vector<16xf32>
      %mul3A_898 = arith.mulf %get3A_894, %broadcast_in_dim3A_897 : vector<16xf32>
      %mul3A_899 = arith.mulf %mul3A_898, %get3A_697 : vector<16xf32>
      %swap3A_900 = arith.constant 5 : i32
      %swap3A_901 = arith.index_cast %swap3A_900 : i32 to index
      %swap3A_902 = arith.index_cast %mul3A_694 : i32 to index
      %swap3A_903 = tpu.vector_load %arg15[%swap3A_901, %swap3A_902] {strides = array<i32>} : memref<16x768xf32, #tpu.memory_space<vmem>>, vector<1x16xf32>,
      %swap3A_904 = vector.shape_cast %swap3A_903 : vector<1x16xf32> to vector<16xf32>
      %swap3A_905 = vector.shape_cast %mul3A_899 : vector<16xf32> to vector<1x16xf32>
      tpu.vector_store %arg15[%swap3A_901, %swap3A_902], %swap3A_905 {strides = array<i32>} : memref<16x768xf32, #tpu.memory_space<vmem>>, vector<1x16xf32>,
      %get3A_906 = arith.constant 6 : i32
      %get3A_907 = arith.index_cast %get3A_906 : i32 to index
      %get3A_908 = arith.index_cast %mul3A_694 : i32 to index
      %get3A_909 = tpu.vector_load %arg12[%get3A_907, %get3A_908] {strides = array<i32>} : memref<16x768xf32, #tpu.memory_space<vmem>>, vector<1x16xf32>,
      %get3A_910 = vector.shape_cast %get3A_909 : vector<1x16xf32> to vector<16xf32>
      %get3A_911 = arith.constant 6 : i32
      %get3A_912 = arith.index_cast %get3A_911 : i32 to index
      %get3A_913 = arith.index_cast %mul3A_694 : i32 to index
      %get3A_914 = tpu.vector_load %arg14[%get3A_912, %get3A_913] {strides = array<i32>} : memref<16x768xf32, #tpu.memory_space<vmem>>, vector<1x16xf32>,
      %get3A_915 = vector.shape_cast %get3A_914 : vector<1x16xf32> to vector<16xf32>
      %add3A_916 = arith.addf %get3A_910, %get3A_915 : vector<16xf32>
      %swap3A_917 = arith.constant 6 : i32
      %swap3A_918 = arith.index_cast %swap3A_917 : i32 to index
      %swap3A_919 = arith.index_cast %mul3A_694 : i32 to index
      %swap3A_920 = tpu.vector_load %arg18[%swap3A_918, %swap3A_919] {strides = array<i32>} : memref<16x768xf32, #tpu.memory_space<vmem>>, vector<1x16xf32>,
      %swap3A_921 = vector.shape_cast %swap3A_920 : vector<1x16xf32> to vector<16xf32>
      %swap3A_922 = vector.shape_cast %add3A_916 : vector<16xf32> to vector<1x16xf32>
      tpu.vector_store %arg18[%swap3A_918, %swap3A_919], %swap3A_922 {strides = array<i32>} : memref<16x768xf32, #tpu.memory_space<vmem>>, vector<1x16xf32>,
      %mul3A_923 = arith.mulf %add3A_916, %add3A_916 : vector<16xf32>
      %add3A_924 = arith.addf %scan3A_683, %mul3A_923 : vector<16xf32>
      %get3A_925 = arith.constant 6 : i32
      %get3A_926 = arith.index_cast %get3A_925 : i32 to index
      %get3A_927 = arith.index_cast %mul3A_694 : i32 to index
      %get3A_928 = tpu.vector_load %arg17[%get3A_926, %get3A_927] {strides = array<i32>} : memref<16x768xf32, #tpu.memory_space<vmem>>, vector<1x16xf32>,
      %get3A_929 = vector.shape_cast %get3A_928 : vector<1x16xf32> to vector<16xf32>
      %slice3A_930 = vector.extract_strided_slice %get3A_346 {offsets = [6], sizes = [1], strides = [1]} : vector<16xf32> to vector<1xf32>
      %squeeze3A_931 = vector.extract %slice3A_930[0] : f32 from vector<1xf32>
      %broadcast_in_dim3A_932 = vector.broadcast %squeeze3A_931 : f32 to vector<16xf32>
      %mul3A_933 = arith.mulf %get3A_929, %broadcast_in_dim3A_932 : vector<16xf32>
      %mul3A_934 = arith.mulf %mul3A_933, %get3A_697 : vector<16xf32>
      %swap3A_935 = arith.constant 6 : i32
      %swap3A_936 = arith.index_cast %swap3A_935 : i32 to index
      %swap3A_937 = arith.index_cast %mul3A_694 : i32 to index
      %swap3A_938 = tpu.vector_load %arg15[%swap3A_936, %swap3A_937] {strides = array<i32>} : memref<16x768xf32, #tpu.memory_space<vmem>>, vector<1x16xf32>,
      %swap3A_939 = vector.shape_cast %swap3A_938 : vector<1x16xf32> to vector<16xf32>
      %swap3A_940 = vector.shape_cast %mul3A_934 : vector<16xf32> to vector<1x16xf32>
      tpu.vector_store %arg15[%swap3A_936, %swap3A_937], %swap3A_940 {strides = array<i32>} : memref<16x768xf32, #tpu.memory_space<vmem>>, vector<1x16xf32>,
      %get3A_941 = arith.constant 7 : i32
      %get3A_942 = arith.index_cast %get3A_941 : i32 to index
      %get3A_943 = arith.index_cast %mul3A_694 : i32 to index
      %get3A_944 = tpu.vector_load %arg12[%get3A_942, %get3A_943] {strides = array<i32>} : memref<16x768xf32, #tpu.memory_space<vmem>>, vector<1x16xf32>,
      %get3A_945 = vector.shape_cast %get3A_944 : vector<1x16xf32> to vector<16xf32>
      %get3A_946 = arith.constant 7 : i32
      %get3A_947 = arith.index_cast %get3A_946 : i32 to index
      %get3A_948 = arith.index_cast %mul3A_694 : i32 to index
      %get3A_949 = tpu.vector_load %arg14[%get3A_947, %get3A_948] {strides = array<i32>} : memref<16x768xf32, #tpu.memory_space<vmem>>, vector<1x16xf32>,
      %get3A_950 = vector.shape_cast %get3A_949 : vector<1x16xf32> to vector<16xf32>
      %add3A_951 = arith.addf %get3A_945, %get3A_950 : vector<16xf32>
      %swap3A_952 = arith.constant 7 : i32
      %swap3A_953 = arith.index_cast %swap3A_952 : i32 to index
      %swap3A_954 = arith.index_cast %mul3A_694 : i32 to index
      %swap3A_955 = tpu.vector_load %arg18[%swap3A_953, %swap3A_954] {strides = array<i32>} : memref<16x768xf32, #tpu.memory_space<vmem>>, vector<1x16xf32>,
      %swap3A_956 = vector.shape_cast %swap3A_955 : vector<1x16xf32> to vector<16xf32>
      %swap3A_957 = vector.shape_cast %add3A_951 : vector<16xf32> to vector<1x16xf32>
      tpu.vector_store %arg18[%swap3A_953, %swap3A_954], %swap3A_957 {strides = array<i32>} : memref<16x768xf32, #tpu.memory_space<vmem>>, vector<1x16xf32>,
      %mul3A_958 = arith.mulf %add3A_951, %add3A_951 : vector<16xf32>
      %add3A_959 = arith.addf %scan3A_684, %mul3A_958 : vector<16xf32>
      %get3A_960 = arith.constant 7 : i32
      %get3A_961 = arith.index_cast %get3A_960 : i32 to index
      %get3A_962 = arith.index_cast %mul3A_694 : i32 to index
      %get3A_963 = tpu.vector_load %arg17[%get3A_961, %get3A_962] {strides = array<i32>} : memref<16x768xf32, #tpu.memory_space<vmem>>, vector<1x16xf32>,
      %get3A_964 = vector.shape_cast %get3A_963 : vector<1x16xf32> to vector<16xf32>
      %slice3A_965 = vector.extract_strided_slice %get3A_346 {offsets = [7], sizes = [1], strides = [1]} : vector<16xf32> to vector<1xf32>
      %squeeze3A_966 = vector.extract %slice3A_965[0] : f32 from vector<1xf32>
      %broadcast_in_dim3A_967 = vector.broadcast %squeeze3A_966 : f32 to vector<16xf32>
      %mul3A_968 = arith.mulf %get3A_964, %broadcast_in_dim3A_967 : vector<16xf32>
      %mul3A_969 = arith.mulf %mul3A_968, %get3A_697 : vector<16xf32>
      %swap3A_970 = arith.constant 7 : i32
      %swap3A_971 = arith.index_cast %swap3A_970 : i32 to index
      %swap3A_972 = arith.index_cast %mul3A_694 : i32 to index
      %swap3A_973 = tpu.vector_load %arg15[%swap3A_971, %swap3A_972] {strides = array<i32>} : memref<16x768xf32, #tpu.memory_space<vmem>>, vector<1x16xf32>,
      %swap3A_974 = vector.shape_cast %swap3A_973 : vector<1x16xf32> to vector<16xf32>
      %swap3A_975 = vector.shape_cast %mul3A_969 : vector<16xf32> to vector<1x16xf32>
      tpu.vector_store %arg15[%swap3A_971, %swap3A_972], %swap3A_975 {strides = array<i32>} : memref<16x768xf32, #tpu.memory_space<vmem>>, vector<1x16xf32>,
      %get3A_976 = arith.constant 8 : i32
      %get3A_977 = arith.index_cast %get3A_976 : i32 to index
      %get3A_978 = arith.index_cast %mul3A_694 : i32 to index
      %get3A_979 = tpu.vector_load %arg12[%get3A_977, %get3A_978] {strides = array<i32>} : memref<16x768xf32, #tpu.memory_space<vmem>>, vector<1x16xf32>,
      %get3A_980 = vector.shape_cast %get3A_979 : vector<1x16xf32> to vector<16xf32>
      %get3A_981 = arith.constant 8 : i32
      %get3A_982 = arith.index_cast %get3A_981 : i32 to index
      %get3A_983 = arith.index_cast %mul3A_694 : i32 to index
      %get3A_984 = tpu.vector_load %arg14[%get3A_982, %get3A_983] {strides = array<i32>} : memref<16x768xf32, #tpu.memory_space<vmem>>, vector<1x16xf32>,
      %get3A_985 = vector.shape_cast %get3A_984 : vector<1x16xf32> to vector<16xf32>
      %add3A_986 = arith.addf %get3A_980, %get3A_985 : vector<16xf32>
      %swap3A_987 = arith.constant 8 : i32
      %swap3A_988 = arith.index_cast %swap3A_987 : i32 to index
      %swap3A_989 = arith.index_cast %mul3A_694 : i32 to index
      %swap3A_990 = tpu.vector_load %arg18[%swap3A_988, %swap3A_989] {strides = array<i32>} : memref<16x768xf32, #tpu.memory_space<vmem>>, vector<1x16xf32>,
      %swap3A_991 = vector.shape_cast %swap3A_990 : vector<1x16xf32> to vector<16xf32>
      %swap3A_992 = vector.shape_cast %add3A_986 : vector<16xf32> to vector<1x16xf32>
      tpu.vector_store %arg18[%swap3A_988, %swap3A_989], %swap3A_992 {strides = array<i32>} : memref<16x768xf32, #tpu.memory_space<vmem>>, vector<1x16xf32>,
      %mul3A_993 = arith.mulf %add3A_986, %add3A_986 : vector<16xf32>
      %add3A_994 = arith.addf %scan3A_685, %mul3A_993 : vector<16xf32>
      %get3A_995 = arith.constant 8 : i32
      %get3A_996 = arith.index_cast %get3A_995 : i32 to index
      %get3A_997 = arith.index_cast %mul3A_694 : i32 to index
      %get3A_998 = tpu.vector_load %arg17[%get3A_996, %get3A_997] {strides = array<i32>} : memref<16x768xf32, #tpu.memory_space<vmem>>, vector<1x16xf32>,
      %get3A_999 = vector.shape_cast %get3A_998 : vector<1x16xf32> to vector<16xf32>
      %slice3A_1000 = vector.extract_strided_slice %get3A_346 {offsets = [8], sizes = [1], strides = [1]} : vector<16xf32> to vector<1xf32>
      %squeeze3A_1001 = vector.extract %slice3A_1000[0] : f32 from vector<1xf32>
      %broadcast_in_dim3A_1002 = vector.broadcast %squeeze3A_1001 : f32 to vector<16xf32>
      %mul3A_1003 = arith.mulf %get3A_999, %broadcast_in_dim3A_1002 : vector<16xf32>
      %mul3A_1004 = arith.mulf %mul3A_1003, %get3A_697 : vector<16xf32>
      %swap3A_1005 = arith.constant 8 : i32
      %swap3A_1006 = arith.index_cast %swap3A_1005 : i32 to index
      %swap3A_1007 = arith.index_cast %mul3A_694 : i32 to index
      %swap3A_1008 = tpu.vector_load %arg15[%swap3A_1006, %swap3A_1007] {strides = array<i32>} : memref<16x768xf32, #tpu.memory_space<vmem>>, vector<1x16xf32>,
      %swap3A_1009 = vector.shape_cast %swap3A_1008 : vector<1x16xf32> to vector<16xf32>
      %swap3A_1010 = vector.shape_cast %mul3A_1004 : vector<16xf32> to vector<1x16xf32>
      tpu.vector_store %arg15[%swap3A_1006, %swap3A_1007], %swap3A_1010 {strides = array<i32>} : memref<16x768xf32, #tpu.memory_space<vmem>>, vector<1x16xf32>,
      %get3A_1011 = arith.constant 9 : i32
      %get3A_1012 = arith.index_cast %get3A_1011 : i32 to index
      %get3A_1013 = arith.index_cast %mul3A_694 : i32 to index
      %get3A_1014 = tpu.vector_load %arg12[%get3A_1012, %get3A_1013] {strides = array<i32>} : memref<16x768xf32, #tpu.memory_space<vmem>>, vector<1x16xf32>,
      %get3A_1015 = vector.shape_cast %get3A_1014 : vector<1x16xf32> to vector<16xf32>
      %get3A_1016 = arith.constant 9 : i32
      %get3A_1017 = arith.index_cast %get3A_1016 : i32 to index
      %get3A_1018 = arith.index_cast %mul3A_694 : i32 to index
      %get3A_1019 = tpu.vector_load %arg14[%get3A_1017, %get3A_1018] {strides = array<i32>} : memref<16x768xf32, #tpu.memory_space<vmem>>, vector<1x16xf32>,
      %get3A_1020 = vector.shape_cast %get3A_1019 : vector<1x16xf32> to vector<16xf32>
      %add3A_1021 = arith.addf %get3A_1015, %get3A_1020 : vector<16xf32>
      %swap3A_1022 = arith.constant 9 : i32
      %swap3A_1023 = arith.index_cast %swap3A_1022 : i32 to index
      %swap3A_1024 = arith.index_cast %mul3A_694 : i32 to index
      %swap3A_1025 = tpu.vector_load %arg18[%swap3A_1023, %swap3A_1024] {strides = array<i32>} : memref<16x768xf32, #tpu.memory_space<vmem>>, vector<1x16xf32>,
      %swap3A_1026 = vector.shape_cast %swap3A_1025 : vector<1x16xf32> to vector<16xf32>
      %swap3A_1027 = vector.shape_cast %add3A_1021 : vector<16xf32> to vector<1x16xf32>
      tpu.vector_store %arg18[%swap3A_1023, %swap3A_1024], %swap3A_1027 {strides = array<i32>} : memref<16x768xf32, #tpu.memory_space<vmem>>, vector<1x16xf32>,
      %mul3A_1028 = arith.mulf %add3A_1021, %add3A_1021 : vector<16xf32>
      %add3A_1029 = arith.addf %scan3A_686, %mul3A_1028 : vector<16xf32>
      %get3A_1030 = arith.constant 9 : i32
      %get3A_1031 = arith.index_cast %get3A_1030 : i32 to index
      %get3A_1032 = arith.index_cast %mul3A_694 : i32 to index
      %get3A_1033 = tpu.vector_load %arg17[%get3A_1031, %get3A_1032] {strides = array<i32>} : memref<16x768xf32, #tpu.memory_space<vmem>>, vector<1x16xf32>,
      %get3A_1034 = vector.shape_cast %get3A_1033 : vector<1x16xf32> to vector<16xf32>
      %slice3A_1035 = vector.extract_strided_slice %get3A_346 {offsets = [9], sizes = [1], strides = [1]} : vector<16xf32> to vector<1xf32>
      %squeeze3A_1036 = vector.extract %slice3A_1035[0] : f32 from vector<1xf32>
      %broadcast_in_dim3A_1037 = vector.broadcast %squeeze3A_1036 : f32 to vector<16xf32>
      %mul3A_1038 = arith.mulf %get3A_1034, %broadcast_in_dim3A_1037 : vector<16xf32>
      %mul3A_1039 = arith.mulf %mul3A_1038, %get3A_697 : vector<16xf32>
      %swap3A_1040 = arith.constant 9 : i32
      %swap3A_1041 = arith.index_cast %swap3A_1040 : i32 to index
      %swap3A_1042 = arith.index_cast %mul3A_694 : i32 to index
      %swap3A_1043 = tpu.vector_load %arg15[%swap3A_1041, %swap3A_1042] {strides = array<i32>} : memref<16x768xf32, #tpu.memory_space<vmem>>, vector<1x16xf32>,
      %swap3A_1044 = vector.shape_cast %swap3A_1043 : vector<1x16xf32> to vector<16xf32>
      %swap3A_1045 = vector.shape_cast %mul3A_1039 : vector<16xf32> to vector<1x16xf32>
      tpu.vector_store %arg15[%swap3A_1041, %swap3A_1042], %swap3A_1045 {strides = array<i32>} : memref<16x768xf32, #tpu.memory_space<vmem>>, vector<1x16xf32>,
      %get3A_1046 = arith.constant 10 : i32
      %get3A_1047 = arith.index_cast %get3A_1046 : i32 to index
      %get3A_1048 = arith.index_cast %mul3A_694 : i32 to index
      %get3A_1049 = tpu.vector_load %arg12[%get3A_1047, %get3A_1048] {strides = array<i32>} : memref<16x768xf32, #tpu.memory_space<vmem>>, vector<1x16xf32>,
      %get3A_1050 = vector.shape_cast %get3A_1049 : vector<1x16xf32> to vector<16xf32>
      %get3A_1051 = arith.constant 10 : i32
      %get3A_1052 = arith.index_cast %get3A_1051 : i32 to index
      %get3A_1053 = arith.index_cast %mul3A_694 : i32 to index
      %get3A_1054 = tpu.vector_load %arg14[%get3A_1052, %get3A_1053] {strides = array<i32>} : memref<16x768xf32, #tpu.memory_space<vmem>>, vector<1x16xf32>,
      %get3A_1055 = vector.shape_cast %get3A_1054 : vector<1x16xf32> to vector<16xf32>
      %add3A_1056 = arith.addf %get3A_1050, %get3A_1055 : vector<16xf32>
      %swap3A_1057 = arith.constant 10 : i32
      %swap3A_1058 = arith.index_cast %swap3A_1057 : i32 to index
      %swap3A_1059 = arith.index_cast %mul3A_694 : i32 to index
      %swap3A_1060 = tpu.vector_load %arg18[%swap3A_1058, %swap3A_1059] {strides = array<i32>} : memref<16x768xf32, #tpu.memory_space<vmem>>, vector<1x16xf32>,
      %swap3A_1061 = vector.shape_cast %swap3A_1060 : vector<1x16xf32> to vector<16xf32>
      %swap3A_1062 = vector.shape_cast %add3A_1056 : vector<16xf32> to vector<1x16xf32>
      tpu.vector_store %arg18[%swap3A_1058, %swap3A_1059], %swap3A_1062 {strides = array<i32>} : memref<16x768xf32, #tpu.memory_space<vmem>>, vector<1x16xf32>,
      %mul3A_1063 = arith.mulf %add3A_1056, %add3A_1056 : vector<16xf32>
      %add3A_1064 = arith.addf %scan3A_687, %mul3A_1063 : vector<16xf32>
      %get3A_1065 = arith.constant 10 : i32
      %get3A_1066 = arith.index_cast %get3A_1065 : i32 to index
      %get3A_1067 = arith.index_cast %mul3A_694 : i32 to index
      %get3A_1068 = tpu.vector_load %arg17[%get3A_1066, %get3A_1067] {strides = array<i32>} : memref<16x768xf32, #tpu.memory_space<vmem>>, vector<1x16xf32>,
      %get3A_1069 = vector.shape_cast %get3A_1068 : vector<1x16xf32> to vector<16xf32>
      %slice3A_1070 = vector.extract_strided_slice %get3A_346 {offsets = [10], sizes = [1], strides = [1]} : vector<16xf32> to vector<1xf32>
      %squeeze3A_1071 = vector.extract %slice3A_1070[0] : f32 from vector<1xf32>
      %broadcast_in_dim3A_1072 = vector.broadcast %squeeze3A_1071 : f32 to vector<16xf32>
      %mul3A_1073 = arith.mulf %get3A_1069, %broadcast_in_dim3A_1072 : vector<16xf32>
      %mul3A_1074 = arith.mulf %mul3A_1073, %get3A_697 : vector<16xf32>
      %swap3A_1075 = arith.constant 10 : i32
      %swap3A_1076 = arith.index_cast %swap3A_1075 : i32 to index
      %swap3A_1077 = arith.index_cast %mul3A_694 : i32 to index
      %swap3A_1078 = tpu.vector_load %arg15[%swap3A_1076, %swap3A_1077] {strides = array<i32>} : memref<16x768xf32, #tpu.memory_space<vmem>>, vector<1x16xf32>,
      %swap3A_1079 = vector.shape_cast %swap3A_1078 : vector<1x16xf32> to vector<16xf32>
      %swap3A_1080 = vector.shape_cast %mul3A_1074 : vector<16xf32> to vector<1x16xf32>
      tpu.vector_store %arg15[%swap3A_1076, %swap3A_1077], %swap3A_1080 {strides = array<i32>} : memref<16x768xf32, #tpu.memory_space<vmem>>, vector<1x16xf32>,
      %get3A_1081 = arith.constant 11 : i32
      %get3A_1082 = arith.index_cast %get3A_1081 : i32 to index
      %get3A_1083 = arith.index_cast %mul3A_694 : i32 to index
      %get3A_1084 = tpu.vector_load %arg12[%get3A_1082, %get3A_1083] {strides = array<i32>} : memref<16x768xf32, #tpu.memory_space<vmem>>, vector<1x16xf32>,
      %get3A_1085 = vector.shape_cast %get3A_1084 : vector<1x16xf32> to vector<16xf32>
      %get3A_1086 = arith.constant 11 : i32
      %get3A_1087 = arith.index_cast %get3A_1086 : i32 to index
      %get3A_1088 = arith.index_cast %mul3A_694 : i32 to index
      %get3A_1089 = tpu.vector_load %arg14[%get3A_1087, %get3A_1088] {strides = array<i32>} : memref<16x768xf32, #tpu.memory_space<vmem>>, vector<1x16xf32>,
      %get3A_1090 = vector.shape_cast %get3A_1089 : vector<1x16xf32> to vector<16xf32>
      %add3A_1091 = arith.addf %get3A_1085, %get3A_1090 : vector<16xf32>
      %swap3A_1092 = arith.constant 11 : i32
      %swap3A_1093 = arith.index_cast %swap3A_1092 : i32 to index
      %swap3A_1094 = arith.index_cast %mul3A_694 : i32 to index
      %swap3A_1095 = tpu.vector_load %arg18[%swap3A_1093, %swap3A_1094] {strides = array<i32>} : memref<16x768xf32, #tpu.memory_space<vmem>>, vector<1x16xf32>,
      %swap3A_1096 = vector.shape_cast %swap3A_1095 : vector<1x16xf32> to vector<16xf32>
      %swap3A_1097 = vector.shape_cast %add3A_1091 : vector<16xf32> to vector<1x16xf32>
      tpu.vector_store %arg18[%swap3A_1093, %swap3A_1094], %swap3A_1097 {strides = array<i32>} : memref<16x768xf32, #tpu.memory_space<vmem>>, vector<1x16xf32>,
      %mul3A_1098 = arith.mulf %add3A_1091, %add3A_1091 : vector<16xf32>
      %add3A_1099 = arith.addf %scan3A_688, %mul3A_1098 : vector<16xf32>
      %get3A_1100 = arith.constant 11 : i32
      %get3A_1101 = arith.index_cast %get3A_1100 : i32 to index
      %get3A_1102 = arith.index_cast %mul3A_694 : i32 to index
      %get3A_1103 = tpu.vector_load %arg17[%get3A_1101, %get3A_1102] {strides = array<i32>} : memref<16x768xf32, #tpu.memory_space<vmem>>, vector<1x16xf32>,
      %get3A_1104 = vector.shape_cast %get3A_1103 : vector<1x16xf32> to vector<16xf32>
      %slice3A_1105 = vector.extract_strided_slice %get3A_346 {offsets = [11], sizes = [1], strides = [1]} : vector<16xf32> to vector<1xf32>
      %squeeze3A_1106 = vector.extract %slice3A_1105[0] : f32 from vector<1xf32>
      %broadcast_in_dim3A_1107 = vector.broadcast %squeeze3A_1106 : f32 to vector<16xf32>
      %mul3A_1108 = arith.mulf %get3A_1104, %broadcast_in_dim3A_1107 : vector<16xf32>
      %mul3A_1109 = arith.mulf %mul3A_1108, %get3A_697 : vector<16xf32>
      %swap3A_1110 = arith.constant 11 : i32
      %swap3A_1111 = arith.index_cast %swap3A_1110 : i32 to index
      %swap3A_1112 = arith.index_cast %mul3A_694 : i32 to index
      %swap3A_1113 = tpu.vector_load %arg15[%swap3A_1111, %swap3A_1112] {strides = array<i32>} : memref<16x768xf32, #tpu.memory_space<vmem>>, vector<1x16xf32>,
      %swap3A_1114 = vector.shape_cast %swap3A_1113 : vector<1x16xf32> to vector<16xf32>
      %swap3A_1115 = vector.shape_cast %mul3A_1109 : vector<16xf32> to vector<1x16xf32>
      tpu.vector_store %arg15[%swap3A_1111, %swap3A_1112], %swap3A_1115 {strides = array<i32>} : memref<16x768xf32, #tpu.memory_space<vmem>>, vector<1x16xf32>,
      %get3A_1116 = arith.constant 12 : i32
      %get3A_1117 = arith.index_cast %get3A_1116 : i32 to index
      %get3A_1118 = arith.index_cast %mul3A_694 : i32 to index
      %get3A_1119 = tpu.vector_load %arg12[%get3A_1117, %get3A_1118] {strides = array<i32>} : memref<16x768xf32, #tpu.memory_space<vmem>>, vector<1x16xf32>,
      %get3A_1120 = vector.shape_cast %get3A_1119 : vector<1x16xf32> to vector<16xf32>
      %get3A_1121 = arith.constant 12 : i32
      %get3A_1122 = arith.index_cast %get3A_1121 : i32 to index
      %get3A_1123 = arith.index_cast %mul3A_694 : i32 to index
      %get3A_1124 = tpu.vector_load %arg14[%get3A_1122, %get3A_1123] {strides = array<i32>} : memref<16x768xf32, #tpu.memory_space<vmem>>, vector<1x16xf32>,
      %get3A_1125 = vector.shape_cast %get3A_1124 : vector<1x16xf32> to vector<16xf32>
      %add3A_1126 = arith.addf %get3A_1120, %get3A_1125 : vector<16xf32>
      %swap3A_1127 = arith.constant 12 : i32
      %swap3A_1128 = arith.index_cast %swap3A_1127 : i32 to index
      %swap3A_1129 = arith.index_cast %mul3A_694 : i32 to index
      %swap3A_1130 = tpu.vector_load %arg18[%swap3A_1128, %swap3A_1129] {strides = array<i32>} : memref<16x768xf32, #tpu.memory_space<vmem>>, vector<1x16xf32>,
      %swap3A_1131 = vector.shape_cast %swap3A_1130 : vector<1x16xf32> to vector<16xf32>
      %swap3A_1132 = vector.shape_cast %add3A_1126 : vector<16xf32> to vector<1x16xf32>
      tpu.vector_store %arg18[%swap3A_1128, %swap3A_1129], %swap3A_1132 {strides = array<i32>} : memref<16x768xf32, #tpu.memory_space<vmem>>, vector<1x16xf32>,
      %mul3A_1133 = arith.mulf %add3A_1126, %add3A_1126 : vector<16xf32>
      %add3A_1134 = arith.addf %scan3A_689, %mul3A_1133 : vector<16xf32>
      %get3A_1135 = arith.constant 12 : i32
      %get3A_1136 = arith.index_cast %get3A_1135 : i32 to index
      %get3A_1137 = arith.index_cast %mul3A_694 : i32 to index
      %get3A_1138 = tpu.vector_load %arg17[%get3A_1136, %get3A_1137] {strides = array<i32>} : memref<16x768xf32, #tpu.memory_space<vmem>>, vector<1x16xf32>,
      %get3A_1139 = vector.shape_cast %get3A_1138 : vector<1x16xf32> to vector<16xf32>
      %slice3A_1140 = vector.extract_strided_slice %get3A_346 {offsets = [12], sizes = [1], strides = [1]} : vector<16xf32> to vector<1xf32>
      %squeeze3A_1141 = vector.extract %slice3A_1140[0] : f32 from vector<1xf32>
      %broadcast_in_dim3A_1142 = vector.broadcast %squeeze3A_1141 : f32 to vector<16xf32>
      %mul3A_1143 = arith.mulf %get3A_1139, %broadcast_in_dim3A_1142 : vector<16xf32>
      %mul3A_1144 = arith.mulf %mul3A_1143, %get3A_697 : vector<16xf32>
      %swap3A_1145 = arith.constant 12 : i32
      %swap3A_1146 = arith.index_cast %swap3A_1145 : i32 to index
      %swap3A_1147 = arith.index_cast %mul3A_694 : i32 to index
      %swap3A_1148 = tpu.vector_load %arg15[%swap3A_1146, %swap3A_1147] {strides = array<i32>} : memref<16x768xf32, #tpu.memory_space<vmem>>, vector<1x16xf32>,
      %swap3A_1149 = vector.shape_cast %swap3A_1148 : vector<1x16xf32> to vector<16xf32>
      %swap3A_1150 = vector.shape_cast %mul3A_1144 : vector<16xf32> to vector<1x16xf32>
      tpu.vector_store %arg15[%swap3A_1146, %swap3A_1147], %swap3A_1150 {strides = array<i32>} : memref<16x768xf32, #tpu.memory_space<vmem>>, vector<1x16xf32>,
      %get3A_1151 = arith.constant 13 : i32
      %get3A_1152 = arith.index_cast %get3A_1151 : i32 to index
      %get3A_1153 = arith.index_cast %mul3A_694 : i32 to index
      %get3A_1154 = tpu.vector_load %arg12[%get3A_1152, %get3A_1153] {strides = array<i32>} : memref<16x768xf32, #tpu.memory_space<vmem>>, vector<1x16xf32>,
      %get3A_1155 = vector.shape_cast %get3A_1154 : vector<1x16xf32> to vector<16xf32>
      %get3A_1156 = arith.constant 13 : i32
      %get3A_1157 = arith.index_cast %get3A_1156 : i32 to index
      %get3A_1158 = arith.index_cast %mul3A_694 : i32 to index
      %get3A_1159 = tpu.vector_load %arg14[%get3A_1157, %get3A_1158] {strides = array<i32>} : memref<16x768xf32, #tpu.memory_space<vmem>>, vector<1x16xf32>,
      %get3A_1160 = vector.shape_cast %get3A_1159 : vector<1x16xf32> to vector<16xf32>
      %add3A_1161 = arith.addf %get3A_1155, %get3A_1160 : vector<16xf32>
      %swap3A_1162 = arith.constant 13 : i32
      %swap3A_1163 = arith.index_cast %swap3A_1162 : i32 to index
      %swap3A_1164 = arith.index_cast %mul3A_694 : i32 to index
      %swap3A_1165 = tpu.vector_load %arg18[%swap3A_1163, %swap3A_1164] {strides = array<i32>} : memref<16x768xf32, #tpu.memory_space<vmem>>, vector<1x16xf32>,
      %swap3A_1166 = vector.shape_cast %swap3A_1165 : vector<1x16xf32> to vector<16xf32>
      %swap3A_1167 = vector.shape_cast %add3A_1161 : vector<16xf32> to vector<1x16xf32>
      tpu.vector_store %arg18[%swap3A_1163, %swap3A_1164], %swap3A_1167 {strides = array<i32>} : memref<16x768xf32, #tpu.memory_space<vmem>>, vector<1x16xf32>,
      %mul3A_1168 = arith.mulf %add3A_1161, %add3A_1161 : vector<16xf32>
      %add3A_1169 = arith.addf %scan3A_690, %mul3A_1168 : vector<16xf32>
      %get3A_1170 = arith.constant 13 : i32
      %get3A_1171 = arith.index_cast %get3A_1170 : i32 to index
      %get3A_1172 = arith.index_cast %mul3A_694 : i32 to index
      %get3A_1173 = tpu.vector_load %arg17[%get3A_1171, %get3A_1172] {strides = array<i32>} : memref<16x768xf32, #tpu.memory_space<vmem>>, vector<1x16xf32>,
      %get3A_1174 = vector.shape_cast %get3A_1173 : vector<1x16xf32> to vector<16xf32>
      %slice3A_1175 = vector.extract_strided_slice %get3A_346 {offsets = [13], sizes = [1], strides = [1]} : vector<16xf32> to vector<1xf32>
      %squeeze3A_1176 = vector.extract %slice3A_1175[0] : f32 from vector<1xf32>
      %broadcast_in_dim3A_1177 = vector.broadcast %squeeze3A_1176 : f32 to vector<16xf32>
      %mul3A_1178 = arith.mulf %get3A_1174, %broadcast_in_dim3A_1177 : vector<16xf32>
      %mul3A_1179 = arith.mulf %mul3A_1178, %get3A_697 : vector<16xf32>
      %swap3A_1180 = arith.constant 13 : i32
      %swap3A_1181 = arith.index_cast %swap3A_1180 : i32 to index
      %swap3A_1182 = arith.index_cast %mul3A_694 : i32 to index
      %swap3A_1183 = tpu.vector_load %arg15[%swap3A_1181, %swap3A_1182] {strides = array<i32>} : memref<16x768xf32, #tpu.memory_space<vmem>>, vector<1x16xf32>,
      %swap3A_1184 = vector.shape_cast %swap3A_1183 : vector<1x16xf32> to vector<16xf32>
      %swap3A_1185 = vector.shape_cast %mul3A_1179 : vector<16xf32> to vector<1x16xf32>
      tpu.vector_store %arg15[%swap3A_1181, %swap3A_1182], %swap3A_1185 {strides = array<i32>} : memref<16x768xf32, #tpu.memory_space<vmem>>, vector<1x16xf32>,
      %get3A_1186 = arith.constant 14 : i32
      %get3A_1187 = arith.index_cast %get3A_1186 : i32 to index
      %get3A_1188 = arith.index_cast %mul3A_694 : i32 to index
      %get3A_1189 = tpu.vector_load %arg12[%get3A_1187, %get3A_1188] {strides = array<i32>} : memref<16x768xf32, #tpu.memory_space<vmem>>, vector<1x16xf32>,
      %get3A_1190 = vector.shape_cast %get3A_1189 : vector<1x16xf32> to vector<16xf32>
      %get3A_1191 = arith.constant 14 : i32
      %get3A_1192 = arith.index_cast %get3A_1191 : i32 to index
      %get3A_1193 = arith.index_cast %mul3A_694 : i32 to index
      %get3A_1194 = tpu.vector_load %arg14[%get3A_1192, %get3A_1193] {strides = array<i32>} : memref<16x768xf32, #tpu.memory_space<vmem>>, vector<1x16xf32>,
      %get3A_1195 = vector.shape_cast %get3A_1194 : vector<1x16xf32> to vector<16xf32>
      %add3A_1196 = arith.addf %get3A_1190, %get3A_1195 : vector<16xf32>
      %swap3A_1197 = arith.constant 14 : i32
      %swap3A_1198 = arith.index_cast %swap3A_1197 : i32 to index
      %swap3A_1199 = arith.index_cast %mul3A_694 : i32 to index
      %swap3A_1200 = tpu.vector_load %arg18[%swap3A_1198, %swap3A_1199] {strides = array<i32>} : memref<16x768xf32, #tpu.memory_space<vmem>>, vector<1x16xf32>,
      %swap3A_1201 = vector.shape_cast %swap3A_1200 : vector<1x16xf32> to vector<16xf32>
      %swap3A_1202 = vector.shape_cast %add3A_1196 : vector<16xf32> to vector<1x16xf32>
      tpu.vector_store %arg18[%swap3A_1198, %swap3A_1199], %swap3A_1202 {strides = array<i32>} : memref<16x768xf32, #tpu.memory_space<vmem>>, vector<1x16xf32>,
      %mul3A_1203 = arith.mulf %add3A_1196, %add3A_1196 : vector<16xf32>
      %add3A_1204 = arith.addf %scan3A_691, %mul3A_1203 : vector<16xf32>
      %get3A_1205 = arith.constant 14 : i32
      %get3A_1206 = arith.index_cast %get3A_1205 : i32 to index
      %get3A_1207 = arith.index_cast %mul3A_694 : i32 to index
      %get3A_1208 = tpu.vector_load %arg17[%get3A_1206, %get3A_1207] {strides = array<i32>} : memref<16x768xf32, #tpu.memory_space<vmem>>, vector<1x16xf32>,
      %get3A_1209 = vector.shape_cast %get3A_1208 : vector<1x16xf32> to vector<16xf32>
      %slice3A_1210 = vector.extract_strided_slice %get3A_346 {offsets = [14], sizes = [1], strides = [1]} : vector<16xf32> to vector<1xf32>
      %squeeze3A_1211 = vector.extract %slice3A_1210[0] : f32 from vector<1xf32>
      %broadcast_in_dim3A_1212 = vector.broadcast %squeeze3A_1211 : f32 to vector<16xf32>
      %mul3A_1213 = arith.mulf %get3A_1209, %broadcast_in_dim3A_1212 : vector<16xf32>
      %mul3A_1214 = arith.mulf %mul3A_1213, %get3A_697 : vector<16xf32>
      %swap3A_1215 = arith.constant 14 : i32
      %swap3A_1216 = arith.index_cast %swap3A_1215 : i32 to index
      %swap3A_1217 = arith.index_cast %mul3A_694 : i32 to index
      %swap3A_1218 = tpu.vector_load %arg15[%swap3A_1216, %swap3A_1217] {strides = array<i32>} : memref<16x768xf32, #tpu.memory_space<vmem>>, vector<1x16xf32>,
      %swap3A_1219 = vector.shape_cast %swap3A_1218 : vector<1x16xf32> to vector<16xf32>
      %swap3A_1220 = vector.shape_cast %mul3A_1214 : vector<16xf32> to vector<1x16xf32>
      tpu.vector_store %arg15[%swap3A_1216, %swap3A_1217], %swap3A_1220 {strides = array<i32>} : memref<16x768xf32, #tpu.memory_space<vmem>>, vector<1x16xf32>,
      %get3A_1221 = arith.constant 15 : i32
      %get3A_1222 = arith.index_cast %get3A_1221 : i32 to index
      %get3A_1223 = arith.index_cast %mul3A_694 : i32 to index
      %get3A_1224 = tpu.vector_load %arg12[%get3A_1222, %get3A_1223] {strides = array<i32>} : memref<16x768xf32, #tpu.memory_space<vmem>>, vector<1x16xf32>,
      %get3A_1225 = vector.shape_cast %get3A_1224 : vector<1x16xf32> to vector<16xf32>
      %get3A_1226 = arith.constant 15 : i32
      %get3A_1227 = arith.index_cast %get3A_1226 : i32 to index
      %get3A_1228 = arith.index_cast %mul3A_694 : i32 to index
      %get3A_1229 = tpu.vector_load %arg14[%get3A_1227, %get3A_1228] {strides = array<i32>} : memref<16x768xf32, #tpu.memory_space<vmem>>, vector<1x16xf32>,
      %get3A_1230 = vector.shape_cast %get3A_1229 : vector<1x16xf32> to vector<16xf32>
      %add3A_1231 = arith.addf %get3A_1225, %get3A_1230 : vector<16xf32>
      %swap3A_1232 = arith.constant 15 : i32
      %swap3A_1233 = arith.index_cast %swap3A_1232 : i32 to index
      %swap3A_1234 = arith.index_cast %mul3A_694 : i32 to index
      %swap3A_1235 = tpu.vector_load %arg18[%swap3A_1233, %swap3A_1234] {strides = array<i32>} : memref<16x768xf32, #tpu.memory_space<vmem>>, vector<1x16xf32>,
      %swap3A_1236 = vector.shape_cast %swap3A_1235 : vector<1x16xf32> to vector<16xf32>
      %swap3A_1237 = vector.shape_cast %add3A_1231 : vector<16xf32> to vector<1x16xf32>
      tpu.vector_store %arg18[%swap3A_1233, %swap3A_1234], %swap3A_1237 {strides = array<i32>} : memref<16x768xf32, #tpu.memory_space<vmem>>, vector<1x16xf32>,
      %mul3A_1238 = arith.mulf %add3A_1231, %add3A_1231 : vector<16xf32>
      %add3A_1239 = arith.addf %scan3A_692, %mul3A_1238 : vector<16xf32>
      %get3A_1240 = arith.constant 15 : i32
      %get3A_1241 = arith.index_cast %get3A_1240 : i32 to index
      %get3A_1242 = arith.index_cast %mul3A_694 : i32 to index
      %get3A_1243 = tpu.vector_load %arg17[%get3A_1241, %get3A_1242] {strides = array<i32>} : memref<16x768xf32, #tpu.memory_space<vmem>>, vector<1x16xf32>,
      %get3A_1244 = vector.shape_cast %get3A_1243 : vector<1x16xf32> to vector<16xf32>
      %slice3A_1245 = vector.extract_strided_slice %get3A_346 {offsets = [15], sizes = [1], strides = [1]} : vector<16xf32> to vector<1xf32>
      %squeeze3A_1246 = vector.extract %slice3A_1245[0] : f32 from vector<1xf32>
      %broadcast_in_dim3A_1247 = vector.broadcast %squeeze3A_1246 : f32 to vector<16xf32>
      %mul3A_1248 = arith.mulf %get3A_1244, %broadcast_in_dim3A_1247 : vector<16xf32>
      %mul3A_1249 = arith.mulf %mul3A_1248, %get3A_697 : vector<16xf32>
      %swap3A_1250 = arith.constant 15 : i32
      %swap3A_1251 = arith.index_cast %swap3A_1250 : i32 to index
      %swap3A_1252 = arith.index_cast %mul3A_694 : i32 to index
      %swap3A_1253 = tpu.vector_load %arg15[%swap3A_1251, %swap3A_1252] {strides = array<i32>} : memref<16x768xf32, #tpu.memory_space<vmem>>, vector<1x16xf32>,
      %swap3A_1254 = vector.shape_cast %swap3A_1253 : vector<1x16xf32> to vector<16xf32>
      %swap3A_1255 = vector.shape_cast %mul3A_1249 : vector<16xf32> to vector<1x16xf32>
      tpu.vector_store %arg15[%swap3A_1251, %swap3A_1252], %swap3A_1255 {strides = array<i32>} : memref<16x768xf32, #tpu.memory_space<vmem>>, vector<1x16xf32>,
      scf.yield %add3A_716, %add3A_749, %add3A_784, %add3A_819, %add3A_854, %add3A_889, %add3A_924, %add3A_959, %add3A_994, %add3A_1029, %add3A_1064, %add3A_1099, %add3A_1134, %add3A_1169, %add3A_1204, %add3A_1239 : vector<16xf32>, vector<16xf32>, vector<16xf32>, vector<16xf32>, vector<16xf32>, vector<16xf32>, vector<16xf32>, vector<16xf32>, vector<16xf32>, vector<16xf32>, vector<16xf32>, vector<16xf32>, vector<16xf32>, vector<16xf32>, vector<16xf32>, vector<16xf32>
    }
    %scan3A_352 = arith.constant 48 : i32
    %and3A_353 = arith.constant 1 : i32
    %and3A_354 = vector.broadcast %and3A_353 : i32 to vector<16xi32>
    %and3A_355 = arith.andi %iota3A, %and3A_354 : vector<16xi32>
    %eq3A_356 = arith.constant 0 : i32
    %eq3A_357 = vector.broadcast %eq3A_356 : i32 to vector<16xi32>
    %eq3A_358 = arith.cmpi eq, %and3A_355, %eq3A_357 : vector<16xi32>
    %xor3A_359 = arith.constant 1 : i32
    %xor3A_360 = vector.broadcast %xor3A_359 : i32 to vector<16xi32>
    %xor3A_361 = arith.xori %iota3A, %xor3A_360 : vector<16xi32>
    %broadcast_in_dim3A_362 = vector.shape_cast %xor3A_361 : vector<16xi32> to vector<16x1xi32>
    %gather3A_363 = vector.shape_cast %broadcast_in_dim3A_362 : vector<16x1xi32> to vector<16xi32>
    %gather3A_364 = tpu.dynamic_gather %scan3A_351#0[%gather3A_363] in [0] : vector<16xf32>, vector<16xi32> -> vector<16xf32>
    %add3A_365 = arith.addf %scan3A_351#0, %gather3A_364 : vector<16xf32>
    %xor3A_366 = arith.constant 1 : i32
    %xor3A_367 = vector.broadcast %xor3A_366 : i32 to vector<16xi32>
    %xor3A_368 = arith.xori %iota3A, %xor3A_367 : vector<16xi32>
    %broadcast_in_dim3A_369 = vector.shape_cast %xor3A_368 : vector<16xi32> to vector<16x1xi32>
    %gather3A_370 = vector.shape_cast %broadcast_in_dim3A_369 : vector<16x1xi32> to vector<16xi32>
    %gather3A_371 = tpu.dynamic_gather %scan3A_351#1[%gather3A_370] in [0] : vector<16xf32>, vector<16xi32> -> vector<16xf32>
    %add3A_372 = arith.addf %scan3A_351#1, %gather3A_371 : vector<16xf32>
    %select_n3A_373 = arith.select %eq3A_358, %add3A_365, %add3A_372 : vector<16xi1>, vector<16xf32>
    %xor3A_374 = arith.constant 1 : i32
    %xor3A_375 = vector.broadcast %xor3A_374 : i32 to vector<16xi32>
    %xor3A_376 = arith.xori %iota3A, %xor3A_375 : vector<16xi32>
    %broadcast_in_dim3A_377 = vector.shape_cast %xor3A_376 : vector<16xi32> to vector<16x1xi32>
    %gather3A_378 = vector.shape_cast %broadcast_in_dim3A_377 : vector<16x1xi32> to vector<16xi32>
    %gather3A_379 = tpu.dynamic_gather %scan3A_351#2[%gather3A_378] in [0] : vector<16xf32>, vector<16xi32> -> vector<16xf32>
    %add3A_380 = arith.addf %scan3A_351#2, %gather3A_379 : vector<16xf32>
    %xor3A_381 = arith.constant 1 : i32
    %xor3A_382 = vector.broadcast %xor3A_381 : i32 to vector<16xi32>
    %xor3A_383 = arith.xori %iota3A, %xor3A_382 : vector<16xi32>
    %broadcast_in_dim3A_384 = vector.shape_cast %xor3A_383 : vector<16xi32> to vector<16x1xi32>
    %gather3A_385 = vector.shape_cast %broadcast_in_dim3A_384 : vector<16x1xi32> to vector<16xi32>
    %gather3A_386 = tpu.dynamic_gather %scan3A_351#3[%gather3A_385] in [0] : vector<16xf32>, vector<16xi32> -> vector<16xf32>
    %add3A_387 = arith.addf %scan3A_351#3, %gather3A_386 : vector<16xf32>
    %select_n3A_388 = arith.select %eq3A_358, %add3A_380, %add3A_387 : vector<16xi1>, vector<16xf32>
    %xor3A_389 = arith.constant 1 : i32
    %xor3A_390 = vector.broadcast %xor3A_389 : i32 to vector<16xi32>
    %xor3A_391 = arith.xori %iota3A, %xor3A_390 : vector<16xi32>
    %broadcast_in_dim3A_392 = vector.shape_cast %xor3A_391 : vector<16xi32> to vector<16x1xi32>
    %gather3A_393 = vector.shape_cast %broadcast_in_dim3A_392 : vector<16x1xi32> to vector<16xi32>
    %gather3A_394 = tpu.dynamic_gather %scan3A_351#4[%gather3A_393] in [0] : vector<16xf32>, vector<16xi32> -> vector<16xf32>
    %add3A_395 = arith.addf %scan3A_351#4, %gather3A_394 : vector<16xf32>
    %xor3A_396 = arith.constant 1 : i32
    %xor3A_397 = vector.broadcast %xor3A_396 : i32 to vector<16xi32>
    %xor3A_398 = arith.xori %iota3A, %xor3A_397 : vector<16xi32>
    %broadcast_in_dim3A_399 = vector.shape_cast %xor3A_398 : vector<16xi32> to vector<16x1xi32>
    %gather3A_400 = vector.shape_cast %broadcast_in_dim3A_399 : vector<16x1xi32> to vector<16xi32>
    %gather3A_401 = tpu.dynamic_gather %scan3A_351#5[%gather3A_400] in [0] : vector<16xf32>, vector<16xi32> -> vector<16xf32>
    %add3A_402 = arith.addf %scan3A_351#5, %gather3A_401 : vector<16xf32>
    %select_n3A_403 = arith.select %eq3A_358, %add3A_395, %add3A_402 : vector<16xi1>, vector<16xf32>
    %xor3A_404 = arith.constant 1 : i32
    %xor3A_405 = vector.broadcast %xor3A_404 : i32 to vector<16xi32>
    %xor3A_406 = arith.xori %iota3A, %xor3A_405 : vector<16xi32>
    %broadcast_in_dim3A_407 = vector.shape_cast %xor3A_406 : vector<16xi32> to vector<16x1xi32>
    %gather3A_408 = vector.shape_cast %broadcast_in_dim3A_407 : vector<16x1xi32> to vector<16xi32>
    %gather3A_409 = tpu.dynamic_gather %scan3A_351#6[%gather3A_408] in [0] : vector<16xf32>, vector<16xi32> -> vector<16xf32>
    %add3A_410 = arith.addf %scan3A_351#6, %gather3A_409 : vector<16xf32>
    %xor3A_411 = arith.constant 1 : i32
    %xor3A_412 = vector.broadcast %xor3A_411 : i32 to vector<16xi32>
    %xor3A_413 = arith.xori %iota3A, %xor3A_412 : vector<16xi32>
    %broadcast_in_dim3A_414 = vector.shape_cast %xor3A_413 : vector<16xi32> to vector<16x1xi32>
    %gather3A_415 = vector.shape_cast %broadcast_in_dim3A_414 : vector<16x1xi32> to vector<16xi32>
    %gather3A_416 = tpu.dynamic_gather %scan3A_351#7[%gather3A_415] in [0] : vector<16xf32>, vector<16xi32> -> vector<16xf32>
    %add3A_417 = arith.addf %scan3A_351#7, %gather3A_416 : vector<16xf32>
    %select_n3A_418 = arith.select %eq3A_358, %add3A_410, %add3A_417 : vector<16xi1>, vector<16xf32>
    %xor3A_419 = arith.constant 1 : i32
    %xor3A_420 = vector.broadcast %xor3A_419 : i32 to vector<16xi32>
    %xor3A_421 = arith.xori %iota3A, %xor3A_420 : vector<16xi32>
    %broadcast_in_dim3A_422 = vector.shape_cast %xor3A_421 : vector<16xi32> to vector<16x1xi32>
    %gather3A_423 = vector.shape_cast %broadcast_in_dim3A_422 : vector<16x1xi32> to vector<16xi32>
    %gather3A_424 = tpu.dynamic_gather %scan3A_351#8[%gather3A_423] in [0] : vector<16xf32>, vector<16xi32> -> vector<16xf32>
    %add3A_425 = arith.addf %scan3A_351#8, %gather3A_424 : vector<16xf32>
    %xor3A_426 = arith.constant 1 : i32
    %xor3A_427 = vector.broadcast %xor3A_426 : i32 to vector<16xi32>
    %xor3A_428 = arith.xori %iota3A, %xor3A_427 : vector<16xi32>
    %broadcast_in_dim3A_429 = vector.shape_cast %xor3A_428 : vector<16xi32> to vector<16x1xi32>
    %gather3A_430 = vector.shape_cast %broadcast_in_dim3A_429 : vector<16x1xi32> to vector<16xi32>
    %gather3A_431 = tpu.dynamic_gather %scan3A_351#9[%gather3A_430] in [0] : vector<16xf32>, vector<16xi32> -> vector<16xf32>
    %add3A_432 = arith.addf %scan3A_351#9, %gather3A_431 : vector<16xf32>
    %select_n3A_433 = arith.select %eq3A_358, %add3A_425, %add3A_432 : vector<16xi1>, vector<16xf32>
    %xor3A_434 = arith.constant 1 : i32
    %xor3A_435 = vector.broadcast %xor3A_434 : i32 to vector<16xi32>
    %xor3A_436 = arith.xori %iota3A, %xor3A_435 : vector<16xi32>
    %broadcast_in_dim3A_437 = vector.shape_cast %xor3A_436 : vector<16xi32> to vector<16x1xi32>
    %gather3A_438 = vector.shape_cast %broadcast_in_dim3A_437 : vector<16x1xi32> to vector<16xi32>
    %gather3A_439 = tpu.dynamic_gather %scan3A_351#10[%gather3A_438] in [0] : vector<16xf32>, vector<16xi32> -> vector<16xf32>
    %add3A_440 = arith.addf %scan3A_351#10, %gather3A_439 : vector<16xf32>
    %xor3A_441 = arith.constant 1 : i32
    %xor3A_442 = vector.broadcast %xor3A_441 : i32 to vector<16xi32>
    %xor3A_443 = arith.xori %iota3A, %xor3A_442 : vector<16xi32>
    %broadcast_in_dim3A_444 = vector.shape_cast %xor3A_443 : vector<16xi32> to vector<16x1xi32>
    %gather3A_445 = vector.shape_cast %broadcast_in_dim3A_444 : vector<16x1xi32> to vector<16xi32>
    %gather3A_446 = tpu.dynamic_gather %scan3A_351#11[%gather3A_445] in [0] : vector<16xf32>, vector<16xi32> -> vector<16xf32>
    %add3A_447 = arith.addf %scan3A_351#11, %gather3A_446 : vector<16xf32>
    %select_n3A_448 = arith.select %eq3A_358, %add3A_440, %add3A_447 : vector<16xi1>, vector<16xf32>
    %xor3A_449 = arith.constant 1 : i32
    %xor3A_450 = vector.broadcast %xor3A_449 : i32 to vector<16xi32>
    %xor3A_451 = arith.xori %iota3A, %xor3A_450 : vector<16xi32>
    %broadcast_in_dim3A_452 = vector.shape_cast %xor3A_451 : vector<16xi32> to vector<16x1xi32>
    %gather3A_453 = vector.shape_cast %broadcast_in_dim3A_452 : vector<16x1xi32> to vector<16xi32>
    %gather3A_454 = tpu.dynamic_gather %scan3A_351#12[%gather3A_453] in [0] : vector<16xf32>, vector<16xi32> -> vector<16xf32>
    %add3A_455 = arith.addf %scan3A_351#12, %gather3A_454 : vector<16xf32>
    %xor3A_456 = arith.constant 1 : i32
    %xor3A_457 = vector.broadcast %xor3A_456 : i32 to vector<16xi32>
    %xor3A_458 = arith.xori %iota3A, %xor3A_457 : vector<16xi32>
    %broadcast_in_dim3A_459 = vector.shape_cast %xor3A_458 : vector<16xi32> to vector<16x1xi32>
    %gather3A_460 = vector.shape_cast %broadcast_in_dim3A_459 : vector<16x1xi32> to vector<16xi32>
    %gather3A_461 = tpu.dynamic_gather %scan3A_351#13[%gather3A_460] in [0] : vector<16xf32>, vector<16xi32> -> vector<16xf32>
    %add3A_462 = arith.addf %scan3A_351#13, %gather3A_461 : vector<16xf32>
    %select_n3A_463 = arith.select %eq3A_358, %add3A_455, %add3A_462 : vector<16xi1>, vector<16xf32>
    %xor3A_464 = arith.constant 1 : i32
    %xor3A_465 = vector.broadcast %xor3A_464 : i32 to vector<16xi32>
    %xor3A_466 = arith.xori %iota3A, %xor3A_465 : vector<16xi32>
    %broadcast_in_dim3A_467 = vector.shape_cast %xor3A_466 : vector<16xi32> to vector<16x1xi32>
    %gather3A_468 = vector.shape_cast %broadcast_in_dim3A_467 : vector<16x1xi32> to vector<16xi32>
    %gather3A_469 = tpu.dynamic_gather %scan3A_351#14[%gather3A_468] in [0] : vector<16xf32>, vector<16xi32> -> vector<16xf32>
    %add3A_470 = arith.addf %scan3A_351#14, %gather3A_469 : vector<16xf32>
    %xor3A_471 = arith.constant 1 : i32
    %xor3A_472 = vector.broadcast %xor3A_471 : i32 to vector<16xi32>
    %xor3A_473 = arith.xori %iota3A, %xor3A_472 : vector<16xi32>
    %broadcast_in_dim3A_474 = vector.shape_cast %xor3A_473 : vector<16xi32> to vector<16x1xi32>
    %gather3A_475 = vector.shape_cast %broadcast_in_dim3A_474 : vector<16x1xi32> to vector<16xi32>
    %gather3A_476 = tpu.dynamic_gather %scan3A_351#15[%gather3A_475] in [0] : vector<16xf32>, vector<16xi32> -> vector<16xf32>
    %add3A_477 = arith.addf %scan3A_351#15, %gather3A_476 : vector<16xf32>
    %select_n3A_478 = arith.select %eq3A_358, %add3A_470, %add3A_477 : vector<16xi1>, vector<16xf32>
    %and3A_479 = arith.constant 2 : i32
    %and3A_480 = vector.broadcast %and3A_479 : i32 to vector<16xi32>
    %and3A_481 = arith.andi %iota3A, %and3A_480 : vector<16xi32>
    %eq3A_482 = arith.constant 0 : i32
    %eq3A_483 = vector.broadcast %eq3A_482 : i32 to vector<16xi32>
    %eq3A_484 = arith.cmpi eq, %and3A_481, %eq3A_483 : vector<16xi32>
    %xor3A_485 = arith.constant 2 : i32
    %xor3A_486 = vector.broadcast %xor3A_485 : i32 to vector<16xi32>
    %xor3A_487 = arith.xori %iota3A, %xor3A_486 : vector<16xi32>
    %broadcast_in_dim3A_488 = vector.shape_cast %xor3A_487 : vector<16xi32> to vector<16x1xi32>
    %gather3A_489 = vector.shape_cast %broadcast_in_dim3A_488 : vector<16x1xi32> to vector<16xi32>
    %gather3A_490 = tpu.dynamic_gather %select_n3A_373[%gather3A_489] in [0] : vector<16xf32>, vector<16xi32> -> vector<16xf32>
    %add3A_491 = arith.addf %select_n3A_373, %gather3A_490 : vector<16xf32>
    %xor3A_492 = arith.constant 2 : i32
    %xor3A_493 = vector.broadcast %xor3A_492 : i32 to vector<16xi32>
    %xor3A_494 = arith.xori %iota3A, %xor3A_493 : vector<16xi32>
    %broadcast_in_dim3A_495 = vector.shape_cast %xor3A_494 : vector<16xi32> to vector<16x1xi32>
    %gather3A_496 = vector.shape_cast %broadcast_in_dim3A_495 : vector<16x1xi32> to vector<16xi32>
    %gather3A_497 = tpu.dynamic_gather %select_n3A_388[%gather3A_496] in [0] : vector<16xf32>, vector<16xi32> -> vector<16xf32>
    %add3A_498 = arith.addf %select_n3A_388, %gather3A_497 : vector<16xf32>
    %select_n3A_499 = arith.select %eq3A_484, %add3A_491, %add3A_498 : vector<16xi1>, vector<16xf32>
    %xor3A_500 = arith.constant 2 : i32
    %xor3A_501 = vector.broadcast %xor3A_500 : i32 to vector<16xi32>
    %xor3A_502 = arith.xori %iota3A, %xor3A_501 : vector<16xi32>
    %broadcast_in_dim3A_503 = vector.shape_cast %xor3A_502 : vector<16xi32> to vector<16x1xi32>
    %gather3A_504 = vector.shape_cast %broadcast_in_dim3A_503 : vector<16x1xi32> to vector<16xi32>
    %gather3A_505 = tpu.dynamic_gather %select_n3A_403[%gather3A_504] in [0] : vector<16xf32>, vector<16xi32> -> vector<16xf32>
    %add3A_506 = arith.addf %select_n3A_403, %gather3A_505 : vector<16xf32>
    %xor3A_507 = arith.constant 2 : i32
    %xor3A_508 = vector.broadcast %xor3A_507 : i32 to vector<16xi32>
    %xor3A_509 = arith.xori %iota3A, %xor3A_508 : vector<16xi32>
    %broadcast_in_dim3A_510 = vector.shape_cast %xor3A_509 : vector<16xi32> to vector<16x1xi32>
    %gather3A_511 = vector.shape_cast %broadcast_in_dim3A_510 : vector<16x1xi32> to vector<16xi32>
    %gather3A_512 = tpu.dynamic_gather %select_n3A_418[%gather3A_511] in [0] : vector<16xf32>, vector<16xi32> -> vector<16xf32>
    %add3A_513 = arith.addf %select_n3A_418, %gather3A_512 : vector<16xf32>
    %select_n3A_514 = arith.select %eq3A_484, %add3A_506, %add3A_513 : vector<16xi1>, vector<16xf32>
    %xor3A_515 = arith.constant 2 : i32
    %xor3A_516 = vector.broadcast %xor3A_515 : i32 to vector<16xi32>
    %xor3A_517 = arith.xori %iota3A, %xor3A_516 : vector<16xi32>
    %broadcast_in_dim3A_518 = vector.shape_cast %xor3A_517 : vector<16xi32> to vector<16x1xi32>
    %gather3A_519 = vector.shape_cast %broadcast_in_dim3A_518 : vector<16x1xi32> to vector<16xi32>
    %gather3A_520 = tpu.dynamic_gather %select_n3A_433[%gather3A_519] in [0] : vector<16xf32>, vector<16xi32> -> vector<16xf32>
    %add3A_521 = arith.addf %select_n3A_433, %gather3A_520 : vector<16xf32>
    %xor3A_522 = arith.constant 2 : i32
    %xor3A_523 = vector.broadcast %xor3A_522 : i32 to vector<16xi32>
    %xor3A_524 = arith.xori %iota3A, %xor3A_523 : vector<16xi32>
    %broadcast_in_dim3A_525 = vector.shape_cast %xor3A_524 : vector<16xi32> to vector<16x1xi32>
    %gather3A_526 = vector.shape_cast %broadcast_in_dim3A_525 : vector<16x1xi32> to vector<16xi32>
    %gather3A_527 = tpu.dynamic_gather %select_n3A_448[%gather3A_526] in [0] : vector<16xf32>, vector<16xi32> -> vector<16xf32>
    %add3A_528 = arith.addf %select_n3A_448, %gather3A_527 : vector<16xf32>
    %select_n3A_529 = arith.select %eq3A_484, %add3A_521, %add3A_528 : vector<16xi1>, vector<16xf32>
    %xor3A_530 = arith.constant 2 : i32
    %xor3A_531 = vector.broadcast %xor3A_530 : i32 to vector<16xi32>
    %xor3A_532 = arith.xori %iota3A, %xor3A_531 : vector<16xi32>
    %broadcast_in_dim3A_533 = vector.shape_cast %xor3A_532 : vector<16xi32> to vector<16x1xi32>
    %gather3A_534 = vector.shape_cast %broadcast_in_dim3A_533 : vector<16x1xi32> to vector<16xi32>
    %gather3A_535 = tpu.dynamic_gather %select_n3A_463[%gather3A_534] in [0] : vector<16xf32>, vector<16xi32> -> vector<16xf32>
    %add3A_536 = arith.addf %select_n3A_463, %gather3A_535 : vector<16xf32>
    %xor3A_537 = arith.constant 2 : i32
    %xor3A_538 = vector.broadcast %xor3A_537 : i32 to vector<16xi32>
    %xor3A_539 = arith.xori %iota3A, %xor3A_538 : vector<16xi32>
    %broadcast_in_dim3A_540 = vector.shape_cast %xor3A_539 : vector<16xi32> to vector<16x1xi32>
    %gather3A_541 = vector.shape_cast %broadcast_in_dim3A_540 : vector<16x1xi32> to vector<16xi32>
    %gather3A_542 = tpu.dynamic_gather %select_n3A_478[%gather3A_541] in [0] : vector<16xf32>, vector<16xi32> -> vector<16xf32>
    %add3A_543 = arith.addf %select_n3A_478, %gather3A_542 : vector<16xf32>
    %select_n3A_544 = arith.select %eq3A_484, %add3A_536, %add3A_543 : vector<16xi1>, vector<16xf32>
    %and3A_545 = arith.constant 4 : i32
    %and3A_546 = vector.broadcast %and3A_545 : i32 to vector<16xi32>
    %and3A_547 = arith.andi %iota3A, %and3A_546 : vector<16xi32>
    %eq3A_548 = arith.constant 0 : i32
    %eq3A_549 = vector.broadcast %eq3A_548 : i32 to vector<16xi32>
    %eq3A_550 = arith.cmpi eq, %and3A_547, %eq3A_549 : vector<16xi32>
    %xor3A_551 = arith.constant 4 : i32
    %xor3A_552 = vector.broadcast %xor3A_551 : i32 to vector<16xi32>
    %xor3A_553 = arith.xori %iota3A, %xor3A_552 : vector<16xi32>
    %broadcast_in_dim3A_554 = vector.shape_cast %xor3A_553 : vector<16xi32> to vector<16x1xi32>
    %gather3A_555 = vector.shape_cast %broadcast_in_dim3A_554 : vector<16x1xi32> to vector<16xi32>
    %gather3A_556 = tpu.dynamic_gather %select_n3A_499[%gather3A_555] in [0] : vector<16xf32>, vector<16xi32> -> vector<16xf32>
    %add3A_557 = arith.addf %select_n3A_499, %gather3A_556 : vector<16xf32>
    %xor3A_558 = arith.constant 4 : i32
    %xor3A_559 = vector.broadcast %xor3A_558 : i32 to vector<16xi32>
    %xor3A_560 = arith.xori %iota3A, %xor3A_559 : vector<16xi32>
    %broadcast_in_dim3A_561 = vector.shape_cast %xor3A_560 : vector<16xi32> to vector<16x1xi32>
    %gather3A_562 = vector.shape_cast %broadcast_in_dim3A_561 : vector<16x1xi32> to vector<16xi32>
    %gather3A_563 = tpu.dynamic_gather %select_n3A_514[%gather3A_562] in [0] : vector<16xf32>, vector<16xi32> -> vector<16xf32>
    %add3A_564 = arith.addf %select_n3A_514, %gather3A_563 : vector<16xf32>
    %select_n3A_565 = arith.select %eq3A_550, %add3A_557, %add3A_564 : vector<16xi1>, vector<16xf32>
    %xor3A_566 = arith.constant 4 : i32
    %xor3A_567 = vector.broadcast %xor3A_566 : i32 to vector<16xi32>
    %xor3A_568 = arith.xori %iota3A, %xor3A_567 : vector<16xi32>
    %broadcast_in_dim3A_569 = vector.shape_cast %xor3A_568 : vector<16xi32> to vector<16x1xi32>
    %gather3A_570 = vector.shape_cast %broadcast_in_dim3A_569 : vector<16x1xi32> to vector<16xi32>
    %gather3A_571 = tpu.dynamic_gather %select_n3A_529[%gather3A_570] in [0] : vector<16xf32>, vector<16xi32> -> vector<16xf32>
    %add3A_572 = arith.addf %select_n3A_529, %gather3A_571 : vector<16xf32>
    %xor3A_573 = arith.constant 4 : i32
    %xor3A_574 = vector.broadcast %xor3A_573 : i32 to vector<16xi32>
    %xor3A_575 = arith.xori %iota3A, %xor3A_574 : vector<16xi32>
    %broadcast_in_dim3A_576 = vector.shape_cast %xor3A_575 : vector<16xi32> to vector<16x1xi32>
    %gather3A_577 = vector.shape_cast %broadcast_in_dim3A_576 : vector<16x1xi32> to vector<16xi32>
    %gather3A_578 = tpu.dynamic_gather %select_n3A_544[%gather3A_577] in [0] : vector<16xf32>, vector<16xi32> -> vector<16xf32>
    %add3A_579 = arith.addf %select_n3A_544, %gather3A_578 : vector<16xf32>
    %select_n3A_580 = arith.select %eq3A_550, %add3A_572, %add3A_579 : vector<16xi1>, vector<16xf32>
    %and3A_581 = arith.constant 8 : i32
    %and3A_582 = vector.broadcast %and3A_581 : i32 to vector<16xi32>
    %and3A_583 = arith.andi %iota3A, %and3A_582 : vector<16xi32>
    %eq3A_584 = arith.constant 0 : i32
    %eq3A_585 = vector.broadcast %eq3A_584 : i32 to vector<16xi32>
    %eq3A_586 = arith.cmpi eq, %and3A_583, %eq3A_585 : vector<16xi32>
    %xor3A_587 = arith.constant 8 : i32
    %xor3A_588 = vector.broadcast %xor3A_587 : i32 to vector<16xi32>
    %xor3A_589 = arith.xori %iota3A, %xor3A_588 : vector<16xi32>
    %broadcast_in_dim3A_590 = vector.shape_cast %xor3A_589 : vector<16xi32> to vector<16x1xi32>
    %gather3A_591 = vector.shape_cast %broadcast_in_dim3A_590 : vector<16x1xi32> to vector<16xi32>
    %gather3A_592 = tpu.dynamic_gather %select_n3A_565[%gather3A_591] in [0] : vector<16xf32>, vector<16xi32> -> vector<16xf32>
    %add3A_593 = arith.addf %select_n3A_565, %gather3A_592 : vector<16xf32>
    %xor3A_594 = arith.constant 8 : i32
    %xor3A_595 = vector.broadcast %xor3A_594 : i32 to vector<16xi32>
    %xor3A_596 = arith.xori %iota3A, %xor3A_595 : vector<16xi32>
    %broadcast_in_dim3A_597 = vector.shape_cast %xor3A_596 : vector<16xi32> to vector<16x1xi32>
    %gather3A_598 = vector.shape_cast %broadcast_in_dim3A_597 : vector<16x1xi32> to vector<16xi32>
    %gather3A_599 = tpu.dynamic_gather %select_n3A_580[%gather3A_598] in [0] : vector<16xf32>, vector<16xi32> -> vector<16xf32>
    %add3A_600 = arith.addf %select_n3A_580, %gather3A_599 : vector<16xf32>
    %select_n3A_601 = arith.select %eq3A_586, %add3A_593, %add3A_600 : vector<16xi1>, vector<16xf32>
    %mul3A_602 = arith.constant 0.00130208337 : f32
    %mul3A_603 = vector.broadcast %mul3A_602 : f32 to vector<16xf32>
    %mul3A_604 = arith.mulf %select_n3A_601, %mul3A_603 : vector<16xf32>
    %add3A_605 = arith.constant 9.99999996E-13 : f32
    %add3A_606 = vector.broadcast %add3A_605 : f32 to vector<16xf32>
    %add3A_607 = arith.addf %mul3A_604, %add3A_606 : vector<16xf32>
    %bitcast_convert_type3A_608 = tpu.bitcast %add3A_607 : vector<16xf32> -> vector<16xi32>
    %shift_right_arithmetic3A_609 = arith.constant 1 : i32
    %shift_right_arithmetic3A_610 = vector.broadcast %shift_right_arithmetic3A_609 : i32 to vector<16xi32>
    %shift_right_arithmetic3A_611 = arith.shrsi %bitcast_convert_type3A_608, %shift_right_arithmetic3A_610 : vector<16xi32>
    %sub3A_612 = arith.constant 1597463007 : i32
    %sub3A_613 = vector.broadcast %sub3A_612 : i32 to vector<16xi32>
    %sub3A_614 = arith.subi %sub3A_613, %shift_right_arithmetic3A_611 : vector<16xi32>
    %bitcast_convert_type3A_615 = tpu.bitcast %sub3A_614 : vector<16xi32> -> vector<16xf32>
    %mul3A_616 = arith.constant 5.000000e-01 : f32
    %mul3A_617 = vector.broadcast %mul3A_616 : f32 to vector<16xf32>
    %mul3A_618 = arith.mulf %mul3A_617, %add3A_607 : vector<16xf32>
    %mul3A_619 = arith.mulf %mul3A_618, %bitcast_convert_type3A_615 : vector<16xf32>
    %mul3A_620 = arith.mulf %mul3A_619, %bitcast_convert_type3A_615 : vector<16xf32>
    %sub3A_621 = arith.constant 1.500000e+00 : f32
    %sub3A_622 = vector.broadcast %sub3A_621 : f32 to vector<16xf32>
    %sub3A_623 = arith.subf %sub3A_622, %mul3A_620 : vector<16xf32>
    %mul3A_624 = arith.mulf %bitcast_convert_type3A_615, %sub3A_623 : vector<16xf32>
    %mul3A_625 = arith.constant 5.000000e-01 : f32
    %mul3A_626 = vector.broadcast %mul3A_625 : f32 to vector<16xf32>
    %mul3A_627 = arith.mulf %mul3A_626, %add3A_607 : vector<16xf32>
    %mul3A_628 = arith.mulf %mul3A_627, %mul3A_624 : vector<16xf32>
    %mul3A_629 = arith.mulf %mul3A_628, %mul3A_624 : vector<16xf32>
    %sub3A_630 = arith.constant 1.500000e+00 : f32
    %sub3A_631 = vector.broadcast %sub3A_630 : f32 to vector<16xf32>
    %sub3A_632 = arith.subf %sub3A_631, %mul3A_629 : vector<16xf32>
    %mul3A_633 = arith.mulf %mul3A_624, %sub3A_632 : vector<16xf32>
    %swap3A_634 = arith.constant 0 : index
    %swap3A_635 = tpu.vector_load %arg19[%swap3A_634] {strides = array<i32>} : memref<16xf32, #tpu.memory_space<vmem>>, vector<16xf32>,
    %swap3A_636 = vector.shape_cast %swap3A_635 : vector<16xf32> to vector<16xf32>
    %swap3A_637 = vector.shape_cast %mul3A_633 : vector<16xf32> to vector<16xf32>
    tpu.vector_store %arg19[%swap3A_634], %swap3A_637 {strides = array<i32>} : memref<16xf32, #tpu.memory_space<vmem>>, vector<16xf32>,
    %add3A_638 = arith.constant 992 : i32
    %add3A_639 = arith.addi %mul3A_2, %add3A_638 : i32
    %dma_start3A_640 = arith.constant 0 : i32
    %dma_start3A_641 = tpu.memref_slice %arg7[%add3A_639, %dma_start3A_640] : memref<32768x768xf32, #tpu.memory_space<hbm>> -> memref<16x768xf32, #tpu.memory_space<hbm>>
    %dma_start3A_642 = arith.constant 0 : i32
    %dma_start3A_643 = tpu.memref_slice %arg7[%add3A_639, %dma_start3A_642] : memref<32768x768xf32, #tpu.memory_space<hbm>> -> memref<16x768xf32, #tpu.memory_space<hbm>>
    tpu.enqueue_dma source(%arg15 : memref<16x768xf32, #tpu.memory_space<vmem>>) target(%dma_start3A_643 : memref<16x768xf32, #tpu.memory_space<hbm>>) target_semaphore(%arg24 : memref<!tpu.dma_semaphore, #tpu.memory_space<semaphore_mem>>)
    %add3A_644 = arith.constant 976 : i32
    %add3A_645 = arith.addi %mul3A_2, %add3A_644 : i32
    %dma_wait3A_646 = arith.constant 0 : i32
    %dma_wait3A_647 = tpu.memref_slice %arg7[%add3A_645, %dma_wait3A_646] : memref<32768x768xf32, #tpu.memory_space<hbm>> -> memref<16x768xf32, #tpu.memory_space<hbm>>
    %dma_wait3A_648 = arith.constant 0 : i32
    %dma_wait3A_649 = tpu.memref_slice %arg7[%add3A_645, %dma_wait3A_648] : memref<32768x768xf32, #tpu.memory_space<hbm>> -> memref<16x768xf32, #tpu.memory_space<hbm>>
    tpu.wait_dma2 semaphore(%arg25 : memref<!tpu.dma_semaphore, #tpu.memory_space<semaphore_mem>>) src(%arg16 : memref<16x768xf32, #tpu.memory_space<vmem>>) dst(%dma_wait3A_649 : memref<16x768xf32, #tpu.memory_space<hbm>>)
    %get3A_650 = arith.constant 0 : index
    %get3A_651 = tpu.vector_load %arg19[%get3A_650] {strides = array<i32>} : memref<16xf32, #tpu.memory_space<vmem>>, vector<16xf32>,
    %get3A_652 = vector.shape_cast %get3A_651 : vector<16xf32> to vector<16xf32>
    %scan3A_653 = arith.constant 0 : i32
    %scan3A_654 = arith.constant 48 : i32
    %scan3A_655 = arith.addi %scan3A_653, %scan3A_654 : i32
    %scan3A_656 = arith.constant 1 : i32
    scf.for %scan3A_676 = %scan3A_653 to %scan3A_655 step %scan3A_656  : i32 {
      %mul3A_677 = arith.constant 16 : i32
      %mul3A_678 = arith.muli %scan3A_676, %mul3A_677 : i32
      %get3A_679 = arith.index_cast %mul3A_678 : i32 to index
      %get3A_680 = tpu.vector_load %arg10[%get3A_679] {strides = array<i32>} : memref<768xf32, #tpu.memory_space<vmem>>, vector<16xf32>,
      %get3A_681 = vector.shape_cast %get3A_680 : vector<16xf32> to vector<16xf32>
      %get3A_682 = arith.constant 0 : i32
      %get3A_683 = arith.index_cast %get3A_682 : i32 to index
      %get3A_684 = arith.index_cast %mul3A_678 : i32 to index
      %get3A_685 = tpu.vector_load %arg18[%get3A_683, %get3A_684] {strides = array<i32>} : memref<16x768xf32, #tpu.memory_space<vmem>>, vector<1x16xf32>,
      %get3A_686 = vector.shape_cast %get3A_685 : vector<1x16xf32> to vector<16xf32>
      %slice3A = vector.extract_strided_slice %get3A_652 {offsets = [0], sizes = [1], strides = [1]} : vector<16xf32> to vector<1xf32>
      %squeeze3A = vector.extract %slice3A[0] : f32 from vector<1xf32>
      %broadcast_in_dim3A_687 = vector.broadcast %squeeze3A : f32 to vector<16xf32>
      %mul3A_688 = arith.mulf %get3A_686, %broadcast_in_dim3A_687 : vector<16xf32>
      %mul3A_689 = arith.mulf %mul3A_688, %get3A_681 : vector<16xf32>
      %swap3A_690 = arith.constant 0 : i32
      %swap3A_691 = arith.index_cast %swap3A_690 : i32 to index
      %swap3A_692 = arith.index_cast %mul3A_678 : i32 to index
      %swap3A_693 = tpu.vector_load %arg16[%swap3A_691, %swap3A_692] {strides = array<i32>} : memref<16x768xf32, #tpu.memory_space<vmem>>, vector<1x16xf32>,
      %swap3A_694 = vector.shape_cast %swap3A_693 : vector<1x16xf32> to vector<16xf32>
      %swap3A_695 = vector.shape_cast %mul3A_689 : vector<16xf32> to vector<1x16xf32>
      tpu.vector_store %arg16[%swap3A_691, %swap3A_692], %swap3A_695 {strides = array<i32>} : memref<16x768xf32, #tpu.memory_space<vmem>>, vector<1x16xf32>,
      %get3A_696 = arith.constant 1 : i32
      %get3A_697 = arith.index_cast %get3A_696 : i32 to index
      %get3A_698 = arith.index_cast %mul3A_678 : i32 to index
      %get3A_699 = tpu.vector_load %arg18[%get3A_697, %get3A_698] {strides = array<i32>} : memref<16x768xf32, #tpu.memory_space<vmem>>, vector<1x16xf32>,
      %get3A_700 = vector.shape_cast %get3A_699 : vector<1x16xf32> to vector<16xf32>
      %slice3A_701 = vector.extract_strided_slice %get3A_652 {offsets = [1], sizes = [1], strides = [1]} : vector<16xf32> to vector<1xf32>
      %squeeze3A_702 = vector.extract %slice3A_701[0] : f32 from vector<1xf32>
      %broadcast_in_dim3A_703 = vector.broadcast %squeeze3A_702 : f32 to vector<16xf32>
      %mul3A_704 = arith.mulf %get3A_700, %broadcast_in_dim3A_703 : vector<16xf32>
      %mul3A_705 = arith.mulf %mul3A_704, %get3A_681 : vector<16xf32>
      %swap3A_706 = arith.constant 1 : i32
      %swap3A_707 = arith.index_cast %swap3A_706 : i32 to index
      %swap3A_708 = arith.index_cast %mul3A_678 : i32 to index
      %swap3A_709 = tpu.vector_load %arg16[%swap3A_707, %swap3A_708] {strides = array<i32>} : memref<16x768xf32, #tpu.memory_space<vmem>>, vector<1x16xf32>,
      %swap3A_710 = vector.shape_cast %swap3A_709 : vector<1x16xf32> to vector<16xf32>
      %swap3A_711 = vector.shape_cast %mul3A_705 : vector<16xf32> to vector<1x16xf32>
      tpu.vector_store %arg16[%swap3A_707, %swap3A_708], %swap3A_711 {strides = array<i32>} : memref<16x768xf32, #tpu.memory_space<vmem>>, vector<1x16xf32>,
      %get3A_712 = arith.constant 2 : i32
      %get3A_713 = arith.index_cast %get3A_712 : i32 to index
      %get3A_714 = arith.index_cast %mul3A_678 : i32 to index
      %get3A_715 = tpu.vector_load %arg18[%get3A_713, %get3A_714] {strides = array<i32>} : memref<16x768xf32, #tpu.memory_space<vmem>>, vector<1x16xf32>,
      %get3A_716 = vector.shape_cast %get3A_715 : vector<1x16xf32> to vector<16xf32>
      %slice3A_717 = vector.extract_strided_slice %get3A_652 {offsets = [2], sizes = [1], strides = [1]} : vector<16xf32> to vector<1xf32>
      %squeeze3A_718 = vector.extract %slice3A_717[0] : f32 from vector<1xf32>
      %broadcast_in_dim3A_719 = vector.broadcast %squeeze3A_718 : f32 to vector<16xf32>
      %mul3A_720 = arith.mulf %get3A_716, %broadcast_in_dim3A_719 : vector<16xf32>
      %mul3A_721 = arith.mulf %mul3A_720, %get3A_681 : vector<16xf32>
      %swap3A_722 = arith.constant 2 : i32
      %swap3A_723 = arith.index_cast %swap3A_722 : i32 to index
      %swap3A_724 = arith.index_cast %mul3A_678 : i32 to index
      %swap3A_725 = tpu.vector_load %arg16[%swap3A_723, %swap3A_724] {strides = array<i32>} : memref<16x768xf32, #tpu.memory_space<vmem>>, vector<1x16xf32>,
      %swap3A_726 = vector.shape_cast %swap3A_725 : vector<1x16xf32> to vector<16xf32>
      %swap3A_727 = vector.shape_cast %mul3A_721 : vector<16xf32> to vector<1x16xf32>
      tpu.vector_store %arg16[%swap3A_723, %swap3A_724], %swap3A_727 {strides = array<i32>} : memref<16x768xf32, #tpu.memory_space<vmem>>, vector<1x16xf32>,
      %get3A_728 = arith.constant 3 : i32
      %get3A_729 = arith.index_cast %get3A_728 : i32 to index
      %get3A_730 = arith.index_cast %mul3A_678 : i32 to index
      %get3A_731 = tpu.vector_load %arg18[%get3A_729, %get3A_730] {strides = array<i32>} : memref<16x768xf32, #tpu.memory_space<vmem>>, vector<1x16xf32>,
      %get3A_732 = vector.shape_cast %get3A_731 : vector<1x16xf32> to vector<16xf32>
      %slice3A_733 = vector.extract_strided_slice %get3A_652 {offsets = [3], sizes = [1], strides = [1]} : vector<16xf32> to vector<1xf32>
      %squeeze3A_734 = vector.extract %slice3A_733[0] : f32 from vector<1xf32>
      %broadcast_in_dim3A_735 = vector.broadcast %squeeze3A_734 : f32 to vector<16xf32>
      %mul3A_736 = arith.mulf %get3A_732, %broadcast_in_dim3A_735 : vector<16xf32>
      %mul3A_737 = arith.mulf %mul3A_736, %get3A_681 : vector<16xf32>
      %swap3A_738 = arith.constant 3 : i32
      %swap3A_739 = arith.index_cast %swap3A_738 : i32 to index
      %swap3A_740 = arith.index_cast %mul3A_678 : i32 to index
      %swap3A_741 = tpu.vector_load %arg16[%swap3A_739, %swap3A_740] {strides = array<i32>} : memref<16x768xf32, #tpu.memory_space<vmem>>, vector<1x16xf32>,
      %swap3A_742 = vector.shape_cast %swap3A_741 : vector<1x16xf32> to vector<16xf32>
      %swap3A_743 = vector.shape_cast %mul3A_737 : vector<16xf32> to vector<1x16xf32>
      tpu.vector_store %arg16[%swap3A_739, %swap3A_740], %swap3A_743 {strides = array<i32>} : memref<16x768xf32, #tpu.memory_space<vmem>>, vector<1x16xf32>,
      %get3A_744 = arith.constant 4 : i32
      %get3A_745 = arith.index_cast %get3A_744 : i32 to index
      %get3A_746 = arith.index_cast %mul3A_678 : i32 to index
      %get3A_747 = tpu.vector_load %arg18[%get3A_745, %get3A_746] {strides = array<i32>} : memref<16x768xf32, #tpu.memory_space<vmem>>, vector<1x16xf32>,
      %get3A_748 = vector.shape_cast %get3A_747 : vector<1x16xf32> to vector<16xf32>
      %slice3A_749 = vector.extract_strided_slice %get3A_652 {offsets = [4], sizes = [1], strides = [1]} : vector<16xf32> to vector<1xf32>
      %squeeze3A_750 = vector.extract %slice3A_749[0] : f32 from vector<1xf32>
      %broadcast_in_dim3A_751 = vector.broadcast %squeeze3A_750 : f32 to vector<16xf32>
      %mul3A_752 = arith.mulf %get3A_748, %broadcast_in_dim3A_751 : vector<16xf32>
      %mul3A_753 = arith.mulf %mul3A_752, %get3A_681 : vector<16xf32>
      %swap3A_754 = arith.constant 4 : i32
      %swap3A_755 = arith.index_cast %swap3A_754 : i32 to index
      %swap3A_756 = arith.index_cast %mul3A_678 : i32 to index
      %swap3A_757 = tpu.vector_load %arg16[%swap3A_755, %swap3A_756] {strides = array<i32>} : memref<16x768xf32, #tpu.memory_space<vmem>>, vector<1x16xf32>,
      %swap3A_758 = vector.shape_cast %swap3A_757 : vector<1x16xf32> to vector<16xf32>
      %swap3A_759 = vector.shape_cast %mul3A_753 : vector<16xf32> to vector<1x16xf32>
      tpu.vector_store %arg16[%swap3A_755, %swap3A_756], %swap3A_759 {strides = array<i32>} : memref<16x768xf32, #tpu.memory_space<vmem>>, vector<1x16xf32>,
      %get3A_760 = arith.constant 5 : i32
      %get3A_761 = arith.index_cast %get3A_760 : i32 to index
      %get3A_762 = arith.index_cast %mul3A_678 : i32 to index
      %get3A_763 = tpu.vector_load %arg18[%get3A_761, %get3A_762] {strides = array<i32>} : memref<16x768xf32, #tpu.memory_space<vmem>>, vector<1x16xf32>,
      %get3A_764 = vector.shape_cast %get3A_763 : vector<1x16xf32> to vector<16xf32>
      %slice3A_765 = vector.extract_strided_slice %get3A_652 {offsets = [5], sizes = [1], strides = [1]} : vector<16xf32> to vector<1xf32>
      %squeeze3A_766 = vector.extract %slice3A_765[0] : f32 from vector<1xf32>
      %broadcast_in_dim3A_767 = vector.broadcast %squeeze3A_766 : f32 to vector<16xf32>
      %mul3A_768 = arith.mulf %get3A_764, %broadcast_in_dim3A_767 : vector<16xf32>
      %mul3A_769 = arith.mulf %mul3A_768, %get3A_681 : vector<16xf32>
      %swap3A_770 = arith.constant 5 : i32
      %swap3A_771 = arith.index_cast %swap3A_770 : i32 to index
      %swap3A_772 = arith.index_cast %mul3A_678 : i32 to index
      %swap3A_773 = tpu.vector_load %arg16[%swap3A_771, %swap3A_772] {strides = array<i32>} : memref<16x768xf32, #tpu.memory_space<vmem>>, vector<1x16xf32>,
      %swap3A_774 = vector.shape_cast %swap3A_773 : vector<1x16xf32> to vector<16xf32>
      %swap3A_775 = vector.shape_cast %mul3A_769 : vector<16xf32> to vector<1x16xf32>
      tpu.vector_store %arg16[%swap3A_771, %swap3A_772], %swap3A_775 {strides = array<i32>} : memref<16x768xf32, #tpu.memory_space<vmem>>, vector<1x16xf32>,
      %get3A_776 = arith.constant 6 : i32
      %get3A_777 = arith.index_cast %get3A_776 : i32 to index
      %get3A_778 = arith.index_cast %mul3A_678 : i32 to index
      %get3A_779 = tpu.vector_load %arg18[%get3A_777, %get3A_778] {strides = array<i32>} : memref<16x768xf32, #tpu.memory_space<vmem>>, vector<1x16xf32>,
      %get3A_780 = vector.shape_cast %get3A_779 : vector<1x16xf32> to vector<16xf32>
      %slice3A_781 = vector.extract_strided_slice %get3A_652 {offsets = [6], sizes = [1], strides = [1]} : vector<16xf32> to vector<1xf32>
      %squeeze3A_782 = vector.extract %slice3A_781[0] : f32 from vector<1xf32>
      %broadcast_in_dim3A_783 = vector.broadcast %squeeze3A_782 : f32 to vector<16xf32>
      %mul3A_784 = arith.mulf %get3A_780, %broadcast_in_dim3A_783 : vector<16xf32>
      %mul3A_785 = arith.mulf %mul3A_784, %get3A_681 : vector<16xf32>
      %swap3A_786 = arith.constant 6 : i32
      %swap3A_787 = arith.index_cast %swap3A_786 : i32 to index
      %swap3A_788 = arith.index_cast %mul3A_678 : i32 to index
      %swap3A_789 = tpu.vector_load %arg16[%swap3A_787, %swap3A_788] {strides = array<i32>} : memref<16x768xf32, #tpu.memory_space<vmem>>, vector<1x16xf32>,
      %swap3A_790 = vector.shape_cast %swap3A_789 : vector<1x16xf32> to vector<16xf32>
      %swap3A_791 = vector.shape_cast %mul3A_785 : vector<16xf32> to vector<1x16xf32>
      tpu.vector_store %arg16[%swap3A_787, %swap3A_788], %swap3A_791 {strides = array<i32>} : memref<16x768xf32, #tpu.memory_space<vmem>>, vector<1x16xf32>,
      %get3A_792 = arith.constant 7 : i32
      %get3A_793 = arith.index_cast %get3A_792 : i32 to index
      %get3A_794 = arith.index_cast %mul3A_678 : i32 to index
      %get3A_795 = tpu.vector_load %arg18[%get3A_793, %get3A_794] {strides = array<i32>} : memref<16x768xf32, #tpu.memory_space<vmem>>, vector<1x16xf32>,
      %get3A_796 = vector.shape_cast %get3A_795 : vector<1x16xf32> to vector<16xf32>
      %slice3A_797 = vector.extract_strided_slice %get3A_652 {offsets = [7], sizes = [1], strides = [1]} : vector<16xf32> to vector<1xf32>
      %squeeze3A_798 = vector.extract %slice3A_797[0] : f32 from vector<1xf32>
      %broadcast_in_dim3A_799 = vector.broadcast %squeeze3A_798 : f32 to vector<16xf32>
      %mul3A_800 = arith.mulf %get3A_796, %broadcast_in_dim3A_799 : vector<16xf32>
      %mul3A_801 = arith.mulf %mul3A_800, %get3A_681 : vector<16xf32>
      %swap3A_802 = arith.constant 7 : i32
      %swap3A_803 = arith.index_cast %swap3A_802 : i32 to index
      %swap3A_804 = arith.index_cast %mul3A_678 : i32 to index
      %swap3A_805 = tpu.vector_load %arg16[%swap3A_803, %swap3A_804] {strides = array<i32>} : memref<16x768xf32, #tpu.memory_space<vmem>>, vector<1x16xf32>,
      %swap3A_806 = vector.shape_cast %swap3A_805 : vector<1x16xf32> to vector<16xf32>
      %swap3A_807 = vector.shape_cast %mul3A_801 : vector<16xf32> to vector<1x16xf32>
      tpu.vector_store %arg16[%swap3A_803, %swap3A_804], %swap3A_807 {strides = array<i32>} : memref<16x768xf32, #tpu.memory_space<vmem>>, vector<1x16xf32>,
      %get3A_808 = arith.constant 8 : i32
      %get3A_809 = arith.index_cast %get3A_808 : i32 to index
      %get3A_810 = arith.index_cast %mul3A_678 : i32 to index
      %get3A_811 = tpu.vector_load %arg18[%get3A_809, %get3A_810] {strides = array<i32>} : memref<16x768xf32, #tpu.memory_space<vmem>>, vector<1x16xf32>,
      %get3A_812 = vector.shape_cast %get3A_811 : vector<1x16xf32> to vector<16xf32>
      %slice3A_813 = vector.extract_strided_slice %get3A_652 {offsets = [8], sizes = [1], strides = [1]} : vector<16xf32> to vector<1xf32>
      %squeeze3A_814 = vector.extract %slice3A_813[0] : f32 from vector<1xf32>
      %broadcast_in_dim3A_815 = vector.broadcast %squeeze3A_814 : f32 to vector<16xf32>
      %mul3A_816 = arith.mulf %get3A_812, %broadcast_in_dim3A_815 : vector<16xf32>
      %mul3A_817 = arith.mulf %mul3A_816, %get3A_681 : vector<16xf32>
      %swap3A_818 = arith.constant 8 : i32
      %swap3A_819 = arith.index_cast %swap3A_818 : i32 to index
      %swap3A_820 = arith.index_cast %mul3A_678 : i32 to index
      %swap3A_821 = tpu.vector_load %arg16[%swap3A_819, %swap3A_820] {strides = array<i32>} : memref<16x768xf32, #tpu.memory_space<vmem>>, vector<1x16xf32>,
      %swap3A_822 = vector.shape_cast %swap3A_821 : vector<1x16xf32> to vector<16xf32>
      %swap3A_823 = vector.shape_cast %mul3A_817 : vector<16xf32> to vector<1x16xf32>
      tpu.vector_store %arg16[%swap3A_819, %swap3A_820], %swap3A_823 {strides = array<i32>} : memref<16x768xf32, #tpu.memory_space<vmem>>, vector<1x16xf32>,
      %get3A_824 = arith.constant 9 : i32
      %get3A_825 = arith.index_cast %get3A_824 : i32 to index
      %get3A_826 = arith.index_cast %mul3A_678 : i32 to index
      %get3A_827 = tpu.vector_load %arg18[%get3A_825, %get3A_826] {strides = array<i32>} : memref<16x768xf32, #tpu.memory_space<vmem>>, vector<1x16xf32>,
      %get3A_828 = vector.shape_cast %get3A_827 : vector<1x16xf32> to vector<16xf32>
      %slice3A_829 = vector.extract_strided_slice %get3A_652 {offsets = [9], sizes = [1], strides = [1]} : vector<16xf32> to vector<1xf32>
      %squeeze3A_830 = vector.extract %slice3A_829[0] : f32 from vector<1xf32>
      %broadcast_in_dim3A_831 = vector.broadcast %squeeze3A_830 : f32 to vector<16xf32>
      %mul3A_832 = arith.mulf %get3A_828, %broadcast_in_dim3A_831 : vector<16xf32>
      %mul3A_833 = arith.mulf %mul3A_832, %get3A_681 : vector<16xf32>
      %swap3A_834 = arith.constant 9 : i32
      %swap3A_835 = arith.index_cast %swap3A_834 : i32 to index
      %swap3A_836 = arith.index_cast %mul3A_678 : i32 to index
      %swap3A_837 = tpu.vector_load %arg16[%swap3A_835, %swap3A_836] {strides = array<i32>} : memref<16x768xf32, #tpu.memory_space<vmem>>, vector<1x16xf32>,
      %swap3A_838 = vector.shape_cast %swap3A_837 : vector<1x16xf32> to vector<16xf32>
      %swap3A_839 = vector.shape_cast %mul3A_833 : vector<16xf32> to vector<1x16xf32>
      tpu.vector_store %arg16[%swap3A_835, %swap3A_836], %swap3A_839 {strides = array<i32>} : memref<16x768xf32, #tpu.memory_space<vmem>>, vector<1x16xf32>,
      %get3A_840 = arith.constant 10 : i32
      %get3A_841 = arith.index_cast %get3A_840 : i32 to index
      %get3A_842 = arith.index_cast %mul3A_678 : i32 to index
      %get3A_843 = tpu.vector_load %arg18[%get3A_841, %get3A_842] {strides = array<i32>} : memref<16x768xf32, #tpu.memory_space<vmem>>, vector<1x16xf32>,
      %get3A_844 = vector.shape_cast %get3A_843 : vector<1x16xf32> to vector<16xf32>
      %slice3A_845 = vector.extract_strided_slice %get3A_652 {offsets = [10], sizes = [1], strides = [1]} : vector<16xf32> to vector<1xf32>
      %squeeze3A_846 = vector.extract %slice3A_845[0] : f32 from vector<1xf32>
      %broadcast_in_dim3A_847 = vector.broadcast %squeeze3A_846 : f32 to vector<16xf32>
      %mul3A_848 = arith.mulf %get3A_844, %broadcast_in_dim3A_847 : vector<16xf32>
      %mul3A_849 = arith.mulf %mul3A_848, %get3A_681 : vector<16xf32>
      %swap3A_850 = arith.constant 10 : i32
      %swap3A_851 = arith.index_cast %swap3A_850 : i32 to index
      %swap3A_852 = arith.index_cast %mul3A_678 : i32 to index
      %swap3A_853 = tpu.vector_load %arg16[%swap3A_851, %swap3A_852] {strides = array<i32>} : memref<16x768xf32, #tpu.memory_space<vmem>>, vector<1x16xf32>,
      %swap3A_854 = vector.shape_cast %swap3A_853 : vector<1x16xf32> to vector<16xf32>
      %swap3A_855 = vector.shape_cast %mul3A_849 : vector<16xf32> to vector<1x16xf32>
      tpu.vector_store %arg16[%swap3A_851, %swap3A_852], %swap3A_855 {strides = array<i32>} : memref<16x768xf32, #tpu.memory_space<vmem>>, vector<1x16xf32>,
      %get3A_856 = arith.constant 11 : i32
      %get3A_857 = arith.index_cast %get3A_856 : i32 to index
      %get3A_858 = arith.index_cast %mul3A_678 : i32 to index
      %get3A_859 = tpu.vector_load %arg18[%get3A_857, %get3A_858] {strides = array<i32>} : memref<16x768xf32, #tpu.memory_space<vmem>>, vector<1x16xf32>,
      %get3A_860 = vector.shape_cast %get3A_859 : vector<1x16xf32> to vector<16xf32>
      %slice3A_861 = vector.extract_strided_slice %get3A_652 {offsets = [11], sizes = [1], strides = [1]} : vector<16xf32> to vector<1xf32>
      %squeeze3A_862 = vector.extract %slice3A_861[0] : f32 from vector<1xf32>
      %broadcast_in_dim3A_863 = vector.broadcast %squeeze3A_862 : f32 to vector<16xf32>
      %mul3A_864 = arith.mulf %get3A_860, %broadcast_in_dim3A_863 : vector<16xf32>
      %mul3A_865 = arith.mulf %mul3A_864, %get3A_681 : vector<16xf32>
      %swap3A_866 = arith.constant 11 : i32
      %swap3A_867 = arith.index_cast %swap3A_866 : i32 to index
      %swap3A_868 = arith.index_cast %mul3A_678 : i32 to index
      %swap3A_869 = tpu.vector_load %arg16[%swap3A_867, %swap3A_868] {strides = array<i32>} : memref<16x768xf32, #tpu.memory_space<vmem>>, vector<1x16xf32>,
      %swap3A_870 = vector.shape_cast %swap3A_869 : vector<1x16xf32> to vector<16xf32>
      %swap3A_871 = vector.shape_cast %mul3A_865 : vector<16xf32> to vector<1x16xf32>
      tpu.vector_store %arg16[%swap3A_867, %swap3A_868], %swap3A_871 {strides = array<i32>} : memref<16x768xf32, #tpu.memory_space<vmem>>, vector<1x16xf32>,
      %get3A_872 = arith.constant 12 : i32
      %get3A_873 = arith.index_cast %get3A_872 : i32 to index
      %get3A_874 = arith.index_cast %mul3A_678 : i32 to index
      %get3A_875 = tpu.vector_load %arg18[%get3A_873, %get3A_874] {strides = array<i32>} : memref<16x768xf32, #tpu.memory_space<vmem>>, vector<1x16xf32>,
      %get3A_876 = vector.shape_cast %get3A_875 : vector<1x16xf32> to vector<16xf32>
      %slice3A_877 = vector.extract_strided_slice %get3A_652 {offsets = [12], sizes = [1], strides = [1]} : vector<16xf32> to vector<1xf32>
      %squeeze3A_878 = vector.extract %slice3A_877[0] : f32 from vector<1xf32>
      %broadcast_in_dim3A_879 = vector.broadcast %squeeze3A_878 : f32 to vector<16xf32>
      %mul3A_880 = arith.mulf %get3A_876, %broadcast_in_dim3A_879 : vector<16xf32>
      %mul3A_881 = arith.mulf %mul3A_880, %get3A_681 : vector<16xf32>
      %swap3A_882 = arith.constant 12 : i32
      %swap3A_883 = arith.index_cast %swap3A_882 : i32 to index
      %swap3A_884 = arith.index_cast %mul3A_678 : i32 to index
      %swap3A_885 = tpu.vector_load %arg16[%swap3A_883, %swap3A_884] {strides = array<i32>} : memref<16x768xf32, #tpu.memory_space<vmem>>, vector<1x16xf32>,
      %swap3A_886 = vector.shape_cast %swap3A_885 : vector<1x16xf32> to vector<16xf32>
      %swap3A_887 = vector.shape_cast %mul3A_881 : vector<16xf32> to vector<1x16xf32>
      tpu.vector_store %arg16[%swap3A_883, %swap3A_884], %swap3A_887 {strides = array<i32>} : memref<16x768xf32, #tpu.memory_space<vmem>>, vector<1x16xf32>,
      %get3A_888 = arith.constant 13 : i32
      %get3A_889 = arith.index_cast %get3A_888 : i32 to index
      %get3A_890 = arith.index_cast %mul3A_678 : i32 to index
      %get3A_891 = tpu.vector_load %arg18[%get3A_889, %get3A_890] {strides = array<i32>} : memref<16x768xf32, #tpu.memory_space<vmem>>, vector<1x16xf32>,
      %get3A_892 = vector.shape_cast %get3A_891 : vector<1x16xf32> to vector<16xf32>
      %slice3A_893 = vector.extract_strided_slice %get3A_652 {offsets = [13], sizes = [1], strides = [1]} : vector<16xf32> to vector<1xf32>
      %squeeze3A_894 = vector.extract %slice3A_893[0] : f32 from vector<1xf32>
      %broadcast_in_dim3A_895 = vector.broadcast %squeeze3A_894 : f32 to vector<16xf32>
      %mul3A_896 = arith.mulf %get3A_892, %broadcast_in_dim3A_895 : vector<16xf32>
      %mul3A_897 = arith.mulf %mul3A_896, %get3A_681 : vector<16xf32>
      %swap3A_898 = arith.constant 13 : i32
      %swap3A_899 = arith.index_cast %swap3A_898 : i32 to index
      %swap3A_900 = arith.index_cast %mul3A_678 : i32 to index
      %swap3A_901 = tpu.vector_load %arg16[%swap3A_899, %swap3A_900] {strides = array<i32>} : memref<16x768xf32, #tpu.memory_space<vmem>>, vector<1x16xf32>,
      %swap3A_902 = vector.shape_cast %swap3A_901 : vector<1x16xf32> to vector<16xf32>
      %swap3A_903 = vector.shape_cast %mul3A_897 : vector<16xf32> to vector<1x16xf32>
      tpu.vector_store %arg16[%swap3A_899, %swap3A_900], %swap3A_903 {strides = array<i32>} : memref<16x768xf32, #tpu.memory_space<vmem>>, vector<1x16xf32>,
      %get3A_904 = arith.constant 14 : i32
      %get3A_905 = arith.index_cast %get3A_904 : i32 to index
      %get3A_906 = arith.index_cast %mul3A_678 : i32 to index
      %get3A_907 = tpu.vector_load %arg18[%get3A_905, %get3A_906] {strides = array<i32>} : memref<16x768xf32, #tpu.memory_space<vmem>>, vector<1x16xf32>,
      %get3A_908 = vector.shape_cast %get3A_907 : vector<1x16xf32> to vector<16xf32>
      %slice3A_909 = vector.extract_strided_slice %get3A_652 {offsets = [14], sizes = [1], strides = [1]} : vector<16xf32> to vector<1xf32>
      %squeeze3A_910 = vector.extract %slice3A_909[0] : f32 from vector<1xf32>
      %broadcast_in_dim3A_911 = vector.broadcast %squeeze3A_910 : f32 to vector<16xf32>
      %mul3A_912 = arith.mulf %get3A_908, %broadcast_in_dim3A_911 : vector<16xf32>
      %mul3A_913 = arith.mulf %mul3A_912, %get3A_681 : vector<16xf32>
      %swap3A_914 = arith.constant 14 : i32
      %swap3A_915 = arith.index_cast %swap3A_914 : i32 to index
      %swap3A_916 = arith.index_cast %mul3A_678 : i32 to index
      %swap3A_917 = tpu.vector_load %arg16[%swap3A_915, %swap3A_916] {strides = array<i32>} : memref<16x768xf32, #tpu.memory_space<vmem>>, vector<1x16xf32>,
      %swap3A_918 = vector.shape_cast %swap3A_917 : vector<1x16xf32> to vector<16xf32>
      %swap3A_919 = vector.shape_cast %mul3A_913 : vector<16xf32> to vector<1x16xf32>
      tpu.vector_store %arg16[%swap3A_915, %swap3A_916], %swap3A_919 {strides = array<i32>} : memref<16x768xf32, #tpu.memory_space<vmem>>, vector<1x16xf32>,
      %get3A_920 = arith.constant 15 : i32
      %get3A_921 = arith.index_cast %get3A_920 : i32 to index
      %get3A_922 = arith.index_cast %mul3A_678 : i32 to index
      %get3A_923 = tpu.vector_load %arg18[%get3A_921, %get3A_922] {strides = array<i32>} : memref<16x768xf32, #tpu.memory_space<vmem>>, vector<1x16xf32>,
      %get3A_924 = vector.shape_cast %get3A_923 : vector<1x16xf32> to vector<16xf32>
      %slice3A_925 = vector.extract_strided_slice %get3A_652 {offsets = [15], sizes = [1], strides = [1]} : vector<16xf32> to vector<1xf32>
      %squeeze3A_926 = vector.extract %slice3A_925[0] : f32 from vector<1xf32>
      %broadcast_in_dim3A_927 = vector.broadcast %squeeze3A_926 : f32 to vector<16xf32>
      %mul3A_928 = arith.mulf %get3A_924, %broadcast_in_dim3A_927 : vector<16xf32>
      %mul3A_929 = arith.mulf %mul3A_928, %get3A_681 : vector<16xf32>
      %swap3A_930 = arith.constant 15 : i32
      %swap3A_931 = arith.index_cast %swap3A_930 : i32 to index
      %swap3A_932 = arith.index_cast %mul3A_678 : i32 to index
      %swap3A_933 = tpu.vector_load %arg16[%swap3A_931, %swap3A_932] {strides = array<i32>} : memref<16x768xf32, #tpu.memory_space<vmem>>, vector<1x16xf32>,
      %swap3A_934 = vector.shape_cast %swap3A_933 : vector<1x16xf32> to vector<16xf32>
      %swap3A_935 = vector.shape_cast %mul3A_929 : vector<16xf32> to vector<1x16xf32>
      tpu.vector_store %arg16[%swap3A_931, %swap3A_932], %swap3A_935 {strides = array<i32>} : memref<16x768xf32, #tpu.memory_space<vmem>>, vector<1x16xf32>,
    }
    %scan3A_657 = arith.constant 48 : i32
    %add3A_658 = arith.constant 1008 : i32
    %add3A_659 = arith.addi %mul3A_2, %add3A_658 : i32
    %dma_start3A_660 = arith.constant 0 : i32
    %dma_start3A_661 = tpu.memref_slice %arg7[%add3A_659, %dma_start3A_660] : memref<32768x768xf32, #tpu.memory_space<hbm>> -> memref<16x768xf32, #tpu.memory_space<hbm>>
    %dma_start3A_662 = arith.constant 0 : i32
    %dma_start3A_663 = tpu.memref_slice %arg7[%add3A_659, %dma_start3A_662] : memref<32768x768xf32, #tpu.memory_space<hbm>> -> memref<16x768xf32, #tpu.memory_space<hbm>>
    tpu.enqueue_dma source(%arg16 : memref<16x768xf32, #tpu.memory_space<vmem>>) target(%dma_start3A_663 : memref<16x768xf32, #tpu.memory_space<hbm>>) target_semaphore(%arg25 : memref<!tpu.dma_semaphore, #tpu.memory_space<semaphore_mem>>)
    %add3A_664 = arith.constant 992 : i32
    %add3A_665 = arith.addi %mul3A_2, %add3A_664 : i32
    %dma_wait3A_666 = arith.constant 0 : i32
    %dma_wait3A_667 = tpu.memref_slice %arg7[%add3A_665, %dma_wait3A_666] : memref<32768x768xf32, #tpu.memory_space<hbm>> -> memref<16x768xf32, #tpu.memory_space<hbm>>
    %dma_wait3A_668 = arith.constant 0 : i32
    %dma_wait3A_669 = tpu.memref_slice %arg7[%add3A_665, %dma_wait3A_668] : memref<32768x768xf32, #tpu.memory_space<hbm>> -> memref<16x768xf32, #tpu.memory_space<hbm>>
    tpu.wait_dma2 semaphore(%arg24 : memref<!tpu.dma_semaphore, #tpu.memory_space<semaphore_mem>>) src(%arg15 : memref<16x768xf32, #tpu.memory_space<vmem>>) dst(%dma_wait3A_669 : memref<16x768xf32, #tpu.memory_space<hbm>>)
    %add3A_670 = arith.constant 1008 : i32
    %add3A_671 = arith.addi %mul3A_2, %add3A_670 : i32
    %dma_wait3A_672 = arith.constant 0 : i32
    %dma_wait3A_673 = tpu.memref_slice %arg7[%add3A_671, %dma_wait3A_672] : memref<32768x768xf32, #tpu.memory_space<hbm>> -> memref<16x768xf32, #tpu.memory_space<hbm>>
    %dma_wait3A_674 = arith.constant 0 : i32
    %dma_wait3A_675 = tpu.memref_slice %arg7[%add3A_671, %dma_wait3A_674] : memref<32768x768xf32, #tpu.memory_space<hbm>> -> memref<16x768xf32, #tpu.memory_space<hbm>>
    tpu.wait_dma2 semaphore(%arg25 : memref<!tpu.dma_semaphore, #tpu.memory_space<semaphore_mem>>) src(%arg16 : memref<16x768xf32, #tpu.memory_space<vmem>>) dst(%dma_wait3A_675 : memref<16x768xf32, #tpu.memory_space<hbm>>)
    return
  }
}

</mosaic_0001>

<sc_bundles>
// kernel: kernel.3.cloned.1.call-start
scs
__scs_entry_jumppad:
0x0: {  	(pc) =	sbr.rel $0x88, $3  }
0x1: {  	(tag) =	ssettag $0x0;
	lr =	simm.s32 $0x1  }
0x2: {  	[smem:$0x3F9C] =	sst lr;
	_ =	strace $0xD0000000  }
0x3: {  	_ = 	snop  }
0x4: {  	_ = 	snop  }
0x5: {  	_ = 	snop  }
0x6: {  	_ = 	snop  }
0x7: {  	_ = 	snop  }
__scs_overlays_trampoline_lowered:
0x8: {  	[smem:$0x3FAB] =	sst s0  }
0x9: {  	[smem:$0x3FAC] =	sst s1  }
0xa: {  	[smem:$0x3FAD] =	sst s2  }
0xb: {  	[smem:$0x3FAE] =	sst s3  }
0xc: {  	[smem:$0x3FAF] =	sst s4  }
0xd: {  	[smem:$0x3FB0] =	sst s5  }
0xe: {  	[smem:$0x3FB1] =	sst s6  }
0xf: {  	[smem:$0x3FB2] =	sst s7  }
0x10: {  	[smem:$0x3FB3] =	sst s8  }
0x11: {  	[smem:$0x3FB4] =	sst s9;
	s0 =	simm.s32 @!p0 $0x0  }
0x12: {  	s1 =	sld [smem:$0x3F9A];
	s0 =	simm.s32 @p0 $0x1  }
0x13: {  	[smem:$0x3FB5] =	sst s0;
	s0 =	simm.s32 @!p1 $0x0  }
0x14: {  	s2 =	sld [smem:$0x3F99];
	s0 =	simm.s32 @p1 $0x1  }
0x15: {  	[smem:$0x3FB6] =	sst s0;
	s0 =	simm.s32 @!p2 $0x0  }
0x16: {  	s3 =	sld [smem:$0x3FDB];
	s0 =	simm.s32 @p2 $0x1  }
0x17: {  	s4 =	simm.s32 $0x1BF5;
	[smem:$0x3FB8] =	sst s0  }
0x18: {  	s0 =	sld [smem:$0x3F9B];
	_ =	swait.ge [sflag:s4], $0x0  }
0x19: {  	s7 =	sld [smem:$0x3F9C]  }
0x1a: {  	s8 =	sadd.s32 $0xFFFFE003, lr  }
0x1b: {  	s9 =	sadd.s32 $0xFFFFFEF7, lr;
	s5 =	simm.s32 $0xFFFFFFFF;
	p2 =	slt.u32 s8, $0xFFFFF086  }
0x1c: {  	p1 =	slt.u32 s9, $0xF7A;
	s5 =	simm.s32 @!p2 $0x0  }
0x1d: {  	s5 =	simm.s32 @p1 $0x1;
	p0 =	seq.s32 s7, s2  }
0x1e: {  	s7 =	smul.u32 @!p0 $0xF7A, s2;
	p2 =	seq.s32 @!p0 s5, $0x0  }
0x1f: {  	s9 =	smul.u32 $0xF7A, s1;
	s8 =	simm.s32 @!p0 $0x1BF5;
	p2 =	por !p2, p0  }
0x20: {  	[sflag:s8] =	ssyncset.s32 @!p0 $0xFFFFF086;
	s6 =	sadd.s32 @!p0 s3, s7;
	s7 =	simm.s32 @!p0 $0x108  }
0x21: {  	s3 =	sadd.s32 s3, s9;
	s6 =	sadd.s32 @!p0 $0x88, s6;
	s7 =	simm.s32 @p2 $0x1082  }
0x22: {  	[simem:s7], [sflag:s8] =	dma.local @!p0 [hbm:s6], $0xF7A  }
0x23: {  	s9 =	sor.u32 $0xD0000000, s2;
	s6 =	simm.s32 $0x108;
	_ =	swait.ge @!p0 [sflag:s8], $0x0  }
0x24: {  	s3 =	sadd.s32 $0x88, s3;
	s6 =	simm.s32 @!p1 $0x1082;
	[sflag:s4] =	ssyncset.s32 $0xFFFFF086  }
0x25: {  	[simem:s6], [sflag:s4] =	dma.local [hbm:s3], $0xF7A  }
0x26: {  	[smem:$0x3F9C] =	sst s1;
	(tag) =	ssettag s2;
	_ =	strace s9  }
0x27: {  	s1 =	sld [smem:$0x3FAC]  }
0x28: {  	s2 =	sld [smem:$0x3FAD]  }
0x29: {  	s4 =	sld [smem:$0x3FAF]  }
0x2a: {  	p0 =	seq.s32 s5, $0x0;
	s5 =	sld [smem:$0x3FB0]  }
0x2b: {  	s6 =	sld [smem:$0x3FB1]  }
0x2c: {  	s7 =	sld [smem:$0x3FB2]  }
0x2d: {  	s3 =	simm.s32 $0x108;
	s8 =	sld [smem:$0x3FB3]  }
0x2e: {  	s3 =	simm.s32 @!p0 $0x1082;
	s9 =	sld [smem:$0x3FB4]  }
0x2f: {  	lr =	sadd.s32 s0, s3;
	s0 =	sld [smem:$0x3FAB]  }
0x30: {  	s3 =	sld [smem:$0x3FAE]  }
0x31: {  	[smem:$0x3FB7] =	sst s10  }
0x32: {  	s10 =	sld [smem:$0x3FB5];
	_ =	sdelay $0x3  }
0x33: {  	p0 =	seq.s32 s10, $0x1;
	s10 =	sld [smem:$0x3FB7];
	_ =	sdelay $0x3  }
0x34: {  	[smem:$0x3FB7] =	sst s10  }
0x35: {  	s10 =	sld [smem:$0x3FB6];
	_ =	sdelay $0x3  }
0x36: {  	p1 =	seq.s32 s10, $0x1;
	s10 =	sld [smem:$0x3FB7];
	_ =	sdelay $0x3  }
0x37: {  	[smem:$0x3FB7] =	sst s10  }
0x38: {  	s10 =	sld [smem:$0x3FB8]  }
0x39: {  	_ = 	snop;
	(pc) =	sbr.ind lr, $3  }
0x3a: {  	_ = 	snop  }
0x3b: {  	_ = 	snop  }
0x3c: {  	p2 =	seq.s32 s10, $0x1;
	s10 =	sld [smem:$0x3FB7]  }
0x3d: {  	_ =	shalt  }
0x3e: {  	_ =	shalt  }
0x3f: {  	_ =	shalt  }
0x40: {  	_ =	shalt  }
0x41: {  	_ =	shalt  }
0x42: {  	_ =	shalt  }
0x43: {  	_ =	shalt  }
0x44: {  	_ =	shalt  }
0x45: {  	_ =	shalt  }
0x46: {  	_ =	shalt  }
0x47: {  	_ =	shalt  }
0x48: {  	_ =	shalt  }
0x49: {  	_ =	shalt  }
0x4a: {  	_ =	shalt  }
0x4b: {  	_ =	shalt  }
0x4c: {  	_ =	shalt  }
0x4d: {  	_ =	shalt  }
0x4e: {  	_ =	shalt  }
0x4f: {  	_ =	shalt  }
0x50: {  	_ =	shalt  }
0x51: {  	_ =	shalt  }
0x52: {  	_ =	shalt  }
0x53: {  	_ =	shalt  }
0x54: {  	_ =	shalt  }
0x55: {  	_ =	shalt  }
0x56: {  	_ =	shalt  }
0x57: {  	_ =	shalt  }
0x58: {  	_ =	shalt  }
0x59: {  	_ =	shalt  }
0x5a: {  	_ =	shalt  }
0x5b: {  	_ =	shalt  }
0x5c: {  	_ =	shalt  }
0x5d: {  	_ =	shalt  }
0x5e: {  	_ =	shalt  }
0x5f: {  	_ =	shalt  }
0x60: {  	_ =	shalt  }
0x61: {  	_ =	shalt  }
0x62: {  	_ =	shalt  }
0x63: {  	_ =	shalt  }
0x64: {  	_ =	shalt  }
0x65: {  	_ =	shalt  }
0x66: {  	_ =	shalt  }
0x67: {  	_ =	shalt  }
0x68: {  	_ =	shalt  }
0x69: {  	_ =	shalt  }
0x6a: {  	_ =	shalt  }
0x6b: {  	_ =	shalt  }
0x6c: {  	_ =	shalt  }
0x6d: {  	_ =	shalt  }
0x6e: {  	_ =	shalt  }
0x6f: {  	_ =	shalt  }
0x70: {  	_ =	shalt  }
0x71: {  	_ =	shalt  }
0x72: {  	_ =	shalt  }
0x73: {  	_ =	shalt  }
0x74: {  	_ =	shalt  }
0x75: {  	_ =	shalt  }
0x76: {  	_ =	shalt  }
0x77: {  	_ =	shalt  }
0x78: {  	_ =	shalt  }
0x79: {  	_ =	shalt  }
0x7a: {  	_ =	shalt  }
0x7b: {  	_ =	shalt  }
0x7c: {  	_ =	shalt  }
0x7d: {  	_ =	shalt  }
0x7e: {  	_ =	shalt  }
0x7f: {  	_ =	shalt  }
0x80: {  	_ =	shalt  }
0x81: {  	_ =	shalt  }
0x82: {  	_ =	shalt  }
0x83: {  	_ =	shalt  }
0x84: {  	_ =	shalt  }
0x85: {  	_ =	shalt  }
0x86: {  	_ =	shalt  }
0x87: {  	_ =	shalt  }
.Lfunc_end0:
.L_simem_size_0:
called_computation_lowered:
.L_overlay_start_0:
0x88: {  	s2 =	sld [smem:$0x3FD9]  }
0x89: {  	s3 =	sld [smem:$0x3FFE];
	_ =	sdelay $0x1  }
0x8a: {  	s1 =	srdreg.scid  }
0x8b: {  	s0 =	sand.u32 $0x1, s1  }
0x8c: {  	s17 =	sshll.u32 s0, $0xA;
	s2 =	sadd.s32 s3, s2  }
0x8d: {  	s2 =	sadd.s32 s2, s17  }
0x8e: {  	[smem:$0x3FC3] =	sst s2  }
0x8f: {  	_ = 	snop  }
0x90: {  	s2 =	sld [smem:$0x3FC7]  }
0x91: {  	s18 =	sld [smem:$0x3FC6]  }
0x92: {  	s4 =	sld [smem:$0x3FC5]  }
0x93: {  	s5 =	sld [smem:$0x3FD0];
	(tm) =	ssettm $0x1  }
0x94: {  	s6 =	sld [smem:$0x3FFB];
	_ =	sdelay $0x3  }
0x95: {  	_ =	strace s6  }
0x96: {  	s6 =	sld [smem:$0x3FFC];
	_ =	sdelay $0x3  }
0x97: {  	_ =	strace s6  }
0x98: {  	s6 =	sld [smem:$0x3FFD];
	_ =	sdelay $0x3  }
0x99: {  	_ =	strace s6  }
0x9a: {  	_ =	strace $0x8FFFFFFF  }
0x9b: {  	s19 =	sld [smem:$0x3FDB];
	_ =	sdelay $0x1  }
0x9c: {  	s7 =	simm.s32 $_scs_section_size  }
0x9d: {  	s8 =	simm.s32 $_size__tile_overlayer_lowered;
	s9 =	simm.s32 $_tile_overlayer_lowered  }
0x9e: {  	s22 =	simm.s32 $0x1BFF;
	s21 =	sshll.u32 s9, $0x1;
	s6 =	sadd.s32 s7, s19  }
0x9f: {  	s10 =	simm.s32 $0x0;
	s20 =	sshll.u32 s8, $0x1;
	s8 =	sadd.s32 s21, s6  }
0xa0: {  	[timem:s10], [sflag:s22] =	dma.local [hbm:s8], s20  }
0xa1: {  	_ =	swait.ge [sflag:s22], s20  }
0xa2: {  	s7 =	ssub.s32 $0x0, s20;
	[sflag:s22] =	ssyncset.done $0x0  }
0xa3: {  	[sflag:s22] =	ssyncadd.s32 s7;
	_ =	sdelay $0x1  }
0xa4: {  	s23 =	simm.s32 $0x1B8B  }
0xa5: {  	_ =	swait.ge [sflag:s23], $0x1  }
0xa6: {  	[sflag:s23] =	ssyncset.done $0x0  }
0xa7: {  	s25 =	simm.s32 $0x1B8E;
	s24 =	sld [smem:$0x3FFE];
	[sflag:s23] =	ssyncadd.s32 $0xFFFFFFFF  }
0xa8: {  	s26 =	simm.s32 $execute0_lowered;
	[smem:$0x3FD2] =	sst s25  }
0xa9: {  	s8 =	sshll.u32 s26, $0x1;
	_ =	strace $0x80000046;
	[dreg:$0x1] =	wrdreg $0xFFFFFFFF  }
0xaa: {  	s28 =	simm.s32 $_size_execute0_lowered;
	s6 =	sadd.s32 s6, s8;
	[dreg:$0x0] =	wrdreg $0x0  }
0xab: {  	s8 =	sshll.u32 s28, $0x1;
	[dreg:$0x2] =	wrdreg s6  }
0xac: {  	[dreg:$0x3] =	wrdreg s8  }
0xad: {  	[dreg:$0x4] =	wrdreg $0xC0  }
0xae: {  	_ =	task [dreg:s10], $0x5FFFF  }
0xaf: {  	[dreg:$0x1] =	wrdreg $0xFFFFFFFF  }
0xb0: {  	[dreg:$0x0] =	wrdreg $0x60  }
0xb1: {  	[dreg:$0x2] =	wrdreg s24  }
0xb2: {  	[dreg:$0x3] =	wrdreg s2  }
0xb3: {  	[dreg:$0x4] =	wrdreg s18  }
0xb4: {  	[dreg:$0x5] =	wrdreg s4  }
0xb5: {  	[dreg:$0x6] =	wrdreg s5  }
0xb6: {  	[dreg:$0x7] =	wrdreg $0x9  }
0xb7: {  	_ =	task.clear_ibuf [dreg:s10], $0x8FFFF;
	_ =	strace $0x90000046  }
0xb8: {  	s29 =	simm.s32 $0x9;
	_ =	strace $0x80000048  }
0xb9: {  	_ =	swait.ge [sflag:s29], $0x1  }
0xba: {  	[sflag:s29] =	ssyncadd.s32 $0xFFFFFFFF  }
0xbb: {  	_ =	strace $0x90000048  }
0xbc: {  	_ =	sfence  }
0xbd: {  	s30 =	sld [smem:$0x0];
	_ =	sdelay $0x2  }
0xbe: {  	s31 =	sshll.u32 s1, $0xD;
	s1 =	sshrl.u32 s1, $0x2  }
0xbf: {  	s3 =	sand.u32 $0x4000, s31;
	s1 =	sadd.s32 s1, s30  }
0xc0: {  	s0 =	sor.u32 s3, s0;
	s1 =	sshll.u32 s1, $0x11  }
0xc1: {  	s0 =	sor.u32 s1, s0  }
0xc2: {  	s0 =	sadd.s32 $0x8F2B, s0  }
0xc3: {  	[sflag:s0] =	ssyncadd.remote.s32 $0x1  }
0xc4: {  	_ =	sfence.sel $0xFFFF  }
0xc5: {  	[dreg:$0x0] =	wrdreg $0xFFFFFFFF;
	(pc) =	sbr.abs _section_cstart, $3  }
0xc6: {  	[dreg:$0x1] =	wrdreg $0xFFFFFFFF  }
0xc7: {  	_ =	task.clear_ibuf [dreg:s10], $0x2FFFF;
	_ =	strace $0x9FFFFFFF  }
0xc8: {  	(tm) =	ssettm $0x7FFFFFFF  }
0xc9: {  	_ =	shalt  }
tec
execute0_lowered:
.L_overlay_start_1:
0x0: {  	(tag) =	ssettag $0x1  }
0x1: {  	v2 =	vlaneseq.u32  }
0x2: {  	v1 =	vimm.s32 $0xEFCDAB89;
	v3 =	vimm.s32 $0x67452301;
	vm0 =	vcmask $0xB08  }
0x3: {  	vm1 =	vcmask $0x300;
	v5 =	vimm.s32 $0x54761032;
	vm2 =	vcmask $0x700  }
0x4: {  	s0 =	rddreg [dreg:$0x0];
	v6 =	vimm.s32 $0xBA98FEDC;
	v7 =	vimm.s32 $0x32107654;
	vm3 =	vcmask $0xF00  }
0x5: {  	s1 =	rddreg [dreg:$0x1];
	vm4 =	vmmov $0xff;
	v0 =	vand.u32 $0x7, v2;
	v1 =	vunpack.c.l.s4.s8 v1  }
0x6: {  	s2 =	rddreg [dreg:$0x2];
	v3 =	vunpack.c.l.s4.s8 v3;
	vm0 =	vmor vm1, vm0;
	vm1 =	vcmask $0x1310  }
0x7: {  	s3 =	srdreg.scid;
	s4 =	stileid.u32;
	v4 =	vshrl.u32 v2, $0x3;
	v5 =	vunpack.c.l.s4.s8 v5;
	v6 =	vunpack.c.l.s4.s8 v6  }
0x8: {  	s9 =	rddreg [dreg:$0x4];
	s7 =	simm.s32 $0x0;
	s14 =	simm.s32 $0x6300;
	v7 =	vunpack.c.l.s4.s8 v7;
	v2 =	vor.u32 $0x8, v2;
	vm0 =	vmor vm0, vm1  }
0x9: {  	s15 =	simm.s32 $0x9B00;
	s16 =	simm.s32 $0xA300;
	s21 =	simm.s32 $0xAB00;
	vm1 =	vcmask $0x1B18;
	v1 =	vunpack.c.0.s8.s32 v1;
	v3 =	vunpack.c.0.s8.s32 v3  }
0xa: {  	s20 =	simm.s32 $0xBB00;
	s22 =	simm.s32 $0xC300;
	s23 =	simm.s32 $0x1;
	vm0 =	vmor vm0, vm1;
	vm1 =	vcmask $0x2320;
	v6 =	vunpack.c.0.s8.s32 v6  }
0xb: {  	s24 =	simm.s32 $0x3;
	s28 =	simm.s32 $0xCB00;
	s29 =	simm.s32 $0xFB00;
	v7 =	vunpack.c.0.s8.s32 v7;
	v3 =	vcombine.low v3, v1;
	v1 =	vimm.s32 $0xDCFE98BA  }
0xc: {  	s3 =	sand.u32 $0x1, s3;
	s4 =	sshll.u32 s4, $0xB;
	[smem:$0x7FF] =	sst s7;
	vm0 =	vmor vm0, vm1;
	vm1 =	vcmask $0x2B28;
	v1 =	vunpack.c.l.s4.s8 v1  }
0xd: {  	s10 =	sadd.s32 $0x100, s1;
	s11 =	sadd.s32 $0x200, s1;
	s5 =	sshll.u32 s3, $0xA;
	v5 =	vunpack.c.0.s8.s32 v5;
	vm0 =	vmor vm0, vm1;
	vm1 =	vcmask $0x3330  }
0xe: {  	s12 =	sadd.s32 $0x100, s2;
	s3 =	ssub.s32 $0x2, s3;
	s6 =	sor.u32 s5, s4;
	v6 =	vcombine.low v7, v6;
	v7 =	vimm.s32 $0x76543210;
	v1 =	vunpack.c.0.s8.s32 v1  }
0xf: {  	s13 =	sadd.s32 $0x200, s2;
	s25 =	sshrl.u32 s3, $0x1;
	s4 =	sshrl.u32 s6, $0x3;
	vm0 =	vmor vm0, vm1;
	vm1 =	vcmask $0x3B38;
	v7 =	vunpack.c.l.s4.s8 v7  }
0x10: {  	s3 =	ssub.s32 s3, s25;
	s8 =	smul.u32 $0x1800, s4;
	s0 =	sadd.s32 s4, s0;
	vm0 =	vmor vm0, vm1;
	v5 =	vcombine.low v5, v1;
	v1 =	vimm.s32 $0xFEDCBA98  }
0x11: {  	_ =	strace $0x80000047;
	s31 =	smax.u32 s3, $0x1;
	s4 =	sadd.s32 $0x400, s0;
	vm1 =	vcmask $0x1710;
	v3 =	vand.u32 $0xF, v3;
	v8 =	vunpack.c.l.s4.s8 v1  }
0x12: {  	s0 =	sadd.s32 $0x1400, s0;
	[dreg:$0xa] =	wrdreg s31;
	s26 =	sshrl.u32 s8, $0x3;
	vm1 =	vmor vm2, vm1;
	vm2 =	vcmask $0x2720;
	v7 =	vunpack.c.0.s8.s32 v7  }
0x13: {  	s17 =	sadd.s32 $0x600, s9;
	[dreg:$0x7] =	wrdreg s0;
	s0 =	sadd.s32 s9, s26;
	vm1 =	vmor vm1, vm2;
	vm2 =	vcmask $0x3730;
	v8 =	vunpack.c.0.s8.s32 v8  }
0x14: {  	s5 =	simm.s32 $0xB300;
	[dreg:$0x6] =	wrdreg s4;
	s30 =	sadd.s32 $0x17400, s0;
	vm1 =	vmor vm1, vm2;
	vm2 =	vcmask $0x2F20;
	v1 =	vmul.u32 $0x8, v4  }
0x15: {  	s25 =	simm.s32 $0x2;
	s0 =	sadd.s32 $0x17A00, s0;
	[dreg:$0x8] =	wrdreg s30;
	vm2 =	vmor vm3, vm2;
	vm3 =	vmmov $0xffff;
	v8 =	vand.u32 $0xF, v8  }
0x16: {  	s4 =	simm.s32 $0x0;
	s26 =	simm.s32 $0x4;
	[dreg:$0x9] =	wrdreg s0;
	v4 =	vand.u32 $0xF, v5;
	v5 =	vand.u32 $0xF, v6;
	v6 =	vcombine.low v8, v7  }
.LBB2_1:
0x17: {  	[dreg:$0xb] =	wrdreg s4  }
0x18: {  	s0 =	rddreg [dreg:$0x6];
	s19 =	simm.s32 $0x7  }
0x19: {  	[tilespmem:s7], [sflag:$0x7] =	stream.linear.gather [hbm4b:s0+s7], $0x400, $0x38;
	[tilespmem:$0x18B80] =	vst v63  }
0x1a: {  	_ =	swait.ge [sflag:s19], $0x400  }
0x1b: {  	[sflag:s19] =	ssyncset.done $0x0  }
0x1c: {  	s3 =	simm.s32 $0x400;
	s31 =	rddreg [dreg:$0x7];
	[sflag:s19] =	ssyncadd.s32 $0xFFFFFC00  }
0x1d: {  	[tilespmem:s3], [sflag:$0x7] =	stream.linear.gather [hbm4b:s31+s7], $0x400, $0x38;
	[tilespmem:$0x18B80] =	vst v63  }
0x1e: {  	_ =	swait.ge [sflag:s19], $0x400  }
0x1f: {  	[sflag:s19] =	ssyncset.done $0x0  }
0x20: {  	[sflag:s19] =	ssyncadd.s32 $0xFFFFFC00  }
0x21: {  	s18 =	simm.s32 $0x800;
	s8 =	rddreg [dreg:$0x3]  }
0x22: {  	[tilespmem:s18], [sflag:$0x7] =	stream.linear.gather [hbm4b:s8+s7], $0x300, $0x38;
	[tilespmem:$0x18B80] =	vst v63  }
0x23: {  	_ =	swait.ge [sflag:s19], $0x300  }
0x24: {  	[sflag:s19] =	ssyncset.done $0x0  }
0x25: {  	[sflag:s19] =	ssyncadd.s32 $0xFFFFFD00  }
0x26: {  	v7 =	vld [tilespmem:$0x0];
	_ =	sdelay $0x4  }
0x27: {  	v8 =	vshrl.u32 v7, $0x3  }
0x28: {  	v8 =	vmul.u32 $0x30, v8  }
0x29: {  	v7 =	vand.u32 $0x7, v7  }
0x2a: {  	v7 =	vor.u32 v7, v8  }
0x2b: {  	v8 =	vperm.xlane v7, v0;
	_ =	sdelay $0x1  }
0x2c: {  	v8 =	vadd.s32 v1, v8;
	_ =	sdelay $0x3  }
0x2d: {  	s19 =	simm.s32 $0xB00;
	v7 =	vperm.xlane v7, v2  }
0x2e: {  	[tilespmem:s19], [sflag:$0x1] =	stream.indirect_vreg.gather [hbm4b:s1+s7], $0x80, v8, vm3, $0xb8;
	[tilespmem:$0x18B80] =	vst v63  }
0x2f: {  	s31 =	simm.s32 $0x1300;
	v7 =	vadd.s32 v1, v7  }
0x30: {  	[tilespmem:s31], [sflag:$0x1] =	stream.indirect_vreg.gather [hbm4b:s10+s7], $0x80, v8, vm3, $0xb8;
	[tilespmem:$0x18B80] =	vst v63  }
0x31: {  	s3 =	simm.s32 $0x1B00  }
0x32: {  	[tilespmem:s3], [sflag:$0x1] =	stream.indirect_vreg.gather [hbm4b:s11+s7], $0x80, v8, vm3, $0xb8;
	[tilespmem:$0x18B80] =	vst v63  }
0x33: {  	s4 =	simm.s32 $0x2300  }
0x34: {  	[tilespmem:s4], [sflag:$0x1] =	stream.indirect_vreg.gather [hbm4b:s1+s7], $0x80, v7, vm3, $0xb8;
	[tilespmem:$0x18B80] =	vst v63  }
0x35: {  	s8 =	simm.s32 $0x2B00  }
0x36: {  	[tilespmem:s8], [sflag:$0x1] =	stream.indirect_vreg.gather [hbm4b:s10+s7], $0x80, v7, vm3, $0xb8;
	[tilespmem:$0x18B80] =	vst v63  }
0x37: {  	s18 =	simm.s32 $0x3300  }
0x38: {  	[tilespmem:s18], [sflag:$0x1] =	stream.indirect_vreg.gather [hbm4b:s11+s7], $0x80, v7, vm3, $0xb8;
	[tilespmem:$0x18B80] =	vst v63  }
0x39: {  	v7 =	vld [tilespmem:$0x400];
	_ =	sdelay $0x4  }
0x3a: {  	v8 =	vshrl.u32 v7, $0x3  }
0x3b: {  	v8 =	vmul.u32 $0x30, v8  }
0x3c: {  	v7 =	vand.u32 $0x7, v7  }
0x3d: {  	v7 =	vor.u32 v7, v8  }
0x3e: {  	v8 =	vperm.xlane v7, v0;
	_ =	sdelay $0x1  }
0x3f: {  	v8 =	vadd.s32 v1, v8;
	_ =	sdelay $0x3  }
0x40: {  	s19 =	simm.s32 $0x6B00;
	v7 =	vperm.xlane v7, v2  }
0x41: {  	[tilespmem:s19], [sflag:$0x3] =	stream.indirect_vreg.gather [hbm4b:s2+s7], $0x80, v8, vm3, $0xb8;
	[tilespmem:$0x18B80] =	vst v63  }
0x42: {  	s31 =	simm.s32 $0x7300;
	v7 =	vadd.s32 v1, v7  }
0x43: {  	[tilespmem:s31], [sflag:$0x3] =	stream.indirect_vreg.gather [hbm4b:s12+s7], $0x80, v8, vm3, $0xb8;
	[tilespmem:$0x18B80] =	vst v63  }
0x44: {  	s3 =	simm.s32 $0x7B00  }
0x45: {  	[tilespmem:s3], [sflag:$0x3] =	stream.indirect_vreg.gather [hbm4b:s13+s7], $0x80, v8, vm3, $0xb8;
	[tilespmem:$0x18B80] =	vst v63  }
0x46: {  	s4 =	simm.s32 $0x8300  }
0x47: {  	[tilespmem:s4], [sflag:$0x3] =	stream.indirect_vreg.gather [hbm4b:s2+s7], $0x80, v7, vm3, $0xb8;
	[tilespmem:$0x18B80] =	vst v63  }
0x48: {  	s8 =	simm.s32 $0x8B00  }
0x49: {  	[tilespmem:s8], [sflag:$0x3] =	stream.indirect_vreg.gather [hbm4b:s12+s7], $0x80, v7, vm3, $0xb8;
	[tilespmem:$0x18B80] =	vst v63  }
0x4a: {  	s18 =	simm.s32 $0x9300  }
0x4b: {  	[tilespmem:s18], [sflag:$0x3] =	stream.indirect_vreg.gather [hbm4b:s13+s7], $0x80, v7, vm3, $0xb8;
	[tilespmem:$0x18B80] =	vst v63  }
0x4c: {  	v7 =	vld [tilespmem:$0x10];
	_ =	sdelay $0x4  }
0x4d: {  	v8 =	vshrl.u32 v7, $0x3  }
0x4e: {  	v8 =	vmul.u32 $0x30, v8  }
0x4f: {  	v7 =	vand.u32 $0x7, v7  }
0x50: {  	v7 =	vor.u32 v7, v8  }
0x51: {  	v8 =	vperm.xlane v7, v0;
	_ =	sdelay $0x1  }
0x52: {  	v8 =	vadd.s32 v1, v8;
	_ =	sdelay $0x3  }
0x53: {  	s19 =	simm.s32 $0x3B00;
	v7 =	vperm.xlane v7, v2  }
0x54: {  	[tilespmem:s19], [sflag:$0x2] =	stream.indirect_vreg.gather [hbm4b:s1+s7], $0x80, v8, vm3, $0xb8;
	[tilespmem:$0x18B80] =	vst v63  }
0x55: {  	s31 =	simm.s32 $0x4300;
	v7 =	vadd.s32 v1, v7  }
0x56: {  	[tilespmem:s31], [sflag:$0x2] =	stream.indirect_vreg.gather [hbm4b:s10+s7], $0x80, v8, vm3, $0xb8;
	[tilespmem:$0x18B80] =	vst v63  }
0x57: {  	s3 =	simm.s32 $0x4B00  }
0x58: {  	[tilespmem:s3], [sflag:$0x2] =	stream.indirect_vreg.gather [hbm4b:s11+s7], $0x80, v8, vm3, $0xb8;
	[tilespmem:$0x18B80] =	vst v63  }
0x59: {  	s4 =	simm.s32 $0x5300  }
0x5a: {  	[tilespmem:s4], [sflag:$0x2] =	stream.indirect_vreg.gather [hbm4b:s1+s7], $0x80, v7, vm3, $0xb8;
	[tilespmem:$0x18B80] =	vst v63  }
0x5b: {  	s8 =	simm.s32 $0x5B00  }
0x5c: {  	[tilespmem:s8], [sflag:$0x2] =	stream.indirect_vreg.gather [hbm4b:s10+s7], $0x80, v7, vm3, $0xb8;
	[tilespmem:$0x18B80] =	vst v63  }
0x5d: {  	_ = 	snop  }
0x5e: {  	[tilespmem:s14], [sflag:$0x2] =	stream.indirect_vreg.gather [hbm4b:s11+s7], $0x80, v7, vm3, $0xb8;
	[tilespmem:$0x18B80] =	vst v63  }
0x5f: {  	v7 =	vld [tilespmem:$0x410];
	_ =	sdelay $0x4  }
0x60: {  	v8 =	vshrl.u32 v7, $0x3  }
0x61: {  	v8 =	vmul.u32 $0x30, v8  }
0x62: {  	v7 =	vand.u32 $0x7, v7  }
0x63: {  	v7 =	vor.u32 v7, v8  }
0x64: {  	v8 =	vperm.xlane v7, v0;
	_ =	sdelay $0x1  }
0x65: {  	v8 =	vadd.s32 v1, v8;
	_ =	sdelay $0x3  }
0x66: {  	v7 =	vperm.xlane v7, v2  }
0x67: {  	[tilespmem:s15], [sflag:$0x4] =	stream.indirect_vreg.gather [hbm4b:s2+s7], $0x80, v8, vm3, $0xb8;
	[tilespmem:$0x18B80] =	vst v63  }
0x68: {  	v7 =	vadd.s32 v1, v7  }
0x69: {  	[tilespmem:s16], [sflag:$0x4] =	stream.indirect_vreg.gather [hbm4b:s12+s7], $0x80, v8, vm3, $0xb8;
	[tilespmem:$0x18B80] =	vst v63  }
0x6a: {  	_ = 	snop  }
0x6b: {  	[tilespmem:s21], [sflag:$0x4] =	stream.indirect_vreg.gather [hbm4b:s13+s7], $0x80, v8, vm3, $0xb8;
	[tilespmem:$0x18B80] =	vst v63  }
0x6c: {  	_ = 	snop  }
0x6d: {  	[tilespmem:s5], [sflag:$0x4] =	stream.indirect_vreg.gather [hbm4b:s2+s7], $0x80, v7, vm3, $0xb8;
	[tilespmem:$0x18B80] =	vst v63  }
0x6e: {  	_ = 	snop  }
0x6f: {  	[tilespmem:s20], [sflag:$0x4] =	stream.indirect_vreg.gather [hbm4b:s12+s7], $0x80, v7, vm3, $0xb8;
	[tilespmem:$0x18B80] =	vst v63  }
0x70: {  	_ = 	snop  }
0x71: {  	[tilespmem:s22], [sflag:$0x4] =	stream.indirect_vreg.gather [hbm4b:s13+s7], $0x80, v7, vm3, $0xb8;
	[tilespmem:$0x18B80] =	vst v63  }
0x72: {  	_ =	swait.ge [sflag:s23], $0x3000  }
0x73: {  	[sflag:s23] =	ssyncset.done $0x0  }
0x74: {  	[sflag:s23] =	ssyncadd.s32 $0xFFFFD000  }
0x75: {  	_ =	swait.ge [sflag:s24], $0x3000  }
0x76: {  	s18 =	sand.u32 $0x70, s7;
	s19 =	sand.u32 $0x1C00, s7;
	[sflag:s24] =	ssyncset.done $0x0  }
0x77: {  	s30 =	sor.u32 s18, s19;
	[sflag:s24] =	ssyncadd.s32 $0xFFFFD000  }
0x78: {  	v7 =	vld [tilespmem:s30+$0xC00]  }
0x79: {  	v9 =	vld [tilespmem:s30+$0x6C00]  }
0x7a: {  	v10 =	vld [tilespmem:s30+$0xB80]  }
0x7b: {  	v11 =	vld [tilespmem:s30+$0x6C80]  }
0x7c: {  	v13 =	vld [tilespmem:s30+$0x6D80]  }
0x7d: {  	v14 =	vld [tilespmem:s30+$0xD80]  }
0x7e: {  	v15 =	vld [tilespmem:s30+$0x6B80]  }
0x7f: {  	v16 =	vld [tilespmem:s30+$0xD00]  }
0x80: {  	v17 =	vld [tilespmem:s30+$0x6B00]  }
0x81: {  	v18 =	vld [tilespmem:s30+$0x6D00]  }
0x82: {  	v19 =	vld [tilespmem:s30+$0xB00]  }
0x83: {  	v21 =	vld [tilespmem:s30+$0xC80]  }
0x84: {  	v8 =	vld [tilespmem:s30+$0x6E00]  }
0x85: {  	v20 =	vld [tilespmem:s30+$0xE00];
	v13 =	vadd.f32 v13, v14  }
0x86: {  	v12 =	vimm.f32 $0.0e+00;
	v9 =	vadd.f32 v9, v7  }
0x87: {  	v22 =	vimm.f32 $0.0e+00;
	v10 =	vadd.f32 v15, v10;
	v14 =	vadd.f32 v18, v16;
	[tilespmem:s30+$0x12D80] =	vst v13  }
0x88: {  	v15 =	vadd.f32 v17, v19;
	v17 =	vadd.f32 v11, v21;
	v21 =	vimm.f32 $0.0e+00;
	[tilespmem:s30+$0x12C00] =	vst v9  }
0x89: {  	v19 =	vimm.f32 $0.0e+00;
	v7 =	vmul.f32 v9, v9;
	v13 =	vmul.f32 v13, v13;
	[tilespmem:s30+$0x12D00] =	vst v14  }
0x8a: {  	v9 =	vadd.f32 v8, v20;
	v16 =	vmul.f32 v10, v10;
	v14 =	vmul.f32 v14, v14;
	[tilespmem:s30+$0x12B80] =	vst v10  }
0x8b: {  	[tilespmem:s30+$0x12C80] =	vst v17;
	v20 =	vimm.f32 $0.0e+00;
	v7 =	vadd.f32 v7, v12;
	v8 =	vadd.f32 v13, v12  }
0x8c: {  	s31 =	sor.u32 s7, s7;
	[tilespmem:s30+$0x12B00] =	vst v15;
	v13 =	vmul.f32 v15, v15;
	v18 =	vmul.f32 v9, v9;
	v11 =	vadd.f32 v16, v12  }
0x8d: {  	s18 =	sor.u32 $0x380, s31;
	v10 =	vadd.f32 v14, v12;
	[tilespmem:s30+$0x12E00] =	vst v9;
	v16 =	vmul.f32 v17, v17;
	v15 =	vimm.f32 $0.0e+00  }
0x8e: {  	v17 =	vimm.f32 $0.0e+00;
	v23 =	vld [tilespmem:s18+$0xB00];
	v14 =	vadd.f32 v13, v12;
	v9 =	vadd.f32 v18, v12  }
0x8f: {  	s0 =	simm.s32 $0x10;
	s3 =	simm.s32 $0x0;
	v24 =	vld [tilespmem:s18+$0x6B00];
	v13 =	vadd.f32 v16, v12;
	v16 =	vimm.f32 $0.0e+00;
	v18 =	vimm.f32 $0.0e+00  }
.LBB2_2:
0x90: {  	p0 =	sne.s32 s0, $0x2F0  }
0x91: {  	s3 =	sadd.s32 $0x80, s3;
	s4 =	smov.u32 s0;
	s0 =	sadd.s32 $0x10, s0  }
0x92: {  	_ =	sdelay $0x1  }
0x93: {  	v23 =	vadd.f32 v24, v23;
	_ =	sdelay $0x1  }
0x94: {  	[tilespmem:s18+$0x12B00] =	vst v23;
	v23 =	vmul.f32 v23, v23  }
0x95: {  	v24 =	vld [tilespmem:s30+$0x2300]  }
0x96: {  	v12 =	vadd.f32 v23, v12;
	v23 =	vld [tilespmem:s30+$0x8300]  }
0x97: {  	v25 =	vld [tilespmem:s30+$0x2380]  }
0x98: {  	v26 =	vld [tilespmem:s30+$0x8380]  }
0x99: {  	v27 =	vld [tilespmem:s30+$0x2400]  }
0x9a: {  	v28 =	vld [tilespmem:s30+$0x8400]  }
0x9b: {  	v23 =	vadd.f32 v23, v24;
	v24 =	vld [tilespmem:s30+$0x2480]  }
0x9c: {  	v29 =	vld [tilespmem:s30+$0x8480]  }
0x9d: {  	[tilespmem:s30+$0x14300] =	vst v23;
	v23 =	vmul.f32 v23, v23;
	v25 =	vadd.f32 v26, v25;
	v26 =	vld [tilespmem:s30+$0x2500]  }
0x9e: {  	v30 =	vld [tilespmem:s30+$0x8500]  }
0x9f: {  	v21 =	vadd.f32 v23, v21;
	[tilespmem:s30+$0x14380] =	vst v25;
	v23 =	vmul.f32 v25, v25;
	v25 =	vadd.f32 v28, v27;
	v27 =	vld [tilespmem:s30+$0x2580]  }
0xa0: {  	v28 =	vld [tilespmem:s30+$0x8580]  }
0xa1: {  	v22 =	vadd.f32 v23, v22;
	[tilespmem:s30+$0x14400] =	vst v25;
	v23 =	vmul.f32 v25, v25;
	v24 =	vadd.f32 v29, v24;
	v25 =	vld [tilespmem:s30+$0x2600]  }
0xa2: {  	v29 =	vld [tilespmem:s30+$0x8600]  }
0xa3: {  	v20 =	vadd.f32 v23, v20;
	[tilespmem:s30+$0x14480] =	vst v24;
	v23 =	vmul.f32 v24, v24;
	v24 =	vadd.f32 v30, v26;
	v26 =	vld [tilespmem:s30+$0x2680]  }
0xa4: {  	s19 =	sand.u32 $0x1C00, s3;
	s18 =	sand.u32 $0x70, s4;
	v30 =	vld [tilespmem:s30+$0x8680]  }
0xa5: {  	s18 =	sor.u32 s18, s19;
	v16 =	vadd.f32 v23, v16;
	[tilespmem:s30+$0x14500] =	vst v24;
	v23 =	vmul.f32 v24, v24;
	v24 =	vadd.f32 v28, v27  }
0xa6: {  	v27 =	vld [tilespmem:s18+$0xC00]  }
0xa7: {  	v28 =	vld [tilespmem:s18+$0x6E00];
	v15 =	vadd.f32 v23, v15;
	[tilespmem:s30+$0x14580] =	vst v24;
	v23 =	vmul.f32 v24, v24;
	v24 =	vadd.f32 v29, v25  }
0xa8: {  	v25 =	vld [tilespmem:s18+$0x6C00]  }
0xa9: {  	v29 =	vld [tilespmem:s18+$0xB80];
	v19 =	vadd.f32 v23, v19;
	[tilespmem:s30+$0x14600] =	vst v24;
	v23 =	vmul.f32 v24, v24;
	v24 =	vadd.f32 v30, v26  }
0xaa: {  	v26 =	vld [tilespmem:s18+$0x6C80]  }
0xab: {  	v30 =	vld [tilespmem:s18+$0x6D80];
	v17 =	vadd.f32 v23, v17;
	[tilespmem:s30+$0x14680] =	vst v24;
	v23 =	vmul.f32 v24, v24;
	s30 =	smov.u32 s18  }
0xac: {  	v24 =	vld [tilespmem:s30+$0xD80]  }
0xad: {  	v31 =	vld [tilespmem:s30+$0x6B80];
	v25 =	vadd.f32 v25, v27;
	v18 =	vadd.f32 v23, v18  }
0xae: {  	v23 =	vld [tilespmem:s30+$0xD00]  }
0xaf: {  	v27 =	vld [tilespmem:s30+$0x6B00];
	v32 =	vmul.f32 v25, v25  }
0xb0: {  	v33 =	vld [tilespmem:s30+$0x6D00]  }
0xb1: {  	v34 =	vld [tilespmem:s30+$0xB00];
	v7 =	vadd.f32 v32, v7;
	v24 =	vadd.f32 v30, v24  }
0xb2: {  	v30 =	vld [tilespmem:s30+$0xE00]  }
0xb3: {  	v32 =	vld [tilespmem:s30+$0xC80]  }
0xb4: {  	v35 =	vmul.f32 v24, v24  }
0xb5: {  	v29 =	vadd.f32 v31, v29;
	v23 =	vadd.f32 v33, v23;
	[tilespmem:s30+$0x12D80] =	vst v24  }
0xb6: {  	v8 =	vadd.f32 v35, v8;
	v24 =	vadd.f32 v27, v34;
	[tilespmem:s30+$0x12C00] =	vst v25  }
0xb7: {  	v25 =	vmul.f32 v29, v29;
	[tilespmem:s30+$0x12D00] =	vst v23;
	v23 =	vmul.f32 v23, v23;
	v27 =	vadd.f32 v28, v30  }
0xb8: {  	v28 =	vmul.f32 v24, v24;
	[tilespmem:s30+$0x12B80] =	vst v29;
	v26 =	vadd.f32 v26, v32  }
.Ltmp0:
0xb9: {  	v11 =	vadd.f32 v25, v11;
	v10 =	vadd.f32 v23, v10;
	[tilespmem:s30+$0x12E00] =	vst v27;
	v23 =	vmul.f32 v27, v27;
	(pc) =	sbr.rel @p0 .LBB2_2-.Ltmp0, $4  }
0xba: {  	s4 =	sor.u32 s3, s4;
	v14 =	vadd.f32 v28, v14;
	[tilespmem:s30+$0x12C80] =	vst v26;
	v25 =	vmul.f32 v26, v26  }
0xbb: {  	s18 =	sor.u32 $0x380, s4;
	[tilespmem:s30+$0x12B00] =	vst v24;
	v9 =	vadd.f32 v23, v9  }
0xbc: {  	v13 =	vadd.f32 v25, v13;
	v23 =	vld [tilespmem:s18+$0xB00]  }
0xbd: {  	v24 =	vld [tilespmem:s18+$0x6B00]  }
0xbe: {  	_ =	sdelay $0x3  }
0xbf: {  	v23 =	vadd.f32 v24, v23;
	_ =	sdelay $0x1  }
0xc0: {  	[tilespmem:s18+$0x12B00] =	vst v23  }
0xc1: {  	v50 =	vld [tilespmem:s30+$0x2300]  }
0xc2: {  	v25 =	vld [tilespmem:s30+$0x8300]  }
0xc3: {  	v26 =	vld [tilespmem:s30+$0x2380]  }
0xc4: {  	v27 =	vld [tilespmem:s30+$0x8380]  }
0xc5: {  	v28 =	vld [tilespmem:s30+$0x2400]  }
0xc6: {  	v29 =	vld [tilespmem:s30+$0x8400]  }
0xc7: {  	v51 =	vld [tilespmem:s30+$0x2480]  }
0xc8: {  	v30 =	vld [tilespmem:s30+$0x8480]  }
0xc9: {  	v59 =	vperm.xlane v14, v3;
	v60 =	vperm.xlane v11, v3;
	v52 =	vld [tilespmem:s30+$0x2500]  }
0xca: {  	v61 =	vperm.xlane v7, v3;
	v62 =	vperm.xlane v13, v3;
	v54 =	vld [tilespmem:s30+$0x2600]  }
0xcb: {  	v63 =	vperm.xlane v10, v3;
	v14 =	vadd.f32 v59, v14;
	v11 =	vadd.f32 v60, v11;
	v33 =	vld [tilespmem:s30+$0x8600]  }
0xcc: {  	v7 =	vadd.f32 v61, v7;
	v13 =	vadd.f32 v62, v13;
	v23 =	vmul.f32 v23, v23;
	v31 =	vld [tilespmem:s30+$0x8500]  }
0xcd: {  	v10 =	vadd.f32 v63, v10;
	v11 =	vsel vm0, v14, v11;
	v34 =	vld [tilespmem:s30+$0x2680]  }
0xce: {  	v7 =	vsel vm0, v7, v13;
	v35 =	vld [tilespmem:s30+$0x8680];
	v12 =	vadd.f32 v23, v12;
	v24 =	vadd.f32 v25, v50  }
0xcf: {  	v49 =	vperm.xlane v11, v4;
	v26 =	vadd.f32 v27, v26;
	v28 =	vadd.f32 v29, v28  }
0xd0: {  	v53 =	vld [tilespmem:s30+$0x2580];
	v25 =	vadd.f32 v30, v51;
	v27 =	vadd.f32 v33, v54;
	v33 =	vperm.xlane v8, v3;
	[tilespmem:s30+$0x14300] =	vst v24  }
0xd1: {  	v32 =	vld [tilespmem:s30+$0x8580];
	v23 =	vadd.f32 v31, v52;
	v50 =	vperm.xlane v7, v4;
	[tilespmem:s30+$0x14380] =	vst v26;
	v24 =	vmul.f32 v24, v24  }
0xd2: {  	v11 =	vadd.f32 v49, v11;
	[tilespmem:s30+$0x14400] =	vst v28;
	v26 =	vmul.f32 v26, v26;
	v55 =	vmul.f32 v28, v28  }
0xd3: {  	[tilespmem:s30+$0x14480] =	vst v25;
	v25 =	vmul.f32 v25, v25;
	v28 =	vadd.f32 v35, v34;
	v56 =	vmul.f32 v23, v23  }
0xd4: {  	v57 =	vmul.f32 v27, v27;
	v8 =	vadd.f32 v33, v8;
	v7 =	vadd.f32 v50, v7  }
0xd5: {  	v34 =	vperm.xlane v9, v3;
	v21 =	vadd.f32 v24, v21;
	v22 =	vadd.f32 v26, v22  }
0xd6: {  	v35 =	vperm.xlane v12, v3;
	v24 =	vadd.f32 v32, v53;
	v20 =	vadd.f32 v55, v20  }
0xd7: {  	v16 =	vadd.f32 v25, v16;
	v58 =	vmul.f32 v28, v28;
	v8 =	vsel vm0, v10, v8  }
0xd8: {  	v15 =	vadd.f32 v56, v15;
	v17 =	vadd.f32 v57, v17;
	v51 =	vperm.xlane v8, v4  }
0xd9: {  	v9 =	vadd.f32 v34, v9;
	v29 =	vmul.f32 v24, v24;
	v36 =	vperm.xlane v21, v3  }
0xda: {  	v12 =	vadd.f32 v35, v12;
	v37 =	vperm.xlane v22, v3;
	v38 =	vperm.xlane v20, v3  }
0xdb: {  	v18 =	vadd.f32 v58, v18;
	v40 =	vperm.xlane v16, v3;
	v41 =	vperm.xlane v15, v3  }
0xdc: {  	v43 =	vperm.xlane v17, v3;
	v19 =	vadd.f32 v29, v19;
	v10 =	vadd.f32 v36, v21  }
0xdd: {  	v9 =	vsel vm0, v9, v12;
	v39 =	vadd.f32 v37, v22;
	v13 =	vadd.f32 v38, v20  }
0xde: {  	v16 =	vadd.f32 v40, v16;
	v44 =	vperm.xlane v18, v3;
	v42 =	vperm.xlane v19, v3  }
0xdf: {  	v52 =	vperm.xlane v9, v4;
	v45 =	vadd.f32 v41, v15;
	v47 =	vadd.f32 v43, v17  }
0xe0: {  	v10 =	vsel vm0, v10, v39;
	v48 =	vadd.f32 v44, v18;
	v46 =	vadd.f32 v42, v19  }
0xe1: {  	v8 =	vadd.f32 v51, v8;
	v13 =	vsel vm0, v13, v16;
	v53 =	vperm.xlane v10, v4  }
0xe2: {  	v54 =	vperm.xlane v13, v4;
	v14 =	vsel vm0, v47, v48;
	v12 =	vsel vm0, v45, v46  }
0xe3: {  	v9 =	vadd.f32 v52, v9;
	v56 =	vperm.xlane v14, v4;
	v55 =	vperm.xlane v12, v4  }
0xe4: {  	v10 =	vadd.f32 v53, v10;
	v13 =	vadd.f32 v54, v13  }
0xe5: {  	v7 =	vsel vm1, v11, v7;
	v14 =	vadd.f32 v56, v14;
	v12 =	vadd.f32 v55, v12  }
0xe6: {  	v11 =	vperm.xlane v7, v5;
	v8 =	vsel vm1, v8, v9  }
0xe7: {  	v59 =	vperm.xlane v8, v5;
	v57 =	vsel vm1, v10, v13;
	v58 =	vsel vm1, v12, v14  }
0xe8: {  	v13 =	vperm.xlane v57, v5;
	v14 =	vperm.xlane v58, v5  }
0xe9: {  	v7 =	vadd.f32 v11, v7;
	v8 =	vadd.f32 v59, v8  }
0xea: {  	v9 =	vadd.f32 v13, v57;
	v10 =	vadd.f32 v14, v58;
	_ =	sdelay $0x1  }
0xeb: {  	v7 =	vsel vm2, v7, v8;
	v8 =	vsel vm2, v9, v10  }
0xec: {  	v60 =	vperm.xlane v7, v6;
	v10 =	vperm.xlane v8, v6;
	_ =	sdelay $0x1  }
0xed: {  	v7 =	vadd.f32 v60, v7;
	v8 =	vadd.f32 v10, v8;
	_ =	sdelay $0x1  }
0xee: {  	v7 =	vsel vm4, v7, v8  }
0xef: {  	v7 =	vmul.f32 $1.302083370e-03, v7;
	_ =	sdelay $0x1  }
0xf0: {  	v7 =	vadd.f32 $9.999999960e-13, v7  }
0xf1: {  	[tilespmem:s30+$0x14500] =	vst v23  }
0xf2: {  	[tilespmem:s30+$0x14600] =	vst v27;
	v8 =	vshra.s32 v7, $0x1;
	v7 =	vmul.f32 $5.000000000e-01, v7  }
0xf3: {  	[tilespmem:s30+$0x14680] =	vst v28;
	v8 =	vsub.s32 $0x5F3759DF, v8  }
0xf4: {  	[tilespmem:s30+$0x14580] =	vst v24;
	v61 =	vmul.f32 v8, v7  }
0xf5: {  	v62 =	vld [tilespmem:$0x20]  }
0xf6: {  	v9 =	vmul.f32 v8, v61;
	_ =	sdelay $0x1  }
0xf7: {  	v9 =	vsub.f32 $1.500000000e+00, v9;
	_ =	sdelay $0x1  }
0xf8: {  	v63 =	vshrl.u32 v62, $0x3;
	v8 =	vmul.f32 v8, v9  }
0xf9: {  	v9 =	vmul.u32 $0x30, v63  }
0xfa: {  	v10 =	vand.u32 $0x7, v62;
	v7 =	vmul.f32 v8, v7  }
0xfb: {  	v9 =	vor.u32 v10, v9  }
0xfc: {  	v10 =	vperm.xlane v9, v0;
	v7 =	vmul.f32 v7, v8;
	_ =	sdelay $0x1  }
0xfd: {  	v10 =	vadd.s32 v1, v10;
	v7 =	vsub.f32 $1.500000000e+00, v7;
	_ =	sdelay $0x1  }
0xfe: {  	v7 =	vmul.f32 v7, v8;
	_ =	sdelay $0x1  }
0xff: {  	s0 =	simm.s32 $0xB00;
	s30 =	simm.s32 $0x0;
	[tilespmem:$0x18B00] =	vst v7;
	v7 =	vperm.xlane v9, v2  }
0x100: {  	[tilespmem:s0], [sflag:$0x1] =	stream.indirect_vreg.gather [hbm4b:s1+s30], $0x80, v10, vm3, $0xb8;
	[tilespmem:$0x18B80] =	vst v63  }
0x101: {  	s4 =	simm.s32 $0x1300;
	v7 =	vadd.s32 v1, v7  }
0x102: {  	[tilespmem:s4], [sflag:$0x1] =	stream.indirect_vreg.gather [hbm4b:s10+s30], $0x80, v10, vm3, $0xb8;
	[tilespmem:$0x18B80] =	vst v63  }
0x103: {  	s8 =	simm.s32 $0x1B00  }
0x104: {  	[tilespmem:s8], [sflag:$0x1] =	stream.indirect_vreg.gather [hbm4b:s11+s30], $0x80, v10, vm3, $0xb8;
	[tilespmem:$0x18B80] =	vst v63  }
0x105: {  	s18 =	simm.s32 $0x2300  }
0x106: {  	[tilespmem:s18], [sflag:$0x1] =	stream.indirect_vreg.gather [hbm4b:s1+s30], $0x80, v7, vm3, $0xb8;
	[tilespmem:$0x18B80] =	vst v63  }
0x107: {  	s19 =	simm.s32 $0x2B00  }
0x108: {  	[tilespmem:s19], [sflag:$0x1] =	stream.indirect_vreg.gather [hbm4b:s10+s30], $0x80, v7, vm3, $0xb8;
	[tilespmem:$0x18B80] =	vst v63  }
0x109: {  	s31 =	simm.s32 $0x3300  }
0x10a: {  	[tilespmem:s31], [sflag:$0x1] =	stream.indirect_vreg.gather [hbm4b:s11+s30], $0x80, v7, vm3, $0xb8;
	[tilespmem:$0x18B80] =	vst v63  }
0x10b: {  	v7 =	vld [tilespmem:$0x420];
	_ =	sdelay $0x4  }
0x10c: {  	v8 =	vshrl.u32 v7, $0x3  }
0x10d: {  	v8 =	vmul.u32 $0x30, v8  }
0x10e: {  	v7 =	vand.u32 $0x7, v7  }
0x10f: {  	v7 =	vor.u32 v7, v8  }
0x110: {  	v8 =	vperm.xlane v7, v0;
	_ =	sdelay $0x1  }
0x111: {  	v8 =	vadd.s32 v1, v8;
	_ =	sdelay $0x3  }
0x112: {  	s3 =	simm.s32 $0x6B00;
	v7 =	vperm.xlane v7, v2  }
0x113: {  	[tilespmem:s3], [sflag:$0x3] =	stream.indirect_vreg.gather [hbm4b:s2+s30], $0x80, v8, vm3, $0xb8;
	[tilespmem:$0x18B80] =	vst v63  }
0x114: {  	s4 =	simm.s32 $0x7300;
	v7 =	vadd.s32 v1, v7  }
0x115: {  	[tilespmem:s4], [sflag:$0x3] =	stream.indirect_vreg.gather [hbm4b:s12+s30], $0x80, v8, vm3, $0xb8;
	[tilespmem:$0x18B80] =	vst v63  }
0x116: {  	s8 =	simm.s32 $0x7B00  }
0x117: {  	[tilespmem:s8], [sflag:$0x3] =	stream.indirect_vreg.gather [hbm4b:s13+s30], $0x80, v8, vm3, $0xb8;
	[tilespmem:$0x18B80] =	vst v63  }
0x118: {  	s18 =	simm.s32 $0x8300  }
0x119: {  	[tilespmem:s18], [sflag:$0x3] =	stream.indirect_vreg.gather [hbm4b:s2+s30], $0x80, v7, vm3, $0xb8;
	[tilespmem:$0x18B80] =	vst v63  }
0x11a: {  	s19 =	simm.s32 $0x8B00  }
0x11b: {  	[tilespmem:s19], [sflag:$0x3] =	stream.indirect_vreg.gather [hbm4b:s12+s30], $0x80, v7, vm3, $0xb8;
	[tilespmem:$0x18B80] =	vst v63  }
0x11c: {  	s31 =	simm.s32 $0x9300  }
0x11d: {  	[tilespmem:s31], [sflag:$0x3] =	stream.indirect_vreg.gather [hbm4b:s13+s30], $0x80, v7, vm3, $0xb8;
	[tilespmem:$0x18B80] =	vst v63  }
.LBB2_4:
0x11e: {  	_ =	swait.ge [sflag:s25], $0x3000  }
0x11f: {  	[sflag:s25] =	ssyncset.done $0x0  }
0x120: {  	[sflag:s25] =	ssyncadd.s32 $0xFFFFD000  }
0x121: {  	_ =	swait.ge [sflag:s26], $0x3000  }
0x122: {  	p0 =	seq.s32 s30, $0x0;
	[sflag:s26] =	ssyncset.done $0x0  }
0x123: {  	s0 =	simm.s32 @!p0 $0x5;
	[sflag:s26] =	ssyncadd.s32 $0xFFFFD000  }
0x124: {  	_ =	swait.ge @!p0 [sflag:s0], $0x3000  }
0x125: {  	[sflag:s0] =	ssyncset.done @!p0 $0x0  }
0x126: {  	[sflag:s0] =	ssyncadd.s32 @!p0 $0xFFFFD000  }
0x127: {  	v7 =	vld [tilespmem:$0x18B00];
	_ =	sdelay $0x1  }
0x128: {  	v8 =	vimm.f32 $0.0e+00;
	v9 =	vimm.f32 $0.0e+00  }
0x129: {  	v10 =	vimm.f32 $0.0e+00;
	v11 =	vimm.f32 $0.0e+00;
	v12 =	vimm.f32 $0.0e+00  }
0x12a: {  	v13 =	vimm.f32 $0.0e+00;
	v14 =	vimm.f32 $0.0e+00;
	v18 =	vimm.f32 $0.0e+00  }
0x12b: {  	v21 =	vimm.f32 $0.0e+00;
	v15 =	vbroadcast v7, $0x0;
	v16 =	vbroadcast v7, $0x1  }
0x12c: {  	v31 =	vimm.f32 $0.0e+00;
	v17 =	vbroadcast v7, $0x2;
	v19 =	vbroadcast v7, $0x3  }
0x12d: {  	v34 =	vimm.f32 $0.0e+00;
	v20 =	vbroadcast v7, $0x4;
	v22 =	vbroadcast v7, $0x5  }
0x12e: {  	v35 =	vimm.f32 $0.0e+00;
	v23 =	vbroadcast v7, $0x6;
	v24 =	vbroadcast v7, $0x7  }
0x12f: {  	v36 =	vimm.f32 $0.0e+00;
	v25 =	vbroadcast v7, $0x8;
	v26 =	vbroadcast v7, $0x9  }
0x130: {  	v37 =	vimm.f32 $0.0e+00;
	v27 =	vbroadcast v7, $0xA;
	v28 =	vbroadcast v7, $0xB  }
0x131: {  	s31 =	sshll.u32 s30, $0x5;
	v38 =	vimm.f32 $0.0e+00;
	v29 =	vbroadcast v7, $0xC;
	v30 =	vbroadcast v7, $0xD  }
0x132: {  	s4 =	simm.s32 $0x800;
	s3 =	simm.s32 $0x0;
	s0 =	simm.s32 $0x0;
	v32 =	vbroadcast v7, $0xE;
	v33 =	vbroadcast v7, $0xF;
	v7 =	vimm.f32 $0.0e+00  }
.LBB2_5:
0x133: {  	s18 =	sand.u32 $0x70, s3;
	s19 =	sand.u32 $0x1C00, s0  }
0x134: {  	v39 =	vld [tilespmem:s4+$0x0];
	s18 =	sor.u32 s18, s19  }
0x135: {  	v40 =	vld [tilespmem:s18+$0x3B00]  }
0x136: {  	v41 =	vld [tilespmem:s18+$0x9B00]  }
0x137: {  	v42 =	vld [tilespmem:s18+$0x12B00]  }
0x138: {  	v43 =	vld [tilespmem:s18+$0x3B80]  }
0x139: {  	v44 =	vld [tilespmem:s18+$0x9B80]  }
0x13a: {  	v45 =	vld [tilespmem:s18+$0x12B80]  }
0x13b: {  	v46 =	vld [tilespmem:s18+$0x3C00]  }
0x13c: {  	v47 =	vld [tilespmem:s18+$0x9C00]  }
0x13d: {  	v48 =	vld [tilespmem:s18+$0x12C00]  }
0x13e: {  	v49 =	vld [tilespmem:s18+$0x3C80]  }
0x13f: {  	v50 =	vld [tilespmem:s18+$0x9C80]  }
0x140: {  	v51 =	vld [tilespmem:s18+$0x12C80]  }
0x141: {  	v52 =	vld [tilespmem:s18+$0x3D00];
	v40 =	vadd.f32 v41, v40  }
0x142: {  	v53 =	vld [tilespmem:s18+$0x12D00];
	v43 =	vadd.f32 v44, v43  }
0x143: {  	v57 =	vld [tilespmem:s18+$0x12D80];
	v42 =	vmul.f32 v42, v15;
	v46 =	vadd.f32 v47, v46;
	[tilespmem:s18+$0x15B00] =	vst v40  }
0x144: {  	v60 =	vld [tilespmem:s18+$0x12E00];
	v45 =	vmul.f32 v45, v16;
	v49 =	vadd.f32 v50, v49;
	[tilespmem:s18+$0x15B80] =	vst v43  }
0x145: {  	v63 =	vld [tilespmem:s18+$0x9E00];
	v56 =	vmul.f32 v48, v17;
	v42 =	vmul.f32 v42, v39;
	[tilespmem:s18+$0x15C00] =	vst v46  }
0x146: {  	v41 =	vld [tilespmem:s18+$0x9D00];
	v59 =	vmul.f32 v51, v19;
	v55 =	vmul.f32 v45, v39;
	[tilespmem:s18+$0x15C80] =	vst v49  }
0x147: {  	v44 =	vld [tilespmem:s18+$0x3D80];
	v62 =	vmul.f32 v53, v20;
	v58 =	vmul.f32 v56, v39;
	[tilespmem:s18+$0xCB00] =	vst v42  }
0x148: {  	v48 =	vld [tilespmem:s18+$0x9D80];
	v57 =	vmul.f32 v57, v22;
	v61 =	vmul.f32 v59, v39;
	[tilespmem:s18+$0xCB80] =	vst v55  }
0x149: {  	v51 =	vld [tilespmem:s18+$0x3E00];
	v56 =	vmul.f32 v62, v39;
	v59 =	vmul.f32 v60, v23;
	[tilespmem:s18+$0xCC00] =	vst v58  }
0x14a: {  	[tilespmem:s18+$0xCC80] =	vst v61;
	v58 =	vmul.f32 v57, v39  }
0x14b: {  	[tilespmem:s18+$0xCD00] =	vst v56;
	v60 =	vmul.f32 v59, v39  }
0x14c: {  	v41 =	vadd.f32 v41, v52;
	[tilespmem:s18+$0xCD80] =	vst v58  }
0x14d: {  	v44 =	vadd.f32 v48, v44;
	[tilespmem:s18+$0xCE00] =	vst v60  }
0x14e: {  	v47 =	vadd.f32 v63, v51;
	[tilespmem:s18+$0x15D00] =	vst v41  }
0x14f: {  	s8 =	sor.u32 s0, s3;
	[tilespmem:s18+$0x15D80] =	vst v44  }
0x150: {  	s19 =	sor.u32 $0x380, s8;
	[tilespmem:s18+$0x15E00] =	vst v47  }
0x151: {  	v42 =	vld [tilespmem:s19+$0x3B00]  }
0x152: {  	v61 =	vld [tilespmem:s19+$0x12B00]  }
0x153: {  	v62 =	vld [tilespmem:s19+$0x9B00];
	_ =	sdelay $0x3  }
0x154: {  	v45 =	vmul.f32 v61, v24  }
0x155: {  	v42 =	vadd.f32 v62, v42  }
0x156: {  	v45 =	vmul.f32 v45, v39  }
0x157: {  	[tilespmem:s19+$0x15B00] =	vst v42  }
0x158: {  	[tilespmem:s19+$0xCB00] =	vst v45  }
0x159: {  	v45 =	vld [tilespmem:s18+$0x5300]  }
0x15a: {  	v48 =	vld [tilespmem:s18+$0xB300]  }
0x15b: {  	v50 =	vld [tilespmem:s18+$0x14300]  }
0x15c: {  	v51 =	vld [tilespmem:s18+$0x5380]  }
0x15d: {  	v52 =	vld [tilespmem:s18+$0xB380]  }
0x15e: {  	v53 =	vld [tilespmem:s18+$0x14380]  }
0x15f: {  	v54 =	vld [tilespmem:s18+$0x5400]  }
0x160: {  	v55 =	vld [tilespmem:s18+$0xB400]  }
0x161: {  	v56 =	vld [tilespmem:s18+$0x14400]  }
0x162: {  	v57 =	vld [tilespmem:s18+$0x5480]  }
0x163: {  	v58 =	vld [tilespmem:s18+$0xB480]  }
0x164: {  	v59 =	vld [tilespmem:s18+$0x14480]  }
0x165: {  	v40 =	vmul.f32 v40, v40;
	v60 =	vld [tilespmem:s18+$0x5500]  }
0x166: {  	v43 =	vmul.f32 v43, v43;
	v46 =	vmul.f32 v46, v46;
	v61 =	vld [tilespmem:s18+$0xB500]  }
0x167: {  	v38 =	vadd.f32 v40, v38;
	v40 =	vmul.f32 v49, v49;
	v63 =	vmul.f32 v50, v25;
	v50 =	vld [tilespmem:s18+$0x14500]  }
0x168: {  	v41 =	vmul.f32 v41, v41;
	v44 =	vmul.f32 v44, v44;
	v49 =	vld [tilespmem:s18+$0x5600];
	v45 =	vadd.f32 v48, v45  }
0x169: {  	v48 =	vld [tilespmem:s18+$0x14580];
	v62 =	vmul.f32 v63, v39;
	v63 =	vmul.f32 v53, v26  }
0x16a: {  	v31 =	vadd.f32 v44, v31;
	v44 =	vld [tilespmem:s18+$0x5680];
	v51 =	vadd.f32 v52, v51;
	v52 =	vmul.f32 v56, v27;
	[tilespmem:s18+$0x17300] =	vst v45  }
0x16b: {  	v37 =	vadd.f32 v43, v37;
	v56 =	vld [tilespmem:s18+$0xB580];
	[tilespmem:s18+$0xE300] =	vst v62;
	v62 =	vmul.f32 v63, v39;
	v63 =	vmul.f32 v59, v28  }
0x16c: {  	v36 =	vadd.f32 v46, v36;
	v53 =	vld [tilespmem:s18+$0x5580];
	[tilespmem:s18+$0x17380] =	vst v51;
	v59 =	vmul.f32 v52, v39;
	v50 =	vmul.f32 v50, v29  }
0x16d: {  	v35 =	vadd.f32 v40, v35;
	v47 =	vmul.f32 v47, v47;
	v52 =	vld [tilespmem:s18+$0xB600];
	[tilespmem:s18+$0xE380] =	vst v62;
	v62 =	vmul.f32 v63, v39  }
0x16e: {  	v34 =	vadd.f32 v41, v34;
	v63 =	vmul.f32 v48, v30;
	v48 =	vld [tilespmem:s18+$0x14600];
	[tilespmem:s18+$0xE400] =	vst v59;
	v59 =	vmul.f32 v50, v39  }
0x16f: {  	v21 =	vadd.f32 v47, v21;
	v42 =	vmul.f32 v42, v42;
	v50 =	vadd.f32 v55, v54;
	v54 =	vld [tilespmem:s18+$0x14680];
	[tilespmem:s18+$0xE480] =	vst v62  }
0x170: {  	v45 =	vmul.f32 v45, v45;
	v55 =	vadd.f32 v58, v57;
	v62 =	vmul.f32 v63, v39;
	v63 =	vld [tilespmem:s18+$0xB680];
	[tilespmem:s18+$0xE500] =	vst v59  }
0x171: {  	v18 =	vadd.f32 v42, v18;
	v51 =	vmul.f32 v51, v51;
	v57 =	vadd.f32 v61, v60;
	[tilespmem:s18+$0x17400] =	vst v50  }
0x172: {  	v14 =	vadd.f32 v45, v14;
	v58 =	vadd.f32 v56, v53;
	[tilespmem:s18+$0x17480] =	vst v55  }
0x173: {  	v13 =	vadd.f32 v51, v13;
	v42 =	vmul.f32 v50, v50;
	[tilespmem:s18+$0x17500] =	vst v57;
	v46 =	vmul.f32 v48, v32  }
0x174: {  	p1 =	sne.s32 s3, $0x2F0;
	v59 =	vadd.f32 v52, v49;
	v45 =	vmul.f32 v55, v55;
	v41 =	vmul.f32 v57, v57;
	[tilespmem:s18+$0x17580] =	vst v58  }
.Ltmp1:
0x175: {  	[tilespmem:s18+$0xE580] =	vst v62;
	v40 =	vmul.f32 v54, v33;
	v43 =	vadd.f32 v63, v44;
	v60 =	vmul.f32 v46, v39;
	(pc) =	sbr.rel @p1 .LBB2_5-.Ltmp1, $4  }
0x176: {  	v61 =	vmul.f32 v58, v58;
	v12 =	vadd.f32 v42, v12;
	[tilespmem:s18+$0x17600] =	vst v59;
	v62 =	vmul.f32 v59, v59  }
0x177: {  	v11 =	vadd.f32 v45, v11;
	v39 =	vmul.f32 v40, v39;
	[tilespmem:s18+$0xE600] =	vst v60;
	v63 =	vmul.f32 v43, v43  }
0x178: {  	v10 =	vadd.f32 v41, v10;
	v9 =	vadd.f32 v61, v9;
	[tilespmem:s18+$0x17680] =	vst v43  }
0x179: {  	s0 =	sadd.s32 $0x80, s0;
	s4 =	sadd.s32 $0x10, s4;
	s3 =	sadd.s32 $0x10, s3;
	v8 =	vadd.f32 v62, v8;
	[tilespmem:s18+$0xE680] =	vst v39;
	v7 =	vadd.f32 v63, v7  }
0x17a: {  	v15 =	vperm.xlane v38, v3  }
0x17b: {  	v16 =	vperm.xlane v37, v3;
	v17 =	vperm.xlane v36, v3  }
0x17c: {  	v19 =	vperm.xlane v35, v3;
	v20 =	vperm.xlane v34, v3  }
0x17d: {  	v22 =	vperm.xlane v31, v3;
	v15 =	vadd.f32 v15, v38;
	v16 =	vadd.f32 v16, v37  }
0x17e: {  	v23 =	vperm.xlane v13, v3;
	v17 =	vadd.f32 v17, v36;
	v19 =	vadd.f32 v19, v35  }
0x17f: {  	v15 =	vsel vm0, v15, v16;
	v16 =	vadd.f32 v20, v34;
	v20 =	vadd.f32 v22, v31  }
0x180: {  	v17 =	vsel vm0, v17, v19;
	v19 =	vperm.xlane v21, v3  }
0x181: {  	v13 =	vadd.f32 v23, v13;
	v16 =	vsel vm0, v16, v20;
	v20 =	vperm.xlane v14, v3  }
0x182: {  	v22 =	vperm.xlane v18, v3;
	v19 =	vadd.f32 v19, v21;
	v21 =	vperm.xlane v12, v3  }
0x183: {  	v23 =	vperm.xlane v7, v3;
	v14 =	vadd.f32 v20, v14;
	v20 =	vperm.xlane v11, v3  }
0x184: {  	v18 =	vadd.f32 v22, v18;
	v22 =	vperm.xlane v9, v3;
	v12 =	vadd.f32 v21, v12  }
0x185: {  	v21 =	vperm.xlane v10, v3;
	v11 =	vadd.f32 v20, v11;
	v20 =	vperm.xlane v8, v3  }
0x186: {  	v7 =	vadd.f32 v23, v7;
	v18 =	vsel vm0, v19, v18;
	v9 =	vadd.f32 v22, v9  }
0x187: {  	v10 =	vadd.f32 v21, v10;
	v13 =	vsel vm0, v14, v13;
	v8 =	vadd.f32 v20, v8  }
0x188: {  	v14 =	vperm.xlane v17, v4;
	v11 =	vsel vm0, v12, v11;
	v12 =	vperm.xlane v15, v4  }
0x189: {  	v9 =	vsel vm0, v10, v9;
	v7 =	vsel vm0, v8, v7;
	v8 =	vperm.xlane v16, v4  }
0x18a: {  	v10 =	vadd.f32 v12, v15;
	v12 =	vadd.f32 v14, v17;
	v14 =	vperm.xlane v18, v4  }
0x18b: {  	v15 =	vperm.xlane v13, v4;
	v17 =	vperm.xlane v9, v4;
	v8 =	vadd.f32 v8, v16  }
0x18c: {  	v16 =	vperm.xlane v11, v4;
	v14 =	vadd.f32 v14, v18;
	v18 =	vperm.xlane v7, v4  }
0x18d: {  	v13 =	vadd.f32 v15, v13;
	v9 =	vadd.f32 v17, v9  }
0x18e: {  	v11 =	vadd.f32 v16, v11;
	v7 =	vadd.f32 v18, v7;
	v8 =	vsel vm1, v8, v14  }
0x18f: {  	v10 =	vsel vm1, v10, v12;
	v12 =	vperm.xlane v8, v5  }
0x190: {  	v11 =	vsel vm1, v13, v11;
	v7 =	vsel vm1, v9, v7;
	v9 =	vperm.xlane v10, v5  }
0x191: {  	v13 =	vperm.xlane v11, v5;
	v14 =	vperm.xlane v7, v5  }
0x192: {  	v8 =	vadd.f32 v12, v8;
	v9 =	vadd.f32 v9, v10  }
0x193: {  	v10 =	vadd.f32 v13, v11;
	v7 =	vadd.f32 v14, v7;
	_ =	sdelay $0x1  }
0x194: {  	v8 =	vsel vm2, v9, v8;
	v7 =	vsel vm2, v10, v7  }
0x195: {  	v9 =	vperm.xlane v8, v6;
	v10 =	vperm.xlane v7, v6;
	_ =	sdelay $0x1  }
0x196: {  	v8 =	vadd.f32 v9, v8;
	v7 =	vadd.f32 v10, v7;
	_ =	sdelay $0x1  }
0x197: {  	v7 =	vsel vm4, v8, v7  }
0x198: {  	v7 =	vmul.f32 $1.302083370e-03, v7;
	_ =	sdelay $0x1  }
0x199: {  	v7 =	vadd.f32 $9.999999960e-13, v7;
	_ =	sdelay $0x1  }
0x19a: {  	v8 =	vshra.s32 v7, $0x1;
	v7 =	vmul.f32 $5.000000000e-01, v7  }
0x19b: {  	v8 =	vsub.s32 $0x5F3759DF, v8  }
0x19c: {  	v9 =	vmul.f32 v8, v7;
	_ =	sdelay $0x1  }
0x19d: {  	v9 =	vmul.f32 v8, v9;
	_ =	sdelay $0x1  }
0x19e: {  	v9 =	vsub.f32 $1.500000000e+00, v9;
	_ =	sdelay $0x1  }
0x19f: {  	v8 =	vmul.f32 v8, v9;
	_ =	sdelay $0x1  }
0x1a0: {  	v7 =	vmul.f32 v8, v7;
	_ =	sdelay $0x1  }
0x1a1: {  	v7 =	vmul.f32 v7, v8;
	_ =	sdelay $0x1  }
0x1a2: {  	s0 =	sor.u32 s6, s31;
	v7 =	vsub.f32 $1.500000000e+00, v7  }
0x1a3: {  	s0 =	sshrl.u32 s0, $0x3  }
0x1a4: {  	s4 =	smul.u32 $0x300, s0;
	v7 =	vmul.f32 v7, v8;
	_ =	sdelay $0x1  }
0x1a5: {  	s0 =	sadd.s32 s9, s4;
	[tilespmem:$0x18B00] =	vst v7  }
0x1a6: {  	[hbm4b:s0+s7] =	stream.linear.scatter [tilespmem:s28], [sflag:$0x5], $0x3000, $0x38;
	[tilespmem:$0x18B80] =	vst v63  }
0x1a7: {  	v7 =	vld [tilespmem:s31+$0x30];
	_ =	sdelay $0x4  }
0x1a8: {  	v8 =	vshrl.u32 v7, $0x3  }
0x1a9: {  	v8 =	vmul.u32 $0x30, v8  }
0x1aa: {  	v7 =	vand.u32 $0x7, v7  }
0x1ab: {  	v7 =	vor.u32 v7, v8  }
0x1ac: {  	v8 =	vperm.xlane v7, v0;
	_ =	sdelay $0x1  }
0x1ad: {  	v8 =	vadd.s32 v1, v8;
	_ =	sdelay $0x3  }
0x1ae: {  	s19 =	simm.s32 $0x3B00;
	v7 =	vperm.xlane v7, v2  }
0x1af: {  	[tilespmem:s19], [sflag:$0x2] =	stream.indirect_vreg.gather [hbm4b:s1+s7], $0x80, v8, vm3, $0xb8;
	[tilespmem:$0x18B80] =	vst v63  }
0x1b0: {  	s3 =	simm.s32 $0x4300;
	v7 =	vadd.s32 v1, v7  }
0x1b1: {  	[tilespmem:s3], [sflag:$0x2] =	stream.indirect_vreg.gather [hbm4b:s10+s7], $0x80, v8, vm3, $0xb8;
	[tilespmem:$0x18B80] =	vst v63  }
0x1b2: {  	s8 =	simm.s32 $0x4B00  }
0x1b3: {  	[tilespmem:s8], [sflag:$0x2] =	stream.indirect_vreg.gather [hbm4b:s11+s7], $0x80, v8, vm3, $0xb8;
	[tilespmem:$0x18B80] =	vst v63  }
0x1b4: {  	s18 =	simm.s32 $0x5300  }
0x1b5: {  	[tilespmem:s18], [sflag:$0x2] =	stream.indirect_vreg.gather [hbm4b:s1+s7], $0x80, v7, vm3, $0xb8;
	[tilespmem:$0x18B80] =	vst v63  }
0x1b6: {  	s19 =	simm.s32 $0x5B00  }
0x1b7: {  	[tilespmem:s19], [sflag:$0x2] =	stream.indirect_vreg.gather [hbm4b:s10+s7], $0x80, v7, vm3, $0xb8;
	[tilespmem:$0x18B80] =	vst v63  }
0x1b8: {  	_ = 	snop  }
0x1b9: {  	[tilespmem:s14], [sflag:$0x2] =	stream.indirect_vreg.gather [hbm4b:s11+s7], $0x80, v7, vm3, $0xb8;
	[tilespmem:$0x18B80] =	vst v63  }
0x1ba: {  	v7 =	vld [tilespmem:s31+$0x430];
	_ =	sdelay $0x4  }
0x1bb: {  	v8 =	vshrl.u32 v7, $0x3  }
0x1bc: {  	v8 =	vmul.u32 $0x30, v8  }
0x1bd: {  	v7 =	vand.u32 $0x7, v7  }
0x1be: {  	v7 =	vor.u32 v7, v8  }
0x1bf: {  	v8 =	vperm.xlane v7, v0;
	_ =	sdelay $0x1  }
0x1c0: {  	v8 =	vadd.s32 v1, v8;
	_ =	sdelay $0x3  }
0x1c1: {  	v7 =	vperm.xlane v7, v2  }
0x1c2: {  	[tilespmem:s15], [sflag:$0x4] =	stream.indirect_vreg.gather [hbm4b:s2+s7], $0x80, v8, vm3, $0xb8;
	[tilespmem:$0x18B80] =	vst v63  }
0x1c3: {  	v7 =	vadd.s32 v1, v7  }
0x1c4: {  	[tilespmem:s16], [sflag:$0x4] =	stream.indirect_vreg.gather [hbm4b:s12+s7], $0x80, v8, vm3, $0xb8;
	[tilespmem:$0x18B80] =	vst v63  }
0x1c5: {  	_ = 	snop  }
0x1c6: {  	[tilespmem:s21], [sflag:$0x4] =	stream.indirect_vreg.gather [hbm4b:s13+s7], $0x80, v8, vm3, $0xb8;
	[tilespmem:$0x18B80] =	vst v63  }
0x1c7: {  	_ = 	snop  }
0x1c8: {  	[tilespmem:s5], [sflag:$0x4] =	stream.indirect_vreg.gather [hbm4b:s2+s7], $0x80, v7, vm3, $0xb8;
	[tilespmem:$0x18B80] =	vst v63  }
0x1c9: {  	_ = 	snop  }
0x1ca: {  	[tilespmem:s20], [sflag:$0x4] =	stream.indirect_vreg.gather [hbm4b:s12+s7], $0x80, v7, vm3, $0xb8;
	[tilespmem:$0x18B80] =	vst v63  }
0x1cb: {  	_ = 	snop  }
0x1cc: {  	[tilespmem:s22], [sflag:$0x4] =	stream.indirect_vreg.gather [hbm4b:s13+s7], $0x80, v7, vm3, $0xb8;
	[tilespmem:$0x18B80] =	vst v63  }
0x1cd: {  	_ =	swait.ge [sflag:s23], $0x3000  }
0x1ce: {  	[sflag:s23] =	ssyncset.done $0x0  }
0x1cf: {  	[sflag:s23] =	ssyncadd.s32 $0xFFFFD000  }
0x1d0: {  	_ =	swait.ge [sflag:s24], $0x3000  }
0x1d1: {  	[sflag:s24] =	ssyncset.done $0x0  }
0x1d2: {  	s0 =	simm.s32 @!p0 $0x6;
	[sflag:s24] =	ssyncadd.s32 $0xFFFFD000  }
0x1d3: {  	_ =	swait.ge @!p0 [sflag:s0], $0x3000  }
0x1d4: {  	[sflag:s0] =	ssyncset.done @!p0 $0x0  }
0x1d5: {  	[sflag:s0] =	ssyncadd.s32 @!p0 $0xFFFFD000  }
0x1d6: {  	v7 =	vld [tilespmem:$0x18B00];
	_ =	sdelay $0x1  }
0x1d7: {  	v30 =	vimm.f32 $0.0e+00;
	v33 =	vimm.f32 $0.0e+00  }
0x1d8: {  	v35 =	vimm.f32 $0.0e+00;
	v36 =	vimm.f32 $0.0e+00;
	v37 =	vimm.f32 $0.0e+00  }
0x1d9: {  	v38 =	vimm.f32 $0.0e+00;
	v21 =	vimm.f32 $0.0e+00;
	v18 =	vimm.f32 $0.0e+00  }
0x1da: {  	v12 =	vimm.f32 $0.0e+00;
	v15 =	vbroadcast v7, $0x0;
	v16 =	vbroadcast v7, $0x1  }
0x1db: {  	v11 =	vimm.f32 $0.0e+00;
	v17 =	vbroadcast v7, $0x2;
	v19 =	vbroadcast v7, $0x3  }
0x1dc: {  	v13 =	vimm.f32 $0.0e+00;
	v20 =	vbroadcast v7, $0x4;
	v22 =	vbroadcast v7, $0x5  }
0x1dd: {  	v14 =	vimm.f32 $0.0e+00;
	v23 =	vbroadcast v7, $0x6;
	v24 =	vbroadcast v7, $0x7  }
0x1de: {  	v10 =	vimm.f32 $0.0e+00;
	v25 =	vbroadcast v7, $0x8;
	v26 =	vbroadcast v7, $0x9  }
0x1df: {  	v9 =	vimm.f32 $0.0e+00;
	v27 =	vbroadcast v7, $0xA;
	v28 =	vbroadcast v7, $0xB  }
0x1e0: {  	v8 =	vimm.f32 $0.0e+00;
	v29 =	vbroadcast v7, $0xC;
	v31 =	vbroadcast v7, $0xD  }
0x1e1: {  	s3 =	simm.s32 $0x800;
	s18 =	simm.s32 $0x0;
	s0 =	simm.s32 $0x0;
	v32 =	vbroadcast v7, $0xE;
	v34 =	vbroadcast v7, $0xF;
	v7 =	vimm.f32 $0.0e+00  }
.LBB2_7:
0x1e2: {  	s19 =	sand.u32 $0x70, s18;
	s8 =	sand.u32 $0x1C00, s0  }
0x1e3: {  	v39 =	vld [tilespmem:s3+$0x0];
	s19 =	sor.u32 s19, s8  }
0x1e4: {  	v40 =	vld [tilespmem:s19+$0xB00]  }
0x1e5: {  	v41 =	vld [tilespmem:s19+$0x6B00]  }
0x1e6: {  	v42 =	vld [tilespmem:s19+$0x15B00]  }
0x1e7: {  	v43 =	vld [tilespmem:s19+$0xB80]  }
0x1e8: {  	v44 =	vld [tilespmem:s19+$0x6B80]  }
0x1e9: {  	v45 =	vld [tilespmem:s19+$0x15B80]  }
0x1ea: {  	v46 =	vld [tilespmem:s19+$0xC00]  }
0x1eb: {  	v47 =	vld [tilespmem:s19+$0x6C00]  }
0x1ec: {  	v48 =	vld [tilespmem:s19+$0x15C00]  }
0x1ed: {  	v49 =	vld [tilespmem:s19+$0xC80]  }
0x1ee: {  	v50 =	vld [tilespmem:s19+$0x6C80]  }
0x1ef: {  	v51 =	vld [tilespmem:s19+$0x15C80]  }
0x1f0: {  	v52 =	vld [tilespmem:s19+$0xD00];
	v40 =	vadd.f32 v41, v40  }
0x1f1: {  	v53 =	vld [tilespmem:s19+$0x15D00];
	v43 =	vadd.f32 v44, v43  }
0x1f2: {  	v57 =	vld [tilespmem:s19+$0x15D80];
	v42 =	vmul.f32 v42, v15;
	v46 =	vadd.f32 v47, v46;
	[tilespmem:s19+$0x12B00] =	vst v40  }
0x1f3: {  	v60 =	vld [tilespmem:s19+$0x15E00];
	v45 =	vmul.f32 v45, v16;
	v49 =	vadd.f32 v50, v49;
	[tilespmem:s19+$0x12B80] =	vst v43  }
0x1f4: {  	v63 =	vld [tilespmem:s19+$0x6E00];
	v56 =	vmul.f32 v48, v17;
	v42 =	vmul.f32 v42, v39;
	[tilespmem:s19+$0x12C00] =	vst v46  }
0x1f5: {  	v41 =	vld [tilespmem:s19+$0x6D00];
	v59 =	vmul.f32 v51, v19;
	v55 =	vmul.f32 v45, v39;
	[tilespmem:s19+$0x12C80] =	vst v49  }
0x1f6: {  	v44 =	vld [tilespmem:s19+$0xD80];
	v62 =	vmul.f32 v53, v20;
	v58 =	vmul.f32 v56, v39;
	[tilespmem:s19+$0xFB00] =	vst v42  }
0x1f7: {  	v48 =	vld [tilespmem:s19+$0x6D80];
	v57 =	vmul.f32 v57, v22;
	v61 =	vmul.f32 v59, v39;
	[tilespmem:s19+$0xFB80] =	vst v55  }
0x1f8: {  	v51 =	vld [tilespmem:s19+$0xE00];
	v56 =	vmul.f32 v62, v39;
	v59 =	vmul.f32 v60, v23;
	[tilespmem:s19+$0xFC00] =	vst v58  }
0x1f9: {  	[tilespmem:s19+$0xFC80] =	vst v61;
	v58 =	vmul.f32 v57, v39  }
0x1fa: {  	[tilespmem:s19+$0xFD00] =	vst v56;
	v60 =	vmul.f32 v59, v39  }
0x1fb: {  	v41 =	vadd.f32 v41, v52;
	[tilespmem:s19+$0xFD80] =	vst v58  }
0x1fc: {  	v44 =	vadd.f32 v48, v44;
	[tilespmem:s19+$0xFE00] =	vst v60  }
0x1fd: {  	v47 =	vadd.f32 v63, v51;
	[tilespmem:s19+$0x12D00] =	vst v41  }
0x1fe: {  	s8 =	sor.u32 s0, s18;
	[tilespmem:s19+$0x12D80] =	vst v44  }
0x1ff: {  	s8 =	sor.u32 $0x380, s8;
	[tilespmem:s19+$0x12E00] =	vst v47  }
0x200: {  	v42 =	vld [tilespmem:s8+$0xB00]  }
0x201: {  	v61 =	vld [tilespmem:s8+$0x15B00]  }
0x202: {  	v62 =	vld [tilespmem:s8+$0x6B00];
	_ =	sdelay $0x3  }
0x203: {  	v45 =	vmul.f32 v61, v24  }
0x204: {  	v42 =	vadd.f32 v62, v42  }
0x205: {  	v45 =	vmul.f32 v45, v39  }
0x206: {  	[tilespmem:s8+$0x12B00] =	vst v42  }
0x207: {  	[tilespmem:s8+$0xFB00] =	vst v45  }
0x208: {  	v45 =	vld [tilespmem:s19+$0x2300]  }
0x209: {  	v48 =	vld [tilespmem:s19+$0x8300]  }
0x20a: {  	v50 =	vld [tilespmem:s19+$0x17300]  }
0x20b: {  	v51 =	vld [tilespmem:s19+$0x2380]  }
0x20c: {  	v52 =	vld [tilespmem:s19+$0x8380]  }
0x20d: {  	v53 =	vld [tilespmem:s19+$0x17380]  }
0x20e: {  	v54 =	vld [tilespmem:s19+$0x2400]  }
0x20f: {  	v55 =	vld [tilespmem:s19+$0x8400]  }
0x210: {  	v56 =	vld [tilespmem:s19+$0x17400]  }
0x211: {  	v57 =	vld [tilespmem:s19+$0x2480]  }
0x212: {  	v58 =	vld [tilespmem:s19+$0x8480]  }
0x213: {  	v59 =	vld [tilespmem:s19+$0x17480]  }
0x214: {  	v40 =	vmul.f32 v40, v40;
	v60 =	vld [tilespmem:s19+$0x2500]  }
0x215: {  	v43 =	vmul.f32 v43, v43;
	v46 =	vmul.f32 v46, v46;
	v61 =	vld [tilespmem:s19+$0x8500]  }
0x216: {  	v38 =	vadd.f32 v40, v38;
	v40 =	vmul.f32 v49, v49;
	v63 =	vmul.f32 v50, v25;
	v50 =	vld [tilespmem:s19+$0x17500]  }
0x217: {  	v41 =	vmul.f32 v41, v41;
	v44 =	vmul.f32 v44, v44;
	v49 =	vld [tilespmem:s19+$0x2600];
	v45 =	vadd.f32 v48, v45  }
0x218: {  	v48 =	vld [tilespmem:s19+$0x17580];
	v62 =	vmul.f32 v63, v39;
	v63 =	vmul.f32 v53, v26  }
0x219: {  	v30 =	vadd.f32 v44, v30;
	v44 =	vld [tilespmem:s19+$0x2680];
	v51 =	vadd.f32 v52, v51;
	v52 =	vmul.f32 v56, v27;
	[tilespmem:s19+$0x14300] =	vst v45  }
0x21a: {  	v37 =	vadd.f32 v43, v37;
	v56 =	vld [tilespmem:s19+$0x8580];
	[tilespmem:s19+$0x11300] =	vst v62;
	v62 =	vmul.f32 v63, v39;
	v63 =	vmul.f32 v59, v28  }
0x21b: {  	v36 =	vadd.f32 v46, v36;
	v53 =	vld [tilespmem:s19+$0x2580];
	[tilespmem:s19+$0x14380] =	vst v51;
	v59 =	vmul.f32 v52, v39;
	v50 =	vmul.f32 v50, v29  }
0x21c: {  	v35 =	vadd.f32 v40, v35;
	v47 =	vmul.f32 v47, v47;
	v52 =	vld [tilespmem:s19+$0x8600];
	[tilespmem:s19+$0x11380] =	vst v62;
	v62 =	vmul.f32 v63, v39  }
0x21d: {  	v33 =	vadd.f32 v41, v33;
	v63 =	vmul.f32 v48, v31;
	v48 =	vld [tilespmem:s19+$0x17600];
	[tilespmem:s19+$0x11400] =	vst v59;
	v59 =	vmul.f32 v50, v39  }
0x21e: {  	v21 =	vadd.f32 v47, v21;
	v42 =	vmul.f32 v42, v42;
	v50 =	vadd.f32 v55, v54;
	v54 =	vld [tilespmem:s19+$0x17680];
	[tilespmem:s19+$0x11480] =	vst v62  }
0x21f: {  	v45 =	vmul.f32 v45, v45;
	v55 =	vadd.f32 v58, v57;
	v62 =	vmul.f32 v63, v39;
	v63 =	vld [tilespmem:s19+$0x8680];
	[tilespmem:s19+$0x11500] =	vst v59  }
0x220: {  	v18 =	vadd.f32 v42, v18;
	v51 =	vmul.f32 v51, v51;
	v57 =	vadd.f32 v61, v60;
	[tilespmem:s19+$0x14400] =	vst v50  }
0x221: {  	v14 =	vadd.f32 v45, v14;
	v58 =	vadd.f32 v56, v53;
	[tilespmem:s19+$0x14480] =	vst v55  }
0x222: {  	v13 =	vadd.f32 v51, v13;
	v42 =	vmul.f32 v50, v50;
	[tilespmem:s19+$0x14500] =	vst v57;
	v46 =	vmul.f32 v48, v32  }
0x223: {  	p0 =	sne.s32 s18, $0x2F0;
	v59 =	vadd.f32 v52, v49;
	v45 =	vmul.f32 v55, v55;
	v41 =	vmul.f32 v57, v57;
	[tilespmem:s19+$0x14580] =	vst v58  }
.Ltmp2:
0x224: {  	[tilespmem:s19+$0x11580] =	vst v62;
	v40 =	vmul.f32 v54, v34;
	v43 =	vadd.f32 v63, v44;
	v60 =	vmul.f32 v46, v39;
	(pc) =	sbr.rel @p0 .LBB2_7-.Ltmp2, $4  }
0x225: {  	v61 =	vmul.f32 v58, v58;
	v12 =	vadd.f32 v42, v12;
	[tilespmem:s19+$0x14600] =	vst v59;
	v62 =	vmul.f32 v59, v59  }
0x226: {  	v11 =	vadd.f32 v45, v11;
	v39 =	vmul.f32 v40, v39;
	[tilespmem:s19+$0x11600] =	vst v60;
	v63 =	vmul.f32 v43, v43  }
0x227: {  	v10 =	vadd.f32 v41, v10;
	v9 =	vadd.f32 v61, v9;
	[tilespmem:s19+$0x14680] =	vst v43  }
0x228: {  	s3 =	sadd.s32 $0x10, s3;
	s0 =	sadd.s32 $0x80, s0;
	s18 =	sadd.s32 $0x10, s18;
	v8 =	vadd.f32 v62, v8;
	[tilespmem:s19+$0x11680] =	vst v39;
	v7 =	vadd.f32 v63, v7  }
0x229: {  	v15 =	vperm.xlane v38, v3;
	v16 =	vperm.xlane v37, v3  }
0x22a: {  	v17 =	vperm.xlane v36, v3;
	v19 =	vperm.xlane v35, v3  }
0x22b: {  	v20 =	vperm.xlane v33, v3;
	v22 =	vperm.xlane v30, v3  }
0x22c: {  	v42 =	vperm.xlane v18, v3;
	v43 =	vperm.xlane v14, v3  }
0x22d: {  	v23 =	vperm.xlane v13, v3;
	v44 =	vperm.xlane v12, v3;
	v15 =	vadd.f32 v15, v38  }
0x22e: {  	v45 =	vperm.xlane v11, v3;
	v16 =	vadd.f32 v16, v37;
	v17 =	vadd.f32 v17, v36  }
0x22f: {  	v46 =	vperm.xlane v10, v3;
	v19 =	vadd.f32 v19, v35;
	v39 =	vadd.f32 v20, v33  }
0x230: {  	v47 =	vperm.xlane v9, v3;
	v40 =	vadd.f32 v22, v30;
	v18 =	vadd.f32 v42, v18  }
0x231: {  	v48 =	vperm.xlane v8, v3;
	v14 =	vadd.f32 v43, v14;
	v13 =	vadd.f32 v23, v13  }
0x232: {  	v49 =	vperm.xlane v7, v3;
	v12 =	vadd.f32 v44, v12;
	v11 =	vadd.f32 v45, v11  }
0x233: {  	v10 =	vadd.f32 v46, v10;
	v9 =	vadd.f32 v47, v9  }
0x234: {  	v41 =	vperm.xlane v21, v3;
	v8 =	vadd.f32 v48, v8;
	v7 =	vadd.f32 v49, v7  }
0x235: {  	v15 =	vsel vm0, v15, v16;
	v17 =	vsel vm0, v17, v19;
	v16 =	vsel vm0, v39, v40  }
0x236: {  	v19 =	vadd.f32 v41, v21;
	v13 =	vsel vm0, v14, v13;
	v11 =	vsel vm0, v12, v11  }
0x237: {  	v9 =	vsel vm0, v10, v9;
	v50 =	vperm.xlane v15, v4;
	v51 =	vperm.xlane v17, v4  }
0x238: {  	v7 =	vsel vm0, v8, v7;
	v8 =	vperm.xlane v16, v4;
	v55 =	vperm.xlane v13, v4  }
0x239: {  	v56 =	vperm.xlane v11, v4;
	v57 =	vperm.xlane v9, v4;
	v18 =	vsel vm0, v19, v18  }
0x23a: {  	v58 =	vperm.xlane v7, v4;
	v52 =	vadd.f32 v50, v15;
	v53 =	vadd.f32 v51, v17  }
0x23b: {  	v54 =	vperm.xlane v18, v4;
	v13 =	vadd.f32 v55, v13;
	v11 =	vadd.f32 v56, v11  }
0x23c: {  	v9 =	vadd.f32 v57, v9;
	v7 =	vadd.f32 v58, v7  }
0x23d: {  	v8 =	vadd.f32 v8, v16;
	v14 =	vadd.f32 v54, v18  }
0x23e: {  	v10 =	vsel vm1, v52, v53;
	v11 =	vsel vm1, v13, v11;
	v7 =	vsel vm1, v9, v7  }
0x23f: {  	v59 =	vperm.xlane v10, v5;
	v13 =	vperm.xlane v11, v5;
	v8 =	vsel vm1, v8, v14  }
0x240: {  	v61 =	vperm.xlane v7, v5;
	v60 =	vperm.xlane v8, v5  }
0x241: {  	v9 =	vadd.f32 v59, v10;
	v62 =	vadd.f32 v13, v11  }
0x242: {  	v7 =	vadd.f32 v61, v7;
	v8 =	vadd.f32 v60, v8;
	_ =	sdelay $0x1  }
0x243: {  	v7 =	vsel vm2, v62, v7;
	v8 =	vsel vm2, v9, v8  }
0x244: {  	v10 =	vperm.xlane v7, v6;
	v9 =	vperm.xlane v8, v6;
	_ =	sdelay $0x1  }
0x245: {  	v7 =	vadd.f32 v10, v7;
	v8 =	vadd.f32 v9, v8;
	_ =	sdelay $0x1  }
0x246: {  	v7 =	vsel vm4, v8, v7  }
0x247: {  	v7 =	vmul.f32 $1.302083370e-03, v7;
	_ =	sdelay $0x1  }
0x248: {  	v7 =	vadd.f32 $9.999999960e-13, v7;
	_ =	sdelay $0x1  }
0x249: {  	v8 =	vshra.s32 v7, $0x1;
	v7 =	vmul.f32 $5.000000000e-01, v7  }
0x24a: {  	v8 =	vsub.s32 $0x5F3759DF, v8  }
0x24b: {  	v63 =	vmul.f32 v8, v7;
	_ =	sdelay $0x1  }
0x24c: {  	v9 =	vmul.f32 v8, v63;
	_ =	sdelay $0x1  }
0x24d: {  	v9 =	vsub.f32 $1.500000000e+00, v9;
	_ =	sdelay $0x1  }
0x24e: {  	v8 =	vmul.f32 v8, v9;
	_ =	sdelay $0x1  }
0x24f: {  	v7 =	vmul.f32 v8, v7;
	_ =	sdelay $0x1  }
0x250: {  	v7 =	vmul.f32 v7, v8;
	_ =	sdelay $0x1  }
0x251: {  	p0 =	seq.s32 s30, $0x1E;
	v7 =	vsub.f32 $1.500000000e+00, v7  }
.Ltmp3:
0x252: {  	_ = 	snop;
	(pc) =	sbr.rel @p0 .LBB2_10-.Ltmp3, $3  }
0x253: {  	v7 =	vmul.f32 v7, v8;
	_ =	sdelay $0x1  }
0x254: {  	s0 =	sadd.s32 s17, s4;
	[tilespmem:$0x18B00] =	vst v7  }
0x255: {  	[hbm4b:s0+s7] =	stream.linear.scatter [tilespmem:s29], [sflag:$0x6], $0x3000, $0x38;
	[tilespmem:$0x18B80] =	vst v63  }
0x256: {  	v7 =	vld [tilespmem:s31+$0x40];
	_ =	sdelay $0x4  }
0x257: {  	v8 =	vshrl.u32 v7, $0x3  }
0x258: {  	v8 =	vmul.u32 $0x30, v8  }
0x259: {  	v7 =	vand.u32 $0x7, v7  }
0x25a: {  	v7 =	vor.u32 v7, v8  }
0x25b: {  	v8 =	vperm.xlane v7, v0;
	_ =	sdelay $0x1  }
0x25c: {  	v8 =	vadd.s32 v1, v8;
	_ =	sdelay $0x3  }
0x25d: {  	s0 =	simm.s32 $0xB00;
	v7 =	vperm.xlane v7, v2  }
0x25e: {  	[tilespmem:s0], [sflag:$0x1] =	stream.indirect_vreg.gather [hbm4b:s1+s7], $0x80, v8, vm3, $0xb8;
	[tilespmem:$0x18B80] =	vst v63  }
0x25f: {  	s3 =	simm.s32 $0x1300;
	v7 =	vadd.s32 v1, v7  }
0x260: {  	[tilespmem:s3], [sflag:$0x1] =	stream.indirect_vreg.gather [hbm4b:s10+s7], $0x80, v8, vm3, $0xb8;
	[tilespmem:$0x18B80] =	vst v63  }
0x261: {  	s4 =	simm.s32 $0x1B00  }
0x262: {  	[tilespmem:s4], [sflag:$0x1] =	stream.indirect_vreg.gather [hbm4b:s11+s7], $0x80, v8, vm3, $0xb8;
	[tilespmem:$0x18B80] =	vst v63  }
0x263: {  	s8 =	simm.s32 $0x2300  }
0x264: {  	[tilespmem:s8], [sflag:$0x1] =	stream.indirect_vreg.gather [hbm4b:s1+s7], $0x80, v7, vm3, $0xb8;
	[tilespmem:$0x18B80] =	vst v63  }
0x265: {  	s18 =	simm.s32 $0x2B00  }
0x266: {  	[tilespmem:s18], [sflag:$0x1] =	stream.indirect_vreg.gather [hbm4b:s10+s7], $0x80, v7, vm3, $0xb8;
	[tilespmem:$0x18B80] =	vst v63  }
0x267: {  	s19 =	simm.s32 $0x3300  }
0x268: {  	[tilespmem:s19], [sflag:$0x1] =	stream.indirect_vreg.gather [hbm4b:s11+s7], $0x80, v7, vm3, $0xb8;
	[tilespmem:$0x18B80] =	vst v63  }
0x269: {  	v7 =	vld [tilespmem:s31+$0x440];
	_ =	sdelay $0x4  }
0x26a: {  	v8 =	vshrl.u32 v7, $0x3  }
0x26b: {  	v8 =	vmul.u32 $0x30, v8  }
0x26c: {  	v7 =	vand.u32 $0x7, v7  }
0x26d: {  	v7 =	vor.u32 v7, v8  }
0x26e: {  	v8 =	vperm.xlane v7, v0;
	_ =	sdelay $0x1  }
0x26f: {  	v8 =	vadd.s32 v1, v8;
	_ =	sdelay $0x3  }
0x270: {  	s3 =	simm.s32 $0x6B00;
	v7 =	vperm.xlane v7, v2  }
0x271: {  	[tilespmem:s3], [sflag:$0x3] =	stream.indirect_vreg.gather [hbm4b:s2+s7], $0x80, v8, vm3, $0xb8;
	[tilespmem:$0x18B80] =	vst v63  }
0x272: {  	s4 =	simm.s32 $0x7300;
	v7 =	vadd.s32 v1, v7  }
0x273: {  	[tilespmem:s4], [sflag:$0x3] =	stream.indirect_vreg.gather [hbm4b:s12+s7], $0x80, v8, vm3, $0xb8;
	[tilespmem:$0x18B80] =	vst v63  }
0x274: {  	s8 =	simm.s32 $0x7B00  }
0x275: {  	[tilespmem:s8], [sflag:$0x3] =	stream.indirect_vreg.gather [hbm4b:s13+s7], $0x80, v8, vm3, $0xb8;
	[tilespmem:$0x18B80] =	vst v63  }
0x276: {  	s18 =	simm.s32 $0x8300  }
0x277: {  	[tilespmem:s18], [sflag:$0x3] =	stream.indirect_vreg.gather [hbm4b:s2+s7], $0x80, v7, vm3, $0xb8;
	[tilespmem:$0x18B80] =	vst v63  }
.Ltmp4:
0x278: {  	_ = 	snop;
	(pc) =	sbr.rel .LBB2_4-.Ltmp4, $4  }
0x279: {  	s19 =	simm.s32 $0x8B00  }
0x27a: {  	[tilespmem:s19], [sflag:$0x3] =	stream.indirect_vreg.gather [hbm4b:s12+s7], $0x80, v7, vm3, $0xb8;
	[tilespmem:$0x18B80] =	vst v63  }
0x27b: {  	s30 =	sadd.s32 $0x1, s30;
	s31 =	simm.s32 $0x9300  }
0x27c: {  	[tilespmem:s31], [sflag:$0x3] =	stream.indirect_vreg.gather [hbm4b:s13+s7], $0x80, v7, vm3, $0xb8;
	[tilespmem:$0x18B80] =	vst v63  }
.LBB2_10:
0x27d: {  	_ =	swait.ge [sflag:s25], $0x3000  }
0x27e: {  	[sflag:s25] =	ssyncset.done $0x0  }
0x27f: {  	[sflag:s25] =	ssyncadd.s32 $0xFFFFD000  }
0x280: {  	_ =	swait.ge [sflag:s26], $0x3000  }
0x281: {  	[sflag:s26] =	ssyncset.done $0x0  }
0x282: {  	s0 =	simm.s32 $0x5;
	[sflag:s26] =	ssyncadd.s32 $0xFFFFD000  }
0x283: {  	_ =	swait.ge [sflag:s0], $0x3000  }
0x284: {  	[sflag:s0] =	ssyncset.done $0x0  }
0x285: {  	[sflag:s0] =	ssyncadd.s32 $0xFFFFD000  }
0x286: {  	v7 =	vld [tilespmem:$0x18B00];
	_ =	sdelay $0x1  }
0x287: {  	v8 =	vimm.f32 $0.0e+00;
	v9 =	vimm.f32 $0.0e+00  }
0x288: {  	v10 =	vimm.f32 $0.0e+00;
	v11 =	vimm.f32 $0.0e+00;
	v12 =	vimm.f32 $0.0e+00  }
0x289: {  	v13 =	vimm.f32 $0.0e+00;
	v14 =	vimm.f32 $0.0e+00;
	v18 =	vimm.f32 $0.0e+00  }
0x28a: {  	v21 =	vimm.f32 $0.0e+00;
	v15 =	vbroadcast v7, $0x0;
	v16 =	vbroadcast v7, $0x1  }
0x28b: {  	v30 =	vimm.f32 $0.0e+00;
	v17 =	vbroadcast v7, $0x2;
	v19 =	vbroadcast v7, $0x3  }
0x28c: {  	v33 =	vimm.f32 $0.0e+00;
	v20 =	vbroadcast v7, $0x4;
	v22 =	vbroadcast v7, $0x5  }
0x28d: {  	v35 =	vimm.f32 $0.0e+00;
	v23 =	vbroadcast v7, $0x6;
	v24 =	vbroadcast v7, $0x7  }
0x28e: {  	v36 =	vimm.f32 $0.0e+00;
	v25 =	vbroadcast v7, $0x8;
	v26 =	vbroadcast v7, $0x9  }
0x28f: {  	v37 =	vimm.f32 $0.0e+00;
	v27 =	vbroadcast v7, $0xA;
	v28 =	vbroadcast v7, $0xB  }
0x290: {  	v38 =	vimm.f32 $0.0e+00;
	v29 =	vbroadcast v7, $0xC;
	v31 =	vbroadcast v7, $0xD  }
0x291: {  	s3 =	simm.s32 $0x800;
	s4 =	simm.s32 $0x0;
	s0 =	simm.s32 $0x0;
	v32 =	vbroadcast v7, $0xE;
	v34 =	vbroadcast v7, $0xF;
	v7 =	vimm.f32 $0.0e+00  }
.LBB2_11:
0x292: {  	s8 =	sand.u32 $0x70, s4;
	s18 =	sand.u32 $0x1C00, s0  }
0x293: {  	v39 =	vld [tilespmem:s3+$0x0];
	s18 =	sor.u32 s8, s18  }
0x294: {  	v40 =	vld [tilespmem:s18+$0x3B00]  }
0x295: {  	v41 =	vld [tilespmem:s18+$0x9B00]  }
0x296: {  	v42 =	vld [tilespmem:s18+$0x12B00]  }
0x297: {  	v43 =	vld [tilespmem:s18+$0x3B80]  }
0x298: {  	v44 =	vld [tilespmem:s18+$0x9B80]  }
0x299: {  	v45 =	vld [tilespmem:s18+$0x12B80]  }
0x29a: {  	v46 =	vld [tilespmem:s18+$0x3C00]  }
0x29b: {  	v47 =	vld [tilespmem:s18+$0x9C00]  }
0x29c: {  	v48 =	vld [tilespmem:s18+$0x12C00]  }
0x29d: {  	v49 =	vld [tilespmem:s18+$0x3C80]  }
0x29e: {  	v50 =	vld [tilespmem:s18+$0x9C80]  }
0x29f: {  	v51 =	vld [tilespmem:s18+$0x12C80]  }
0x2a0: {  	v52 =	vld [tilespmem:s18+$0x3D00];
	v40 =	vadd.f32 v41, v40  }
0x2a1: {  	v53 =	vld [tilespmem:s18+$0x12D00];
	v43 =	vadd.f32 v44, v43  }
0x2a2: {  	v57 =	vld [tilespmem:s18+$0x12D80];
	v42 =	vmul.f32 v42, v15;
	v46 =	vadd.f32 v47, v46;
	[tilespmem:s18+$0x15B00] =	vst v40  }
0x2a3: {  	v60 =	vld [tilespmem:s18+$0x12E00];
	v45 =	vmul.f32 v45, v16;
	v49 =	vadd.f32 v50, v49;
	[tilespmem:s18+$0x15B80] =	vst v43  }
0x2a4: {  	v63 =	vld [tilespmem:s18+$0x9E00];
	v56 =	vmul.f32 v48, v17;
	v42 =	vmul.f32 v42, v39;
	[tilespmem:s18+$0x15C00] =	vst v46  }
0x2a5: {  	v41 =	vld [tilespmem:s18+$0x9D00];
	v59 =	vmul.f32 v51, v19;
	v55 =	vmul.f32 v45, v39;
	[tilespmem:s18+$0x15C80] =	vst v49  }
0x2a6: {  	v44 =	vld [tilespmem:s18+$0x3D80];
	v62 =	vmul.f32 v53, v20;
	v58 =	vmul.f32 v56, v39;
	[tilespmem:s18+$0xCB00] =	vst v42  }
0x2a7: {  	v48 =	vld [tilespmem:s18+$0x9D80];
	v57 =	vmul.f32 v57, v22;
	v61 =	vmul.f32 v59, v39;
	[tilespmem:s18+$0xCB80] =	vst v55  }
0x2a8: {  	v51 =	vld [tilespmem:s18+$0x3E00];
	v56 =	vmul.f32 v62, v39;
	v59 =	vmul.f32 v60, v23;
	[tilespmem:s18+$0xCC00] =	vst v58  }
0x2a9: {  	[tilespmem:s18+$0xCC80] =	vst v61;
	v58 =	vmul.f32 v57, v39  }
0x2aa: {  	[tilespmem:s18+$0xCD00] =	vst v56;
	v60 =	vmul.f32 v59, v39  }
0x2ab: {  	v41 =	vadd.f32 v41, v52;
	[tilespmem:s18+$0xCD80] =	vst v58  }
0x2ac: {  	v44 =	vadd.f32 v48, v44;
	[tilespmem:s18+$0xCE00] =	vst v60  }
0x2ad: {  	v47 =	vadd.f32 v63, v51;
	[tilespmem:s18+$0x15D00] =	vst v41  }
0x2ae: {  	s31 =	sor.u32 s0, s4;
	[tilespmem:s18+$0x15D80] =	vst v44  }
0x2af: {  	s8 =	sor.u32 $0x380, s31;
	[tilespmem:s18+$0x15E00] =	vst v47  }
0x2b0: {  	v42 =	vld [tilespmem:s8+$0x3B00]  }
0x2b1: {  	v61 =	vld [tilespmem:s8+$0x12B00]  }
0x2b2: {  	v62 =	vld [tilespmem:s8+$0x9B00];
	_ =	sdelay $0x3  }
0x2b3: {  	v45 =	vmul.f32 v61, v24  }
0x2b4: {  	v42 =	vadd.f32 v62, v42  }
0x2b5: {  	v45 =	vmul.f32 v45, v39  }
0x2b6: {  	[tilespmem:s8+$0x15B00] =	vst v42  }
0x2b7: {  	[tilespmem:s8+$0xCB00] =	vst v45  }
0x2b8: {  	v45 =	vld [tilespmem:s18+$0x5300]  }
0x2b9: {  	v48 =	vld [tilespmem:s18+$0xB300]  }
0x2ba: {  	v50 =	vld [tilespmem:s18+$0x14300]  }
0x2bb: {  	v51 =	vld [tilespmem:s18+$0x5380]  }
0x2bc: {  	v52 =	vld [tilespmem:s18+$0xB380]  }
0x2bd: {  	v53 =	vld [tilespmem:s18+$0x14380]  }
0x2be: {  	v54 =	vld [tilespmem:s18+$0x5400]  }
0x2bf: {  	v55 =	vld [tilespmem:s18+$0xB400]  }
0x2c0: {  	v56 =	vld [tilespmem:s18+$0x14400]  }
0x2c1: {  	v57 =	vld [tilespmem:s18+$0x5480]  }
0x2c2: {  	v58 =	vld [tilespmem:s18+$0xB480]  }
0x2c3: {  	v59 =	vld [tilespmem:s18+$0x14480]  }
0x2c4: {  	v40 =	vmul.f32 v40, v40;
	v60 =	vld [tilespmem:s18+$0x5500]  }
0x2c5: {  	v43 =	vmul.f32 v43, v43;
	v46 =	vmul.f32 v46, v46;
	v61 =	vld [tilespmem:s18+$0xB500]  }
0x2c6: {  	v38 =	vadd.f32 v40, v38;
	v40 =	vmul.f32 v49, v49;
	v63 =	vmul.f32 v50, v25;
	v50 =	vld [tilespmem:s18+$0x14500]  }
0x2c7: {  	v41 =	vmul.f32 v41, v41;
	v44 =	vmul.f32 v44, v44;
	v49 =	vld [tilespmem:s18+$0x5600];
	v45 =	vadd.f32 v48, v45  }
0x2c8: {  	v48 =	vld [tilespmem:s18+$0x14580];
	v62 =	vmul.f32 v63, v39;
	v63 =	vmul.f32 v53, v26  }
0x2c9: {  	v30 =	vadd.f32 v44, v30;
	v44 =	vld [tilespmem:s18+$0x5680];
	v51 =	vadd.f32 v52, v51;
	v52 =	vmul.f32 v56, v27;
	[tilespmem:s18+$0x17300] =	vst v45  }
0x2ca: {  	v37 =	vadd.f32 v43, v37;
	v56 =	vld [tilespmem:s18+$0xB580];
	[tilespmem:s18+$0xE300] =	vst v62;
	v62 =	vmul.f32 v63, v39;
	v63 =	vmul.f32 v59, v28  }
0x2cb: {  	v36 =	vadd.f32 v46, v36;
	v53 =	vld [tilespmem:s18+$0x5580];
	[tilespmem:s18+$0x17380] =	vst v51;
	v59 =	vmul.f32 v52, v39;
	v50 =	vmul.f32 v50, v29  }
0x2cc: {  	v35 =	vadd.f32 v40, v35;
	v47 =	vmul.f32 v47, v47;
	v52 =	vld [tilespmem:s18+$0xB600];
	[tilespmem:s18+$0xE380] =	vst v62;
	v62 =	vmul.f32 v63, v39  }
0x2cd: {  	v33 =	vadd.f32 v41, v33;
	v63 =	vmul.f32 v48, v31;
	v48 =	vld [tilespmem:s18+$0x14600];
	[tilespmem:s18+$0xE400] =	vst v59;
	v59 =	vmul.f32 v50, v39  }
0x2ce: {  	v21 =	vadd.f32 v47, v21;
	v42 =	vmul.f32 v42, v42;
	v50 =	vadd.f32 v55, v54;
	v54 =	vld [tilespmem:s18+$0x14680];
	[tilespmem:s18+$0xE480] =	vst v62  }
0x2cf: {  	v45 =	vmul.f32 v45, v45;
	v55 =	vadd.f32 v58, v57;
	v62 =	vmul.f32 v63, v39;
	v63 =	vld [tilespmem:s18+$0xB680];
	[tilespmem:s18+$0xE500] =	vst v59  }
0x2d0: {  	v18 =	vadd.f32 v42, v18;
	v51 =	vmul.f32 v51, v51;
	v57 =	vadd.f32 v61, v60;
	[tilespmem:s18+$0x17400] =	vst v50  }
0x2d1: {  	v14 =	vadd.f32 v45, v14;
	v58 =	vadd.f32 v56, v53;
	[tilespmem:s18+$0x17480] =	vst v55  }
0x2d2: {  	v13 =	vadd.f32 v51, v13;
	v42 =	vmul.f32 v50, v50;
	[tilespmem:s18+$0x17500] =	vst v57;
	v46 =	vmul.f32 v48, v32  }
0x2d3: {  	p0 =	sne.s32 s4, $0x2F0;
	v59 =	vadd.f32 v52, v49;
	v45 =	vmul.f32 v55, v55;
	v41 =	vmul.f32 v57, v57;
	[tilespmem:s18+$0x17580] =	vst v58  }
.Ltmp5:
0x2d4: {  	[tilespmem:s18+$0xE580] =	vst v62;
	v40 =	vmul.f32 v54, v34;
	v43 =	vadd.f32 v63, v44;
	v60 =	vmul.f32 v46, v39;
	(pc) =	sbr.rel @p0 .LBB2_11-.Ltmp5, $4  }
0x2d5: {  	v61 =	vmul.f32 v58, v58;
	v12 =	vadd.f32 v42, v12;
	[tilespmem:s18+$0x17600] =	vst v59;
	v62 =	vmul.f32 v59, v59  }
0x2d6: {  	v11 =	vadd.f32 v45, v11;
	v39 =	vmul.f32 v40, v39;
	[tilespmem:s18+$0xE600] =	vst v60;
	v63 =	vmul.f32 v43, v43  }
0x2d7: {  	v10 =	vadd.f32 v41, v10;
	v9 =	vadd.f32 v61, v9;
	[tilespmem:s18+$0x17680] =	vst v43  }
0x2d8: {  	s0 =	sadd.s32 $0x80, s0;
	s3 =	sadd.s32 $0x10, s3;
	s4 =	sadd.s32 $0x10, s4;
	v8 =	vadd.f32 v62, v8;
	[tilespmem:s18+$0xE680] =	vst v39;
	v7 =	vadd.f32 v63, v7  }
0x2d9: {  	v15 =	vperm.xlane v38, v3  }
0x2da: {  	v16 =	vperm.xlane v37, v3;
	v17 =	vperm.xlane v36, v3  }
0x2db: {  	v19 =	vperm.xlane v35, v3;
	v20 =	vperm.xlane v33, v3  }
0x2dc: {  	v22 =	vperm.xlane v30, v3;
	v15 =	vadd.f32 v15, v38;
	v16 =	vadd.f32 v16, v37  }
0x2dd: {  	v23 =	vperm.xlane v13, v3;
	v17 =	vadd.f32 v17, v36;
	v19 =	vadd.f32 v19, v35  }
0x2de: {  	v15 =	vsel vm0, v15, v16;
	v16 =	vadd.f32 v20, v33;
	v20 =	vadd.f32 v22, v30  }
0x2df: {  	v17 =	vsel vm0, v17, v19;
	v19 =	vperm.xlane v21, v3  }
0x2e0: {  	v13 =	vadd.f32 v23, v13;
	v16 =	vsel vm0, v16, v20;
	v20 =	vperm.xlane v14, v3  }
0x2e1: {  	v22 =	vperm.xlane v18, v3;
	v19 =	vadd.f32 v19, v21;
	v21 =	vperm.xlane v12, v3  }
0x2e2: {  	v23 =	vperm.xlane v7, v3;
	v14 =	vadd.f32 v20, v14;
	v20 =	vperm.xlane v11, v3  }
0x2e3: {  	v18 =	vadd.f32 v22, v18;
	v22 =	vperm.xlane v9, v3;
	v12 =	vadd.f32 v21, v12  }
0x2e4: {  	v21 =	vperm.xlane v10, v3;
	v11 =	vadd.f32 v20, v11;
	v20 =	vperm.xlane v8, v3  }
0x2e5: {  	v7 =	vadd.f32 v23, v7;
	v18 =	vsel vm0, v19, v18;
	v9 =	vadd.f32 v22, v9  }
0x2e6: {  	v10 =	vadd.f32 v21, v10;
	v13 =	vsel vm0, v14, v13;
	v8 =	vadd.f32 v20, v8  }
0x2e7: {  	v14 =	vperm.xlane v17, v4;
	v11 =	vsel vm0, v12, v11;
	v12 =	vperm.xlane v15, v4  }
0x2e8: {  	v9 =	vsel vm0, v10, v9;
	v7 =	vsel vm0, v8, v7;
	v8 =	vperm.xlane v16, v4  }
0x2e9: {  	v10 =	vadd.f32 v12, v15;
	v12 =	vadd.f32 v14, v17;
	v14 =	vperm.xlane v18, v4  }
0x2ea: {  	v15 =	vperm.xlane v13, v4;
	v17 =	vperm.xlane v9, v4;
	v8 =	vadd.f32 v8, v16  }
0x2eb: {  	v16 =	vperm.xlane v11, v4;
	v14 =	vadd.f32 v14, v18;
	v18 =	vperm.xlane v7, v4  }
0x2ec: {  	v13 =	vadd.f32 v15, v13;
	v9 =	vadd.f32 v17, v9  }
0x2ed: {  	v11 =	vadd.f32 v16, v11;
	v7 =	vadd.f32 v18, v7;
	v8 =	vsel vm1, v8, v14  }
0x2ee: {  	v10 =	vsel vm1, v10, v12;
	v12 =	vperm.xlane v8, v5  }
0x2ef: {  	v11 =	vsel vm1, v13, v11;
	v7 =	vsel vm1, v9, v7;
	v9 =	vperm.xlane v10, v5  }
0x2f0: {  	v13 =	vperm.xlane v11, v5;
	v14 =	vperm.xlane v7, v5  }
0x2f1: {  	v8 =	vadd.f32 v12, v8;
	v9 =	vadd.f32 v9, v10  }
0x2f2: {  	v10 =	vadd.f32 v13, v11;
	v7 =	vadd.f32 v14, v7;
	_ =	sdelay $0x1  }
0x2f3: {  	v8 =	vsel vm2, v9, v8;
	v7 =	vsel vm2, v10, v7  }
0x2f4: {  	v9 =	vperm.xlane v8, v6;
	v10 =	vperm.xlane v7, v6;
	_ =	sdelay $0x1  }
0x2f5: {  	v8 =	vadd.f32 v9, v8;
	v7 =	vadd.f32 v10, v7;
	_ =	sdelay $0x1  }
0x2f6: {  	v7 =	vsel vm4, v8, v7  }
0x2f7: {  	v7 =	vmul.f32 $1.302083370e-03, v7;
	_ =	sdelay $0x1  }
0x2f8: {  	v7 =	vadd.f32 $9.999999960e-13, v7;
	_ =	sdelay $0x1  }
0x2f9: {  	v8 =	vshra.s32 v7, $0x1;
	v7 =	vmul.f32 $5.000000000e-01, v7  }
0x2fa: {  	v8 =	vsub.s32 $0x5F3759DF, v8  }
0x2fb: {  	v9 =	vmul.f32 v8, v7;
	_ =	sdelay $0x1  }
0x2fc: {  	v9 =	vmul.f32 v8, v9;
	_ =	sdelay $0x1  }
0x2fd: {  	v9 =	vsub.f32 $1.500000000e+00, v9;
	_ =	sdelay $0x1  }
0x2fe: {  	v8 =	vmul.f32 v8, v9;
	_ =	sdelay $0x1  }
0x2ff: {  	v7 =	vmul.f32 v8, v7;
	_ =	sdelay $0x1  }
0x300: {  	v7 =	vmul.f32 v7, v8;
	_ =	sdelay $0x1  }
0x301: {  	v7 =	vsub.f32 $1.500000000e+00, v7;
	_ =	sdelay $0x1  }
0x302: {  	v7 =	vmul.f32 v7, v8;
	_ =	sdelay $0x1  }
0x303: {  	s0 =	simm.s32 $0x0;
	s3 =	rddreg [dreg:$0x8];
	s18 =	simm.s32 $0x6;
	[tilespmem:$0x18B00] =	vst v7  }
0x304: {  	[hbm4b:s3+s0] =	stream.linear.scatter [tilespmem:s28], [sflag:$0x5], $0x3000, $0x38;
	[tilespmem:$0x18B80] =	vst v63  }
0x305: {  	_ =	swait.ge [sflag:s18], $0x3000  }
0x306: {  	[sflag:s18] =	ssyncset.done $0x0  }
0x307: {  	[sflag:s18] =	ssyncadd.s32 $0xFFFFD000  }
0x308: {  	s19 =	sand.u32 $0x70, s0;
	s4 =	sand.u32 $0x1C00, s0;
	v22 =	vld [tilespmem:$0x18B00]  }
0x309: {  	s4 =	sor.u32 s19, s4  }
0x30a: {  	v14 =	vld [tilespmem:s4+$0x15D80]  }
0x30b: {  	v12 =	vld [tilespmem:s4+$0x15C00]  }
0x30c: {  	s8 =	simm.s32 $0x800;
	v15 =	vld [tilespmem:s4+$0x15B00]  }
0x30d: {  	v23 =	vld [tilespmem:s8+$0x0];
	v9 =	vbroadcast v22, $0x0  }
0x30e: {  	v16 =	vld [tilespmem:s4+$0x15C80];
	v7 =	vbroadcast v22, $0x1;
	v11 =	vbroadcast v22, $0x2  }
0x30f: {  	v17 =	vld [tilespmem:s4+$0x15E00];
	v10 =	vbroadcast v22, $0x3;
	v8 =	vbroadcast v22, $0x4  }
0x310: {  	v18 =	vld [tilespmem:s4+$0x15B80];
	v13 =	vbroadcast v22, $0x5;
	v19 =	vmul.f32 v12, v11  }
0x311: {  	v20 =	vld [tilespmem:s4+$0x15D00];
	v12 =	vbroadcast v22, $0x6;
	v15 =	vmul.f32 v15, v9  }
0x312: {  	v14 =	vmul.f32 v14, v13;
	v19 =	vmul.f32 v19, v23  }
0x313: {  	v16 =	vmul.f32 v16, v10;
	v15 =	vmul.f32 v15, v23  }
0x314: {  	v17 =	vmul.f32 v17, v12;
	v14 =	vmul.f32 v14, v23;
	[tilespmem:s4+$0xFC00] =	vst v19  }
0x315: {  	v18 =	vmul.f32 v18, v7;
	[tilespmem:s4+$0xFB00] =	vst v15;
	v15 =	vmul.f32 v16, v23  }
0x316: {  	v16 =	vmul.f32 v20, v8;
	v17 =	vmul.f32 v17, v23;
	[tilespmem:s4+$0xFD80] =	vst v14  }
0x317: {  	v14 =	vmul.f32 v18, v23;
	[tilespmem:s4+$0xFC80] =	vst v15  }
0x318: {  	v15 =	vmul.f32 v16, v23;
	[tilespmem:s4+$0xFE00] =	vst v17  }
0x319: {  	s0 =	sor.u32 s0, s0;
	[tilespmem:s4+$0xFB80] =	vst v14  }
0x31a: {  	s0 =	sor.u32 $0x380, s0;
	[tilespmem:s4+$0xFD00] =	vst v15  }
0x31b: {  	v14 =	vld [tilespmem:s0+$0x15B00];
	_ =	sdelay $0x2  }
0x31c: {  	v18 =	vbroadcast v22, $0x7;
	_ =	sdelay $0x1  }
0x31d: {  	v14 =	vmul.f32 v14, v18;
	_ =	sdelay $0x1  }
0x31e: {  	v14 =	vmul.f32 v14, v23;
	_ =	sdelay $0x1  }
0x31f: {  	[tilespmem:s0+$0xFB00] =	vst v14  }
0x320: {  	v17 =	vld [tilespmem:s4+$0x17580]  }
0x321: {  	v19 =	vld [tilespmem:s4+$0x17680]  }
0x322: {  	v21 =	vld [tilespmem:s4+$0x17380];
	_ =	sdelay $0x1  }
0x323: {  	v16 =	vbroadcast v22, $0xF;
	v15 =	vbroadcast v22, $0xD  }
0x324: {  	v20 =	vbroadcast v22, $0x9;
	v14 =	vbroadcast v22, $0x8;
	v24 =	vld [tilespmem:s4+$0x17300]  }
0x325: {  	v25 =	vld [tilespmem:s4+$0x17400];
	v26 =	vmul.f32 v17, v15;
	v19 =	vmul.f32 v19, v16  }
0x326: {  	v27 =	vld [tilespmem:s4+$0x17480];
	v17 =	vbroadcast v22, $0xA;
	v29 =	vmul.f32 v21, v20  }
0x327: {  	v28 =	vld [tilespmem:s4+$0x17500];
	v21 =	vbroadcast v22, $0xB;
	v26 =	vmul.f32 v26, v23  }
0x328: {  	v30 =	vld [tilespmem:s4+$0x17600];
	v31 =	vmul.f32 v19, v23;
	v19 =	vbroadcast v22, $0xC  }
0x329: {  	s9 =	simm.s32 $0x10;
	s3 =	simm.s32 $0x80;
	v29 =	vmul.f32 v29, v23;
	[tilespmem:s4+$0x11580] =	vst v26;
	v26 =	vmul.f32 v24, v14  }
0x32a: {  	s18 =	sand.u32 $0x1C00, s3;
	s8 =	sand.u32 $0x70, s9;
	v22 =	vbroadcast v22, $0xE;
	v25 =	vmul.f32 v25, v17  }
0x32b: {  	s30 =	sor.u32 s8, s18;
	v32 =	vmul.f32 v27, v21;
	[tilespmem:s4+$0x11680] =	vst v31;
	v31 =	vmul.f32 v26, v23  }
0x32c: {  	s31 =	simm.s32 $0x20;
	v27 =	vmul.f32 v25, v23;
	v24 =	vld [tilespmem:s30+$0x15E00];
	[tilespmem:s4+$0x11380] =	vst v29;
	v26 =	vmul.f32 v28, v19  }
0x32d: {  	s19 =	simm.s32 $0x810;
	s18 =	simm.s32 $0x810;
	s0 =	sor.u32 s3, s9;
	v29 =	vmul.f32 v32, v23;
	v25 =	vld [tilespmem:s30+$0x15B80];
	v28 =	vmul.f32 v30, v22;
	[tilespmem:s4+$0x11300] =	vst v31  }
.LBB2_13:
0x32e: {  	p0 =	sne.s32 s31, $0x2F0;
	v30 =	vld [tilespmem:s30+$0x15C80];
	s3 =	sadd.s32 $0x80, s3;
	s19 =	sadd.s32 $0x10, s19;
	[tilespmem:s4+$0x11400] =	vst v27;
	v26 =	vmul.f32 v26, v23  }
0x32f: {  	s9 =	smov.u32 s31;
	s8 =	sor.u32 s3, s31;
	v27 =	vld [tilespmem:s30+$0x15D80];
	[tilespmem:s4+$0x11480] =	vst v29;
	v23 =	vmul.f32 v28, v23;
	s31 =	sadd.s32 $0x10, s31  }
0x330: {  	v28 =	vld [tilespmem:s30+$0x15C00];
	[tilespmem:s4+$0x11500] =	vst v26  }
0x331: {  	v26 =	vld [tilespmem:s30+$0x15B00];
	[tilespmem:s4+$0x11600] =	vst v23;
	s4 =	smov.u32 s30  }
0x332: {  	v23 =	vld [tilespmem:s18+$0x0];
	s18 =	smov.u32 s19  }
0x333: {  	v29 =	vld [tilespmem:s4+$0x15D00]  }
0x334: {  	v24 =	vmul.f32 v24, v12;
	v25 =	vmul.f32 v25, v7  }
0x335: {  	v27 =	vmul.f32 v27, v13;
	v28 =	vmul.f32 v28, v11  }
0x336: {  	v30 =	vmul.f32 v30, v10;
	v26 =	vmul.f32 v26, v9  }
0x337: {  	v28 =	vmul.f32 v28, v23;
	v27 =	vmul.f32 v27, v23  }
0x338: {  	s9 =	sand.u32 $0x70, s9;
	s30 =	sand.u32 $0x1C00, s3;
	v26 =	vmul.f32 v26, v23;
	v29 =	vmul.f32 v29, v8  }
0x339: {  	s30 =	sor.u32 s9, s30;
	v25 =	vmul.f32 v25, v23;
	v24 =	vmul.f32 v24, v23;
	[tilespmem:s4+$0xFC00] =	vst v28  }
0x33a: {  	[tilespmem:s4+$0xFB00] =	vst v26;
	v26 =	vmul.f32 v30, v23;
	v28 =	vmul.f32 v29, v23  }
0x33b: {  	[tilespmem:s4+$0xFD80] =	vst v27  }
0x33c: {  	[tilespmem:s4+$0xFC80] =	vst v26  }
0x33d: {  	[tilespmem:s4+$0xFE00] =	vst v24  }
0x33e: {  	[tilespmem:s4+$0xFB80] =	vst v25  }
0x33f: {  	s9 =	sor.u32 $0x380, s0;
	s0 =	smov.u32 s8;
	[tilespmem:s4+$0xFD00] =	vst v28  }
0x340: {  	v24 =	vld [tilespmem:s9+$0x15B00];
	_ =	sdelay $0x4  }
0x341: {  	v24 =	vmul.f32 v24, v18;
	_ =	sdelay $0x1  }
0x342: {  	v24 =	vmul.f32 v24, v23;
	_ =	sdelay $0x1  }
0x343: {  	[tilespmem:s9+$0xFB00] =	vst v24  }
0x344: {  	v24 =	vld [tilespmem:s4+$0x17580]  }
0x345: {  	v25 =	vld [tilespmem:s4+$0x17680]  }
0x346: {  	v26 =	vld [tilespmem:s4+$0x17380]  }
0x347: {  	v27 =	vld [tilespmem:s4+$0x17300]  }
0x348: {  	v28 =	vld [tilespmem:s4+$0x17400]  }
0x349: {  	v29 =	vld [tilespmem:s4+$0x17480];
	v24 =	vmul.f32 v24, v15  }
0x34a: {  	v30 =	vld [tilespmem:s4+$0x17500];
	v25 =	vmul.f32 v25, v16  }
0x34b: {  	v26 =	vmul.f32 v26, v20;
	v24 =	vmul.f32 v24, v23;
	v31 =	vld [tilespmem:s4+$0x17600]  }
.Ltmp6:
0x34c: {  	v27 =	vmul.f32 v27, v14;
	v25 =	vmul.f32 v25, v23;
	(pc) =	sbr.rel @p0 .LBB2_13-.Ltmp6, $4  }
0x34d: {  	v26 =	vmul.f32 v26, v23;
	v28 =	vmul.f32 v28, v17;
	[tilespmem:s4+$0x11580] =	vst v24  }
0x34e: {  	v32 =	vmul.f32 v27, v23;
	v29 =	vmul.f32 v29, v21;
	[tilespmem:s4+$0x11680] =	vst v25  }
0x34f: {  	v24 =	vld [tilespmem:s30+$0x15E00];
	[tilespmem:s4+$0x11380] =	vst v26;
	v27 =	vmul.f32 v28, v23;
	v26 =	vmul.f32 v30, v19  }
0x350: {  	v25 =	vld [tilespmem:s30+$0x15B80];
	[tilespmem:s4+$0x11300] =	vst v32;
	v29 =	vmul.f32 v29, v23;
	v28 =	vmul.f32 v31, v22  }
0x351: {  	v30 =	vld [tilespmem:s30+$0x15C80];
	[tilespmem:s4+$0x11400] =	vst v27;
	v26 =	vmul.f32 v26, v23  }
0x352: {  	v27 =	vld [tilespmem:s30+$0x15D80];
	[tilespmem:s4+$0x11480] =	vst v29;
	v51 =	vmul.f32 v28, v23  }
0x353: {  	v29 =	vld [tilespmem:s30+$0x15C00];
	[tilespmem:s4+$0x11500] =	vst v26  }
0x354: {  	v26 =	vld [tilespmem:s30+$0x15B00];
	[tilespmem:s4+$0x11600] =	vst v51  }
0x355: {  	v23 =	vld [tilespmem:s18+$0x0];
	_ =	sdelay $0x2  }
0x356: {  	v11 =	vmul.f32 v29, v11  }
0x357: {  	v52 =	vld [tilespmem:s30+$0x15D00];
	v13 =	vmul.f32 v27, v13  }
0x358: {  	v10 =	vmul.f32 v30, v10;
	v11 =	vmul.f32 v11, v23  }
0x359: {  	v12 =	vmul.f32 v24, v12;
	v13 =	vmul.f32 v13, v23  }
0x35a: {  	v7 =	vmul.f32 v25, v7;
	v53 =	vmul.f32 v10, v23;
	[tilespmem:s30+$0xFC00] =	vst v11  }
0x35b: {  	v9 =	vmul.f32 v26, v9;
	v54 =	vmul.f32 v12, v23;
	[tilespmem:s30+$0xFD80] =	vst v13  }
0x35c: {  	v8 =	vmul.f32 v52, v8;
	v7 =	vmul.f32 v7, v23;
	[tilespmem:s30+$0xFC80] =	vst v53  }
0x35d: {  	v9 =	vmul.f32 v9, v23;
	[tilespmem:s30+$0xFE00] =	vst v54  }
0x35e: {  	v8 =	vmul.f32 v8, v23;
	[tilespmem:s30+$0xFB80] =	vst v7  }
0x35f: {  	[tilespmem:s30+$0xFB00] =	vst v9  }
0x360: {  	s0 =	sor.u32 $0x380, s0;
	[tilespmem:s30+$0xFD00] =	vst v8  }
0x361: {  	v7 =	vld [tilespmem:s0+$0x15B00];
	_ =	sdelay $0x4  }
0x362: {  	v7 =	vmul.f32 v7, v18;
	_ =	sdelay $0x1  }
0x363: {  	v7 =	vmul.f32 v7, v23;
	_ =	sdelay $0x1  }
0x364: {  	[tilespmem:s0+$0xFB00] =	vst v7  }
0x365: {  	v7 =	vld [tilespmem:s30+$0x17580]  }
0x366: {  	v8 =	vld [tilespmem:s30+$0x17680]  }
0x367: {  	v55 =	vld [tilespmem:s30+$0x17380]  }
0x368: {  	v56 =	vld [tilespmem:s30+$0x17300]  }
0x369: {  	v57 =	vld [tilespmem:s30+$0x17400]  }
0x36a: {  	v58 =	vld [tilespmem:s30+$0x17480];
	v7 =	vmul.f32 v7, v15  }
0x36b: {  	v59 =	vld [tilespmem:s30+$0x17500];
	v8 =	vmul.f32 v8, v16  }
0x36c: {  	v60 =	vld [tilespmem:s30+$0x17600];
	v9 =	vmul.f32 v55, v20;
	v7 =	vmul.f32 v7, v23  }
0x36d: {  	v10 =	vmul.f32 v56, v14;
	v8 =	vmul.f32 v8, v23  }
0x36e: {  	v11 =	vmul.f32 v57, v17;
	v9 =	vmul.f32 v9, v23;
	[tilespmem:s30+$0x11580] =	vst v7  }
0x36f: {  	v61 =	vmul.f32 v58, v21;
	v7 =	vmul.f32 v10, v23;
	[tilespmem:s30+$0x11680] =	vst v8  }
0x370: {  	v62 =	vmul.f32 v59, v19;
	[tilespmem:s30+$0x11380] =	vst v9;
	v8 =	vmul.f32 v11, v23  }
0x371: {  	v63 =	vmul.f32 v60, v22;
	[tilespmem:s30+$0x11300] =	vst v7;
	v7 =	vmul.f32 v61, v23  }
0x372: {  	[tilespmem:s30+$0x11400] =	vst v8;
	v8 =	vmul.f32 v62, v23  }
0x373: {  	[tilespmem:s30+$0x11480] =	vst v7;
	v7 =	vmul.f32 v63, v23  }
0x374: {  	[tilespmem:s30+$0x11500] =	vst v8  }
0x375: {  	s19 =	simm.s32 $0x5;
	s18 =	rddreg [dreg:$0x9];
	[tilespmem:s30+$0x11600] =	vst v7  }
0x376: {  	[hbm4b:s18+s7] =	stream.linear.scatter [tilespmem:s29], [sflag:$0x6], $0x3000, $0x38;
	[tilespmem:$0x18B80] =	vst v63  }
0x377: {  	_ =	swait.ge [sflag:s19], $0x3000  }
0x378: {  	[sflag:s19] =	ssyncset.done $0x0  }
0x379: {  	s3 =	simm.s32 $0x6;
	[sflag:s19] =	ssyncadd.s32 $0xFFFFD000  }
0x37a: {  	_ =	swait.ge [sflag:s3], $0x3000  }
0x37b: {  	s30 =	rddreg [dreg:$0xb]  }
0x37c: {  	s31 =	rddreg [dreg:$0xa];
	s4 =	sadd.s32 $0x1, s30  }
0x37d: {  	p0 =	sne.s32 s4, s31  }
.Ltmp7:
0x37e: {  	_ = 	snop;
	(pc) =	sbr.rel @p0 .LBB2_1-.Ltmp7, $4  }
0x37f: {  	_ = 	snop  }
0x380: {  	[sflag:s3] =	ssyncset.done $0x0  }
0x381: {  	[sflag:s3] =	ssyncadd.s32 $0xFFFFD000  }
0x382: {  	s9 =	rddreg [dreg:$0x4]  }
0x383: {  	_ =	sfence.sel $0x180000  }
0x384: {  	[bflag:$0x0] =	sbarrier.arrive $0xFFFF  }
0x385: {  	_ =	strace $0x90000047  }
0x386: {  	s0 =	stileid.u32;
	[bflag:$0x2] =	sbarrier.arrive $0xFFFF  }
0x387: {  	p0 =	sne.s32 s0, $0x0;
	s0 =	rddreg [dreg:$0x5]  }
0x388: {  	s0 =	sadd.s32 @!p0 $0x100000, s0  }
0x389: {  	[sflag:s0] =	ssyncadd.tile.s32 @!p0 $0x1;
	_ =	shalt  }
.Lfunc_end2:
_tile_overlayer_lowered:
.L_overlay_start_2:
0x38a: {  	(tag) =	ssettag $0x2  }
0x38b: {  	s0 =	rddreg [dreg:$0x0];
	s2 =	stileid.u32  }
0x38c: {  	s1 =	rddreg [dreg:$0x1];
	p0 =	sne.s32 s2, $0x0  }
0x38d: {  	s3 =	rddreg [dreg:$0x2];
	[bflag:$0x3] =	sbarrier.arrive $0xFFFF;
	s2 =	simm.s32 @!p0 $0x1C07  }
0x38e: {  	[timem:s3], [sflag:s2] =	dma.local @!p0 [hbm:s0], s1  }
0x38f: {  	s0 =	simm.s32 @!p0 $0x7  }
0x390: {  	_ =	swait.ge @!p0 [sflag:s0], s1  }
0x391: {  	s1 =	ssub.s32 @!p0 $0x0, s1;
	[sflag:s0] =	ssyncset.done @!p0 $0x0  }
0x392: {  	[sflag:s0] =	ssyncadd.s32 @!p0 s1  }
0x393: {  	[bflag:$0x3] =	sbarrier.arrive $0xFFFF  }
0x394: {  	_ =	shalt  }

</sc_bundles>
